<compile_context>
chip_gen: v7x
topology: tpu7x:2x2x1
jax: 0.10.2.dev20260603
libtpu: 0.0.44.dev20260713+nightly
codegen_flags: <defaults>
</compile_context>

<pallas_src>
import functools
import itertools

import jax
import jax.numpy as jnp
import numpy as np
from jax import lax
from jax.experimental import pallas as pl
from jax.experimental.pallas import tpu as pltpu
from jax.experimental.pallas import tpu_sc as plsc

_OFFSETS = list(itertools.product([-1, 0, 1], repeat=3))
_CK = [dx * 2**20 + dy * 2**10 + dz for (dx, dy, dz) in _OFFSETS]

NSUB = 32
CAP = 512
LANES = 16


def _emit(cur, mask, posvals, dirval, kval, sval, ivec,
          pos_l, dir_l, iv_l, kv_l, sv_l):
    cnt = jnp.sum(mask.astype(jnp.int32))
    curc = jnp.minimum(cur, CAP - LANES)

    @pl.when(cnt > 0)
    def _():
        plsc.store_compressed(pos_l.at[pl.ds(curc, LANES)], posvals, mask=mask)
        plsc.store_compressed(dir_l.at[pl.ds(curc, LANES)],
                              jnp.full((LANES,), dirval, jnp.int32), mask=mask)
        plsc.store_compressed(iv_l.at[pl.ds(curc, LANES)], ivec, mask=mask)
        plsc.store_compressed(kv_l.at[pl.ds(curc, LANES)],
                              jnp.full((LANES,), kval, jnp.int32), mask=mask)
        plsc.store_compressed(sv_l.at[pl.ds(curc, LANES)],
                              jnp.full((LANES,), sval, jnp.float32), mask=mask)

    return curc + cnt


def _search(skeys_v, q, n):
    def step(_, lh):
        lo, hi = lh
        mid = jnp.minimum(lax.shift_right_logical(lo + hi, 1), n - 1)
        v = plsc.load_gather(skeys_v, [mid])
        lt = (v < q).astype(jnp.int32)
        pred = (lo < hi).astype(jnp.int32)
        take = pred * lt
        keep = pred * (1 - lt)
        lo2 = jnp.where(take == 1, mid + 1, lo)
        hi2 = jnp.where(keep == 1, mid, hi)
        return lo2, hi2

    steps = max(1, int(np.ceil(np.log2(n + 1))))
    lo0 = jnp.zeros((LANES,), jnp.int32)
    hi0 = jnp.full((LANES,), n, jnp.int32)
    lo, _ = lax.fori_loop(0, steps, step, (lo0, hi0))
    return lo


def _make_sc_search(n, chunk):
    mesh = plsc.VectorSubcoreMesh(core_axis_name="c", subcore_axis_name="s",
                                  num_cores=2, num_subcores=16)

    @functools.partial(
        pl.kernel, mesh=mesh,
        out_type=[
            jax.ShapeDtypeStruct((NSUB, CAP), jnp.int32),
            jax.ShapeDtypeStruct((NSUB, CAP), jnp.int32),
            jax.ShapeDtypeStruct((NSUB, CAP), jnp.float32),
            jax.ShapeDtypeStruct((NSUB, CAP, 32), jnp.float32),
        ],
        scratch_types=[
            pltpu.VMEM((n,), jnp.int32),
            pltpu.VMEM((chunk,), jnp.int32),
            pltpu.VMEM((CAP,), jnp.int32),
            pltpu.VMEM((CAP,), jnp.int32),
            pltpu.VMEM((CAP,), jnp.int32),
            pltpu.VMEM((CAP,), jnp.int32),
            pltpu.VMEM((CAP,), jnp.float32),
            pltpu.VMEM((CAP,), jnp.int32),
            pltpu.VMEM((CAP,), jnp.int32),
            pltpu.VMEM((CAP, 32), jnp.float32),
            pltpu.SemaphoreType.DMA,
        ],
        compiler_params=pltpu.CompilerParams(
            needs_layout_passes=False, use_tc_tiling_on_sc=False),
    )
    def sc_search(skeys_hbm, keysp_hbm, order_hbm, feat_hbm,
                  iv_out, kv_out, sv_out, g_out,
                  skeys_v, keys_v, pos_l, dir_l, iv_l, kv_l, sv_l,
                  posg_l, j_l, g_l, sem):
        wid = lax.axis_index("s") * 2 + lax.axis_index("c")
        base = wid * chunk
        pltpu.sync_copy(skeys_hbm, skeys_v)
        pltpu.sync_copy(keysp_hbm.at[pl.ds(base, chunk)], keys_v)

        def initf(t, _):
            sl = pl.ds(t * LANES, LANES)
            pos_l[sl] = jnp.zeros((LANES,), jnp.int32)
            dir_l[sl] = jnp.ones((LANES,), jnp.int32)
            iv_l[sl] = jnp.full((LANES,), base, jnp.int32)
            kv_l[sl] = jnp.full((LANES,), 54, jnp.int32)
            sv_l[sl] = jnp.zeros((LANES,), jnp.float32)
            return 0

        lax.fori_loop(0, CAP // LANES, initf, 0)

        def tile(t, cur):
            kvec = keys_v[pl.ds(t * LANES, LANES)]
            ivec = base + t * LANES + lax.iota(jnp.int32, LANES)
            for k in range(27):
                q = kvec + _CK[k]
                pos = _search(skeys_v, q, n)
                if k == 13:
                    posn = jnp.minimum(pos + 1, n - 1)
                    nxt = plsc.load_gather(skeys_v, [posn])
                    dup = (pos < n - 1) & (nxt == q)
                    cur = _emit(cur, dup, pos, 0, 13, 1.0, ivec,
                                pos_l, dir_l, iv_l, kv_l, sv_l)
                    cur = _emit(cur, dup, ivec, 1, 13, -1.0, ivec,
                                pos_l, dir_l, iv_l, kv_l, sv_l)
                else:
                    posc = jnp.minimum(pos, n - 1)
                    sk = plsc.load_gather(skeys_v, [posc])
                    found = sk == q
                    cur = _emit(cur, found, posc, 0, k, 1.0, ivec,
                                pos_l, dir_l, iv_l, kv_l, sv_l)
            return cur

        lax.fori_loop(0, chunk // LANES, tile, jnp.int32(0))

        def clampf(t, _):
            sl = pl.ds(t * LANES, LANES)
            posg_l[sl] = jnp.minimum(pos_l[sl], n - 1)
            return 0

        lax.fori_loop(0, CAP // LANES, clampf, 0)
        for c in range(CAP // 128):
            sl = pl.ds(c * 128, 128)
            pltpu.async_copy(order_hbm.at[posg_l.at[sl]], j_l.at[sl],
                             sem).wait()

        def pickf(t, _):
            sl = pl.ds(t * LANES, LANES)
            j_l[sl] = jnp.where(dir_l[sl] == 1, pos_l[sl], j_l[sl])
            return 0

        lax.fori_loop(0, CAP // LANES, pickf, 0)
        for c in range(CAP // 128):
            sl = pl.ds(c * 128, 128)
            pltpu.async_copy(feat_hbm.at[j_l.at[sl]],
                             g_l.at[sl], sem).wait()

        pltpu.sync_copy(iv_l, iv_out.at[wid])
        pltpu.sync_copy(kv_l, kv_out.at[wid])
        pltpu.sync_copy(sv_l, sv_out.at[wid])
        pltpu.sync_copy(g_l, g_out.at[wid])

    return sc_search


def _tc_combine(f_ref, g_ref, iv_ref, kv_ref, sv_ref, w_ref, out_ref,
                *, chunk):
    i = pl.program_id(0)
    f = f_ref[...]
    out = jnp.dot(f, w_ref[13], preferred_element_type=jnp.float32)
    g = g_ref[0]
    kv = kv_ref[0]
    sv = sv_ref[0]
    iv = iv_ref[0]
    gs = g * sv
    r = jnp.zeros((CAP, w_ref.shape[2]), jnp.float32)
    for k in range(27):
        gk = jnp.where(kv == k, gs, 0.0)
        r = r + jnp.dot(gk, w_ref[k], preferred_element_type=jnp.float32)
    li = iv - i * chunk
    rows = lax.broadcasted_iota(jnp.int32, (chunk, CAP), 0)
    oh = (rows == li).astype(jnp.float32)
    out = out + jnp.dot(oh, r, preferred_element_type=jnp.float32)
    out_ref[...] = out


def kernel(features, inp_positions, W):
    n, cin = features.shape
    cout = W.shape[2]
    chunk = ((n + NSUB - 1) // NSUB + LANES - 1) // LANES * LANES
    npad = NSUB * chunk

    vox = jnp.floor(inp_positions).astype(jnp.int32)
    v1 = vox + 1
    keys = (v1[:, 0] * 1024 + v1[:, 1]) * 1024 + v1[:, 2]
    skeys, order = lax.sort((keys, jnp.arange(n, dtype=jnp.int32)),
                            num_keys=1, is_stable=True)
    keysp = jnp.concatenate(
        [keys, jnp.full((npad - n,), -1, jnp.int32)])
    f_pad = jnp.concatenate(
        [features, jnp.zeros((npad - n, cin), features.dtype)])

    iv, kv, sv, g = _make_sc_search(n, chunk)(skeys, keysp, order, features)
    iv3 = iv.reshape(NSUB, 1, CAP)
    kv3 = kv.reshape(NSUB, CAP, 1)
    sv3 = sv.reshape(NSUB, CAP, 1)

    out_pad = pl.pallas_call(
        functools.partial(_tc_combine, chunk=chunk),
        grid=(NSUB,),
        in_specs=[
            pl.BlockSpec((chunk, cin), lambda i: (i, 0)),
            pl.BlockSpec((1, CAP, cin), lambda i: (i, 0, 0)),
            pl.BlockSpec((1, 1, CAP), lambda i: (i, 0, 0)),
            pl.BlockSpec((1, CAP, 1), lambda i: (i, 0, 0)),
            pl.BlockSpec((1, CAP, 1), lambda i: (i, 0, 0)),
            pl.BlockSpec((27, cin, cout), lambda i: (0, 0, 0)),
        ],
        out_specs=pl.BlockSpec((chunk, cout), lambda i: (i, 0)),
        out_shape=jax.ShapeDtypeStruct((npad, cout), jnp.float32),
    )(f_pad, g, iv3, kv3, sv3, W)
    return out_pad[:n]

# --- scband reference (transcript-rebuilt; emitter-appended) ---
"""Pipeline reference for scband-submanifold-sparse-conv-13365938225624 (READ-ONLY COPY).

The authoritative reference and input builder live on the scoring server;
editing this copy changes nothing except your own understanding.
"""

import jax, jax.numpy as jnp
import numpy as np
import itertools

N = 100000
CIN = 32
COUT = 32
GRID = 512


def _hash(v):
    v = v.astype(jnp.int64) + 1
    return (v[..., 0] * 1024 + v[..., 1]) * 1024 + v[..., 2]


def setup_inputs(seed: int = 0):
    key = jax.random.key(seed)
    kf, kp, kw = jax.random.split(key, 3)
    features = jax.random.normal(kf, (N, CIN), dtype=jnp.float32)
    coords = jax.random.randint(kp, (N, 3), 0, GRID)
    inp_positions = coords.astype(jnp.float32)
    W = jax.random.normal(kw, (27, CIN, COUT), dtype=jnp.float32) * (1.0 / np.sqrt(27 * CIN))
    return {"features": features, "inp_positions": inp_positions, "W": W}


def reference(features, inp_positions, W):
    # SubmanifoldSparseConv: out_positions = inp_positions, voxel_size = 1.0,
    # kernel_size = [3,3,3] (odd -> offset 0.0), use_bias=False, normalize=False.
    voxel_size = 1.0
    vox = jnp.floor(inp_positions / voxel_size).astype(jnp.int32)
    keys = _hash(vox)
    order = jnp.argsort(keys)
    skeys = keys[order]
    offsets = np.array(list(itertools.product([-1, 0, 1], repeat=3)), dtype=np.int32)
    n = features.shape[0]
    out = jnp.zeros((n, W.shape[2]), dtype=features.dtype)
    for k in range(27):
        q = _hash(vox + offsets[k][None, :])
        pos = jnp.clip(jnp.searchsorted(skeys, q), 0, n - 1)
        found = skeys[pos] == q
        nb = features[order[pos]]
        contrib = nb @ W[k]
        out = out + jnp.where(found[:, None], contrib, jnp.zeros_like(contrib))
    return out

if __name__ == "__main__":
    import jax
    _d = setup_inputs()
    print(jax.jit(kernel)(*tuple(_d.values())))

</pallas_src>

<mosaic_0001>
#map = affine_map<(d0, d1) -> (0)>
#map1 = affine_map<(d0, d1) -> (0, 0)>
#map2 = affine_map<(d0, d1) -> (0, 0, 0)>
module attributes {stable_mosaic.version = 14 : i64} {
  func.func @sc_search(%arg0: i32, %arg1: i32, %arg2: memref<100000xi32, #tpu.memory_space<hbm>>, %arg3: memref<100352xi32, #tpu.memory_space<hbm>>, %arg4: memref<100000xi32, #tpu.memory_space<hbm>>, %arg5: memref<100000x32xf32, #tpu.memory_space<hbm>>, %arg6: memref<32x512xi32, #tpu.memory_space<hbm>>, %arg7: memref<32x512xi32, #tpu.memory_space<hbm>>, %arg8: memref<32x512xf32, #tpu.memory_space<hbm>>, %arg9: memref<32x512x32xf32, #tpu.memory_space<hbm>>, %arg10: memref<100000xi32, #tpu.memory_space<vmem>>, %arg11: memref<3136xi32, #tpu.memory_space<vmem>>, %arg12: memref<512xi32, #tpu.memory_space<vmem>>, %arg13: memref<512xi32, #tpu.memory_space<vmem>>, %arg14: memref<512xi32, #tpu.memory_space<vmem>>, %arg15: memref<512xi32, #tpu.memory_space<vmem>>, %arg16: memref<512xf32, #tpu.memory_space<vmem>>, %arg17: memref<512xi32, #tpu.memory_space<vmem>>, %arg18: memref<512xi32, #tpu.memory_space<vmem>>, %arg19: memref<512x32xf32, #tpu.memory_space<vmem>>, %arg20: memref<!tpu.dma_semaphore, #tpu.memory_space<semaphore_mem>>) attributes {dimension_semantics = [#tpu.dimension_semantics<core_parallel>, #tpu.dimension_semantics<subcore_parallel>], iteration_bounds = array<i64: 2, 16>, scalar_prefetch = 0 : i64, scratch_operands = 11 : i64, tpu.core_type = #tpu.core_type<sc_vector_subcore>, window_params = [{transform_indices = #map}, {transform_indices = #map}, {transform_indices = #map}, {transform_indices = #map1}, {transform_indices = #map1}, {transform_indices = #map1}, {transform_indices = #map1}, {transform_indices = #map2}]} {
    %mul3A = arith.constant 2 : i32
    %mul3A_0 = arith.muli %arg1, %mul3A : i32
    %add3A = arith.addi %mul3A_0, %arg0 : i32
    %mul3A_1 = arith.constant 3136 : i32
    %mul3A_2 = arith.muli %add3A, %mul3A_1 : i32
    "tpu.region"() ({
      %run_scoped3A = tpu.sem_alloc : memref<!tpu.dma_semaphore, #tpu.memory_space<semaphore_mem>>
      tpu.enqueue_dma source(%arg2 : memref<100000xi32, #tpu.memory_space<hbm>>) target(%arg10 : memref<100000xi32, #tpu.memory_space<vmem>>) target_semaphore(%run_scoped3A : memref<!tpu.dma_semaphore, #tpu.memory_space<semaphore_mem>>)
      tpu.wait_dma2 semaphore(%run_scoped3A : memref<!tpu.dma_semaphore, #tpu.memory_space<semaphore_mem>>) src(%arg2 : memref<100000xi32, #tpu.memory_space<hbm>>) dst(%arg10 : memref<100000xi32, #tpu.memory_space<vmem>>)
      tpu.yield
    }) : () -> ()
    "tpu.region"() ({
      %run_scoped3A = tpu.sem_alloc : memref<!tpu.dma_semaphore, #tpu.memory_space<semaphore_mem>>
      %dma_start3A_140 = tpu.memref_slice %arg3[%mul3A_2] : memref<100352xi32, #tpu.memory_space<hbm>> -> memref<3136xi32, #tpu.memory_space<hbm>>
      %dma_start3A_141 = tpu.memref_slice %arg3[%mul3A_2] : memref<100352xi32, #tpu.memory_space<hbm>> -> memref<3136xi32, #tpu.memory_space<hbm>>
      tpu.enqueue_dma source(%dma_start3A_141 : memref<3136xi32, #tpu.memory_space<hbm>>) target(%arg11 : memref<3136xi32, #tpu.memory_space<vmem>>) target_semaphore(%run_scoped3A : memref<!tpu.dma_semaphore, #tpu.memory_space<semaphore_mem>>)
      %dma_wait3A_142 = tpu.memref_slice %arg3[%mul3A_2] : memref<100352xi32, #tpu.memory_space<hbm>> -> memref<3136xi32, #tpu.memory_space<hbm>>
      %dma_wait3A_143 = tpu.memref_slice %arg3[%mul3A_2] : memref<100352xi32, #tpu.memory_space<hbm>> -> memref<3136xi32, #tpu.memory_space<hbm>>
      tpu.wait_dma2 semaphore(%run_scoped3A : memref<!tpu.dma_semaphore, #tpu.memory_space<semaphore_mem>>) src(%dma_wait3A_143 : memref<3136xi32, #tpu.memory_space<hbm>>) dst(%arg11 : memref<3136xi32, #tpu.memory_space<vmem>>)
      tpu.yield
    }) : () -> ()
    %scan3A = arith.constant 0 : i32
    %scan3A_3 = arith.constant 0 : i32
    %scan3A_4 = arith.constant 32 : i32
    %scan3A_5 = arith.addi %scan3A_3, %scan3A_4 : i32
    %scan3A_6 = arith.constant 1 : i32
    %scan3A_7 = scf.for %scan3A_140 = %scan3A_3 to %scan3A_5 step %scan3A_6 iter_args(%scan3A_141 = %scan3A) -> (i32)  : i32 {
      %mul3A_142 = arith.constant 16 : i32
      %mul3A_143 = arith.muli %scan3A_140, %mul3A_142 : i32
      %broadcast_in_dim3A = arith.constant 0 : i32
      %broadcast_in_dim3A_144 = vector.broadcast %broadcast_in_dim3A : i32 to vector<16xi32>
      %swap3A = arith.index_cast %mul3A_143 : i32 to index
      %swap3A_145 = tpu.vector_load %arg12[%swap3A] {strides = array<i32>} : memref<512xi32, #tpu.memory_space<vmem>>, vector<16xi32>,
      tpu.vector_store %arg12[%swap3A], %broadcast_in_dim3A_144 {strides = array<i32>} : memref<512xi32, #tpu.memory_space<vmem>>, vector<16xi32>,
      %broadcast_in_dim3A_146 = arith.constant 1 : i32
      %broadcast_in_dim3A_147 = vector.broadcast %broadcast_in_dim3A_146 : i32 to vector<16xi32>
      %swap3A_148 = arith.index_cast %mul3A_143 : i32 to index
      %swap3A_149 = tpu.vector_load %arg13[%swap3A_148] {strides = array<i32>} : memref<512xi32, #tpu.memory_space<vmem>>, vector<16xi32>,
      tpu.vector_store %arg13[%swap3A_148], %broadcast_in_dim3A_147 {strides = array<i32>} : memref<512xi32, #tpu.memory_space<vmem>>, vector<16xi32>,
      %broadcast_in_dim3A_150 = vector.broadcast %mul3A_2 : i32 to vector<16xi32>
      %swap3A_151 = arith.index_cast %mul3A_143 : i32 to index
      %swap3A_152 = tpu.vector_load %arg14[%swap3A_151] {strides = array<i32>} : memref<512xi32, #tpu.memory_space<vmem>>, vector<16xi32>,
      tpu.vector_store %arg14[%swap3A_151], %broadcast_in_dim3A_150 {strides = array<i32>} : memref<512xi32, #tpu.memory_space<vmem>>, vector<16xi32>,
      %broadcast_in_dim3A_153 = arith.constant 54 : i32
      %broadcast_in_dim3A_154 = vector.broadcast %broadcast_in_dim3A_153 : i32 to vector<16xi32>
      %swap3A_155 = arith.index_cast %mul3A_143 : i32 to index
      %swap3A_156 = tpu.vector_load %arg15[%swap3A_155] {strides = array<i32>} : memref<512xi32, #tpu.memory_space<vmem>>, vector<16xi32>,
      tpu.vector_store %arg15[%swap3A_155], %broadcast_in_dim3A_154 {strides = array<i32>} : memref<512xi32, #tpu.memory_space<vmem>>, vector<16xi32>,
      %broadcast_in_dim3A_157 = arith.constant 0.000000e+00 : f32
      %broadcast_in_dim3A_158 = vector.broadcast %broadcast_in_dim3A_157 : f32 to vector<16xf32>
      %swap3A_159 = arith.index_cast %mul3A_143 : i32 to index
      %swap3A_160 = tpu.vector_load %arg16[%swap3A_159] {strides = array<i32>} : memref<512xf32, #tpu.memory_space<vmem>>, vector<16xf32>,
      tpu.vector_store %arg16[%swap3A_159], %broadcast_in_dim3A_158 {strides = array<i32>} : memref<512xf32, #tpu.memory_space<vmem>>, vector<16xf32>,
      %scan3A_161 = arith.constant 0 : i32
      scf.yield %scan3A_161 : i32
    }
    %scan3A_8 = arith.constant 32 : i32
    %scan3A_9 = arith.constant 0 : i32
    %scan3A_10 = arith.constant 0 : i32
    %scan3A_11 = arith.constant 196 : i32
    %scan3A_12 = arith.addi %scan3A_10, %scan3A_11 : i32
    %scan3A_13 = arith.constant 1 : i32
    %scan3A_14 = scf.for %scan3A_140 = %scan3A_10 to %scan3A_12 step %scan3A_13 iter_args(%scan3A_141 = %scan3A_9) -> (i32)  : i32 {
      %mul3A_142 = arith.constant 16 : i32
      %mul3A_143 = arith.muli %scan3A_140, %mul3A_142 : i32
      %get3A = arith.index_cast %mul3A_143 : i32 to index
      %get3A_144 = tpu.vector_load %arg11[%get3A] {strides = array<i32>} : memref<3136xi32, #tpu.memory_space<vmem>>, vector<16xi32>,
      %mul3A_145 = arith.constant 16 : i32
      %mul3A_146 = arith.muli %scan3A_140, %mul3A_145 : i32
      %add3A_147 = arith.addi %mul3A_2, %mul3A_146 : i32
      %iota3A = tpu.iota {dimensions = array<i32: 0>} : vector<16xi32>
      %add3A_148 = vector.broadcast %add3A_147 : i32 to vector<16xi32>
      %add3A_149 = arith.addi %add3A_148, %iota3A : vector<16xi32>
      %add3A_150 = arith.constant -1049601 : i32
      %add3A_151 = vector.broadcast %add3A_150 : i32 to vector<16xi32>
      %add3A_152 = arith.addi %get3A_144, %add3A_151 : vector<16xi32>
      %broadcast_in_dim3A = arith.constant 0 : i32
      %broadcast_in_dim3A_153 = vector.broadcast %broadcast_in_dim3A : i32 to vector<16xi32>
      %broadcast_in_dim3A_154 = arith.constant 100000 : i32
      %broadcast_in_dim3A_155 = vector.broadcast %broadcast_in_dim3A_154 : i32 to vector<16xi32>
      %scan3A_156 = arith.constant 0 : i32
      %scan3A_157 = arith.constant 17 : i32
      %scan3A_158 = arith.addi %scan3A_156, %scan3A_157 : i32
      %scan3A_159 = arith.constant 1 : i32
      %scan3A_160:2 = scf.for %scan3A_997 = %scan3A_156 to %scan3A_158 step %scan3A_159 iter_args(%scan3A_998 = %broadcast_in_dim3A_153, %scan3A_999 = %broadcast_in_dim3A_155) -> (vector<16xi32>, vector<16xi32>)  : i32 {
        %add3A_1000 = arith.addi %scan3A_998, %scan3A_999 : vector<16xi32>
        %shift_right_logical3A = arith.constant 1 : i32
        %shift_right_logical3A_1001 = vector.broadcast %shift_right_logical3A : i32 to vector<16xi32>
        %shift_right_logical3A_1002 = arith.shrui %add3A_1000, %shift_right_logical3A_1001 : vector<16xi32>
        %min3A_1003 = arith.constant 99999 : i32
        %min3A_1004 = vector.broadcast %min3A_1003 : i32 to vector<16xi32>
        %min3A_1005 = arith.minsi %shift_right_logical3A_1002, %min3A_1004 : vector<16xi32>
        %gather3A_1006 = tpu.vector_load_idx %arg10[%min3A_1005] : memref<100000xi32, #tpu.memory_space<vmem>>[vector<16xi32>], vector<16xi32>,
        %lt3A_1007 = arith.cmpi slt, %gather3A_1006, %add3A_152 : vector<16xi32>
        %convert_element_type3A_1008 = arith.extui %lt3A_1007 : vector<16xi1> to vector<16xi32>
        %lt3A_1009 = arith.cmpi slt, %scan3A_998, %scan3A_999 : vector<16xi32>
        %convert_element_type3A_1010 = arith.extui %lt3A_1009 : vector<16xi1> to vector<16xi32>
        %mul3A_1011 = arith.muli %convert_element_type3A_1010, %convert_element_type3A_1008 : vector<16xi32>
        %sub3A = arith.constant 1 : i32
        %sub3A_1012 = vector.broadcast %sub3A : i32 to vector<16xi32>
        %sub3A_1013 = arith.subi %sub3A_1012, %convert_element_type3A_1008 : vector<16xi32>
        %mul3A_1014 = arith.muli %convert_element_type3A_1010, %sub3A_1013 : vector<16xi32>
        %eq3A_1015 = arith.constant 1 : i32
        %eq3A_1016 = vector.broadcast %eq3A_1015 : i32 to vector<16xi32>
        %eq3A_1017 = arith.cmpi eq, %mul3A_1011, %eq3A_1016 : vector<16xi32>
        %add3A_1018 = arith.constant 1 : i32
        %add3A_1019 = vector.broadcast %add3A_1018 : i32 to vector<16xi32>
        %add3A_1020 = arith.addi %min3A_1005, %add3A_1019 : vector<16xi32>
        %select_n3A = arith.select %eq3A_1017, %add3A_1020, %scan3A_998 : vector<16xi1>, vector<16xi32>
        %eq3A_1021 = arith.constant 1 : i32
        %eq3A_1022 = vector.broadcast %eq3A_1021 : i32 to vector<16xi32>
        %eq3A_1023 = arith.cmpi eq, %mul3A_1014, %eq3A_1022 : vector<16xi32>
        %select_n3A_1024 = arith.select %eq3A_1023, %min3A_1005, %scan3A_999 : vector<16xi1>, vector<16xi32>
        scf.yield %select_n3A, %select_n3A_1024 : vector<16xi32>, vector<16xi32>
      }
      %scan3A_161 = arith.constant 17 : i32
      %min3A = arith.constant 99999 : i32
      %min3A_162 = vector.broadcast %min3A : i32 to vector<16xi32>
      %min3A_163 = arith.minsi %scan3A_160#0, %min3A_162 : vector<16xi32>
      %gather3A = tpu.vector_load_idx %arg10[%min3A_163] : memref<100000xi32, #tpu.memory_space<vmem>>[vector<16xi32>], vector<16xi32>,
      %eq3A = arith.cmpi eq, %gather3A, %add3A_152 : vector<16xi32>
      %convert_element_type3A = arith.extui %eq3A : vector<16xi1> to vector<16xi32>
      %reduce_sum3A = arith.constant true
      %reduce_sum3A_164 = vector.broadcast %reduce_sum3A : i1 to vector<16xi1>
      %reduce_sum3A_165 = tpu.scan <sum>, %convert_element_type3A masked %reduce_sum3A_164 : vector<16xi32>, vector<16xi1> -> vector<16xi32>
      %reduce_sum3A_166 = vector.extract %reduce_sum3A_165[15] : i32 from vector<16xi32>
      %min3A_167 = arith.constant 496 : i32
      %min3A_168 = arith.minsi %scan3A_141, %min3A_167 : i32
      %gt3A = arith.constant 0 : i32
      %gt3A_169 = arith.cmpi sgt, %reduce_sum3A_166, %gt3A : i32
      %convert_element_type3A_170 = arith.extui %gt3A_169 : i1 to i32
      %cond3A = arith.constant 0 : i32
      %cond3A_171 = arith.cmpi ne, %convert_element_type3A_170, %cond3A : i32
      scf.if %cond3A_171 {
        %swap3A = arith.index_cast %min3A_168 : i32 to index
        %swap3A_997 = tpu.vector_load %arg12[%swap3A] masked %eq3A {strides = array<i32>} : memref<512xi32, #tpu.memory_space<vmem>>, vector<16xi32>, vector<16xi1>
        tpu.vector_store %arg12[%swap3A], %min3A_163 masked %eq3A {strides = array<i32>} : memref<512xi32, #tpu.memory_space<vmem>>, vector<16xi32>, vector<16xi1>
        %broadcast_in_dim3A_998 = arith.constant 0 : i32
        %broadcast_in_dim3A_999 = vector.broadcast %broadcast_in_dim3A_998 : i32 to vector<16xi32>
        %swap3A_1000 = arith.index_cast %min3A_168 : i32 to index
        %swap3A_1001 = tpu.vector_load %arg13[%swap3A_1000] masked %eq3A {strides = array<i32>} : memref<512xi32, #tpu.memory_space<vmem>>, vector<16xi32>, vector<16xi1>
        tpu.vector_store %arg13[%swap3A_1000], %broadcast_in_dim3A_999 masked %eq3A {strides = array<i32>} : memref<512xi32, #tpu.memory_space<vmem>>, vector<16xi32>, vector<16xi1>
        %swap3A_1002 = arith.index_cast %min3A_168 : i32 to index
        %swap3A_1003 = tpu.vector_load %arg14[%swap3A_1002] masked %eq3A {strides = array<i32>} : memref<512xi32, #tpu.memory_space<vmem>>, vector<16xi32>, vector<16xi1>
        tpu.vector_store %arg14[%swap3A_1002], %add3A_149 masked %eq3A {strides = array<i32>} : memref<512xi32, #tpu.memory_space<vmem>>, vector<16xi32>, vector<16xi1>
        %broadcast_in_dim3A_1004 = arith.constant 0 : i32
        %broadcast_in_dim3A_1005 = vector.broadcast %broadcast_in_dim3A_1004 : i32 to vector<16xi32>
        %swap3A_1006 = arith.index_cast %min3A_168 : i32 to index
        %swap3A_1007 = tpu.vector_load %arg15[%swap3A_1006] masked %eq3A {strides = array<i32>} : memref<512xi32, #tpu.memory_space<vmem>>, vector<16xi32>, vector<16xi1>
        tpu.vector_store %arg15[%swap3A_1006], %broadcast_in_dim3A_1005 masked %eq3A {strides = array<i32>} : memref<512xi32, #tpu.memory_space<vmem>>, vector<16xi32>, vector<16xi1>
        %broadcast_in_dim3A_1008 = arith.constant 1.000000e+00 : f32
        %broadcast_in_dim3A_1009 = vector.broadcast %broadcast_in_dim3A_1008 : f32 to vector<16xf32>
        %swap3A_1010 = arith.index_cast %min3A_168 : i32 to index
        %swap3A_1011 = tpu.vector_load %arg16[%swap3A_1010] masked %eq3A {strides = array<i32>} : memref<512xf32, #tpu.memory_space<vmem>>, vector<16xf32>, vector<16xi1>
        tpu.vector_store %arg16[%swap3A_1010], %broadcast_in_dim3A_1009 masked %eq3A {strides = array<i32>} : memref<512xf32, #tpu.memory_space<vmem>>, vector<16xf32>, vector<16xi1>
      } else {
      }
      %add3A_172 = arith.addi %min3A_168, %reduce_sum3A_166 : i32
      %add3A_173 = arith.constant -1049600 : i32
      %add3A_174 = vector.broadcast %add3A_173 : i32 to vector<16xi32>
      %add3A_175 = arith.addi %get3A_144, %add3A_174 : vector<16xi32>
      %broadcast_in_dim3A_176 = arith.constant 0 : i32
      %broadcast_in_dim3A_177 = vector.broadcast %broadcast_in_dim3A_176 : i32 to vector<16xi32>
      %broadcast_in_dim3A_178 = arith.constant 100000 : i32
      %broadcast_in_dim3A_179 = vector.broadcast %broadcast_in_dim3A_178 : i32 to vector<16xi32>
      %scan3A_180 = arith.constant 0 : i32
      %scan3A_181 = arith.constant 17 : i32
      %scan3A_182 = arith.addi %scan3A_180, %scan3A_181 : i32
      %scan3A_183 = arith.constant 1 : i32
      %scan3A_184:2 = scf.for %scan3A_997 = %scan3A_180 to %scan3A_182 step %scan3A_183 iter_args(%scan3A_998 = %broadcast_in_dim3A_177, %scan3A_999 = %broadcast_in_dim3A_179) -> (vector<16xi32>, vector<16xi32>)  : i32 {
        %add3A_1000 = arith.addi %scan3A_998, %scan3A_999 : vector<16xi32>
        %shift_right_logical3A = arith.constant 1 : i32
        %shift_right_logical3A_1001 = vector.broadcast %shift_right_logical3A : i32 to vector<16xi32>
        %shift_right_logical3A_1002 = arith.shrui %add3A_1000, %shift_right_logical3A_1001 : vector<16xi32>
        %min3A_1003 = arith.constant 99999 : i32
        %min3A_1004 = vector.broadcast %min3A_1003 : i32 to vector<16xi32>
        %min3A_1005 = arith.minsi %shift_right_logical3A_1002, %min3A_1004 : vector<16xi32>
        %gather3A_1006 = tpu.vector_load_idx %arg10[%min3A_1005] : memref<100000xi32, #tpu.memory_space<vmem>>[vector<16xi32>], vector<16xi32>,
        %lt3A_1007 = arith.cmpi slt, %gather3A_1006, %add3A_175 : vector<16xi32>
        %convert_element_type3A_1008 = arith.extui %lt3A_1007 : vector<16xi1> to vector<16xi32>
        %lt3A_1009 = arith.cmpi slt, %scan3A_998, %scan3A_999 : vector<16xi32>
        %convert_element_type3A_1010 = arith.extui %lt3A_1009 : vector<16xi1> to vector<16xi32>
        %mul3A_1011 = arith.muli %convert_element_type3A_1010, %convert_element_type3A_1008 : vector<16xi32>
        %sub3A = arith.constant 1 : i32
        %sub3A_1012 = vector.broadcast %sub3A : i32 to vector<16xi32>
        %sub3A_1013 = arith.subi %sub3A_1012, %convert_element_type3A_1008 : vector<16xi32>
        %mul3A_1014 = arith.muli %convert_element_type3A_1010, %sub3A_1013 : vector<16xi32>
        %eq3A_1015 = arith.constant 1 : i32
        %eq3A_1016 = vector.broadcast %eq3A_1015 : i32 to vector<16xi32>
        %eq3A_1017 = arith.cmpi eq, %mul3A_1011, %eq3A_1016 : vector<16xi32>
        %add3A_1018 = arith.constant 1 : i32
        %add3A_1019 = vector.broadcast %add3A_1018 : i32 to vector<16xi32>
        %add3A_1020 = arith.addi %min3A_1005, %add3A_1019 : vector<16xi32>
        %select_n3A = arith.select %eq3A_1017, %add3A_1020, %scan3A_998 : vector<16xi1>, vector<16xi32>
        %eq3A_1021 = arith.constant 1 : i32
        %eq3A_1022 = vector.broadcast %eq3A_1021 : i32 to vector<16xi32>
        %eq3A_1023 = arith.cmpi eq, %mul3A_1014, %eq3A_1022 : vector<16xi32>
        %select_n3A_1024 = arith.select %eq3A_1023, %min3A_1005, %scan3A_999 : vector<16xi1>, vector<16xi32>
        scf.yield %select_n3A, %select_n3A_1024 : vector<16xi32>, vector<16xi32>
      }
      %scan3A_185 = arith.constant 17 : i32
      %min3A_186 = arith.constant 99999 : i32
      %min3A_187 = vector.broadcast %min3A_186 : i32 to vector<16xi32>
      %min3A_188 = arith.minsi %scan3A_184#0, %min3A_187 : vector<16xi32>
      %gather3A_189 = tpu.vector_load_idx %arg10[%min3A_188] : memref<100000xi32, #tpu.memory_space<vmem>>[vector<16xi32>], vector<16xi32>,
      %eq3A_190 = arith.cmpi eq, %gather3A_189, %add3A_175 : vector<16xi32>
      %convert_element_type3A_191 = arith.extui %eq3A_190 : vector<16xi1> to vector<16xi32>
      %reduce_sum3A_192 = arith.constant true
      %reduce_sum3A_193 = vector.broadcast %reduce_sum3A_192 : i1 to vector<16xi1>
      %reduce_sum3A_194 = tpu.scan <sum>, %convert_element_type3A_191 masked %reduce_sum3A_193 : vector<16xi32>, vector<16xi1> -> vector<16xi32>
      %reduce_sum3A_195 = vector.extract %reduce_sum3A_194[15] : i32 from vector<16xi32>
      %min3A_196 = arith.constant 496 : i32
      %min3A_197 = arith.minsi %add3A_172, %min3A_196 : i32
      %gt3A_198 = arith.constant 0 : i32
      %gt3A_199 = arith.cmpi sgt, %reduce_sum3A_195, %gt3A_198 : i32
      %convert_element_type3A_200 = arith.extui %gt3A_199 : i1 to i32
      %cond3A_201 = arith.constant 0 : i32
      %cond3A_202 = arith.cmpi ne, %convert_element_type3A_200, %cond3A_201 : i32
      scf.if %cond3A_202 {
        %swap3A = arith.index_cast %min3A_197 : i32 to index
        %swap3A_997 = tpu.vector_load %arg12[%swap3A] masked %eq3A_190 {strides = array<i32>} : memref<512xi32, #tpu.memory_space<vmem>>, vector<16xi32>, vector<16xi1>
        tpu.vector_store %arg12[%swap3A], %min3A_188 masked %eq3A_190 {strides = array<i32>} : memref<512xi32, #tpu.memory_space<vmem>>, vector<16xi32>, vector<16xi1>
        %broadcast_in_dim3A_998 = arith.constant 0 : i32
        %broadcast_in_dim3A_999 = vector.broadcast %broadcast_in_dim3A_998 : i32 to vector<16xi32>
        %swap3A_1000 = arith.index_cast %min3A_197 : i32 to index
        %swap3A_1001 = tpu.vector_load %arg13[%swap3A_1000] masked %eq3A_190 {strides = array<i32>} : memref<512xi32, #tpu.memory_space<vmem>>, vector<16xi32>, vector<16xi1>
        tpu.vector_store %arg13[%swap3A_1000], %broadcast_in_dim3A_999 masked %eq3A_190 {strides = array<i32>} : memref<512xi32, #tpu.memory_space<vmem>>, vector<16xi32>, vector<16xi1>
        %swap3A_1002 = arith.index_cast %min3A_197 : i32 to index
        %swap3A_1003 = tpu.vector_load %arg14[%swap3A_1002] masked %eq3A_190 {strides = array<i32>} : memref<512xi32, #tpu.memory_space<vmem>>, vector<16xi32>, vector<16xi1>
        tpu.vector_store %arg14[%swap3A_1002], %add3A_149 masked %eq3A_190 {strides = array<i32>} : memref<512xi32, #tpu.memory_space<vmem>>, vector<16xi32>, vector<16xi1>
        %broadcast_in_dim3A_1004 = arith.constant 1 : i32
        %broadcast_in_dim3A_1005 = vector.broadcast %broadcast_in_dim3A_1004 : i32 to vector<16xi32>
        %swap3A_1006 = arith.index_cast %min3A_197 : i32 to index
        %swap3A_1007 = tpu.vector_load %arg15[%swap3A_1006] masked %eq3A_190 {strides = array<i32>} : memref<512xi32, #tpu.memory_space<vmem>>, vector<16xi32>, vector<16xi1>
        tpu.vector_store %arg15[%swap3A_1006], %broadcast_in_dim3A_1005 masked %eq3A_190 {strides = array<i32>} : memref<512xi32, #tpu.memory_space<vmem>>, vector<16xi32>, vector<16xi1>
        %broadcast_in_dim3A_1008 = arith.constant 1.000000e+00 : f32
        %broadcast_in_dim3A_1009 = vector.broadcast %broadcast_in_dim3A_1008 : f32 to vector<16xf32>
        %swap3A_1010 = arith.index_cast %min3A_197 : i32 to index
        %swap3A_1011 = tpu.vector_load %arg16[%swap3A_1010] masked %eq3A_190 {strides = array<i32>} : memref<512xf32, #tpu.memory_space<vmem>>, vector<16xf32>, vector<16xi1>
        tpu.vector_store %arg16[%swap3A_1010], %broadcast_in_dim3A_1009 masked %eq3A_190 {strides = array<i32>} : memref<512xf32, #tpu.memory_space<vmem>>, vector<16xf32>, vector<16xi1>
      } else {
      }
      %add3A_203 = arith.addi %min3A_197, %reduce_sum3A_195 : i32
      %add3A_204 = arith.constant -1049599 : i32
      %add3A_205 = vector.broadcast %add3A_204 : i32 to vector<16xi32>
      %add3A_206 = arith.addi %get3A_144, %add3A_205 : vector<16xi32>
      %broadcast_in_dim3A_207 = arith.constant 0 : i32
      %broadcast_in_dim3A_208 = vector.broadcast %broadcast_in_dim3A_207 : i32 to vector<16xi32>
      %broadcast_in_dim3A_209 = arith.constant 100000 : i32
      %broadcast_in_dim3A_210 = vector.broadcast %broadcast_in_dim3A_209 : i32 to vector<16xi32>
      %scan3A_211 = arith.constant 0 : i32
      %scan3A_212 = arith.constant 17 : i32
      %scan3A_213 = arith.addi %scan3A_211, %scan3A_212 : i32
      %scan3A_214 = arith.constant 1 : i32
      %scan3A_215:2 = scf.for %scan3A_997 = %scan3A_211 to %scan3A_213 step %scan3A_214 iter_args(%scan3A_998 = %broadcast_in_dim3A_208, %scan3A_999 = %broadcast_in_dim3A_210) -> (vector<16xi32>, vector<16xi32>)  : i32 {
        %add3A_1000 = arith.addi %scan3A_998, %scan3A_999 : vector<16xi32>
        %shift_right_logical3A = arith.constant 1 : i32
        %shift_right_logical3A_1001 = vector.broadcast %shift_right_logical3A : i32 to vector<16xi32>
        %shift_right_logical3A_1002 = arith.shrui %add3A_1000, %shift_right_logical3A_1001 : vector<16xi32>
        %min3A_1003 = arith.constant 99999 : i32
        %min3A_1004 = vector.broadcast %min3A_1003 : i32 to vector<16xi32>
        %min3A_1005 = arith.minsi %shift_right_logical3A_1002, %min3A_1004 : vector<16xi32>
        %gather3A_1006 = tpu.vector_load_idx %arg10[%min3A_1005] : memref<100000xi32, #tpu.memory_space<vmem>>[vector<16xi32>], vector<16xi32>,
        %lt3A_1007 = arith.cmpi slt, %gather3A_1006, %add3A_206 : vector<16xi32>
        %convert_element_type3A_1008 = arith.extui %lt3A_1007 : vector<16xi1> to vector<16xi32>
        %lt3A_1009 = arith.cmpi slt, %scan3A_998, %scan3A_999 : vector<16xi32>
        %convert_element_type3A_1010 = arith.extui %lt3A_1009 : vector<16xi1> to vector<16xi32>
        %mul3A_1011 = arith.muli %convert_element_type3A_1010, %convert_element_type3A_1008 : vector<16xi32>
        %sub3A = arith.constant 1 : i32
        %sub3A_1012 = vector.broadcast %sub3A : i32 to vector<16xi32>
        %sub3A_1013 = arith.subi %sub3A_1012, %convert_element_type3A_1008 : vector<16xi32>
        %mul3A_1014 = arith.muli %convert_element_type3A_1010, %sub3A_1013 : vector<16xi32>
        %eq3A_1015 = arith.constant 1 : i32
        %eq3A_1016 = vector.broadcast %eq3A_1015 : i32 to vector<16xi32>
        %eq3A_1017 = arith.cmpi eq, %mul3A_1011, %eq3A_1016 : vector<16xi32>
        %add3A_1018 = arith.constant 1 : i32
        %add3A_1019 = vector.broadcast %add3A_1018 : i32 to vector<16xi32>
        %add3A_1020 = arith.addi %min3A_1005, %add3A_1019 : vector<16xi32>
        %select_n3A = arith.select %eq3A_1017, %add3A_1020, %scan3A_998 : vector<16xi1>, vector<16xi32>
        %eq3A_1021 = arith.constant 1 : i32
        %eq3A_1022 = vector.broadcast %eq3A_1021 : i32 to vector<16xi32>
        %eq3A_1023 = arith.cmpi eq, %mul3A_1014, %eq3A_1022 : vector<16xi32>
        %select_n3A_1024 = arith.select %eq3A_1023, %min3A_1005, %scan3A_999 : vector<16xi1>, vector<16xi32>
        scf.yield %select_n3A, %select_n3A_1024 : vector<16xi32>, vector<16xi32>
      }
      %scan3A_216 = arith.constant 17 : i32
      %min3A_217 = arith.constant 99999 : i32
      %min3A_218 = vector.broadcast %min3A_217 : i32 to vector<16xi32>
      %min3A_219 = arith.minsi %scan3A_215#0, %min3A_218 : vector<16xi32>
      %gather3A_220 = tpu.vector_load_idx %arg10[%min3A_219] : memref<100000xi32, #tpu.memory_space<vmem>>[vector<16xi32>], vector<16xi32>,
      %eq3A_221 = arith.cmpi eq, %gather3A_220, %add3A_206 : vector<16xi32>
      %convert_element_type3A_222 = arith.extui %eq3A_221 : vector<16xi1> to vector<16xi32>
      %reduce_sum3A_223 = arith.constant true
      %reduce_sum3A_224 = vector.broadcast %reduce_sum3A_223 : i1 to vector<16xi1>
      %reduce_sum3A_225 = tpu.scan <sum>, %convert_element_type3A_222 masked %reduce_sum3A_224 : vector<16xi32>, vector<16xi1> -> vector<16xi32>
      %reduce_sum3A_226 = vector.extract %reduce_sum3A_225[15] : i32 from vector<16xi32>
      %min3A_227 = arith.constant 496 : i32
      %min3A_228 = arith.minsi %add3A_203, %min3A_227 : i32
      %gt3A_229 = arith.constant 0 : i32
      %gt3A_230 = arith.cmpi sgt, %reduce_sum3A_226, %gt3A_229 : i32
      %convert_element_type3A_231 = arith.extui %gt3A_230 : i1 to i32
      %cond3A_232 = arith.constant 0 : i32
      %cond3A_233 = arith.cmpi ne, %convert_element_type3A_231, %cond3A_232 : i32
      scf.if %cond3A_233 {
        %swap3A = arith.index_cast %min3A_228 : i32 to index
        %swap3A_997 = tpu.vector_load %arg12[%swap3A] masked %eq3A_221 {strides = array<i32>} : memref<512xi32, #tpu.memory_space<vmem>>, vector<16xi32>, vector<16xi1>
        tpu.vector_store %arg12[%swap3A], %min3A_219 masked %eq3A_221 {strides = array<i32>} : memref<512xi32, #tpu.memory_space<vmem>>, vector<16xi32>, vector<16xi1>
        %broadcast_in_dim3A_998 = arith.constant 0 : i32
        %broadcast_in_dim3A_999 = vector.broadcast %broadcast_in_dim3A_998 : i32 to vector<16xi32>
        %swap3A_1000 = arith.index_cast %min3A_228 : i32 to index
        %swap3A_1001 = tpu.vector_load %arg13[%swap3A_1000] masked %eq3A_221 {strides = array<i32>} : memref<512xi32, #tpu.memory_space<vmem>>, vector<16xi32>, vector<16xi1>
        tpu.vector_store %arg13[%swap3A_1000], %broadcast_in_dim3A_999 masked %eq3A_221 {strides = array<i32>} : memref<512xi32, #tpu.memory_space<vmem>>, vector<16xi32>, vector<16xi1>
        %swap3A_1002 = arith.index_cast %min3A_228 : i32 to index
        %swap3A_1003 = tpu.vector_load %arg14[%swap3A_1002] masked %eq3A_221 {strides = array<i32>} : memref<512xi32, #tpu.memory_space<vmem>>, vector<16xi32>, vector<16xi1>
        tpu.vector_store %arg14[%swap3A_1002], %add3A_149 masked %eq3A_221 {strides = array<i32>} : memref<512xi32, #tpu.memory_space<vmem>>, vector<16xi32>, vector<16xi1>
        %broadcast_in_dim3A_1004 = arith.constant 2 : i32
        %broadcast_in_dim3A_1005 = vector.broadcast %broadcast_in_dim3A_1004 : i32 to vector<16xi32>
        %swap3A_1006 = arith.index_cast %min3A_228 : i32 to index
        %swap3A_1007 = tpu.vector_load %arg15[%swap3A_1006] masked %eq3A_221 {strides = array<i32>} : memref<512xi32, #tpu.memory_space<vmem>>, vector<16xi32>, vector<16xi1>
        tpu.vector_store %arg15[%swap3A_1006], %broadcast_in_dim3A_1005 masked %eq3A_221 {strides = array<i32>} : memref<512xi32, #tpu.memory_space<vmem>>, vector<16xi32>, vector<16xi1>
        %broadcast_in_dim3A_1008 = arith.constant 1.000000e+00 : f32
        %broadcast_in_dim3A_1009 = vector.broadcast %broadcast_in_dim3A_1008 : f32 to vector<16xf32>
        %swap3A_1010 = arith.index_cast %min3A_228 : i32 to index
        %swap3A_1011 = tpu.vector_load %arg16[%swap3A_1010] masked %eq3A_221 {strides = array<i32>} : memref<512xf32, #tpu.memory_space<vmem>>, vector<16xf32>, vector<16xi1>
        tpu.vector_store %arg16[%swap3A_1010], %broadcast_in_dim3A_1009 masked %eq3A_221 {strides = array<i32>} : memref<512xf32, #tpu.memory_space<vmem>>, vector<16xf32>, vector<16xi1>
      } else {
      }
      %add3A_234 = arith.addi %min3A_228, %reduce_sum3A_226 : i32
      %add3A_235 = arith.constant -1048577 : i32
      %add3A_236 = vector.broadcast %add3A_235 : i32 to vector<16xi32>
      %add3A_237 = arith.addi %get3A_144, %add3A_236 : vector<16xi32>
      %broadcast_in_dim3A_238 = arith.constant 0 : i32
      %broadcast_in_dim3A_239 = vector.broadcast %broadcast_in_dim3A_238 : i32 to vector<16xi32>
      %broadcast_in_dim3A_240 = arith.constant 100000 : i32
      %broadcast_in_dim3A_241 = vector.broadcast %broadcast_in_dim3A_240 : i32 to vector<16xi32>
      %scan3A_242 = arith.constant 0 : i32
      %scan3A_243 = arith.constant 17 : i32
      %scan3A_244 = arith.addi %scan3A_242, %scan3A_243 : i32
      %scan3A_245 = arith.constant 1 : i32
      %scan3A_246:2 = scf.for %scan3A_997 = %scan3A_242 to %scan3A_244 step %scan3A_245 iter_args(%scan3A_998 = %broadcast_in_dim3A_239, %scan3A_999 = %broadcast_in_dim3A_241) -> (vector<16xi32>, vector<16xi32>)  : i32 {
        %add3A_1000 = arith.addi %scan3A_998, %scan3A_999 : vector<16xi32>
        %shift_right_logical3A = arith.constant 1 : i32
        %shift_right_logical3A_1001 = vector.broadcast %shift_right_logical3A : i32 to vector<16xi32>
        %shift_right_logical3A_1002 = arith.shrui %add3A_1000, %shift_right_logical3A_1001 : vector<16xi32>
        %min3A_1003 = arith.constant 99999 : i32
        %min3A_1004 = vector.broadcast %min3A_1003 : i32 to vector<16xi32>
        %min3A_1005 = arith.minsi %shift_right_logical3A_1002, %min3A_1004 : vector<16xi32>
        %gather3A_1006 = tpu.vector_load_idx %arg10[%min3A_1005] : memref<100000xi32, #tpu.memory_space<vmem>>[vector<16xi32>], vector<16xi32>,
        %lt3A_1007 = arith.cmpi slt, %gather3A_1006, %add3A_237 : vector<16xi32>
        %convert_element_type3A_1008 = arith.extui %lt3A_1007 : vector<16xi1> to vector<16xi32>
        %lt3A_1009 = arith.cmpi slt, %scan3A_998, %scan3A_999 : vector<16xi32>
        %convert_element_type3A_1010 = arith.extui %lt3A_1009 : vector<16xi1> to vector<16xi32>
        %mul3A_1011 = arith.muli %convert_element_type3A_1010, %convert_element_type3A_1008 : vector<16xi32>
        %sub3A = arith.constant 1 : i32
        %sub3A_1012 = vector.broadcast %sub3A : i32 to vector<16xi32>
        %sub3A_1013 = arith.subi %sub3A_1012, %convert_element_type3A_1008 : vector<16xi32>
        %mul3A_1014 = arith.muli %convert_element_type3A_1010, %sub3A_1013 : vector<16xi32>
        %eq3A_1015 = arith.constant 1 : i32
        %eq3A_1016 = vector.broadcast %eq3A_1015 : i32 to vector<16xi32>
        %eq3A_1017 = arith.cmpi eq, %mul3A_1011, %eq3A_1016 : vector<16xi32>
        %add3A_1018 = arith.constant 1 : i32
        %add3A_1019 = vector.broadcast %add3A_1018 : i32 to vector<16xi32>
        %add3A_1020 = arith.addi %min3A_1005, %add3A_1019 : vector<16xi32>
        %select_n3A = arith.select %eq3A_1017, %add3A_1020, %scan3A_998 : vector<16xi1>, vector<16xi32>
        %eq3A_1021 = arith.constant 1 : i32
        %eq3A_1022 = vector.broadcast %eq3A_1021 : i32 to vector<16xi32>
        %eq3A_1023 = arith.cmpi eq, %mul3A_1014, %eq3A_1022 : vector<16xi32>
        %select_n3A_1024 = arith.select %eq3A_1023, %min3A_1005, %scan3A_999 : vector<16xi1>, vector<16xi32>
        scf.yield %select_n3A, %select_n3A_1024 : vector<16xi32>, vector<16xi32>
      }
      %scan3A_247 = arith.constant 17 : i32
      %min3A_248 = arith.constant 99999 : i32
      %min3A_249 = vector.broadcast %min3A_248 : i32 to vector<16xi32>
      %min3A_250 = arith.minsi %scan3A_246#0, %min3A_249 : vector<16xi32>
      %gather3A_251 = tpu.vector_load_idx %arg10[%min3A_250] : memref<100000xi32, #tpu.memory_space<vmem>>[vector<16xi32>], vector<16xi32>,
      %eq3A_252 = arith.cmpi eq, %gather3A_251, %add3A_237 : vector<16xi32>
      %convert_element_type3A_253 = arith.extui %eq3A_252 : vector<16xi1> to vector<16xi32>
      %reduce_sum3A_254 = arith.constant true
      %reduce_sum3A_255 = vector.broadcast %reduce_sum3A_254 : i1 to vector<16xi1>
      %reduce_sum3A_256 = tpu.scan <sum>, %convert_element_type3A_253 masked %reduce_sum3A_255 : vector<16xi32>, vector<16xi1> -> vector<16xi32>
      %reduce_sum3A_257 = vector.extract %reduce_sum3A_256[15] : i32 from vector<16xi32>
      %min3A_258 = arith.constant 496 : i32
      %min3A_259 = arith.minsi %add3A_234, %min3A_258 : i32
      %gt3A_260 = arith.constant 0 : i32
      %gt3A_261 = arith.cmpi sgt, %reduce_sum3A_257, %gt3A_260 : i32
      %convert_element_type3A_262 = arith.extui %gt3A_261 : i1 to i32
      %cond3A_263 = arith.constant 0 : i32
      %cond3A_264 = arith.cmpi ne, %convert_element_type3A_262, %cond3A_263 : i32
      scf.if %cond3A_264 {
        %swap3A = arith.index_cast %min3A_259 : i32 to index
        %swap3A_997 = tpu.vector_load %arg12[%swap3A] masked %eq3A_252 {strides = array<i32>} : memref<512xi32, #tpu.memory_space<vmem>>, vector<16xi32>, vector<16xi1>
        tpu.vector_store %arg12[%swap3A], %min3A_250 masked %eq3A_252 {strides = array<i32>} : memref<512xi32, #tpu.memory_space<vmem>>, vector<16xi32>, vector<16xi1>
        %broadcast_in_dim3A_998 = arith.constant 0 : i32
        %broadcast_in_dim3A_999 = vector.broadcast %broadcast_in_dim3A_998 : i32 to vector<16xi32>
        %swap3A_1000 = arith.index_cast %min3A_259 : i32 to index
        %swap3A_1001 = tpu.vector_load %arg13[%swap3A_1000] masked %eq3A_252 {strides = array<i32>} : memref<512xi32, #tpu.memory_space<vmem>>, vector<16xi32>, vector<16xi1>
        tpu.vector_store %arg13[%swap3A_1000], %broadcast_in_dim3A_999 masked %eq3A_252 {strides = array<i32>} : memref<512xi32, #tpu.memory_space<vmem>>, vector<16xi32>, vector<16xi1>
        %swap3A_1002 = arith.index_cast %min3A_259 : i32 to index
        %swap3A_1003 = tpu.vector_load %arg14[%swap3A_1002] masked %eq3A_252 {strides = array<i32>} : memref<512xi32, #tpu.memory_space<vmem>>, vector<16xi32>, vector<16xi1>
        tpu.vector_store %arg14[%swap3A_1002], %add3A_149 masked %eq3A_252 {strides = array<i32>} : memref<512xi32, #tpu.memory_space<vmem>>, vector<16xi32>, vector<16xi1>
        %broadcast_in_dim3A_1004 = arith.constant 3 : i32
        %broadcast_in_dim3A_1005 = vector.broadcast %broadcast_in_dim3A_1004 : i32 to vector<16xi32>
        %swap3A_1006 = arith.index_cast %min3A_259 : i32 to index
        %swap3A_1007 = tpu.vector_load %arg15[%swap3A_1006] masked %eq3A_252 {strides = array<i32>} : memref<512xi32, #tpu.memory_space<vmem>>, vector<16xi32>, vector<16xi1>
        tpu.vector_store %arg15[%swap3A_1006], %broadcast_in_dim3A_1005 masked %eq3A_252 {strides = array<i32>} : memref<512xi32, #tpu.memory_space<vmem>>, vector<16xi32>, vector<16xi1>
        %broadcast_in_dim3A_1008 = arith.constant 1.000000e+00 : f32
        %broadcast_in_dim3A_1009 = vector.broadcast %broadcast_in_dim3A_1008 : f32 to vector<16xf32>
        %swap3A_1010 = arith.index_cast %min3A_259 : i32 to index
        %swap3A_1011 = tpu.vector_load %arg16[%swap3A_1010] masked %eq3A_252 {strides = array<i32>} : memref<512xf32, #tpu.memory_space<vmem>>, vector<16xf32>, vector<16xi1>
        tpu.vector_store %arg16[%swap3A_1010], %broadcast_in_dim3A_1009 masked %eq3A_252 {strides = array<i32>} : memref<512xf32, #tpu.memory_space<vmem>>, vector<16xf32>, vector<16xi1>
      } else {
      }
      %add3A_265 = arith.addi %min3A_259, %reduce_sum3A_257 : i32
      %add3A_266 = arith.constant -1048576 : i32
      %add3A_267 = vector.broadcast %add3A_266 : i32 to vector<16xi32>
      %add3A_268 = arith.addi %get3A_144, %add3A_267 : vector<16xi32>
      %broadcast_in_dim3A_269 = arith.constant 0 : i32
      %broadcast_in_dim3A_270 = vector.broadcast %broadcast_in_dim3A_269 : i32 to vector<16xi32>
      %broadcast_in_dim3A_271 = arith.constant 100000 : i32
      %broadcast_in_dim3A_272 = vector.broadcast %broadcast_in_dim3A_271 : i32 to vector<16xi32>
      %scan3A_273 = arith.constant 0 : i32
      %scan3A_274 = arith.constant 17 : i32
      %scan3A_275 = arith.addi %scan3A_273, %scan3A_274 : i32
      %scan3A_276 = arith.constant 1 : i32
      %scan3A_277:2 = scf.for %scan3A_997 = %scan3A_273 to %scan3A_275 step %scan3A_276 iter_args(%scan3A_998 = %broadcast_in_dim3A_270, %scan3A_999 = %broadcast_in_dim3A_272) -> (vector<16xi32>, vector<16xi32>)  : i32 {
        %add3A_1000 = arith.addi %scan3A_998, %scan3A_999 : vector<16xi32>
        %shift_right_logical3A = arith.constant 1 : i32
        %shift_right_logical3A_1001 = vector.broadcast %shift_right_logical3A : i32 to vector<16xi32>
        %shift_right_logical3A_1002 = arith.shrui %add3A_1000, %shift_right_logical3A_1001 : vector<16xi32>
        %min3A_1003 = arith.constant 99999 : i32
        %min3A_1004 = vector.broadcast %min3A_1003 : i32 to vector<16xi32>
        %min3A_1005 = arith.minsi %shift_right_logical3A_1002, %min3A_1004 : vector<16xi32>
        %gather3A_1006 = tpu.vector_load_idx %arg10[%min3A_1005] : memref<100000xi32, #tpu.memory_space<vmem>>[vector<16xi32>], vector<16xi32>,
        %lt3A_1007 = arith.cmpi slt, %gather3A_1006, %add3A_268 : vector<16xi32>
        %convert_element_type3A_1008 = arith.extui %lt3A_1007 : vector<16xi1> to vector<16xi32>
        %lt3A_1009 = arith.cmpi slt, %scan3A_998, %scan3A_999 : vector<16xi32>
        %convert_element_type3A_1010 = arith.extui %lt3A_1009 : vector<16xi1> to vector<16xi32>
        %mul3A_1011 = arith.muli %convert_element_type3A_1010, %convert_element_type3A_1008 : vector<16xi32>
        %sub3A = arith.constant 1 : i32
        %sub3A_1012 = vector.broadcast %sub3A : i32 to vector<16xi32>
        %sub3A_1013 = arith.subi %sub3A_1012, %convert_element_type3A_1008 : vector<16xi32>
        %mul3A_1014 = arith.muli %convert_element_type3A_1010, %sub3A_1013 : vector<16xi32>
        %eq3A_1015 = arith.constant 1 : i32
        %eq3A_1016 = vector.broadcast %eq3A_1015 : i32 to vector<16xi32>
        %eq3A_1017 = arith.cmpi eq, %mul3A_1011, %eq3A_1016 : vector<16xi32>
        %add3A_1018 = arith.constant 1 : i32
        %add3A_1019 = vector.broadcast %add3A_1018 : i32 to vector<16xi32>
        %add3A_1020 = arith.addi %min3A_1005, %add3A_1019 : vector<16xi32>
        %select_n3A = arith.select %eq3A_1017, %add3A_1020, %scan3A_998 : vector<16xi1>, vector<16xi32>
        %eq3A_1021 = arith.constant 1 : i32
        %eq3A_1022 = vector.broadcast %eq3A_1021 : i32 to vector<16xi32>
        %eq3A_1023 = arith.cmpi eq, %mul3A_1014, %eq3A_1022 : vector<16xi32>
        %select_n3A_1024 = arith.select %eq3A_1023, %min3A_1005, %scan3A_999 : vector<16xi1>, vector<16xi32>
        scf.yield %select_n3A, %select_n3A_1024 : vector<16xi32>, vector<16xi32>
      }
      %scan3A_278 = arith.constant 17 : i32
      %min3A_279 = arith.constant 99999 : i32
      %min3A_280 = vector.broadcast %min3A_279 : i32 to vector<16xi32>
      %min3A_281 = arith.minsi %scan3A_277#0, %min3A_280 : vector<16xi32>
      %gather3A_282 = tpu.vector_load_idx %arg10[%min3A_281] : memref<100000xi32, #tpu.memory_space<vmem>>[vector<16xi32>], vector<16xi32>,
      %eq3A_283 = arith.cmpi eq, %gather3A_282, %add3A_268 : vector<16xi32>
      %convert_element_type3A_284 = arith.extui %eq3A_283 : vector<16xi1> to vector<16xi32>
      %reduce_sum3A_285 = arith.constant true
      %reduce_sum3A_286 = vector.broadcast %reduce_sum3A_285 : i1 to vector<16xi1>
      %reduce_sum3A_287 = tpu.scan <sum>, %convert_element_type3A_284 masked %reduce_sum3A_286 : vector<16xi32>, vector<16xi1> -> vector<16xi32>
      %reduce_sum3A_288 = vector.extract %reduce_sum3A_287[15] : i32 from vector<16xi32>
      %min3A_289 = arith.constant 496 : i32
      %min3A_290 = arith.minsi %add3A_265, %min3A_289 : i32
      %gt3A_291 = arith.constant 0 : i32
      %gt3A_292 = arith.cmpi sgt, %reduce_sum3A_288, %gt3A_291 : i32
      %convert_element_type3A_293 = arith.extui %gt3A_292 : i1 to i32
      %cond3A_294 = arith.constant 0 : i32
      %cond3A_295 = arith.cmpi ne, %convert_element_type3A_293, %cond3A_294 : i32
      scf.if %cond3A_295 {
        %swap3A = arith.index_cast %min3A_290 : i32 to index
        %swap3A_997 = tpu.vector_load %arg12[%swap3A] masked %eq3A_283 {strides = array<i32>} : memref<512xi32, #tpu.memory_space<vmem>>, vector<16xi32>, vector<16xi1>
        tpu.vector_store %arg12[%swap3A], %min3A_281 masked %eq3A_283 {strides = array<i32>} : memref<512xi32, #tpu.memory_space<vmem>>, vector<16xi32>, vector<16xi1>
        %broadcast_in_dim3A_998 = arith.constant 0 : i32
        %broadcast_in_dim3A_999 = vector.broadcast %broadcast_in_dim3A_998 : i32 to vector<16xi32>
        %swap3A_1000 = arith.index_cast %min3A_290 : i32 to index
        %swap3A_1001 = tpu.vector_load %arg13[%swap3A_1000] masked %eq3A_283 {strides = array<i32>} : memref<512xi32, #tpu.memory_space<vmem>>, vector<16xi32>, vector<16xi1>
        tpu.vector_store %arg13[%swap3A_1000], %broadcast_in_dim3A_999 masked %eq3A_283 {strides = array<i32>} : memref<512xi32, #tpu.memory_space<vmem>>, vector<16xi32>, vector<16xi1>
        %swap3A_1002 = arith.index_cast %min3A_290 : i32 to index
        %swap3A_1003 = tpu.vector_load %arg14[%swap3A_1002] masked %eq3A_283 {strides = array<i32>} : memref<512xi32, #tpu.memory_space<vmem>>, vector<16xi32>, vector<16xi1>
        tpu.vector_store %arg14[%swap3A_1002], %add3A_149 masked %eq3A_283 {strides = array<i32>} : memref<512xi32, #tpu.memory_space<vmem>>, vector<16xi32>, vector<16xi1>
        %broadcast_in_dim3A_1004 = arith.constant 4 : i32
        %broadcast_in_dim3A_1005 = vector.broadcast %broadcast_in_dim3A_1004 : i32 to vector<16xi32>
        %swap3A_1006 = arith.index_cast %min3A_290 : i32 to index
        %swap3A_1007 = tpu.vector_load %arg15[%swap3A_1006] masked %eq3A_283 {strides = array<i32>} : memref<512xi32, #tpu.memory_space<vmem>>, vector<16xi32>, vector<16xi1>
        tpu.vector_store %arg15[%swap3A_1006], %broadcast_in_dim3A_1005 masked %eq3A_283 {strides = array<i32>} : memref<512xi32, #tpu.memory_space<vmem>>, vector<16xi32>, vector<16xi1>
        %broadcast_in_dim3A_1008 = arith.constant 1.000000e+00 : f32
        %broadcast_in_dim3A_1009 = vector.broadcast %broadcast_in_dim3A_1008 : f32 to vector<16xf32>
        %swap3A_1010 = arith.index_cast %min3A_290 : i32 to index
        %swap3A_1011 = tpu.vector_load %arg16[%swap3A_1010] masked %eq3A_283 {strides = array<i32>} : memref<512xf32, #tpu.memory_space<vmem>>, vector<16xf32>, vector<16xi1>
        tpu.vector_store %arg16[%swap3A_1010], %broadcast_in_dim3A_1009 masked %eq3A_283 {strides = array<i32>} : memref<512xf32, #tpu.memory_space<vmem>>, vector<16xf32>, vector<16xi1>
      } else {
      }
      %add3A_296 = arith.addi %min3A_290, %reduce_sum3A_288 : i32
      %add3A_297 = arith.constant -1048575 : i32
      %add3A_298 = vector.broadcast %add3A_297 : i32 to vector<16xi32>
      %add3A_299 = arith.addi %get3A_144, %add3A_298 : vector<16xi32>
      %broadcast_in_dim3A_300 = arith.constant 0 : i32
      %broadcast_in_dim3A_301 = vector.broadcast %broadcast_in_dim3A_300 : i32 to vector<16xi32>
      %broadcast_in_dim3A_302 = arith.constant 100000 : i32
      %broadcast_in_dim3A_303 = vector.broadcast %broadcast_in_dim3A_302 : i32 to vector<16xi32>
      %scan3A_304 = arith.constant 0 : i32
      %scan3A_305 = arith.constant 17 : i32
      %scan3A_306 = arith.addi %scan3A_304, %scan3A_305 : i32
      %scan3A_307 = arith.constant 1 : i32
      %scan3A_308:2 = scf.for %scan3A_997 = %scan3A_304 to %scan3A_306 step %scan3A_307 iter_args(%scan3A_998 = %broadcast_in_dim3A_301, %scan3A_999 = %broadcast_in_dim3A_303) -> (vector<16xi32>, vector<16xi32>)  : i32 {
        %add3A_1000 = arith.addi %scan3A_998, %scan3A_999 : vector<16xi32>
        %shift_right_logical3A = arith.constant 1 : i32
        %shift_right_logical3A_1001 = vector.broadcast %shift_right_logical3A : i32 to vector<16xi32>
        %shift_right_logical3A_1002 = arith.shrui %add3A_1000, %shift_right_logical3A_1001 : vector<16xi32>
        %min3A_1003 = arith.constant 99999 : i32
        %min3A_1004 = vector.broadcast %min3A_1003 : i32 to vector<16xi32>
        %min3A_1005 = arith.minsi %shift_right_logical3A_1002, %min3A_1004 : vector<16xi32>
        %gather3A_1006 = tpu.vector_load_idx %arg10[%min3A_1005] : memref<100000xi32, #tpu.memory_space<vmem>>[vector<16xi32>], vector<16xi32>,
        %lt3A_1007 = arith.cmpi slt, %gather3A_1006, %add3A_299 : vector<16xi32>
        %convert_element_type3A_1008 = arith.extui %lt3A_1007 : vector<16xi1> to vector<16xi32>
        %lt3A_1009 = arith.cmpi slt, %scan3A_998, %scan3A_999 : vector<16xi32>
        %convert_element_type3A_1010 = arith.extui %lt3A_1009 : vector<16xi1> to vector<16xi32>
        %mul3A_1011 = arith.muli %convert_element_type3A_1010, %convert_element_type3A_1008 : vector<16xi32>
        %sub3A = arith.constant 1 : i32
        %sub3A_1012 = vector.broadcast %sub3A : i32 to vector<16xi32>
        %sub3A_1013 = arith.subi %sub3A_1012, %convert_element_type3A_1008 : vector<16xi32>
        %mul3A_1014 = arith.muli %convert_element_type3A_1010, %sub3A_1013 : vector<16xi32>
        %eq3A_1015 = arith.constant 1 : i32
        %eq3A_1016 = vector.broadcast %eq3A_1015 : i32 to vector<16xi32>
        %eq3A_1017 = arith.cmpi eq, %mul3A_1011, %eq3A_1016 : vector<16xi32>
        %add3A_1018 = arith.constant 1 : i32
        %add3A_1019 = vector.broadcast %add3A_1018 : i32 to vector<16xi32>
        %add3A_1020 = arith.addi %min3A_1005, %add3A_1019 : vector<16xi32>
        %select_n3A = arith.select %eq3A_1017, %add3A_1020, %scan3A_998 : vector<16xi1>, vector<16xi32>
        %eq3A_1021 = arith.constant 1 : i32
        %eq3A_1022 = vector.broadcast %eq3A_1021 : i32 to vector<16xi32>
        %eq3A_1023 = arith.cmpi eq, %mul3A_1014, %eq3A_1022 : vector<16xi32>
        %select_n3A_1024 = arith.select %eq3A_1023, %min3A_1005, %scan3A_999 : vector<16xi1>, vector<16xi32>
        scf.yield %select_n3A, %select_n3A_1024 : vector<16xi32>, vector<16xi32>
      }
      %scan3A_309 = arith.constant 17 : i32
      %min3A_310 = arith.constant 99999 : i32
      %min3A_311 = vector.broadcast %min3A_310 : i32 to vector<16xi32>
      %min3A_312 = arith.minsi %scan3A_308#0, %min3A_311 : vector<16xi32>
      %gather3A_313 = tpu.vector_load_idx %arg10[%min3A_312] : memref<100000xi32, #tpu.memory_space<vmem>>[vector<16xi32>], vector<16xi32>,
      %eq3A_314 = arith.cmpi eq, %gather3A_313, %add3A_299 : vector<16xi32>
      %convert_element_type3A_315 = arith.extui %eq3A_314 : vector<16xi1> to vector<16xi32>
      %reduce_sum3A_316 = arith.constant true
      %reduce_sum3A_317 = vector.broadcast %reduce_sum3A_316 : i1 to vector<16xi1>
      %reduce_sum3A_318 = tpu.scan <sum>, %convert_element_type3A_315 masked %reduce_sum3A_317 : vector<16xi32>, vector<16xi1> -> vector<16xi32>
      %reduce_sum3A_319 = vector.extract %reduce_sum3A_318[15] : i32 from vector<16xi32>
      %min3A_320 = arith.constant 496 : i32
      %min3A_321 = arith.minsi %add3A_296, %min3A_320 : i32
      %gt3A_322 = arith.constant 0 : i32
      %gt3A_323 = arith.cmpi sgt, %reduce_sum3A_319, %gt3A_322 : i32
      %convert_element_type3A_324 = arith.extui %gt3A_323 : i1 to i32
      %cond3A_325 = arith.constant 0 : i32
      %cond3A_326 = arith.cmpi ne, %convert_element_type3A_324, %cond3A_325 : i32
      scf.if %cond3A_326 {
        %swap3A = arith.index_cast %min3A_321 : i32 to index
        %swap3A_997 = tpu.vector_load %arg12[%swap3A] masked %eq3A_314 {strides = array<i32>} : memref<512xi32, #tpu.memory_space<vmem>>, vector<16xi32>, vector<16xi1>
        tpu.vector_store %arg12[%swap3A], %min3A_312 masked %eq3A_314 {strides = array<i32>} : memref<512xi32, #tpu.memory_space<vmem>>, vector<16xi32>, vector<16xi1>
        %broadcast_in_dim3A_998 = arith.constant 0 : i32
        %broadcast_in_dim3A_999 = vector.broadcast %broadcast_in_dim3A_998 : i32 to vector<16xi32>
        %swap3A_1000 = arith.index_cast %min3A_321 : i32 to index
        %swap3A_1001 = tpu.vector_load %arg13[%swap3A_1000] masked %eq3A_314 {strides = array<i32>} : memref<512xi32, #tpu.memory_space<vmem>>, vector<16xi32>, vector<16xi1>
        tpu.vector_store %arg13[%swap3A_1000], %broadcast_in_dim3A_999 masked %eq3A_314 {strides = array<i32>} : memref<512xi32, #tpu.memory_space<vmem>>, vector<16xi32>, vector<16xi1>
        %swap3A_1002 = arith.index_cast %min3A_321 : i32 to index
        %swap3A_1003 = tpu.vector_load %arg14[%swap3A_1002] masked %eq3A_314 {strides = array<i32>} : memref<512xi32, #tpu.memory_space<vmem>>, vector<16xi32>, vector<16xi1>
        tpu.vector_store %arg14[%swap3A_1002], %add3A_149 masked %eq3A_314 {strides = array<i32>} : memref<512xi32, #tpu.memory_space<vmem>>, vector<16xi32>, vector<16xi1>
        %broadcast_in_dim3A_1004 = arith.constant 5 : i32
        %broadcast_in_dim3A_1005 = vector.broadcast %broadcast_in_dim3A_1004 : i32 to vector<16xi32>
        %swap3A_1006 = arith.index_cast %min3A_321 : i32 to index
        %swap3A_1007 = tpu.vector_load %arg15[%swap3A_1006] masked %eq3A_314 {strides = array<i32>} : memref<512xi32, #tpu.memory_space<vmem>>, vector<16xi32>, vector<16xi1>
        tpu.vector_store %arg15[%swap3A_1006], %broadcast_in_dim3A_1005 masked %eq3A_314 {strides = array<i32>} : memref<512xi32, #tpu.memory_space<vmem>>, vector<16xi32>, vector<16xi1>
        %broadcast_in_dim3A_1008 = arith.constant 1.000000e+00 : f32
        %broadcast_in_dim3A_1009 = vector.broadcast %broadcast_in_dim3A_1008 : f32 to vector<16xf32>
        %swap3A_1010 = arith.index_cast %min3A_321 : i32 to index
        %swap3A_1011 = tpu.vector_load %arg16[%swap3A_1010] masked %eq3A_314 {strides = array<i32>} : memref<512xf32, #tpu.memory_space<vmem>>, vector<16xf32>, vector<16xi1>
        tpu.vector_store %arg16[%swap3A_1010], %broadcast_in_dim3A_1009 masked %eq3A_314 {strides = array<i32>} : memref<512xf32, #tpu.memory_space<vmem>>, vector<16xf32>, vector<16xi1>
      } else {
      }
      %add3A_327 = arith.addi %min3A_321, %reduce_sum3A_319 : i32
      %add3A_328 = arith.constant -1047553 : i32
      %add3A_329 = vector.broadcast %add3A_328 : i32 to vector<16xi32>
      %add3A_330 = arith.addi %get3A_144, %add3A_329 : vector<16xi32>
      %broadcast_in_dim3A_331 = arith.constant 0 : i32
      %broadcast_in_dim3A_332 = vector.broadcast %broadcast_in_dim3A_331 : i32 to vector<16xi32>
      %broadcast_in_dim3A_333 = arith.constant 100000 : i32
      %broadcast_in_dim3A_334 = vector.broadcast %broadcast_in_dim3A_333 : i32 to vector<16xi32>
      %scan3A_335 = arith.constant 0 : i32
      %scan3A_336 = arith.constant 17 : i32
      %scan3A_337 = arith.addi %scan3A_335, %scan3A_336 : i32
      %scan3A_338 = arith.constant 1 : i32
      %scan3A_339:2 = scf.for %scan3A_997 = %scan3A_335 to %scan3A_337 step %scan3A_338 iter_args(%scan3A_998 = %broadcast_in_dim3A_332, %scan3A_999 = %broadcast_in_dim3A_334) -> (vector<16xi32>, vector<16xi32>)  : i32 {
        %add3A_1000 = arith.addi %scan3A_998, %scan3A_999 : vector<16xi32>
        %shift_right_logical3A = arith.constant 1 : i32
        %shift_right_logical3A_1001 = vector.broadcast %shift_right_logical3A : i32 to vector<16xi32>
        %shift_right_logical3A_1002 = arith.shrui %add3A_1000, %shift_right_logical3A_1001 : vector<16xi32>
        %min3A_1003 = arith.constant 99999 : i32
        %min3A_1004 = vector.broadcast %min3A_1003 : i32 to vector<16xi32>
        %min3A_1005 = arith.minsi %shift_right_logical3A_1002, %min3A_1004 : vector<16xi32>
        %gather3A_1006 = tpu.vector_load_idx %arg10[%min3A_1005] : memref<100000xi32, #tpu.memory_space<vmem>>[vector<16xi32>], vector<16xi32>,
        %lt3A_1007 = arith.cmpi slt, %gather3A_1006, %add3A_330 : vector<16xi32>
        %convert_element_type3A_1008 = arith.extui %lt3A_1007 : vector<16xi1> to vector<16xi32>
        %lt3A_1009 = arith.cmpi slt, %scan3A_998, %scan3A_999 : vector<16xi32>
        %convert_element_type3A_1010 = arith.extui %lt3A_1009 : vector<16xi1> to vector<16xi32>
        %mul3A_1011 = arith.muli %convert_element_type3A_1010, %convert_element_type3A_1008 : vector<16xi32>
        %sub3A = arith.constant 1 : i32
        %sub3A_1012 = vector.broadcast %sub3A : i32 to vector<16xi32>
        %sub3A_1013 = arith.subi %sub3A_1012, %convert_element_type3A_1008 : vector<16xi32>
        %mul3A_1014 = arith.muli %convert_element_type3A_1010, %sub3A_1013 : vector<16xi32>
        %eq3A_1015 = arith.constant 1 : i32
        %eq3A_1016 = vector.broadcast %eq3A_1015 : i32 to vector<16xi32>
        %eq3A_1017 = arith.cmpi eq, %mul3A_1011, %eq3A_1016 : vector<16xi32>
        %add3A_1018 = arith.constant 1 : i32
        %add3A_1019 = vector.broadcast %add3A_1018 : i32 to vector<16xi32>
        %add3A_1020 = arith.addi %min3A_1005, %add3A_1019 : vector<16xi32>
        %select_n3A = arith.select %eq3A_1017, %add3A_1020, %scan3A_998 : vector<16xi1>, vector<16xi32>
        %eq3A_1021 = arith.constant 1 : i32
        %eq3A_1022 = vector.broadcast %eq3A_1021 : i32 to vector<16xi32>
        %eq3A_1023 = arith.cmpi eq, %mul3A_1014, %eq3A_1022 : vector<16xi32>
        %select_n3A_1024 = arith.select %eq3A_1023, %min3A_1005, %scan3A_999 : vector<16xi1>, vector<16xi32>
        scf.yield %select_n3A, %select_n3A_1024 : vector<16xi32>, vector<16xi32>
      }
      %scan3A_340 = arith.constant 17 : i32
      %min3A_341 = arith.constant 99999 : i32
      %min3A_342 = vector.broadcast %min3A_341 : i32 to vector<16xi32>
      %min3A_343 = arith.minsi %scan3A_339#0, %min3A_342 : vector<16xi32>
      %gather3A_344 = tpu.vector_load_idx %arg10[%min3A_343] : memref<100000xi32, #tpu.memory_space<vmem>>[vector<16xi32>], vector<16xi32>,
      %eq3A_345 = arith.cmpi eq, %gather3A_344, %add3A_330 : vector<16xi32>
      %convert_element_type3A_346 = arith.extui %eq3A_345 : vector<16xi1> to vector<16xi32>
      %reduce_sum3A_347 = arith.constant true
      %reduce_sum3A_348 = vector.broadcast %reduce_sum3A_347 : i1 to vector<16xi1>
      %reduce_sum3A_349 = tpu.scan <sum>, %convert_element_type3A_346 masked %reduce_sum3A_348 : vector<16xi32>, vector<16xi1> -> vector<16xi32>
      %reduce_sum3A_350 = vector.extract %reduce_sum3A_349[15] : i32 from vector<16xi32>
      %min3A_351 = arith.constant 496 : i32
      %min3A_352 = arith.minsi %add3A_327, %min3A_351 : i32
      %gt3A_353 = arith.constant 0 : i32
      %gt3A_354 = arith.cmpi sgt, %reduce_sum3A_350, %gt3A_353 : i32
      %convert_element_type3A_355 = arith.extui %gt3A_354 : i1 to i32
      %cond3A_356 = arith.constant 0 : i32
      %cond3A_357 = arith.cmpi ne, %convert_element_type3A_355, %cond3A_356 : i32
      scf.if %cond3A_357 {
        %swap3A = arith.index_cast %min3A_352 : i32 to index
        %swap3A_997 = tpu.vector_load %arg12[%swap3A] masked %eq3A_345 {strides = array<i32>} : memref<512xi32, #tpu.memory_space<vmem>>, vector<16xi32>, vector<16xi1>
        tpu.vector_store %arg12[%swap3A], %min3A_343 masked %eq3A_345 {strides = array<i32>} : memref<512xi32, #tpu.memory_space<vmem>>, vector<16xi32>, vector<16xi1>
        %broadcast_in_dim3A_998 = arith.constant 0 : i32
        %broadcast_in_dim3A_999 = vector.broadcast %broadcast_in_dim3A_998 : i32 to vector<16xi32>
        %swap3A_1000 = arith.index_cast %min3A_352 : i32 to index
        %swap3A_1001 = tpu.vector_load %arg13[%swap3A_1000] masked %eq3A_345 {strides = array<i32>} : memref<512xi32, #tpu.memory_space<vmem>>, vector<16xi32>, vector<16xi1>
        tpu.vector_store %arg13[%swap3A_1000], %broadcast_in_dim3A_999 masked %eq3A_345 {strides = array<i32>} : memref<512xi32, #tpu.memory_space<vmem>>, vector<16xi32>, vector<16xi1>
        %swap3A_1002 = arith.index_cast %min3A_352 : i32 to index
        %swap3A_1003 = tpu.vector_load %arg14[%swap3A_1002] masked %eq3A_345 {strides = array<i32>} : memref<512xi32, #tpu.memory_space<vmem>>, vector<16xi32>, vector<16xi1>
        tpu.vector_store %arg14[%swap3A_1002], %add3A_149 masked %eq3A_345 {strides = array<i32>} : memref<512xi32, #tpu.memory_space<vmem>>, vector<16xi32>, vector<16xi1>
        %broadcast_in_dim3A_1004 = arith.constant 6 : i32
        %broadcast_in_dim3A_1005 = vector.broadcast %broadcast_in_dim3A_1004 : i32 to vector<16xi32>
        %swap3A_1006 = arith.index_cast %min3A_352 : i32 to index
        %swap3A_1007 = tpu.vector_load %arg15[%swap3A_1006] masked %eq3A_345 {strides = array<i32>} : memref<512xi32, #tpu.memory_space<vmem>>, vector<16xi32>, vector<16xi1>
        tpu.vector_store %arg15[%swap3A_1006], %broadcast_in_dim3A_1005 masked %eq3A_345 {strides = array<i32>} : memref<512xi32, #tpu.memory_space<vmem>>, vector<16xi32>, vector<16xi1>
        %broadcast_in_dim3A_1008 = arith.constant 1.000000e+00 : f32
        %broadcast_in_dim3A_1009 = vector.broadcast %broadcast_in_dim3A_1008 : f32 to vector<16xf32>
        %swap3A_1010 = arith.index_cast %min3A_352 : i32 to index
        %swap3A_1011 = tpu.vector_load %arg16[%swap3A_1010] masked %eq3A_345 {strides = array<i32>} : memref<512xf32, #tpu.memory_space<vmem>>, vector<16xf32>, vector<16xi1>
        tpu.vector_store %arg16[%swap3A_1010], %broadcast_in_dim3A_1009 masked %eq3A_345 {strides = array<i32>} : memref<512xf32, #tpu.memory_space<vmem>>, vector<16xf32>, vector<16xi1>
      } else {
      }
      %add3A_358 = arith.addi %min3A_352, %reduce_sum3A_350 : i32
      %add3A_359 = arith.constant -1047552 : i32
      %add3A_360 = vector.broadcast %add3A_359 : i32 to vector<16xi32>
      %add3A_361 = arith.addi %get3A_144, %add3A_360 : vector<16xi32>
      %broadcast_in_dim3A_362 = arith.constant 0 : i32
      %broadcast_in_dim3A_363 = vector.broadcast %broadcast_in_dim3A_362 : i32 to vector<16xi32>
      %broadcast_in_dim3A_364 = arith.constant 100000 : i32
      %broadcast_in_dim3A_365 = vector.broadcast %broadcast_in_dim3A_364 : i32 to vector<16xi32>
      %scan3A_366 = arith.constant 0 : i32
      %scan3A_367 = arith.constant 17 : i32
      %scan3A_368 = arith.addi %scan3A_366, %scan3A_367 : i32
      %scan3A_369 = arith.constant 1 : i32
      %scan3A_370:2 = scf.for %scan3A_997 = %scan3A_366 to %scan3A_368 step %scan3A_369 iter_args(%scan3A_998 = %broadcast_in_dim3A_363, %scan3A_999 = %broadcast_in_dim3A_365) -> (vector<16xi32>, vector<16xi32>)  : i32 {
        %add3A_1000 = arith.addi %scan3A_998, %scan3A_999 : vector<16xi32>
        %shift_right_logical3A = arith.constant 1 : i32
        %shift_right_logical3A_1001 = vector.broadcast %shift_right_logical3A : i32 to vector<16xi32>
        %shift_right_logical3A_1002 = arith.shrui %add3A_1000, %shift_right_logical3A_1001 : vector<16xi32>
        %min3A_1003 = arith.constant 99999 : i32
        %min3A_1004 = vector.broadcast %min3A_1003 : i32 to vector<16xi32>
        %min3A_1005 = arith.minsi %shift_right_logical3A_1002, %min3A_1004 : vector<16xi32>
        %gather3A_1006 = tpu.vector_load_idx %arg10[%min3A_1005] : memref<100000xi32, #tpu.memory_space<vmem>>[vector<16xi32>], vector<16xi32>,
        %lt3A_1007 = arith.cmpi slt, %gather3A_1006, %add3A_361 : vector<16xi32>
        %convert_element_type3A_1008 = arith.extui %lt3A_1007 : vector<16xi1> to vector<16xi32>
        %lt3A_1009 = arith.cmpi slt, %scan3A_998, %scan3A_999 : vector<16xi32>
        %convert_element_type3A_1010 = arith.extui %lt3A_1009 : vector<16xi1> to vector<16xi32>
        %mul3A_1011 = arith.muli %convert_element_type3A_1010, %convert_element_type3A_1008 : vector<16xi32>
        %sub3A = arith.constant 1 : i32
        %sub3A_1012 = vector.broadcast %sub3A : i32 to vector<16xi32>
        %sub3A_1013 = arith.subi %sub3A_1012, %convert_element_type3A_1008 : vector<16xi32>
        %mul3A_1014 = arith.muli %convert_element_type3A_1010, %sub3A_1013 : vector<16xi32>
        %eq3A_1015 = arith.constant 1 : i32
        %eq3A_1016 = vector.broadcast %eq3A_1015 : i32 to vector<16xi32>
        %eq3A_1017 = arith.cmpi eq, %mul3A_1011, %eq3A_1016 : vector<16xi32>
        %add3A_1018 = arith.constant 1 : i32
        %add3A_1019 = vector.broadcast %add3A_1018 : i32 to vector<16xi32>
        %add3A_1020 = arith.addi %min3A_1005, %add3A_1019 : vector<16xi32>
        %select_n3A = arith.select %eq3A_1017, %add3A_1020, %scan3A_998 : vector<16xi1>, vector<16xi32>
        %eq3A_1021 = arith.constant 1 : i32
        %eq3A_1022 = vector.broadcast %eq3A_1021 : i32 to vector<16xi32>
        %eq3A_1023 = arith.cmpi eq, %mul3A_1014, %eq3A_1022 : vector<16xi32>
        %select_n3A_1024 = arith.select %eq3A_1023, %min3A_1005, %scan3A_999 : vector<16xi1>, vector<16xi32>
        scf.yield %select_n3A, %select_n3A_1024 : vector<16xi32>, vector<16xi32>
      }
      %scan3A_371 = arith.constant 17 : i32
      %min3A_372 = arith.constant 99999 : i32
      %min3A_373 = vector.broadcast %min3A_372 : i32 to vector<16xi32>
      %min3A_374 = arith.minsi %scan3A_370#0, %min3A_373 : vector<16xi32>
      %gather3A_375 = tpu.vector_load_idx %arg10[%min3A_374] : memref<100000xi32, #tpu.memory_space<vmem>>[vector<16xi32>], vector<16xi32>,
      %eq3A_376 = arith.cmpi eq, %gather3A_375, %add3A_361 : vector<16xi32>
      %convert_element_type3A_377 = arith.extui %eq3A_376 : vector<16xi1> to vector<16xi32>
      %reduce_sum3A_378 = arith.constant true
      %reduce_sum3A_379 = vector.broadcast %reduce_sum3A_378 : i1 to vector<16xi1>
      %reduce_sum3A_380 = tpu.scan <sum>, %convert_element_type3A_377 masked %reduce_sum3A_379 : vector<16xi32>, vector<16xi1> -> vector<16xi32>
      %reduce_sum3A_381 = vector.extract %reduce_sum3A_380[15] : i32 from vector<16xi32>
      %min3A_382 = arith.constant 496 : i32
      %min3A_383 = arith.minsi %add3A_358, %min3A_382 : i32
      %gt3A_384 = arith.constant 0 : i32
      %gt3A_385 = arith.cmpi sgt, %reduce_sum3A_381, %gt3A_384 : i32
      %convert_element_type3A_386 = arith.extui %gt3A_385 : i1 to i32
      %cond3A_387 = arith.constant 0 : i32
      %cond3A_388 = arith.cmpi ne, %convert_element_type3A_386, %cond3A_387 : i32
      scf.if %cond3A_388 {
        %swap3A = arith.index_cast %min3A_383 : i32 to index
        %swap3A_997 = tpu.vector_load %arg12[%swap3A] masked %eq3A_376 {strides = array<i32>} : memref<512xi32, #tpu.memory_space<vmem>>, vector<16xi32>, vector<16xi1>
        tpu.vector_store %arg12[%swap3A], %min3A_374 masked %eq3A_376 {strides = array<i32>} : memref<512xi32, #tpu.memory_space<vmem>>, vector<16xi32>, vector<16xi1>
        %broadcast_in_dim3A_998 = arith.constant 0 : i32
        %broadcast_in_dim3A_999 = vector.broadcast %broadcast_in_dim3A_998 : i32 to vector<16xi32>
        %swap3A_1000 = arith.index_cast %min3A_383 : i32 to index
        %swap3A_1001 = tpu.vector_load %arg13[%swap3A_1000] masked %eq3A_376 {strides = array<i32>} : memref<512xi32, #tpu.memory_space<vmem>>, vector<16xi32>, vector<16xi1>
        tpu.vector_store %arg13[%swap3A_1000], %broadcast_in_dim3A_999 masked %eq3A_376 {strides = array<i32>} : memref<512xi32, #tpu.memory_space<vmem>>, vector<16xi32>, vector<16xi1>
        %swap3A_1002 = arith.index_cast %min3A_383 : i32 to index
        %swap3A_1003 = tpu.vector_load %arg14[%swap3A_1002] masked %eq3A_376 {strides = array<i32>} : memref<512xi32, #tpu.memory_space<vmem>>, vector<16xi32>, vector<16xi1>
        tpu.vector_store %arg14[%swap3A_1002], %add3A_149 masked %eq3A_376 {strides = array<i32>} : memref<512xi32, #tpu.memory_space<vmem>>, vector<16xi32>, vector<16xi1>
        %broadcast_in_dim3A_1004 = arith.constant 7 : i32
        %broadcast_in_dim3A_1005 = vector.broadcast %broadcast_in_dim3A_1004 : i32 to vector<16xi32>
        %swap3A_1006 = arith.index_cast %min3A_383 : i32 to index
        %swap3A_1007 = tpu.vector_load %arg15[%swap3A_1006] masked %eq3A_376 {strides = array<i32>} : memref<512xi32, #tpu.memory_space<vmem>>, vector<16xi32>, vector<16xi1>
        tpu.vector_store %arg15[%swap3A_1006], %broadcast_in_dim3A_1005 masked %eq3A_376 {strides = array<i32>} : memref<512xi32, #tpu.memory_space<vmem>>, vector<16xi32>, vector<16xi1>
        %broadcast_in_dim3A_1008 = arith.constant 1.000000e+00 : f32
        %broadcast_in_dim3A_1009 = vector.broadcast %broadcast_in_dim3A_1008 : f32 to vector<16xf32>
        %swap3A_1010 = arith.index_cast %min3A_383 : i32 to index
        %swap3A_1011 = tpu.vector_load %arg16[%swap3A_1010] masked %eq3A_376 {strides = array<i32>} : memref<512xf32, #tpu.memory_space<vmem>>, vector<16xf32>, vector<16xi1>
        tpu.vector_store %arg16[%swap3A_1010], %broadcast_in_dim3A_1009 masked %eq3A_376 {strides = array<i32>} : memref<512xf32, #tpu.memory_space<vmem>>, vector<16xf32>, vector<16xi1>
      } else {
      }
      %add3A_389 = arith.addi %min3A_383, %reduce_sum3A_381 : i32
      %add3A_390 = arith.constant -1047551 : i32
      %add3A_391 = vector.broadcast %add3A_390 : i32 to vector<16xi32>
      %add3A_392 = arith.addi %get3A_144, %add3A_391 : vector<16xi32>
      %broadcast_in_dim3A_393 = arith.constant 0 : i32
      %broadcast_in_dim3A_394 = vector.broadcast %broadcast_in_dim3A_393 : i32 to vector<16xi32>
      %broadcast_in_dim3A_395 = arith.constant 100000 : i32
      %broadcast_in_dim3A_396 = vector.broadcast %broadcast_in_dim3A_395 : i32 to vector<16xi32>
      %scan3A_397 = arith.constant 0 : i32
      %scan3A_398 = arith.constant 17 : i32
      %scan3A_399 = arith.addi %scan3A_397, %scan3A_398 : i32
      %scan3A_400 = arith.constant 1 : i32
      %scan3A_401:2 = scf.for %scan3A_997 = %scan3A_397 to %scan3A_399 step %scan3A_400 iter_args(%scan3A_998 = %broadcast_in_dim3A_394, %scan3A_999 = %broadcast_in_dim3A_396) -> (vector<16xi32>, vector<16xi32>)  : i32 {
        %add3A_1000 = arith.addi %scan3A_998, %scan3A_999 : vector<16xi32>
        %shift_right_logical3A = arith.constant 1 : i32
        %shift_right_logical3A_1001 = vector.broadcast %shift_right_logical3A : i32 to vector<16xi32>
        %shift_right_logical3A_1002 = arith.shrui %add3A_1000, %shift_right_logical3A_1001 : vector<16xi32>
        %min3A_1003 = arith.constant 99999 : i32
        %min3A_1004 = vector.broadcast %min3A_1003 : i32 to vector<16xi32>
        %min3A_1005 = arith.minsi %shift_right_logical3A_1002, %min3A_1004 : vector<16xi32>
        %gather3A_1006 = tpu.vector_load_idx %arg10[%min3A_1005] : memref<100000xi32, #tpu.memory_space<vmem>>[vector<16xi32>], vector<16xi32>,
        %lt3A_1007 = arith.cmpi slt, %gather3A_1006, %add3A_392 : vector<16xi32>
        %convert_element_type3A_1008 = arith.extui %lt3A_1007 : vector<16xi1> to vector<16xi32>
        %lt3A_1009 = arith.cmpi slt, %scan3A_998, %scan3A_999 : vector<16xi32>
        %convert_element_type3A_1010 = arith.extui %lt3A_1009 : vector<16xi1> to vector<16xi32>
        %mul3A_1011 = arith.muli %convert_element_type3A_1010, %convert_element_type3A_1008 : vector<16xi32>
        %sub3A = arith.constant 1 : i32
        %sub3A_1012 = vector.broadcast %sub3A : i32 to vector<16xi32>
        %sub3A_1013 = arith.subi %sub3A_1012, %convert_element_type3A_1008 : vector<16xi32>
        %mul3A_1014 = arith.muli %convert_element_type3A_1010, %sub3A_1013 : vector<16xi32>
        %eq3A_1015 = arith.constant 1 : i32
        %eq3A_1016 = vector.broadcast %eq3A_1015 : i32 to vector<16xi32>
        %eq3A_1017 = arith.cmpi eq, %mul3A_1011, %eq3A_1016 : vector<16xi32>
        %add3A_1018 = arith.constant 1 : i32
        %add3A_1019 = vector.broadcast %add3A_1018 : i32 to vector<16xi32>
        %add3A_1020 = arith.addi %min3A_1005, %add3A_1019 : vector<16xi32>
        %select_n3A = arith.select %eq3A_1017, %add3A_1020, %scan3A_998 : vector<16xi1>, vector<16xi32>
        %eq3A_1021 = arith.constant 1 : i32
        %eq3A_1022 = vector.broadcast %eq3A_1021 : i32 to vector<16xi32>
        %eq3A_1023 = arith.cmpi eq, %mul3A_1014, %eq3A_1022 : vector<16xi32>
        %select_n3A_1024 = arith.select %eq3A_1023, %min3A_1005, %scan3A_999 : vector<16xi1>, vector<16xi32>
        scf.yield %select_n3A, %select_n3A_1024 : vector<16xi32>, vector<16xi32>
      }
      %scan3A_402 = arith.constant 17 : i32
      %min3A_403 = arith.constant 99999 : i32
      %min3A_404 = vector.broadcast %min3A_403 : i32 to vector<16xi32>
      %min3A_405 = arith.minsi %scan3A_401#0, %min3A_404 : vector<16xi32>
      %gather3A_406 = tpu.vector_load_idx %arg10[%min3A_405] : memref<100000xi32, #tpu.memory_space<vmem>>[vector<16xi32>], vector<16xi32>,
      %eq3A_407 = arith.cmpi eq, %gather3A_406, %add3A_392 : vector<16xi32>
      %convert_element_type3A_408 = arith.extui %eq3A_407 : vector<16xi1> to vector<16xi32>
      %reduce_sum3A_409 = arith.constant true
      %reduce_sum3A_410 = vector.broadcast %reduce_sum3A_409 : i1 to vector<16xi1>
      %reduce_sum3A_411 = tpu.scan <sum>, %convert_element_type3A_408 masked %reduce_sum3A_410 : vector<16xi32>, vector<16xi1> -> vector<16xi32>
      %reduce_sum3A_412 = vector.extract %reduce_sum3A_411[15] : i32 from vector<16xi32>
      %min3A_413 = arith.constant 496 : i32
      %min3A_414 = arith.minsi %add3A_389, %min3A_413 : i32
      %gt3A_415 = arith.constant 0 : i32
      %gt3A_416 = arith.cmpi sgt, %reduce_sum3A_412, %gt3A_415 : i32
      %convert_element_type3A_417 = arith.extui %gt3A_416 : i1 to i32
      %cond3A_418 = arith.constant 0 : i32
      %cond3A_419 = arith.cmpi ne, %convert_element_type3A_417, %cond3A_418 : i32
      scf.if %cond3A_419 {
        %swap3A = arith.index_cast %min3A_414 : i32 to index
        %swap3A_997 = tpu.vector_load %arg12[%swap3A] masked %eq3A_407 {strides = array<i32>} : memref<512xi32, #tpu.memory_space<vmem>>, vector<16xi32>, vector<16xi1>
        tpu.vector_store %arg12[%swap3A], %min3A_405 masked %eq3A_407 {strides = array<i32>} : memref<512xi32, #tpu.memory_space<vmem>>, vector<16xi32>, vector<16xi1>
        %broadcast_in_dim3A_998 = arith.constant 0 : i32
        %broadcast_in_dim3A_999 = vector.broadcast %broadcast_in_dim3A_998 : i32 to vector<16xi32>
        %swap3A_1000 = arith.index_cast %min3A_414 : i32 to index
        %swap3A_1001 = tpu.vector_load %arg13[%swap3A_1000] masked %eq3A_407 {strides = array<i32>} : memref<512xi32, #tpu.memory_space<vmem>>, vector<16xi32>, vector<16xi1>
        tpu.vector_store %arg13[%swap3A_1000], %broadcast_in_dim3A_999 masked %eq3A_407 {strides = array<i32>} : memref<512xi32, #tpu.memory_space<vmem>>, vector<16xi32>, vector<16xi1>
        %swap3A_1002 = arith.index_cast %min3A_414 : i32 to index
        %swap3A_1003 = tpu.vector_load %arg14[%swap3A_1002] masked %eq3A_407 {strides = array<i32>} : memref<512xi32, #tpu.memory_space<vmem>>, vector<16xi32>, vector<16xi1>
        tpu.vector_store %arg14[%swap3A_1002], %add3A_149 masked %eq3A_407 {strides = array<i32>} : memref<512xi32, #tpu.memory_space<vmem>>, vector<16xi32>, vector<16xi1>
        %broadcast_in_dim3A_1004 = arith.constant 8 : i32
        %broadcast_in_dim3A_1005 = vector.broadcast %broadcast_in_dim3A_1004 : i32 to vector<16xi32>
        %swap3A_1006 = arith.index_cast %min3A_414 : i32 to index
        %swap3A_1007 = tpu.vector_load %arg15[%swap3A_1006] masked %eq3A_407 {strides = array<i32>} : memref<512xi32, #tpu.memory_space<vmem>>, vector<16xi32>, vector<16xi1>
        tpu.vector_store %arg15[%swap3A_1006], %broadcast_in_dim3A_1005 masked %eq3A_407 {strides = array<i32>} : memref<512xi32, #tpu.memory_space<vmem>>, vector<16xi32>, vector<16xi1>
        %broadcast_in_dim3A_1008 = arith.constant 1.000000e+00 : f32
        %broadcast_in_dim3A_1009 = vector.broadcast %broadcast_in_dim3A_1008 : f32 to vector<16xf32>
        %swap3A_1010 = arith.index_cast %min3A_414 : i32 to index
        %swap3A_1011 = tpu.vector_load %arg16[%swap3A_1010] masked %eq3A_407 {strides = array<i32>} : memref<512xf32, #tpu.memory_space<vmem>>, vector<16xf32>, vector<16xi1>
        tpu.vector_store %arg16[%swap3A_1010], %broadcast_in_dim3A_1009 masked %eq3A_407 {strides = array<i32>} : memref<512xf32, #tpu.memory_space<vmem>>, vector<16xf32>, vector<16xi1>
      } else {
      }
      %add3A_420 = arith.addi %min3A_414, %reduce_sum3A_412 : i32
      %add3A_421 = arith.constant -1025 : i32
      %add3A_422 = vector.broadcast %add3A_421 : i32 to vector<16xi32>
      %add3A_423 = arith.addi %get3A_144, %add3A_422 : vector<16xi32>
      %broadcast_in_dim3A_424 = arith.constant 0 : i32
      %broadcast_in_dim3A_425 = vector.broadcast %broadcast_in_dim3A_424 : i32 to vector<16xi32>
      %broadcast_in_dim3A_426 = arith.constant 100000 : i32
      %broadcast_in_dim3A_427 = vector.broadcast %broadcast_in_dim3A_426 : i32 to vector<16xi32>
      %scan3A_428 = arith.constant 0 : i32
      %scan3A_429 = arith.constant 17 : i32
      %scan3A_430 = arith.addi %scan3A_428, %scan3A_429 : i32
      %scan3A_431 = arith.constant 1 : i32
      %scan3A_432:2 = scf.for %scan3A_997 = %scan3A_428 to %scan3A_430 step %scan3A_431 iter_args(%scan3A_998 = %broadcast_in_dim3A_425, %scan3A_999 = %broadcast_in_dim3A_427) -> (vector<16xi32>, vector<16xi32>)  : i32 {
        %add3A_1000 = arith.addi %scan3A_998, %scan3A_999 : vector<16xi32>
        %shift_right_logical3A = arith.constant 1 : i32
        %shift_right_logical3A_1001 = vector.broadcast %shift_right_logical3A : i32 to vector<16xi32>
        %shift_right_logical3A_1002 = arith.shrui %add3A_1000, %shift_right_logical3A_1001 : vector<16xi32>
        %min3A_1003 = arith.constant 99999 : i32
        %min3A_1004 = vector.broadcast %min3A_1003 : i32 to vector<16xi32>
        %min3A_1005 = arith.minsi %shift_right_logical3A_1002, %min3A_1004 : vector<16xi32>
        %gather3A_1006 = tpu.vector_load_idx %arg10[%min3A_1005] : memref<100000xi32, #tpu.memory_space<vmem>>[vector<16xi32>], vector<16xi32>,
        %lt3A_1007 = arith.cmpi slt, %gather3A_1006, %add3A_423 : vector<16xi32>
        %convert_element_type3A_1008 = arith.extui %lt3A_1007 : vector<16xi1> to vector<16xi32>
        %lt3A_1009 = arith.cmpi slt, %scan3A_998, %scan3A_999 : vector<16xi32>
        %convert_element_type3A_1010 = arith.extui %lt3A_1009 : vector<16xi1> to vector<16xi32>
        %mul3A_1011 = arith.muli %convert_element_type3A_1010, %convert_element_type3A_1008 : vector<16xi32>
        %sub3A = arith.constant 1 : i32
        %sub3A_1012 = vector.broadcast %sub3A : i32 to vector<16xi32>
        %sub3A_1013 = arith.subi %sub3A_1012, %convert_element_type3A_1008 : vector<16xi32>
        %mul3A_1014 = arith.muli %convert_element_type3A_1010, %sub3A_1013 : vector<16xi32>
        %eq3A_1015 = arith.constant 1 : i32
        %eq3A_1016 = vector.broadcast %eq3A_1015 : i32 to vector<16xi32>
        %eq3A_1017 = arith.cmpi eq, %mul3A_1011, %eq3A_1016 : vector<16xi32>
        %add3A_1018 = arith.constant 1 : i32
        %add3A_1019 = vector.broadcast %add3A_1018 : i32 to vector<16xi32>
        %add3A_1020 = arith.addi %min3A_1005, %add3A_1019 : vector<16xi32>
        %select_n3A = arith.select %eq3A_1017, %add3A_1020, %scan3A_998 : vector<16xi1>, vector<16xi32>
        %eq3A_1021 = arith.constant 1 : i32
        %eq3A_1022 = vector.broadcast %eq3A_1021 : i32 to vector<16xi32>
        %eq3A_1023 = arith.cmpi eq, %mul3A_1014, %eq3A_1022 : vector<16xi32>
        %select_n3A_1024 = arith.select %eq3A_1023, %min3A_1005, %scan3A_999 : vector<16xi1>, vector<16xi32>
        scf.yield %select_n3A, %select_n3A_1024 : vector<16xi32>, vector<16xi32>
      }
      %scan3A_433 = arith.constant 17 : i32
      %min3A_434 = arith.constant 99999 : i32
      %min3A_435 = vector.broadcast %min3A_434 : i32 to vector<16xi32>
      %min3A_436 = arith.minsi %scan3A_432#0, %min3A_435 : vector<16xi32>
      %gather3A_437 = tpu.vector_load_idx %arg10[%min3A_436] : memref<100000xi32, #tpu.memory_space<vmem>>[vector<16xi32>], vector<16xi32>,
      %eq3A_438 = arith.cmpi eq, %gather3A_437, %add3A_423 : vector<16xi32>
      %convert_element_type3A_439 = arith.extui %eq3A_438 : vector<16xi1> to vector<16xi32>
      %reduce_sum3A_440 = arith.constant true
      %reduce_sum3A_441 = vector.broadcast %reduce_sum3A_440 : i1 to vector<16xi1>
      %reduce_sum3A_442 = tpu.scan <sum>, %convert_element_type3A_439 masked %reduce_sum3A_441 : vector<16xi32>, vector<16xi1> -> vector<16xi32>
      %reduce_sum3A_443 = vector.extract %reduce_sum3A_442[15] : i32 from vector<16xi32>
      %min3A_444 = arith.constant 496 : i32
      %min3A_445 = arith.minsi %add3A_420, %min3A_444 : i32
      %gt3A_446 = arith.constant 0 : i32
      %gt3A_447 = arith.cmpi sgt, %reduce_sum3A_443, %gt3A_446 : i32
      %convert_element_type3A_448 = arith.extui %gt3A_447 : i1 to i32
      %cond3A_449 = arith.constant 0 : i32
      %cond3A_450 = arith.cmpi ne, %convert_element_type3A_448, %cond3A_449 : i32
      scf.if %cond3A_450 {
        %swap3A = arith.index_cast %min3A_445 : i32 to index
        %swap3A_997 = tpu.vector_load %arg12[%swap3A] masked %eq3A_438 {strides = array<i32>} : memref<512xi32, #tpu.memory_space<vmem>>, vector<16xi32>, vector<16xi1>
        tpu.vector_store %arg12[%swap3A], %min3A_436 masked %eq3A_438 {strides = array<i32>} : memref<512xi32, #tpu.memory_space<vmem>>, vector<16xi32>, vector<16xi1>
        %broadcast_in_dim3A_998 = arith.constant 0 : i32
        %broadcast_in_dim3A_999 = vector.broadcast %broadcast_in_dim3A_998 : i32 to vector<16xi32>
        %swap3A_1000 = arith.index_cast %min3A_445 : i32 to index
        %swap3A_1001 = tpu.vector_load %arg13[%swap3A_1000] masked %eq3A_438 {strides = array<i32>} : memref<512xi32, #tpu.memory_space<vmem>>, vector<16xi32>, vector<16xi1>
        tpu.vector_store %arg13[%swap3A_1000], %broadcast_in_dim3A_999 masked %eq3A_438 {strides = array<i32>} : memref<512xi32, #tpu.memory_space<vmem>>, vector<16xi32>, vector<16xi1>
        %swap3A_1002 = arith.index_cast %min3A_445 : i32 to index
        %swap3A_1003 = tpu.vector_load %arg14[%swap3A_1002] masked %eq3A_438 {strides = array<i32>} : memref<512xi32, #tpu.memory_space<vmem>>, vector<16xi32>, vector<16xi1>
        tpu.vector_store %arg14[%swap3A_1002], %add3A_149 masked %eq3A_438 {strides = array<i32>} : memref<512xi32, #tpu.memory_space<vmem>>, vector<16xi32>, vector<16xi1>
        %broadcast_in_dim3A_1004 = arith.constant 9 : i32
        %broadcast_in_dim3A_1005 = vector.broadcast %broadcast_in_dim3A_1004 : i32 to vector<16xi32>
        %swap3A_1006 = arith.index_cast %min3A_445 : i32 to index
        %swap3A_1007 = tpu.vector_load %arg15[%swap3A_1006] masked %eq3A_438 {strides = array<i32>} : memref<512xi32, #tpu.memory_space<vmem>>, vector<16xi32>, vector<16xi1>
        tpu.vector_store %arg15[%swap3A_1006], %broadcast_in_dim3A_1005 masked %eq3A_438 {strides = array<i32>} : memref<512xi32, #tpu.memory_space<vmem>>, vector<16xi32>, vector<16xi1>
        %broadcast_in_dim3A_1008 = arith.constant 1.000000e+00 : f32
        %broadcast_in_dim3A_1009 = vector.broadcast %broadcast_in_dim3A_1008 : f32 to vector<16xf32>
        %swap3A_1010 = arith.index_cast %min3A_445 : i32 to index
        %swap3A_1011 = tpu.vector_load %arg16[%swap3A_1010] masked %eq3A_438 {strides = array<i32>} : memref<512xf32, #tpu.memory_space<vmem>>, vector<16xf32>, vector<16xi1>
        tpu.vector_store %arg16[%swap3A_1010], %broadcast_in_dim3A_1009 masked %eq3A_438 {strides = array<i32>} : memref<512xf32, #tpu.memory_space<vmem>>, vector<16xf32>, vector<16xi1>
      } else {
      }
      %add3A_451 = arith.addi %min3A_445, %reduce_sum3A_443 : i32
      %add3A_452 = arith.constant -1024 : i32
      %add3A_453 = vector.broadcast %add3A_452 : i32 to vector<16xi32>
      %add3A_454 = arith.addi %get3A_144, %add3A_453 : vector<16xi32>
      %broadcast_in_dim3A_455 = arith.constant 0 : i32
      %broadcast_in_dim3A_456 = vector.broadcast %broadcast_in_dim3A_455 : i32 to vector<16xi32>
      %broadcast_in_dim3A_457 = arith.constant 100000 : i32
      %broadcast_in_dim3A_458 = vector.broadcast %broadcast_in_dim3A_457 : i32 to vector<16xi32>
      %scan3A_459 = arith.constant 0 : i32
      %scan3A_460 = arith.constant 17 : i32
      %scan3A_461 = arith.addi %scan3A_459, %scan3A_460 : i32
      %scan3A_462 = arith.constant 1 : i32
      %scan3A_463:2 = scf.for %scan3A_997 = %scan3A_459 to %scan3A_461 step %scan3A_462 iter_args(%scan3A_998 = %broadcast_in_dim3A_456, %scan3A_999 = %broadcast_in_dim3A_458) -> (vector<16xi32>, vector<16xi32>)  : i32 {
        %add3A_1000 = arith.addi %scan3A_998, %scan3A_999 : vector<16xi32>
        %shift_right_logical3A = arith.constant 1 : i32
        %shift_right_logical3A_1001 = vector.broadcast %shift_right_logical3A : i32 to vector<16xi32>
        %shift_right_logical3A_1002 = arith.shrui %add3A_1000, %shift_right_logical3A_1001 : vector<16xi32>
        %min3A_1003 = arith.constant 99999 : i32
        %min3A_1004 = vector.broadcast %min3A_1003 : i32 to vector<16xi32>
        %min3A_1005 = arith.minsi %shift_right_logical3A_1002, %min3A_1004 : vector<16xi32>
        %gather3A_1006 = tpu.vector_load_idx %arg10[%min3A_1005] : memref<100000xi32, #tpu.memory_space<vmem>>[vector<16xi32>], vector<16xi32>,
        %lt3A_1007 = arith.cmpi slt, %gather3A_1006, %add3A_454 : vector<16xi32>
        %convert_element_type3A_1008 = arith.extui %lt3A_1007 : vector<16xi1> to vector<16xi32>
        %lt3A_1009 = arith.cmpi slt, %scan3A_998, %scan3A_999 : vector<16xi32>
        %convert_element_type3A_1010 = arith.extui %lt3A_1009 : vector<16xi1> to vector<16xi32>
        %mul3A_1011 = arith.muli %convert_element_type3A_1010, %convert_element_type3A_1008 : vector<16xi32>
        %sub3A = arith.constant 1 : i32
        %sub3A_1012 = vector.broadcast %sub3A : i32 to vector<16xi32>
        %sub3A_1013 = arith.subi %sub3A_1012, %convert_element_type3A_1008 : vector<16xi32>
        %mul3A_1014 = arith.muli %convert_element_type3A_1010, %sub3A_1013 : vector<16xi32>
        %eq3A_1015 = arith.constant 1 : i32
        %eq3A_1016 = vector.broadcast %eq3A_1015 : i32 to vector<16xi32>
        %eq3A_1017 = arith.cmpi eq, %mul3A_1011, %eq3A_1016 : vector<16xi32>
        %add3A_1018 = arith.constant 1 : i32
        %add3A_1019 = vector.broadcast %add3A_1018 : i32 to vector<16xi32>
        %add3A_1020 = arith.addi %min3A_1005, %add3A_1019 : vector<16xi32>
        %select_n3A = arith.select %eq3A_1017, %add3A_1020, %scan3A_998 : vector<16xi1>, vector<16xi32>
        %eq3A_1021 = arith.constant 1 : i32
        %eq3A_1022 = vector.broadcast %eq3A_1021 : i32 to vector<16xi32>
        %eq3A_1023 = arith.cmpi eq, %mul3A_1014, %eq3A_1022 : vector<16xi32>
        %select_n3A_1024 = arith.select %eq3A_1023, %min3A_1005, %scan3A_999 : vector<16xi1>, vector<16xi32>
        scf.yield %select_n3A, %select_n3A_1024 : vector<16xi32>, vector<16xi32>
      }
      %scan3A_464 = arith.constant 17 : i32
      %min3A_465 = arith.constant 99999 : i32
      %min3A_466 = vector.broadcast %min3A_465 : i32 to vector<16xi32>
      %min3A_467 = arith.minsi %scan3A_463#0, %min3A_466 : vector<16xi32>
      %gather3A_468 = tpu.vector_load_idx %arg10[%min3A_467] : memref<100000xi32, #tpu.memory_space<vmem>>[vector<16xi32>], vector<16xi32>,
      %eq3A_469 = arith.cmpi eq, %gather3A_468, %add3A_454 : vector<16xi32>
      %convert_element_type3A_470 = arith.extui %eq3A_469 : vector<16xi1> to vector<16xi32>
      %reduce_sum3A_471 = arith.constant true
      %reduce_sum3A_472 = vector.broadcast %reduce_sum3A_471 : i1 to vector<16xi1>
      %reduce_sum3A_473 = tpu.scan <sum>, %convert_element_type3A_470 masked %reduce_sum3A_472 : vector<16xi32>, vector<16xi1> -> vector<16xi32>
      %reduce_sum3A_474 = vector.extract %reduce_sum3A_473[15] : i32 from vector<16xi32>
      %min3A_475 = arith.constant 496 : i32
      %min3A_476 = arith.minsi %add3A_451, %min3A_475 : i32
      %gt3A_477 = arith.constant 0 : i32
      %gt3A_478 = arith.cmpi sgt, %reduce_sum3A_474, %gt3A_477 : i32
      %convert_element_type3A_479 = arith.extui %gt3A_478 : i1 to i32
      %cond3A_480 = arith.constant 0 : i32
      %cond3A_481 = arith.cmpi ne, %convert_element_type3A_479, %cond3A_480 : i32
      scf.if %cond3A_481 {
        %swap3A = arith.index_cast %min3A_476 : i32 to index
        %swap3A_997 = tpu.vector_load %arg12[%swap3A] masked %eq3A_469 {strides = array<i32>} : memref<512xi32, #tpu.memory_space<vmem>>, vector<16xi32>, vector<16xi1>
        tpu.vector_store %arg12[%swap3A], %min3A_467 masked %eq3A_469 {strides = array<i32>} : memref<512xi32, #tpu.memory_space<vmem>>, vector<16xi32>, vector<16xi1>
        %broadcast_in_dim3A_998 = arith.constant 0 : i32
        %broadcast_in_dim3A_999 = vector.broadcast %broadcast_in_dim3A_998 : i32 to vector<16xi32>
        %swap3A_1000 = arith.index_cast %min3A_476 : i32 to index
        %swap3A_1001 = tpu.vector_load %arg13[%swap3A_1000] masked %eq3A_469 {strides = array<i32>} : memref<512xi32, #tpu.memory_space<vmem>>, vector<16xi32>, vector<16xi1>
        tpu.vector_store %arg13[%swap3A_1000], %broadcast_in_dim3A_999 masked %eq3A_469 {strides = array<i32>} : memref<512xi32, #tpu.memory_space<vmem>>, vector<16xi32>, vector<16xi1>
        %swap3A_1002 = arith.index_cast %min3A_476 : i32 to index
        %swap3A_1003 = tpu.vector_load %arg14[%swap3A_1002] masked %eq3A_469 {strides = array<i32>} : memref<512xi32, #tpu.memory_space<vmem>>, vector<16xi32>, vector<16xi1>
        tpu.vector_store %arg14[%swap3A_1002], %add3A_149 masked %eq3A_469 {strides = array<i32>} : memref<512xi32, #tpu.memory_space<vmem>>, vector<16xi32>, vector<16xi1>
        %broadcast_in_dim3A_1004 = arith.constant 10 : i32
        %broadcast_in_dim3A_1005 = vector.broadcast %broadcast_in_dim3A_1004 : i32 to vector<16xi32>
        %swap3A_1006 = arith.index_cast %min3A_476 : i32 to index
        %swap3A_1007 = tpu.vector_load %arg15[%swap3A_1006] masked %eq3A_469 {strides = array<i32>} : memref<512xi32, #tpu.memory_space<vmem>>, vector<16xi32>, vector<16xi1>
        tpu.vector_store %arg15[%swap3A_1006], %broadcast_in_dim3A_1005 masked %eq3A_469 {strides = array<i32>} : memref<512xi32, #tpu.memory_space<vmem>>, vector<16xi32>, vector<16xi1>
        %broadcast_in_dim3A_1008 = arith.constant 1.000000e+00 : f32
        %broadcast_in_dim3A_1009 = vector.broadcast %broadcast_in_dim3A_1008 : f32 to vector<16xf32>
        %swap3A_1010 = arith.index_cast %min3A_476 : i32 to index
        %swap3A_1011 = tpu.vector_load %arg16[%swap3A_1010] masked %eq3A_469 {strides = array<i32>} : memref<512xf32, #tpu.memory_space<vmem>>, vector<16xf32>, vector<16xi1>
        tpu.vector_store %arg16[%swap3A_1010], %broadcast_in_dim3A_1009 masked %eq3A_469 {strides = array<i32>} : memref<512xf32, #tpu.memory_space<vmem>>, vector<16xf32>, vector<16xi1>
      } else {
      }
      %add3A_482 = arith.addi %min3A_476, %reduce_sum3A_474 : i32
      %add3A_483 = arith.constant -1023 : i32
      %add3A_484 = vector.broadcast %add3A_483 : i32 to vector<16xi32>
      %add3A_485 = arith.addi %get3A_144, %add3A_484 : vector<16xi32>
      %broadcast_in_dim3A_486 = arith.constant 0 : i32
      %broadcast_in_dim3A_487 = vector.broadcast %broadcast_in_dim3A_486 : i32 to vector<16xi32>
      %broadcast_in_dim3A_488 = arith.constant 100000 : i32
      %broadcast_in_dim3A_489 = vector.broadcast %broadcast_in_dim3A_488 : i32 to vector<16xi32>
      %scan3A_490 = arith.constant 0 : i32
      %scan3A_491 = arith.constant 17 : i32
      %scan3A_492 = arith.addi %scan3A_490, %scan3A_491 : i32
      %scan3A_493 = arith.constant 1 : i32
      %scan3A_494:2 = scf.for %scan3A_997 = %scan3A_490 to %scan3A_492 step %scan3A_493 iter_args(%scan3A_998 = %broadcast_in_dim3A_487, %scan3A_999 = %broadcast_in_dim3A_489) -> (vector<16xi32>, vector<16xi32>)  : i32 {
        %add3A_1000 = arith.addi %scan3A_998, %scan3A_999 : vector<16xi32>
        %shift_right_logical3A = arith.constant 1 : i32
        %shift_right_logical3A_1001 = vector.broadcast %shift_right_logical3A : i32 to vector<16xi32>
        %shift_right_logical3A_1002 = arith.shrui %add3A_1000, %shift_right_logical3A_1001 : vector<16xi32>
        %min3A_1003 = arith.constant 99999 : i32
        %min3A_1004 = vector.broadcast %min3A_1003 : i32 to vector<16xi32>
        %min3A_1005 = arith.minsi %shift_right_logical3A_1002, %min3A_1004 : vector<16xi32>
        %gather3A_1006 = tpu.vector_load_idx %arg10[%min3A_1005] : memref<100000xi32, #tpu.memory_space<vmem>>[vector<16xi32>], vector<16xi32>,
        %lt3A_1007 = arith.cmpi slt, %gather3A_1006, %add3A_485 : vector<16xi32>
        %convert_element_type3A_1008 = arith.extui %lt3A_1007 : vector<16xi1> to vector<16xi32>
        %lt3A_1009 = arith.cmpi slt, %scan3A_998, %scan3A_999 : vector<16xi32>
        %convert_element_type3A_1010 = arith.extui %lt3A_1009 : vector<16xi1> to vector<16xi32>
        %mul3A_1011 = arith.muli %convert_element_type3A_1010, %convert_element_type3A_1008 : vector<16xi32>
        %sub3A = arith.constant 1 : i32
        %sub3A_1012 = vector.broadcast %sub3A : i32 to vector<16xi32>
        %sub3A_1013 = arith.subi %sub3A_1012, %convert_element_type3A_1008 : vector<16xi32>
        %mul3A_1014 = arith.muli %convert_element_type3A_1010, %sub3A_1013 : vector<16xi32>
        %eq3A_1015 = arith.constant 1 : i32
        %eq3A_1016 = vector.broadcast %eq3A_1015 : i32 to vector<16xi32>
        %eq3A_1017 = arith.cmpi eq, %mul3A_1011, %eq3A_1016 : vector<16xi32>
        %add3A_1018 = arith.constant 1 : i32
        %add3A_1019 = vector.broadcast %add3A_1018 : i32 to vector<16xi32>
        %add3A_1020 = arith.addi %min3A_1005, %add3A_1019 : vector<16xi32>
        %select_n3A = arith.select %eq3A_1017, %add3A_1020, %scan3A_998 : vector<16xi1>, vector<16xi32>
        %eq3A_1021 = arith.constant 1 : i32
        %eq3A_1022 = vector.broadcast %eq3A_1021 : i32 to vector<16xi32>
        %eq3A_1023 = arith.cmpi eq, %mul3A_1014, %eq3A_1022 : vector<16xi32>
        %select_n3A_1024 = arith.select %eq3A_1023, %min3A_1005, %scan3A_999 : vector<16xi1>, vector<16xi32>
        scf.yield %select_n3A, %select_n3A_1024 : vector<16xi32>, vector<16xi32>
      }
      %scan3A_495 = arith.constant 17 : i32
      %min3A_496 = arith.constant 99999 : i32
      %min3A_497 = vector.broadcast %min3A_496 : i32 to vector<16xi32>
      %min3A_498 = arith.minsi %scan3A_494#0, %min3A_497 : vector<16xi32>
      %gather3A_499 = tpu.vector_load_idx %arg10[%min3A_498] : memref<100000xi32, #tpu.memory_space<vmem>>[vector<16xi32>], vector<16xi32>,
      %eq3A_500 = arith.cmpi eq, %gather3A_499, %add3A_485 : vector<16xi32>
      %convert_element_type3A_501 = arith.extui %eq3A_500 : vector<16xi1> to vector<16xi32>
      %reduce_sum3A_502 = arith.constant true
      %reduce_sum3A_503 = vector.broadcast %reduce_sum3A_502 : i1 to vector<16xi1>
      %reduce_sum3A_504 = tpu.scan <sum>, %convert_element_type3A_501 masked %reduce_sum3A_503 : vector<16xi32>, vector<16xi1> -> vector<16xi32>
      %reduce_sum3A_505 = vector.extract %reduce_sum3A_504[15] : i32 from vector<16xi32>
      %min3A_506 = arith.constant 496 : i32
      %min3A_507 = arith.minsi %add3A_482, %min3A_506 : i32
      %gt3A_508 = arith.constant 0 : i32
      %gt3A_509 = arith.cmpi sgt, %reduce_sum3A_505, %gt3A_508 : i32
      %convert_element_type3A_510 = arith.extui %gt3A_509 : i1 to i32
      %cond3A_511 = arith.constant 0 : i32
      %cond3A_512 = arith.cmpi ne, %convert_element_type3A_510, %cond3A_511 : i32
      scf.if %cond3A_512 {
        %swap3A = arith.index_cast %min3A_507 : i32 to index
        %swap3A_997 = tpu.vector_load %arg12[%swap3A] masked %eq3A_500 {strides = array<i32>} : memref<512xi32, #tpu.memory_space<vmem>>, vector<16xi32>, vector<16xi1>
        tpu.vector_store %arg12[%swap3A], %min3A_498 masked %eq3A_500 {strides = array<i32>} : memref<512xi32, #tpu.memory_space<vmem>>, vector<16xi32>, vector<16xi1>
        %broadcast_in_dim3A_998 = arith.constant 0 : i32
        %broadcast_in_dim3A_999 = vector.broadcast %broadcast_in_dim3A_998 : i32 to vector<16xi32>
        %swap3A_1000 = arith.index_cast %min3A_507 : i32 to index
        %swap3A_1001 = tpu.vector_load %arg13[%swap3A_1000] masked %eq3A_500 {strides = array<i32>} : memref<512xi32, #tpu.memory_space<vmem>>, vector<16xi32>, vector<16xi1>
        tpu.vector_store %arg13[%swap3A_1000], %broadcast_in_dim3A_999 masked %eq3A_500 {strides = array<i32>} : memref<512xi32, #tpu.memory_space<vmem>>, vector<16xi32>, vector<16xi1>
        %swap3A_1002 = arith.index_cast %min3A_507 : i32 to index
        %swap3A_1003 = tpu.vector_load %arg14[%swap3A_1002] masked %eq3A_500 {strides = array<i32>} : memref<512xi32, #tpu.memory_space<vmem>>, vector<16xi32>, vector<16xi1>
        tpu.vector_store %arg14[%swap3A_1002], %add3A_149 masked %eq3A_500 {strides = array<i32>} : memref<512xi32, #tpu.memory_space<vmem>>, vector<16xi32>, vector<16xi1>
        %broadcast_in_dim3A_1004 = arith.constant 11 : i32
        %broadcast_in_dim3A_1005 = vector.broadcast %broadcast_in_dim3A_1004 : i32 to vector<16xi32>
        %swap3A_1006 = arith.index_cast %min3A_507 : i32 to index
        %swap3A_1007 = tpu.vector_load %arg15[%swap3A_1006] masked %eq3A_500 {strides = array<i32>} : memref<512xi32, #tpu.memory_space<vmem>>, vector<16xi32>, vector<16xi1>
        tpu.vector_store %arg15[%swap3A_1006], %broadcast_in_dim3A_1005 masked %eq3A_500 {strides = array<i32>} : memref<512xi32, #tpu.memory_space<vmem>>, vector<16xi32>, vector<16xi1>
        %broadcast_in_dim3A_1008 = arith.constant 1.000000e+00 : f32
        %broadcast_in_dim3A_1009 = vector.broadcast %broadcast_in_dim3A_1008 : f32 to vector<16xf32>
        %swap3A_1010 = arith.index_cast %min3A_507 : i32 to index
        %swap3A_1011 = tpu.vector_load %arg16[%swap3A_1010] masked %eq3A_500 {strides = array<i32>} : memref<512xf32, #tpu.memory_space<vmem>>, vector<16xf32>, vector<16xi1>
        tpu.vector_store %arg16[%swap3A_1010], %broadcast_in_dim3A_1009 masked %eq3A_500 {strides = array<i32>} : memref<512xf32, #tpu.memory_space<vmem>>, vector<16xf32>, vector<16xi1>
      } else {
      }
      %add3A_513 = arith.addi %min3A_507, %reduce_sum3A_505 : i32
      %add3A_514 = arith.constant -1 : i32
      %add3A_515 = vector.broadcast %add3A_514 : i32 to vector<16xi32>
      %add3A_516 = arith.addi %get3A_144, %add3A_515 : vector<16xi32>
      %broadcast_in_dim3A_517 = arith.constant 0 : i32
      %broadcast_in_dim3A_518 = vector.broadcast %broadcast_in_dim3A_517 : i32 to vector<16xi32>
      %broadcast_in_dim3A_519 = arith.constant 100000 : i32
      %broadcast_in_dim3A_520 = vector.broadcast %broadcast_in_dim3A_519 : i32 to vector<16xi32>
      %scan3A_521 = arith.constant 0 : i32
      %scan3A_522 = arith.constant 17 : i32
      %scan3A_523 = arith.addi %scan3A_521, %scan3A_522 : i32
      %scan3A_524 = arith.constant 1 : i32
      %scan3A_525:2 = scf.for %scan3A_997 = %scan3A_521 to %scan3A_523 step %scan3A_524 iter_args(%scan3A_998 = %broadcast_in_dim3A_518, %scan3A_999 = %broadcast_in_dim3A_520) -> (vector<16xi32>, vector<16xi32>)  : i32 {
        %add3A_1000 = arith.addi %scan3A_998, %scan3A_999 : vector<16xi32>
        %shift_right_logical3A = arith.constant 1 : i32
        %shift_right_logical3A_1001 = vector.broadcast %shift_right_logical3A : i32 to vector<16xi32>
        %shift_right_logical3A_1002 = arith.shrui %add3A_1000, %shift_right_logical3A_1001 : vector<16xi32>
        %min3A_1003 = arith.constant 99999 : i32
        %min3A_1004 = vector.broadcast %min3A_1003 : i32 to vector<16xi32>
        %min3A_1005 = arith.minsi %shift_right_logical3A_1002, %min3A_1004 : vector<16xi32>
        %gather3A_1006 = tpu.vector_load_idx %arg10[%min3A_1005] : memref<100000xi32, #tpu.memory_space<vmem>>[vector<16xi32>], vector<16xi32>,
        %lt3A_1007 = arith.cmpi slt, %gather3A_1006, %add3A_516 : vector<16xi32>
        %convert_element_type3A_1008 = arith.extui %lt3A_1007 : vector<16xi1> to vector<16xi32>
        %lt3A_1009 = arith.cmpi slt, %scan3A_998, %scan3A_999 : vector<16xi32>
        %convert_element_type3A_1010 = arith.extui %lt3A_1009 : vector<16xi1> to vector<16xi32>
        %mul3A_1011 = arith.muli %convert_element_type3A_1010, %convert_element_type3A_1008 : vector<16xi32>
        %sub3A = arith.constant 1 : i32
        %sub3A_1012 = vector.broadcast %sub3A : i32 to vector<16xi32>
        %sub3A_1013 = arith.subi %sub3A_1012, %convert_element_type3A_1008 : vector<16xi32>
        %mul3A_1014 = arith.muli %convert_element_type3A_1010, %sub3A_1013 : vector<16xi32>
        %eq3A_1015 = arith.constant 1 : i32
        %eq3A_1016 = vector.broadcast %eq3A_1015 : i32 to vector<16xi32>
        %eq3A_1017 = arith.cmpi eq, %mul3A_1011, %eq3A_1016 : vector<16xi32>
        %add3A_1018 = arith.constant 1 : i32
        %add3A_1019 = vector.broadcast %add3A_1018 : i32 to vector<16xi32>
        %add3A_1020 = arith.addi %min3A_1005, %add3A_1019 : vector<16xi32>
        %select_n3A = arith.select %eq3A_1017, %add3A_1020, %scan3A_998 : vector<16xi1>, vector<16xi32>
        %eq3A_1021 = arith.constant 1 : i32
        %eq3A_1022 = vector.broadcast %eq3A_1021 : i32 to vector<16xi32>
        %eq3A_1023 = arith.cmpi eq, %mul3A_1014, %eq3A_1022 : vector<16xi32>
        %select_n3A_1024 = arith.select %eq3A_1023, %min3A_1005, %scan3A_999 : vector<16xi1>, vector<16xi32>
        scf.yield %select_n3A, %select_n3A_1024 : vector<16xi32>, vector<16xi32>
      }
      %scan3A_526 = arith.constant 17 : i32
      %min3A_527 = arith.constant 99999 : i32
      %min3A_528 = vector.broadcast %min3A_527 : i32 to vector<16xi32>
      %min3A_529 = arith.minsi %scan3A_525#0, %min3A_528 : vector<16xi32>
      %gather3A_530 = tpu.vector_load_idx %arg10[%min3A_529] : memref<100000xi32, #tpu.memory_space<vmem>>[vector<16xi32>], vector<16xi32>,
      %eq3A_531 = arith.cmpi eq, %gather3A_530, %add3A_516 : vector<16xi32>
      %convert_element_type3A_532 = arith.extui %eq3A_531 : vector<16xi1> to vector<16xi32>
      %reduce_sum3A_533 = arith.constant true
      %reduce_sum3A_534 = vector.broadcast %reduce_sum3A_533 : i1 to vector<16xi1>
      %reduce_sum3A_535 = tpu.scan <sum>, %convert_element_type3A_532 masked %reduce_sum3A_534 : vector<16xi32>, vector<16xi1> -> vector<16xi32>
      %reduce_sum3A_536 = vector.extract %reduce_sum3A_535[15] : i32 from vector<16xi32>
      %min3A_537 = arith.constant 496 : i32
      %min3A_538 = arith.minsi %add3A_513, %min3A_537 : i32
      %gt3A_539 = arith.constant 0 : i32
      %gt3A_540 = arith.cmpi sgt, %reduce_sum3A_536, %gt3A_539 : i32
      %convert_element_type3A_541 = arith.extui %gt3A_540 : i1 to i32
      %cond3A_542 = arith.constant 0 : i32
      %cond3A_543 = arith.cmpi ne, %convert_element_type3A_541, %cond3A_542 : i32
      scf.if %cond3A_543 {
        %swap3A = arith.index_cast %min3A_538 : i32 to index
        %swap3A_997 = tpu.vector_load %arg12[%swap3A] masked %eq3A_531 {strides = array<i32>} : memref<512xi32, #tpu.memory_space<vmem>>, vector<16xi32>, vector<16xi1>
        tpu.vector_store %arg12[%swap3A], %min3A_529 masked %eq3A_531 {strides = array<i32>} : memref<512xi32, #tpu.memory_space<vmem>>, vector<16xi32>, vector<16xi1>
        %broadcast_in_dim3A_998 = arith.constant 0 : i32
        %broadcast_in_dim3A_999 = vector.broadcast %broadcast_in_dim3A_998 : i32 to vector<16xi32>
        %swap3A_1000 = arith.index_cast %min3A_538 : i32 to index
        %swap3A_1001 = tpu.vector_load %arg13[%swap3A_1000] masked %eq3A_531 {strides = array<i32>} : memref<512xi32, #tpu.memory_space<vmem>>, vector<16xi32>, vector<16xi1>
        tpu.vector_store %arg13[%swap3A_1000], %broadcast_in_dim3A_999 masked %eq3A_531 {strides = array<i32>} : memref<512xi32, #tpu.memory_space<vmem>>, vector<16xi32>, vector<16xi1>
        %swap3A_1002 = arith.index_cast %min3A_538 : i32 to index
        %swap3A_1003 = tpu.vector_load %arg14[%swap3A_1002] masked %eq3A_531 {strides = array<i32>} : memref<512xi32, #tpu.memory_space<vmem>>, vector<16xi32>, vector<16xi1>
        tpu.vector_store %arg14[%swap3A_1002], %add3A_149 masked %eq3A_531 {strides = array<i32>} : memref<512xi32, #tpu.memory_space<vmem>>, vector<16xi32>, vector<16xi1>
        %broadcast_in_dim3A_1004 = arith.constant 12 : i32
        %broadcast_in_dim3A_1005 = vector.broadcast %broadcast_in_dim3A_1004 : i32 to vector<16xi32>
        %swap3A_1006 = arith.index_cast %min3A_538 : i32 to index
        %swap3A_1007 = tpu.vector_load %arg15[%swap3A_1006] masked %eq3A_531 {strides = array<i32>} : memref<512xi32, #tpu.memory_space<vmem>>, vector<16xi32>, vector<16xi1>
        tpu.vector_store %arg15[%swap3A_1006], %broadcast_in_dim3A_1005 masked %eq3A_531 {strides = array<i32>} : memref<512xi32, #tpu.memory_space<vmem>>, vector<16xi32>, vector<16xi1>
        %broadcast_in_dim3A_1008 = arith.constant 1.000000e+00 : f32
        %broadcast_in_dim3A_1009 = vector.broadcast %broadcast_in_dim3A_1008 : f32 to vector<16xf32>
        %swap3A_1010 = arith.index_cast %min3A_538 : i32 to index
        %swap3A_1011 = tpu.vector_load %arg16[%swap3A_1010] masked %eq3A_531 {strides = array<i32>} : memref<512xf32, #tpu.memory_space<vmem>>, vector<16xf32>, vector<16xi1>
        tpu.vector_store %arg16[%swap3A_1010], %broadcast_in_dim3A_1009 masked %eq3A_531 {strides = array<i32>} : memref<512xf32, #tpu.memory_space<vmem>>, vector<16xf32>, vector<16xi1>
      } else {
      }
      %add3A_544 = arith.addi %min3A_538, %reduce_sum3A_536 : i32
      %add3A_545 = arith.constant 0 : i32
      %add3A_546 = vector.broadcast %add3A_545 : i32 to vector<16xi32>
      %add3A_547 = arith.addi %get3A_144, %add3A_546 : vector<16xi32>
      %broadcast_in_dim3A_548 = arith.constant 0 : i32
      %broadcast_in_dim3A_549 = vector.broadcast %broadcast_in_dim3A_548 : i32 to vector<16xi32>
      %broadcast_in_dim3A_550 = arith.constant 100000 : i32
      %broadcast_in_dim3A_551 = vector.broadcast %broadcast_in_dim3A_550 : i32 to vector<16xi32>
      %scan3A_552 = arith.constant 0 : i32
      %scan3A_553 = arith.constant 17 : i32
      %scan3A_554 = arith.addi %scan3A_552, %scan3A_553 : i32
      %scan3A_555 = arith.constant 1 : i32
      %scan3A_556:2 = scf.for %scan3A_997 = %scan3A_552 to %scan3A_554 step %scan3A_555 iter_args(%scan3A_998 = %broadcast_in_dim3A_549, %scan3A_999 = %broadcast_in_dim3A_551) -> (vector<16xi32>, vector<16xi32>)  : i32 {
        %add3A_1000 = arith.addi %scan3A_998, %scan3A_999 : vector<16xi32>
        %shift_right_logical3A = arith.constant 1 : i32
        %shift_right_logical3A_1001 = vector.broadcast %shift_right_logical3A : i32 to vector<16xi32>
        %shift_right_logical3A_1002 = arith.shrui %add3A_1000, %shift_right_logical3A_1001 : vector<16xi32>
        %min3A_1003 = arith.constant 99999 : i32
        %min3A_1004 = vector.broadcast %min3A_1003 : i32 to vector<16xi32>
        %min3A_1005 = arith.minsi %shift_right_logical3A_1002, %min3A_1004 : vector<16xi32>
        %gather3A_1006 = tpu.vector_load_idx %arg10[%min3A_1005] : memref<100000xi32, #tpu.memory_space<vmem>>[vector<16xi32>], vector<16xi32>,
        %lt3A_1007 = arith.cmpi slt, %gather3A_1006, %add3A_547 : vector<16xi32>
        %convert_element_type3A_1008 = arith.extui %lt3A_1007 : vector<16xi1> to vector<16xi32>
        %lt3A_1009 = arith.cmpi slt, %scan3A_998, %scan3A_999 : vector<16xi32>
        %convert_element_type3A_1010 = arith.extui %lt3A_1009 : vector<16xi1> to vector<16xi32>
        %mul3A_1011 = arith.muli %convert_element_type3A_1010, %convert_element_type3A_1008 : vector<16xi32>
        %sub3A = arith.constant 1 : i32
        %sub3A_1012 = vector.broadcast %sub3A : i32 to vector<16xi32>
        %sub3A_1013 = arith.subi %sub3A_1012, %convert_element_type3A_1008 : vector<16xi32>
        %mul3A_1014 = arith.muli %convert_element_type3A_1010, %sub3A_1013 : vector<16xi32>
        %eq3A_1015 = arith.constant 1 : i32
        %eq3A_1016 = vector.broadcast %eq3A_1015 : i32 to vector<16xi32>
        %eq3A_1017 = arith.cmpi eq, %mul3A_1011, %eq3A_1016 : vector<16xi32>
        %add3A_1018 = arith.constant 1 : i32
        %add3A_1019 = vector.broadcast %add3A_1018 : i32 to vector<16xi32>
        %add3A_1020 = arith.addi %min3A_1005, %add3A_1019 : vector<16xi32>
        %select_n3A = arith.select %eq3A_1017, %add3A_1020, %scan3A_998 : vector<16xi1>, vector<16xi32>
        %eq3A_1021 = arith.constant 1 : i32
        %eq3A_1022 = vector.broadcast %eq3A_1021 : i32 to vector<16xi32>
        %eq3A_1023 = arith.cmpi eq, %mul3A_1014, %eq3A_1022 : vector<16xi32>
        %select_n3A_1024 = arith.select %eq3A_1023, %min3A_1005, %scan3A_999 : vector<16xi1>, vector<16xi32>
        scf.yield %select_n3A, %select_n3A_1024 : vector<16xi32>, vector<16xi32>
      }
      %scan3A_557 = arith.constant 17 : i32
      %add3A_558 = arith.constant 1 : i32
      %add3A_559 = vector.broadcast %add3A_558 : i32 to vector<16xi32>
      %add3A_560 = arith.addi %scan3A_556#0, %add3A_559 : vector<16xi32>
      %min3A_561 = arith.constant 99999 : i32
      %min3A_562 = vector.broadcast %min3A_561 : i32 to vector<16xi32>
      %min3A_563 = arith.minsi %add3A_560, %min3A_562 : vector<16xi32>
      %gather3A_564 = tpu.vector_load_idx %arg10[%min3A_563] : memref<100000xi32, #tpu.memory_space<vmem>>[vector<16xi32>], vector<16xi32>,
      %lt3A = arith.constant 99999 : i32
      %lt3A_565 = vector.broadcast %lt3A : i32 to vector<16xi32>
      %lt3A_566 = arith.cmpi slt, %scan3A_556#0, %lt3A_565 : vector<16xi32>
      %eq3A_567 = arith.cmpi eq, %gather3A_564, %add3A_547 : vector<16xi32>
      %and3A = arith.andi %lt3A_566, %eq3A_567 : vector<16xi1>
      %convert_element_type3A_568 = arith.extui %and3A : vector<16xi1> to vector<16xi32>
      %reduce_sum3A_569 = arith.constant true
      %reduce_sum3A_570 = vector.broadcast %reduce_sum3A_569 : i1 to vector<16xi1>
      %reduce_sum3A_571 = tpu.scan <sum>, %convert_element_type3A_568 masked %reduce_sum3A_570 : vector<16xi32>, vector<16xi1> -> vector<16xi32>
      %reduce_sum3A_572 = vector.extract %reduce_sum3A_571[15] : i32 from vector<16xi32>
      %min3A_573 = arith.constant 496 : i32
      %min3A_574 = arith.minsi %add3A_544, %min3A_573 : i32
      %gt3A_575 = arith.constant 0 : i32
      %gt3A_576 = arith.cmpi sgt, %reduce_sum3A_572, %gt3A_575 : i32
      %convert_element_type3A_577 = arith.extui %gt3A_576 : i1 to i32
      %cond3A_578 = arith.constant 0 : i32
      %cond3A_579 = arith.cmpi ne, %convert_element_type3A_577, %cond3A_578 : i32
      scf.if %cond3A_579 {
        %swap3A = arith.index_cast %min3A_574 : i32 to index
        %swap3A_997 = tpu.vector_load %arg12[%swap3A] masked %and3A {strides = array<i32>} : memref<512xi32, #tpu.memory_space<vmem>>, vector<16xi32>, vector<16xi1>
        tpu.vector_store %arg12[%swap3A], %scan3A_556#0 masked %and3A {strides = array<i32>} : memref<512xi32, #tpu.memory_space<vmem>>, vector<16xi32>, vector<16xi1>
        %broadcast_in_dim3A_998 = arith.constant 0 : i32
        %broadcast_in_dim3A_999 = vector.broadcast %broadcast_in_dim3A_998 : i32 to vector<16xi32>
        %swap3A_1000 = arith.index_cast %min3A_574 : i32 to index
        %swap3A_1001 = tpu.vector_load %arg13[%swap3A_1000] masked %and3A {strides = array<i32>} : memref<512xi32, #tpu.memory_space<vmem>>, vector<16xi32>, vector<16xi1>
        tpu.vector_store %arg13[%swap3A_1000], %broadcast_in_dim3A_999 masked %and3A {strides = array<i32>} : memref<512xi32, #tpu.memory_space<vmem>>, vector<16xi32>, vector<16xi1>
        %swap3A_1002 = arith.index_cast %min3A_574 : i32 to index
        %swap3A_1003 = tpu.vector_load %arg14[%swap3A_1002] masked %and3A {strides = array<i32>} : memref<512xi32, #tpu.memory_space<vmem>>, vector<16xi32>, vector<16xi1>
        tpu.vector_store %arg14[%swap3A_1002], %add3A_149 masked %and3A {strides = array<i32>} : memref<512xi32, #tpu.memory_space<vmem>>, vector<16xi32>, vector<16xi1>
        %broadcast_in_dim3A_1004 = arith.constant 13 : i32
        %broadcast_in_dim3A_1005 = vector.broadcast %broadcast_in_dim3A_1004 : i32 to vector<16xi32>
        %swap3A_1006 = arith.index_cast %min3A_574 : i32 to index
        %swap3A_1007 = tpu.vector_load %arg15[%swap3A_1006] masked %and3A {strides = array<i32>} : memref<512xi32, #tpu.memory_space<vmem>>, vector<16xi32>, vector<16xi1>
        tpu.vector_store %arg15[%swap3A_1006], %broadcast_in_dim3A_1005 masked %and3A {strides = array<i32>} : memref<512xi32, #tpu.memory_space<vmem>>, vector<16xi32>, vector<16xi1>
        %broadcast_in_dim3A_1008 = arith.constant 1.000000e+00 : f32
        %broadcast_in_dim3A_1009 = vector.broadcast %broadcast_in_dim3A_1008 : f32 to vector<16xf32>
        %swap3A_1010 = arith.index_cast %min3A_574 : i32 to index
        %swap3A_1011 = tpu.vector_load %arg16[%swap3A_1010] masked %and3A {strides = array<i32>} : memref<512xf32, #tpu.memory_space<vmem>>, vector<16xf32>, vector<16xi1>
        tpu.vector_store %arg16[%swap3A_1010], %broadcast_in_dim3A_1009 masked %and3A {strides = array<i32>} : memref<512xf32, #tpu.memory_space<vmem>>, vector<16xf32>, vector<16xi1>
      } else {
      }
      %add3A_580 = arith.addi %min3A_574, %reduce_sum3A_572 : i32
      %convert_element_type3A_581 = arith.extui %and3A : vector<16xi1> to vector<16xi32>
      %reduce_sum3A_582 = arith.constant true
      %reduce_sum3A_583 = vector.broadcast %reduce_sum3A_582 : i1 to vector<16xi1>
      %reduce_sum3A_584 = tpu.scan <sum>, %convert_element_type3A_581 masked %reduce_sum3A_583 : vector<16xi32>, vector<16xi1> -> vector<16xi32>
      %reduce_sum3A_585 = vector.extract %reduce_sum3A_584[15] : i32 from vector<16xi32>
      %min3A_586 = arith.constant 496 : i32
      %min3A_587 = arith.minsi %add3A_580, %min3A_586 : i32
      %gt3A_588 = arith.constant 0 : i32
      %gt3A_589 = arith.cmpi sgt, %reduce_sum3A_585, %gt3A_588 : i32
      %convert_element_type3A_590 = arith.extui %gt3A_589 : i1 to i32
      %cond3A_591 = arith.constant 0 : i32
      %cond3A_592 = arith.cmpi ne, %convert_element_type3A_590, %cond3A_591 : i32
      scf.if %cond3A_592 {
        %swap3A = arith.index_cast %min3A_587 : i32 to index
        %swap3A_997 = tpu.vector_load %arg12[%swap3A] masked %and3A {strides = array<i32>} : memref<512xi32, #tpu.memory_space<vmem>>, vector<16xi32>, vector<16xi1>
        tpu.vector_store %arg12[%swap3A], %add3A_149 masked %and3A {strides = array<i32>} : memref<512xi32, #tpu.memory_space<vmem>>, vector<16xi32>, vector<16xi1>
        %broadcast_in_dim3A_998 = arith.constant 1 : i32
        %broadcast_in_dim3A_999 = vector.broadcast %broadcast_in_dim3A_998 : i32 to vector<16xi32>
        %swap3A_1000 = arith.index_cast %min3A_587 : i32 to index
        %swap3A_1001 = tpu.vector_load %arg13[%swap3A_1000] masked %and3A {strides = array<i32>} : memref<512xi32, #tpu.memory_space<vmem>>, vector<16xi32>, vector<16xi1>
        tpu.vector_store %arg13[%swap3A_1000], %broadcast_in_dim3A_999 masked %and3A {strides = array<i32>} : memref<512xi32, #tpu.memory_space<vmem>>, vector<16xi32>, vector<16xi1>
        %swap3A_1002 = arith.index_cast %min3A_587 : i32 to index
        %swap3A_1003 = tpu.vector_load %arg14[%swap3A_1002] masked %and3A {strides = array<i32>} : memref<512xi32, #tpu.memory_space<vmem>>, vector<16xi32>, vector<16xi1>
        tpu.vector_store %arg14[%swap3A_1002], %add3A_149 masked %and3A {strides = array<i32>} : memref<512xi32, #tpu.memory_space<vmem>>, vector<16xi32>, vector<16xi1>
        %broadcast_in_dim3A_1004 = arith.constant 13 : i32
        %broadcast_in_dim3A_1005 = vector.broadcast %broadcast_in_dim3A_1004 : i32 to vector<16xi32>
        %swap3A_1006 = arith.index_cast %min3A_587 : i32 to index
        %swap3A_1007 = tpu.vector_load %arg15[%swap3A_1006] masked %and3A {strides = array<i32>} : memref<512xi32, #tpu.memory_space<vmem>>, vector<16xi32>, vector<16xi1>
        tpu.vector_store %arg15[%swap3A_1006], %broadcast_in_dim3A_1005 masked %and3A {strides = array<i32>} : memref<512xi32, #tpu.memory_space<vmem>>, vector<16xi32>, vector<16xi1>
        %broadcast_in_dim3A_1008 = arith.constant -1.000000e+00 : f32
        %broadcast_in_dim3A_1009 = vector.broadcast %broadcast_in_dim3A_1008 : f32 to vector<16xf32>
        %swap3A_1010 = arith.index_cast %min3A_587 : i32 to index
        %swap3A_1011 = tpu.vector_load %arg16[%swap3A_1010] masked %and3A {strides = array<i32>} : memref<512xf32, #tpu.memory_space<vmem>>, vector<16xf32>, vector<16xi1>
        tpu.vector_store %arg16[%swap3A_1010], %broadcast_in_dim3A_1009 masked %and3A {strides = array<i32>} : memref<512xf32, #tpu.memory_space<vmem>>, vector<16xf32>, vector<16xi1>
      } else {
      }
      %add3A_593 = arith.addi %min3A_587, %reduce_sum3A_585 : i32
      %add3A_594 = arith.constant 1 : i32
      %add3A_595 = vector.broadcast %add3A_594 : i32 to vector<16xi32>
      %add3A_596 = arith.addi %get3A_144, %add3A_595 : vector<16xi32>
      %broadcast_in_dim3A_597 = arith.constant 0 : i32
      %broadcast_in_dim3A_598 = vector.broadcast %broadcast_in_dim3A_597 : i32 to vector<16xi32>
      %broadcast_in_dim3A_599 = arith.constant 100000 : i32
      %broadcast_in_dim3A_600 = vector.broadcast %broadcast_in_dim3A_599 : i32 to vector<16xi32>
      %scan3A_601 = arith.constant 0 : i32
      %scan3A_602 = arith.constant 17 : i32
      %scan3A_603 = arith.addi %scan3A_601, %scan3A_602 : i32
      %scan3A_604 = arith.constant 1 : i32
      %scan3A_605:2 = scf.for %scan3A_997 = %scan3A_601 to %scan3A_603 step %scan3A_604 iter_args(%scan3A_998 = %broadcast_in_dim3A_598, %scan3A_999 = %broadcast_in_dim3A_600) -> (vector<16xi32>, vector<16xi32>)  : i32 {
        %add3A_1000 = arith.addi %scan3A_998, %scan3A_999 : vector<16xi32>
        %shift_right_logical3A = arith.constant 1 : i32
        %shift_right_logical3A_1001 = vector.broadcast %shift_right_logical3A : i32 to vector<16xi32>
        %shift_right_logical3A_1002 = arith.shrui %add3A_1000, %shift_right_logical3A_1001 : vector<16xi32>
        %min3A_1003 = arith.constant 99999 : i32
        %min3A_1004 = vector.broadcast %min3A_1003 : i32 to vector<16xi32>
        %min3A_1005 = arith.minsi %shift_right_logical3A_1002, %min3A_1004 : vector<16xi32>
        %gather3A_1006 = tpu.vector_load_idx %arg10[%min3A_1005] : memref<100000xi32, #tpu.memory_space<vmem>>[vector<16xi32>], vector<16xi32>,
        %lt3A_1007 = arith.cmpi slt, %gather3A_1006, %add3A_596 : vector<16xi32>
        %convert_element_type3A_1008 = arith.extui %lt3A_1007 : vector<16xi1> to vector<16xi32>
        %lt3A_1009 = arith.cmpi slt, %scan3A_998, %scan3A_999 : vector<16xi32>
        %convert_element_type3A_1010 = arith.extui %lt3A_1009 : vector<16xi1> to vector<16xi32>
        %mul3A_1011 = arith.muli %convert_element_type3A_1010, %convert_element_type3A_1008 : vector<16xi32>
        %sub3A = arith.constant 1 : i32
        %sub3A_1012 = vector.broadcast %sub3A : i32 to vector<16xi32>
        %sub3A_1013 = arith.subi %sub3A_1012, %convert_element_type3A_1008 : vector<16xi32>
        %mul3A_1014 = arith.muli %convert_element_type3A_1010, %sub3A_1013 : vector<16xi32>
        %eq3A_1015 = arith.constant 1 : i32
        %eq3A_1016 = vector.broadcast %eq3A_1015 : i32 to vector<16xi32>
        %eq3A_1017 = arith.cmpi eq, %mul3A_1011, %eq3A_1016 : vector<16xi32>
        %add3A_1018 = arith.constant 1 : i32
        %add3A_1019 = vector.broadcast %add3A_1018 : i32 to vector<16xi32>
        %add3A_1020 = arith.addi %min3A_1005, %add3A_1019 : vector<16xi32>
        %select_n3A = arith.select %eq3A_1017, %add3A_1020, %scan3A_998 : vector<16xi1>, vector<16xi32>
        %eq3A_1021 = arith.constant 1 : i32
        %eq3A_1022 = vector.broadcast %eq3A_1021 : i32 to vector<16xi32>
        %eq3A_1023 = arith.cmpi eq, %mul3A_1014, %eq3A_1022 : vector<16xi32>
        %select_n3A_1024 = arith.select %eq3A_1023, %min3A_1005, %scan3A_999 : vector<16xi1>, vector<16xi32>
        scf.yield %select_n3A, %select_n3A_1024 : vector<16xi32>, vector<16xi32>
      }
      %scan3A_606 = arith.constant 17 : i32
      %min3A_607 = arith.constant 99999 : i32
      %min3A_608 = vector.broadcast %min3A_607 : i32 to vector<16xi32>
      %min3A_609 = arith.minsi %scan3A_605#0, %min3A_608 : vector<16xi32>
      %gather3A_610 = tpu.vector_load_idx %arg10[%min3A_609] : memref<100000xi32, #tpu.memory_space<vmem>>[vector<16xi32>], vector<16xi32>,
      %eq3A_611 = arith.cmpi eq, %gather3A_610, %add3A_596 : vector<16xi32>
      %convert_element_type3A_612 = arith.extui %eq3A_611 : vector<16xi1> to vector<16xi32>
      %reduce_sum3A_613 = arith.constant true
      %reduce_sum3A_614 = vector.broadcast %reduce_sum3A_613 : i1 to vector<16xi1>
      %reduce_sum3A_615 = tpu.scan <sum>, %convert_element_type3A_612 masked %reduce_sum3A_614 : vector<16xi32>, vector<16xi1> -> vector<16xi32>
      %reduce_sum3A_616 = vector.extract %reduce_sum3A_615[15] : i32 from vector<16xi32>
      %min3A_617 = arith.constant 496 : i32
      %min3A_618 = arith.minsi %add3A_593, %min3A_617 : i32
      %gt3A_619 = arith.constant 0 : i32
      %gt3A_620 = arith.cmpi sgt, %reduce_sum3A_616, %gt3A_619 : i32
      %convert_element_type3A_621 = arith.extui %gt3A_620 : i1 to i32
      %cond3A_622 = arith.constant 0 : i32
      %cond3A_623 = arith.cmpi ne, %convert_element_type3A_621, %cond3A_622 : i32
      scf.if %cond3A_623 {
        %swap3A = arith.index_cast %min3A_618 : i32 to index
        %swap3A_997 = tpu.vector_load %arg12[%swap3A] masked %eq3A_611 {strides = array<i32>} : memref<512xi32, #tpu.memory_space<vmem>>, vector<16xi32>, vector<16xi1>
        tpu.vector_store %arg12[%swap3A], %min3A_609 masked %eq3A_611 {strides = array<i32>} : memref<512xi32, #tpu.memory_space<vmem>>, vector<16xi32>, vector<16xi1>
        %broadcast_in_dim3A_998 = arith.constant 0 : i32
        %broadcast_in_dim3A_999 = vector.broadcast %broadcast_in_dim3A_998 : i32 to vector<16xi32>
        %swap3A_1000 = arith.index_cast %min3A_618 : i32 to index
        %swap3A_1001 = tpu.vector_load %arg13[%swap3A_1000] masked %eq3A_611 {strides = array<i32>} : memref<512xi32, #tpu.memory_space<vmem>>, vector<16xi32>, vector<16xi1>
        tpu.vector_store %arg13[%swap3A_1000], %broadcast_in_dim3A_999 masked %eq3A_611 {strides = array<i32>} : memref<512xi32, #tpu.memory_space<vmem>>, vector<16xi32>, vector<16xi1>
        %swap3A_1002 = arith.index_cast %min3A_618 : i32 to index
        %swap3A_1003 = tpu.vector_load %arg14[%swap3A_1002] masked %eq3A_611 {strides = array<i32>} : memref<512xi32, #tpu.memory_space<vmem>>, vector<16xi32>, vector<16xi1>
        tpu.vector_store %arg14[%swap3A_1002], %add3A_149 masked %eq3A_611 {strides = array<i32>} : memref<512xi32, #tpu.memory_space<vmem>>, vector<16xi32>, vector<16xi1>
        %broadcast_in_dim3A_1004 = arith.constant 14 : i32
        %broadcast_in_dim3A_1005 = vector.broadcast %broadcast_in_dim3A_1004 : i32 to vector<16xi32>
        %swap3A_1006 = arith.index_cast %min3A_618 : i32 to index
        %swap3A_1007 = tpu.vector_load %arg15[%swap3A_1006] masked %eq3A_611 {strides = array<i32>} : memref<512xi32, #tpu.memory_space<vmem>>, vector<16xi32>, vector<16xi1>
        tpu.vector_store %arg15[%swap3A_1006], %broadcast_in_dim3A_1005 masked %eq3A_611 {strides = array<i32>} : memref<512xi32, #tpu.memory_space<vmem>>, vector<16xi32>, vector<16xi1>
        %broadcast_in_dim3A_1008 = arith.constant 1.000000e+00 : f32
        %broadcast_in_dim3A_1009 = vector.broadcast %broadcast_in_dim3A_1008 : f32 to vector<16xf32>
        %swap3A_1010 = arith.index_cast %min3A_618 : i32 to index
        %swap3A_1011 = tpu.vector_load %arg16[%swap3A_1010] masked %eq3A_611 {strides = array<i32>} : memref<512xf32, #tpu.memory_space<vmem>>, vector<16xf32>, vector<16xi1>
        tpu.vector_store %arg16[%swap3A_1010], %broadcast_in_dim3A_1009 masked %eq3A_611 {strides = array<i32>} : memref<512xf32, #tpu.memory_space<vmem>>, vector<16xf32>, vector<16xi1>
      } else {
      }
      %add3A_624 = arith.addi %min3A_618, %reduce_sum3A_616 : i32
      %add3A_625 = arith.constant 1023 : i32
      %add3A_626 = vector.broadcast %add3A_625 : i32 to vector<16xi32>
      %add3A_627 = arith.addi %get3A_144, %add3A_626 : vector<16xi32>
      %broadcast_in_dim3A_628 = arith.constant 0 : i32
      %broadcast_in_dim3A_629 = vector.broadcast %broadcast_in_dim3A_628 : i32 to vector<16xi32>
      %broadcast_in_dim3A_630 = arith.constant 100000 : i32
      %broadcast_in_dim3A_631 = vector.broadcast %broadcast_in_dim3A_630 : i32 to vector<16xi32>
      %scan3A_632 = arith.constant 0 : i32
      %scan3A_633 = arith.constant 17 : i32
      %scan3A_634 = arith.addi %scan3A_632, %scan3A_633 : i32
      %scan3A_635 = arith.constant 1 : i32
      %scan3A_636:2 = scf.for %scan3A_997 = %scan3A_632 to %scan3A_634 step %scan3A_635 iter_args(%scan3A_998 = %broadcast_in_dim3A_629, %scan3A_999 = %broadcast_in_dim3A_631) -> (vector<16xi32>, vector<16xi32>)  : i32 {
        %add3A_1000 = arith.addi %scan3A_998, %scan3A_999 : vector<16xi32>
        %shift_right_logical3A = arith.constant 1 : i32
        %shift_right_logical3A_1001 = vector.broadcast %shift_right_logical3A : i32 to vector<16xi32>
        %shift_right_logical3A_1002 = arith.shrui %add3A_1000, %shift_right_logical3A_1001 : vector<16xi32>
        %min3A_1003 = arith.constant 99999 : i32
        %min3A_1004 = vector.broadcast %min3A_1003 : i32 to vector<16xi32>
        %min3A_1005 = arith.minsi %shift_right_logical3A_1002, %min3A_1004 : vector<16xi32>
        %gather3A_1006 = tpu.vector_load_idx %arg10[%min3A_1005] : memref<100000xi32, #tpu.memory_space<vmem>>[vector<16xi32>], vector<16xi32>,
        %lt3A_1007 = arith.cmpi slt, %gather3A_1006, %add3A_627 : vector<16xi32>
        %convert_element_type3A_1008 = arith.extui %lt3A_1007 : vector<16xi1> to vector<16xi32>
        %lt3A_1009 = arith.cmpi slt, %scan3A_998, %scan3A_999 : vector<16xi32>
        %convert_element_type3A_1010 = arith.extui %lt3A_1009 : vector<16xi1> to vector<16xi32>
        %mul3A_1011 = arith.muli %convert_element_type3A_1010, %convert_element_type3A_1008 : vector<16xi32>
        %sub3A = arith.constant 1 : i32
        %sub3A_1012 = vector.broadcast %sub3A : i32 to vector<16xi32>
        %sub3A_1013 = arith.subi %sub3A_1012, %convert_element_type3A_1008 : vector<16xi32>
        %mul3A_1014 = arith.muli %convert_element_type3A_1010, %sub3A_1013 : vector<16xi32>
        %eq3A_1015 = arith.constant 1 : i32
        %eq3A_1016 = vector.broadcast %eq3A_1015 : i32 to vector<16xi32>
        %eq3A_1017 = arith.cmpi eq, %mul3A_1011, %eq3A_1016 : vector<16xi32>
        %add3A_1018 = arith.constant 1 : i32
        %add3A_1019 = vector.broadcast %add3A_1018 : i32 to vector<16xi32>
        %add3A_1020 = arith.addi %min3A_1005, %add3A_1019 : vector<16xi32>
        %select_n3A = arith.select %eq3A_1017, %add3A_1020, %scan3A_998 : vector<16xi1>, vector<16xi32>
        %eq3A_1021 = arith.constant 1 : i32
        %eq3A_1022 = vector.broadcast %eq3A_1021 : i32 to vector<16xi32>
        %eq3A_1023 = arith.cmpi eq, %mul3A_1014, %eq3A_1022 : vector<16xi32>
        %select_n3A_1024 = arith.select %eq3A_1023, %min3A_1005, %scan3A_999 : vector<16xi1>, vector<16xi32>
        scf.yield %select_n3A, %select_n3A_1024 : vector<16xi32>, vector<16xi32>
      }
      %scan3A_637 = arith.constant 17 : i32
      %min3A_638 = arith.constant 99999 : i32
      %min3A_639 = vector.broadcast %min3A_638 : i32 to vector<16xi32>
      %min3A_640 = arith.minsi %scan3A_636#0, %min3A_639 : vector<16xi32>
      %gather3A_641 = tpu.vector_load_idx %arg10[%min3A_640] : memref<100000xi32, #tpu.memory_space<vmem>>[vector<16xi32>], vector<16xi32>,
      %eq3A_642 = arith.cmpi eq, %gather3A_641, %add3A_627 : vector<16xi32>
      %convert_element_type3A_643 = arith.extui %eq3A_642 : vector<16xi1> to vector<16xi32>
      %reduce_sum3A_644 = arith.constant true
      %reduce_sum3A_645 = vector.broadcast %reduce_sum3A_644 : i1 to vector<16xi1>
      %reduce_sum3A_646 = tpu.scan <sum>, %convert_element_type3A_643 masked %reduce_sum3A_645 : vector<16xi32>, vector<16xi1> -> vector<16xi32>
      %reduce_sum3A_647 = vector.extract %reduce_sum3A_646[15] : i32 from vector<16xi32>
      %min3A_648 = arith.constant 496 : i32
      %min3A_649 = arith.minsi %add3A_624, %min3A_648 : i32
      %gt3A_650 = arith.constant 0 : i32
      %gt3A_651 = arith.cmpi sgt, %reduce_sum3A_647, %gt3A_650 : i32
      %convert_element_type3A_652 = arith.extui %gt3A_651 : i1 to i32
      %cond3A_653 = arith.constant 0 : i32
      %cond3A_654 = arith.cmpi ne, %convert_element_type3A_652, %cond3A_653 : i32
      scf.if %cond3A_654 {
        %swap3A = arith.index_cast %min3A_649 : i32 to index
        %swap3A_997 = tpu.vector_load %arg12[%swap3A] masked %eq3A_642 {strides = array<i32>} : memref<512xi32, #tpu.memory_space<vmem>>, vector<16xi32>, vector<16xi1>
        tpu.vector_store %arg12[%swap3A], %min3A_640 masked %eq3A_642 {strides = array<i32>} : memref<512xi32, #tpu.memory_space<vmem>>, vector<16xi32>, vector<16xi1>
        %broadcast_in_dim3A_998 = arith.constant 0 : i32
        %broadcast_in_dim3A_999 = vector.broadcast %broadcast_in_dim3A_998 : i32 to vector<16xi32>
        %swap3A_1000 = arith.index_cast %min3A_649 : i32 to index
        %swap3A_1001 = tpu.vector_load %arg13[%swap3A_1000] masked %eq3A_642 {strides = array<i32>} : memref<512xi32, #tpu.memory_space<vmem>>, vector<16xi32>, vector<16xi1>
        tpu.vector_store %arg13[%swap3A_1000], %broadcast_in_dim3A_999 masked %eq3A_642 {strides = array<i32>} : memref<512xi32, #tpu.memory_space<vmem>>, vector<16xi32>, vector<16xi1>
        %swap3A_1002 = arith.index_cast %min3A_649 : i32 to index
        %swap3A_1003 = tpu.vector_load %arg14[%swap3A_1002] masked %eq3A_642 {strides = array<i32>} : memref<512xi32, #tpu.memory_space<vmem>>, vector<16xi32>, vector<16xi1>
        tpu.vector_store %arg14[%swap3A_1002], %add3A_149 masked %eq3A_642 {strides = array<i32>} : memref<512xi32, #tpu.memory_space<vmem>>, vector<16xi32>, vector<16xi1>
        %broadcast_in_dim3A_1004 = arith.constant 15 : i32
        %broadcast_in_dim3A_1005 = vector.broadcast %broadcast_in_dim3A_1004 : i32 to vector<16xi32>
        %swap3A_1006 = arith.index_cast %min3A_649 : i32 to index
        %swap3A_1007 = tpu.vector_load %arg15[%swap3A_1006] masked %eq3A_642 {strides = array<i32>} : memref<512xi32, #tpu.memory_space<vmem>>, vector<16xi32>, vector<16xi1>
        tpu.vector_store %arg15[%swap3A_1006], %broadcast_in_dim3A_1005 masked %eq3A_642 {strides = array<i32>} : memref<512xi32, #tpu.memory_space<vmem>>, vector<16xi32>, vector<16xi1>
        %broadcast_in_dim3A_1008 = arith.constant 1.000000e+00 : f32
        %broadcast_in_dim3A_1009 = vector.broadcast %broadcast_in_dim3A_1008 : f32 to vector<16xf32>
        %swap3A_1010 = arith.index_cast %min3A_649 : i32 to index
        %swap3A_1011 = tpu.vector_load %arg16[%swap3A_1010] masked %eq3A_642 {strides = array<i32>} : memref<512xf32, #tpu.memory_space<vmem>>, vector<16xf32>, vector<16xi1>
        tpu.vector_store %arg16[%swap3A_1010], %broadcast_in_dim3A_1009 masked %eq3A_642 {strides = array<i32>} : memref<512xf32, #tpu.memory_space<vmem>>, vector<16xf32>, vector<16xi1>
      } else {
      }
      %add3A_655 = arith.addi %min3A_649, %reduce_sum3A_647 : i32
      %add3A_656 = arith.constant 1024 : i32
      %add3A_657 = vector.broadcast %add3A_656 : i32 to vector<16xi32>
      %add3A_658 = arith.addi %get3A_144, %add3A_657 : vector<16xi32>
      %broadcast_in_dim3A_659 = arith.constant 0 : i32
      %broadcast_in_dim3A_660 = vector.broadcast %broadcast_in_dim3A_659 : i32 to vector<16xi32>
      %broadcast_in_dim3A_661 = arith.constant 100000 : i32
      %broadcast_in_dim3A_662 = vector.broadcast %broadcast_in_dim3A_661 : i32 to vector<16xi32>
      %scan3A_663 = arith.constant 0 : i32
      %scan3A_664 = arith.constant 17 : i32
      %scan3A_665 = arith.addi %scan3A_663, %scan3A_664 : i32
      %scan3A_666 = arith.constant 1 : i32
      %scan3A_667:2 = scf.for %scan3A_997 = %scan3A_663 to %scan3A_665 step %scan3A_666 iter_args(%scan3A_998 = %broadcast_in_dim3A_660, %scan3A_999 = %broadcast_in_dim3A_662) -> (vector<16xi32>, vector<16xi32>)  : i32 {
        %add3A_1000 = arith.addi %scan3A_998, %scan3A_999 : vector<16xi32>
        %shift_right_logical3A = arith.constant 1 : i32
        %shift_right_logical3A_1001 = vector.broadcast %shift_right_logical3A : i32 to vector<16xi32>
        %shift_right_logical3A_1002 = arith.shrui %add3A_1000, %shift_right_logical3A_1001 : vector<16xi32>
        %min3A_1003 = arith.constant 99999 : i32
        %min3A_1004 = vector.broadcast %min3A_1003 : i32 to vector<16xi32>
        %min3A_1005 = arith.minsi %shift_right_logical3A_1002, %min3A_1004 : vector<16xi32>
        %gather3A_1006 = tpu.vector_load_idx %arg10[%min3A_1005] : memref<100000xi32, #tpu.memory_space<vmem>>[vector<16xi32>], vector<16xi32>,
        %lt3A_1007 = arith.cmpi slt, %gather3A_1006, %add3A_658 : vector<16xi32>
        %convert_element_type3A_1008 = arith.extui %lt3A_1007 : vector<16xi1> to vector<16xi32>
        %lt3A_1009 = arith.cmpi slt, %scan3A_998, %scan3A_999 : vector<16xi32>
        %convert_element_type3A_1010 = arith.extui %lt3A_1009 : vector<16xi1> to vector<16xi32>
        %mul3A_1011 = arith.muli %convert_element_type3A_1010, %convert_element_type3A_1008 : vector<16xi32>
        %sub3A = arith.constant 1 : i32
        %sub3A_1012 = vector.broadcast %sub3A : i32 to vector<16xi32>
        %sub3A_1013 = arith.subi %sub3A_1012, %convert_element_type3A_1008 : vector<16xi32>
        %mul3A_1014 = arith.muli %convert_element_type3A_1010, %sub3A_1013 : vector<16xi32>
        %eq3A_1015 = arith.constant 1 : i32
        %eq3A_1016 = vector.broadcast %eq3A_1015 : i32 to vector<16xi32>
        %eq3A_1017 = arith.cmpi eq, %mul3A_1011, %eq3A_1016 : vector<16xi32>
        %add3A_1018 = arith.constant 1 : i32
        %add3A_1019 = vector.broadcast %add3A_1018 : i32 to vector<16xi32>
        %add3A_1020 = arith.addi %min3A_1005, %add3A_1019 : vector<16xi32>
        %select_n3A = arith.select %eq3A_1017, %add3A_1020, %scan3A_998 : vector<16xi1>, vector<16xi32>
        %eq3A_1021 = arith.constant 1 : i32
        %eq3A_1022 = vector.broadcast %eq3A_1021 : i32 to vector<16xi32>
        %eq3A_1023 = arith.cmpi eq, %mul3A_1014, %eq3A_1022 : vector<16xi32>
        %select_n3A_1024 = arith.select %eq3A_1023, %min3A_1005, %scan3A_999 : vector<16xi1>, vector<16xi32>
        scf.yield %select_n3A, %select_n3A_1024 : vector<16xi32>, vector<16xi32>
      }
      %scan3A_668 = arith.constant 17 : i32
      %min3A_669 = arith.constant 99999 : i32
      %min3A_670 = vector.broadcast %min3A_669 : i32 to vector<16xi32>
      %min3A_671 = arith.minsi %scan3A_667#0, %min3A_670 : vector<16xi32>
      %gather3A_672 = tpu.vector_load_idx %arg10[%min3A_671] : memref<100000xi32, #tpu.memory_space<vmem>>[vector<16xi32>], vector<16xi32>,
      %eq3A_673 = arith.cmpi eq, %gather3A_672, %add3A_658 : vector<16xi32>
      %convert_element_type3A_674 = arith.extui %eq3A_673 : vector<16xi1> to vector<16xi32>
      %reduce_sum3A_675 = arith.constant true
      %reduce_sum3A_676 = vector.broadcast %reduce_sum3A_675 : i1 to vector<16xi1>
      %reduce_sum3A_677 = tpu.scan <sum>, %convert_element_type3A_674 masked %reduce_sum3A_676 : vector<16xi32>, vector<16xi1> -> vector<16xi32>
      %reduce_sum3A_678 = vector.extract %reduce_sum3A_677[15] : i32 from vector<16xi32>
      %min3A_679 = arith.constant 496 : i32
      %min3A_680 = arith.minsi %add3A_655, %min3A_679 : i32
      %gt3A_681 = arith.constant 0 : i32
      %gt3A_682 = arith.cmpi sgt, %reduce_sum3A_678, %gt3A_681 : i32
      %convert_element_type3A_683 = arith.extui %gt3A_682 : i1 to i32
      %cond3A_684 = arith.constant 0 : i32
      %cond3A_685 = arith.cmpi ne, %convert_element_type3A_683, %cond3A_684 : i32
      scf.if %cond3A_685 {
        %swap3A = arith.index_cast %min3A_680 : i32 to index
        %swap3A_997 = tpu.vector_load %arg12[%swap3A] masked %eq3A_673 {strides = array<i32>} : memref<512xi32, #tpu.memory_space<vmem>>, vector<16xi32>, vector<16xi1>
        tpu.vector_store %arg12[%swap3A], %min3A_671 masked %eq3A_673 {strides = array<i32>} : memref<512xi32, #tpu.memory_space<vmem>>, vector<16xi32>, vector<16xi1>
        %broadcast_in_dim3A_998 = arith.constant 0 : i32
        %broadcast_in_dim3A_999 = vector.broadcast %broadcast_in_dim3A_998 : i32 to vector<16xi32>
        %swap3A_1000 = arith.index_cast %min3A_680 : i32 to index
        %swap3A_1001 = tpu.vector_load %arg13[%swap3A_1000] masked %eq3A_673 {strides = array<i32>} : memref<512xi32, #tpu.memory_space<vmem>>, vector<16xi32>, vector<16xi1>
        tpu.vector_store %arg13[%swap3A_1000], %broadcast_in_dim3A_999 masked %eq3A_673 {strides = array<i32>} : memref<512xi32, #tpu.memory_space<vmem>>, vector<16xi32>, vector<16xi1>
        %swap3A_1002 = arith.index_cast %min3A_680 : i32 to index
        %swap3A_1003 = tpu.vector_load %arg14[%swap3A_1002] masked %eq3A_673 {strides = array<i32>} : memref<512xi32, #tpu.memory_space<vmem>>, vector<16xi32>, vector<16xi1>
        tpu.vector_store %arg14[%swap3A_1002], %add3A_149 masked %eq3A_673 {strides = array<i32>} : memref<512xi32, #tpu.memory_space<vmem>>, vector<16xi32>, vector<16xi1>
        %broadcast_in_dim3A_1004 = arith.constant 16 : i32
        %broadcast_in_dim3A_1005 = vector.broadcast %broadcast_in_dim3A_1004 : i32 to vector<16xi32>
        %swap3A_1006 = arith.index_cast %min3A_680 : i32 to index
        %swap3A_1007 = tpu.vector_load %arg15[%swap3A_1006] masked %eq3A_673 {strides = array<i32>} : memref<512xi32, #tpu.memory_space<vmem>>, vector<16xi32>, vector<16xi1>
        tpu.vector_store %arg15[%swap3A_1006], %broadcast_in_dim3A_1005 masked %eq3A_673 {strides = array<i32>} : memref<512xi32, #tpu.memory_space<vmem>>, vector<16xi32>, vector<16xi1>
        %broadcast_in_dim3A_1008 = arith.constant 1.000000e+00 : f32
        %broadcast_in_dim3A_1009 = vector.broadcast %broadcast_in_dim3A_1008 : f32 to vector<16xf32>
        %swap3A_1010 = arith.index_cast %min3A_680 : i32 to index
        %swap3A_1011 = tpu.vector_load %arg16[%swap3A_1010] masked %eq3A_673 {strides = array<i32>} : memref<512xf32, #tpu.memory_space<vmem>>, vector<16xf32>, vector<16xi1>
        tpu.vector_store %arg16[%swap3A_1010], %broadcast_in_dim3A_1009 masked %eq3A_673 {strides = array<i32>} : memref<512xf32, #tpu.memory_space<vmem>>, vector<16xf32>, vector<16xi1>
      } else {
      }
      %add3A_686 = arith.addi %min3A_680, %reduce_sum3A_678 : i32
      %add3A_687 = arith.constant 1025 : i32
      %add3A_688 = vector.broadcast %add3A_687 : i32 to vector<16xi32>
      %add3A_689 = arith.addi %get3A_144, %add3A_688 : vector<16xi32>
      %broadcast_in_dim3A_690 = arith.constant 0 : i32
      %broadcast_in_dim3A_691 = vector.broadcast %broadcast_in_dim3A_690 : i32 to vector<16xi32>
      %broadcast_in_dim3A_692 = arith.constant 100000 : i32
      %broadcast_in_dim3A_693 = vector.broadcast %broadcast_in_dim3A_692 : i32 to vector<16xi32>
      %scan3A_694 = arith.constant 0 : i32
      %scan3A_695 = arith.constant 17 : i32
      %scan3A_696 = arith.addi %scan3A_694, %scan3A_695 : i32
      %scan3A_697 = arith.constant 1 : i32
      %scan3A_698:2 = scf.for %scan3A_997 = %scan3A_694 to %scan3A_696 step %scan3A_697 iter_args(%scan3A_998 = %broadcast_in_dim3A_691, %scan3A_999 = %broadcast_in_dim3A_693) -> (vector<16xi32>, vector<16xi32>)  : i32 {
        %add3A_1000 = arith.addi %scan3A_998, %scan3A_999 : vector<16xi32>
        %shift_right_logical3A = arith.constant 1 : i32
        %shift_right_logical3A_1001 = vector.broadcast %shift_right_logical3A : i32 to vector<16xi32>
        %shift_right_logical3A_1002 = arith.shrui %add3A_1000, %shift_right_logical3A_1001 : vector<16xi32>
        %min3A_1003 = arith.constant 99999 : i32
        %min3A_1004 = vector.broadcast %min3A_1003 : i32 to vector<16xi32>
        %min3A_1005 = arith.minsi %shift_right_logical3A_1002, %min3A_1004 : vector<16xi32>
        %gather3A_1006 = tpu.vector_load_idx %arg10[%min3A_1005] : memref<100000xi32, #tpu.memory_space<vmem>>[vector<16xi32>], vector<16xi32>,
        %lt3A_1007 = arith.cmpi slt, %gather3A_1006, %add3A_689 : vector<16xi32>
        %convert_element_type3A_1008 = arith.extui %lt3A_1007 : vector<16xi1> to vector<16xi32>
        %lt3A_1009 = arith.cmpi slt, %scan3A_998, %scan3A_999 : vector<16xi32>
        %convert_element_type3A_1010 = arith.extui %lt3A_1009 : vector<16xi1> to vector<16xi32>
        %mul3A_1011 = arith.muli %convert_element_type3A_1010, %convert_element_type3A_1008 : vector<16xi32>
        %sub3A = arith.constant 1 : i32
        %sub3A_1012 = vector.broadcast %sub3A : i32 to vector<16xi32>
        %sub3A_1013 = arith.subi %sub3A_1012, %convert_element_type3A_1008 : vector<16xi32>
        %mul3A_1014 = arith.muli %convert_element_type3A_1010, %sub3A_1013 : vector<16xi32>
        %eq3A_1015 = arith.constant 1 : i32
        %eq3A_1016 = vector.broadcast %eq3A_1015 : i32 to vector<16xi32>
        %eq3A_1017 = arith.cmpi eq, %mul3A_1011, %eq3A_1016 : vector<16xi32>
        %add3A_1018 = arith.constant 1 : i32
        %add3A_1019 = vector.broadcast %add3A_1018 : i32 to vector<16xi32>
        %add3A_1020 = arith.addi %min3A_1005, %add3A_1019 : vector<16xi32>
        %select_n3A = arith.select %eq3A_1017, %add3A_1020, %scan3A_998 : vector<16xi1>, vector<16xi32>
        %eq3A_1021 = arith.constant 1 : i32
        %eq3A_1022 = vector.broadcast %eq3A_1021 : i32 to vector<16xi32>
        %eq3A_1023 = arith.cmpi eq, %mul3A_1014, %eq3A_1022 : vector<16xi32>
        %select_n3A_1024 = arith.select %eq3A_1023, %min3A_1005, %scan3A_999 : vector<16xi1>, vector<16xi32>
        scf.yield %select_n3A, %select_n3A_1024 : vector<16xi32>, vector<16xi32>
      }
      %scan3A_699 = arith.constant 17 : i32
      %min3A_700 = arith.constant 99999 : i32
      %min3A_701 = vector.broadcast %min3A_700 : i32 to vector<16xi32>
      %min3A_702 = arith.minsi %scan3A_698#0, %min3A_701 : vector<16xi32>
      %gather3A_703 = tpu.vector_load_idx %arg10[%min3A_702] : memref<100000xi32, #tpu.memory_space<vmem>>[vector<16xi32>], vector<16xi32>,
      %eq3A_704 = arith.cmpi eq, %gather3A_703, %add3A_689 : vector<16xi32>
      %convert_element_type3A_705 = arith.extui %eq3A_704 : vector<16xi1> to vector<16xi32>
      %reduce_sum3A_706 = arith.constant true
      %reduce_sum3A_707 = vector.broadcast %reduce_sum3A_706 : i1 to vector<16xi1>
      %reduce_sum3A_708 = tpu.scan <sum>, %convert_element_type3A_705 masked %reduce_sum3A_707 : vector<16xi32>, vector<16xi1> -> vector<16xi32>
      %reduce_sum3A_709 = vector.extract %reduce_sum3A_708[15] : i32 from vector<16xi32>
      %min3A_710 = arith.constant 496 : i32
      %min3A_711 = arith.minsi %add3A_686, %min3A_710 : i32
      %gt3A_712 = arith.constant 0 : i32
      %gt3A_713 = arith.cmpi sgt, %reduce_sum3A_709, %gt3A_712 : i32
      %convert_element_type3A_714 = arith.extui %gt3A_713 : i1 to i32
      %cond3A_715 = arith.constant 0 : i32
      %cond3A_716 = arith.cmpi ne, %convert_element_type3A_714, %cond3A_715 : i32
      scf.if %cond3A_716 {
        %swap3A = arith.index_cast %min3A_711 : i32 to index
        %swap3A_997 = tpu.vector_load %arg12[%swap3A] masked %eq3A_704 {strides = array<i32>} : memref<512xi32, #tpu.memory_space<vmem>>, vector<16xi32>, vector<16xi1>
        tpu.vector_store %arg12[%swap3A], %min3A_702 masked %eq3A_704 {strides = array<i32>} : memref<512xi32, #tpu.memory_space<vmem>>, vector<16xi32>, vector<16xi1>
        %broadcast_in_dim3A_998 = arith.constant 0 : i32
        %broadcast_in_dim3A_999 = vector.broadcast %broadcast_in_dim3A_998 : i32 to vector<16xi32>
        %swap3A_1000 = arith.index_cast %min3A_711 : i32 to index
        %swap3A_1001 = tpu.vector_load %arg13[%swap3A_1000] masked %eq3A_704 {strides = array<i32>} : memref<512xi32, #tpu.memory_space<vmem>>, vector<16xi32>, vector<16xi1>
        tpu.vector_store %arg13[%swap3A_1000], %broadcast_in_dim3A_999 masked %eq3A_704 {strides = array<i32>} : memref<512xi32, #tpu.memory_space<vmem>>, vector<16xi32>, vector<16xi1>
        %swap3A_1002 = arith.index_cast %min3A_711 : i32 to index
        %swap3A_1003 = tpu.vector_load %arg14[%swap3A_1002] masked %eq3A_704 {strides = array<i32>} : memref<512xi32, #tpu.memory_space<vmem>>, vector<16xi32>, vector<16xi1>
        tpu.vector_store %arg14[%swap3A_1002], %add3A_149 masked %eq3A_704 {strides = array<i32>} : memref<512xi32, #tpu.memory_space<vmem>>, vector<16xi32>, vector<16xi1>
        %broadcast_in_dim3A_1004 = arith.constant 17 : i32
        %broadcast_in_dim3A_1005 = vector.broadcast %broadcast_in_dim3A_1004 : i32 to vector<16xi32>
        %swap3A_1006 = arith.index_cast %min3A_711 : i32 to index
        %swap3A_1007 = tpu.vector_load %arg15[%swap3A_1006] masked %eq3A_704 {strides = array<i32>} : memref<512xi32, #tpu.memory_space<vmem>>, vector<16xi32>, vector<16xi1>
        tpu.vector_store %arg15[%swap3A_1006], %broadcast_in_dim3A_1005 masked %eq3A_704 {strides = array<i32>} : memref<512xi32, #tpu.memory_space<vmem>>, vector<16xi32>, vector<16xi1>
        %broadcast_in_dim3A_1008 = arith.constant 1.000000e+00 : f32
        %broadcast_in_dim3A_1009 = vector.broadcast %broadcast_in_dim3A_1008 : f32 to vector<16xf32>
        %swap3A_1010 = arith.index_cast %min3A_711 : i32 to index
        %swap3A_1011 = tpu.vector_load %arg16[%swap3A_1010] masked %eq3A_704 {strides = array<i32>} : memref<512xf32, #tpu.memory_space<vmem>>, vector<16xf32>, vector<16xi1>
        tpu.vector_store %arg16[%swap3A_1010], %broadcast_in_dim3A_1009 masked %eq3A_704 {strides = array<i32>} : memref<512xf32, #tpu.memory_space<vmem>>, vector<16xf32>, vector<16xi1>
      } else {
      }
      %add3A_717 = arith.addi %min3A_711, %reduce_sum3A_709 : i32
      %add3A_718 = arith.constant 1047551 : i32
      %add3A_719 = vector.broadcast %add3A_718 : i32 to vector<16xi32>
      %add3A_720 = arith.addi %get3A_144, %add3A_719 : vector<16xi32>
      %broadcast_in_dim3A_721 = arith.constant 0 : i32
      %broadcast_in_dim3A_722 = vector.broadcast %broadcast_in_dim3A_721 : i32 to vector<16xi32>
      %broadcast_in_dim3A_723 = arith.constant 100000 : i32
      %broadcast_in_dim3A_724 = vector.broadcast %broadcast_in_dim3A_723 : i32 to vector<16xi32>
      %scan3A_725 = arith.constant 0 : i32
      %scan3A_726 = arith.constant 17 : i32
      %scan3A_727 = arith.addi %scan3A_725, %scan3A_726 : i32
      %scan3A_728 = arith.constant 1 : i32
      %scan3A_729:2 = scf.for %scan3A_997 = %scan3A_725 to %scan3A_727 step %scan3A_728 iter_args(%scan3A_998 = %broadcast_in_dim3A_722, %scan3A_999 = %broadcast_in_dim3A_724) -> (vector<16xi32>, vector<16xi32>)  : i32 {
        %add3A_1000 = arith.addi %scan3A_998, %scan3A_999 : vector<16xi32>
        %shift_right_logical3A = arith.constant 1 : i32
        %shift_right_logical3A_1001 = vector.broadcast %shift_right_logical3A : i32 to vector<16xi32>
        %shift_right_logical3A_1002 = arith.shrui %add3A_1000, %shift_right_logical3A_1001 : vector<16xi32>
        %min3A_1003 = arith.constant 99999 : i32
        %min3A_1004 = vector.broadcast %min3A_1003 : i32 to vector<16xi32>
        %min3A_1005 = arith.minsi %shift_right_logical3A_1002, %min3A_1004 : vector<16xi32>
        %gather3A_1006 = tpu.vector_load_idx %arg10[%min3A_1005] : memref<100000xi32, #tpu.memory_space<vmem>>[vector<16xi32>], vector<16xi32>,
        %lt3A_1007 = arith.cmpi slt, %gather3A_1006, %add3A_720 : vector<16xi32>
        %convert_element_type3A_1008 = arith.extui %lt3A_1007 : vector<16xi1> to vector<16xi32>
        %lt3A_1009 = arith.cmpi slt, %scan3A_998, %scan3A_999 : vector<16xi32>
        %convert_element_type3A_1010 = arith.extui %lt3A_1009 : vector<16xi1> to vector<16xi32>
        %mul3A_1011 = arith.muli %convert_element_type3A_1010, %convert_element_type3A_1008 : vector<16xi32>
        %sub3A = arith.constant 1 : i32
        %sub3A_1012 = vector.broadcast %sub3A : i32 to vector<16xi32>
        %sub3A_1013 = arith.subi %sub3A_1012, %convert_element_type3A_1008 : vector<16xi32>
        %mul3A_1014 = arith.muli %convert_element_type3A_1010, %sub3A_1013 : vector<16xi32>
        %eq3A_1015 = arith.constant 1 : i32
        %eq3A_1016 = vector.broadcast %eq3A_1015 : i32 to vector<16xi32>
        %eq3A_1017 = arith.cmpi eq, %mul3A_1011, %eq3A_1016 : vector<16xi32>
        %add3A_1018 = arith.constant 1 : i32
        %add3A_1019 = vector.broadcast %add3A_1018 : i32 to vector<16xi32>
        %add3A_1020 = arith.addi %min3A_1005, %add3A_1019 : vector<16xi32>
        %select_n3A = arith.select %eq3A_1017, %add3A_1020, %scan3A_998 : vector<16xi1>, vector<16xi32>
        %eq3A_1021 = arith.constant 1 : i32
        %eq3A_1022 = vector.broadcast %eq3A_1021 : i32 to vector<16xi32>
        %eq3A_1023 = arith.cmpi eq, %mul3A_1014, %eq3A_1022 : vector<16xi32>
        %select_n3A_1024 = arith.select %eq3A_1023, %min3A_1005, %scan3A_999 : vector<16xi1>, vector<16xi32>
        scf.yield %select_n3A, %select_n3A_1024 : vector<16xi32>, vector<16xi32>
      }
      %scan3A_730 = arith.constant 17 : i32
      %min3A_731 = arith.constant 99999 : i32
      %min3A_732 = vector.broadcast %min3A_731 : i32 to vector<16xi32>
      %min3A_733 = arith.minsi %scan3A_729#0, %min3A_732 : vector<16xi32>
      %gather3A_734 = tpu.vector_load_idx %arg10[%min3A_733] : memref<100000xi32, #tpu.memory_space<vmem>>[vector<16xi32>], vector<16xi32>,
      %eq3A_735 = arith.cmpi eq, %gather3A_734, %add3A_720 : vector<16xi32>
      %convert_element_type3A_736 = arith.extui %eq3A_735 : vector<16xi1> to vector<16xi32>
      %reduce_sum3A_737 = arith.constant true
      %reduce_sum3A_738 = vector.broadcast %reduce_sum3A_737 : i1 to vector<16xi1>
      %reduce_sum3A_739 = tpu.scan <sum>, %convert_element_type3A_736 masked %reduce_sum3A_738 : vector<16xi32>, vector<16xi1> -> vector<16xi32>
      %reduce_sum3A_740 = vector.extract %reduce_sum3A_739[15] : i32 from vector<16xi32>
      %min3A_741 = arith.constant 496 : i32
      %min3A_742 = arith.minsi %add3A_717, %min3A_741 : i32
      %gt3A_743 = arith.constant 0 : i32
      %gt3A_744 = arith.cmpi sgt, %reduce_sum3A_740, %gt3A_743 : i32
      %convert_element_type3A_745 = arith.extui %gt3A_744 : i1 to i32
      %cond3A_746 = arith.constant 0 : i32
      %cond3A_747 = arith.cmpi ne, %convert_element_type3A_745, %cond3A_746 : i32
      scf.if %cond3A_747 {
        %swap3A = arith.index_cast %min3A_742 : i32 to index
        %swap3A_997 = tpu.vector_load %arg12[%swap3A] masked %eq3A_735 {strides = array<i32>} : memref<512xi32, #tpu.memory_space<vmem>>, vector<16xi32>, vector<16xi1>
        tpu.vector_store %arg12[%swap3A], %min3A_733 masked %eq3A_735 {strides = array<i32>} : memref<512xi32, #tpu.memory_space<vmem>>, vector<16xi32>, vector<16xi1>
        %broadcast_in_dim3A_998 = arith.constant 0 : i32
        %broadcast_in_dim3A_999 = vector.broadcast %broadcast_in_dim3A_998 : i32 to vector<16xi32>
        %swap3A_1000 = arith.index_cast %min3A_742 : i32 to index
        %swap3A_1001 = tpu.vector_load %arg13[%swap3A_1000] masked %eq3A_735 {strides = array<i32>} : memref<512xi32, #tpu.memory_space<vmem>>, vector<16xi32>, vector<16xi1>
        tpu.vector_store %arg13[%swap3A_1000], %broadcast_in_dim3A_999 masked %eq3A_735 {strides = array<i32>} : memref<512xi32, #tpu.memory_space<vmem>>, vector<16xi32>, vector<16xi1>
        %swap3A_1002 = arith.index_cast %min3A_742 : i32 to index
        %swap3A_1003 = tpu.vector_load %arg14[%swap3A_1002] masked %eq3A_735 {strides = array<i32>} : memref<512xi32, #tpu.memory_space<vmem>>, vector<16xi32>, vector<16xi1>
        tpu.vector_store %arg14[%swap3A_1002], %add3A_149 masked %eq3A_735 {strides = array<i32>} : memref<512xi32, #tpu.memory_space<vmem>>, vector<16xi32>, vector<16xi1>
        %broadcast_in_dim3A_1004 = arith.constant 18 : i32
        %broadcast_in_dim3A_1005 = vector.broadcast %broadcast_in_dim3A_1004 : i32 to vector<16xi32>
        %swap3A_1006 = arith.index_cast %min3A_742 : i32 to index
        %swap3A_1007 = tpu.vector_load %arg15[%swap3A_1006] masked %eq3A_735 {strides = array<i32>} : memref<512xi32, #tpu.memory_space<vmem>>, vector<16xi32>, vector<16xi1>
        tpu.vector_store %arg15[%swap3A_1006], %broadcast_in_dim3A_1005 masked %eq3A_735 {strides = array<i32>} : memref<512xi32, #tpu.memory_space<vmem>>, vector<16xi32>, vector<16xi1>
        %broadcast_in_dim3A_1008 = arith.constant 1.000000e+00 : f32
        %broadcast_in_dim3A_1009 = vector.broadcast %broadcast_in_dim3A_1008 : f32 to vector<16xf32>
        %swap3A_1010 = arith.index_cast %min3A_742 : i32 to index
        %swap3A_1011 = tpu.vector_load %arg16[%swap3A_1010] masked %eq3A_735 {strides = array<i32>} : memref<512xf32, #tpu.memory_space<vmem>>, vector<16xf32>, vector<16xi1>
        tpu.vector_store %arg16[%swap3A_1010], %broadcast_in_dim3A_1009 masked %eq3A_735 {strides = array<i32>} : memref<512xf32, #tpu.memory_space<vmem>>, vector<16xf32>, vector<16xi1>
      } else {
      }
      %add3A_748 = arith.addi %min3A_742, %reduce_sum3A_740 : i32
      %add3A_749 = arith.constant 1047552 : i32
      %add3A_750 = vector.broadcast %add3A_749 : i32 to vector<16xi32>
      %add3A_751 = arith.addi %get3A_144, %add3A_750 : vector<16xi32>
      %broadcast_in_dim3A_752 = arith.constant 0 : i32
      %broadcast_in_dim3A_753 = vector.broadcast %broadcast_in_dim3A_752 : i32 to vector<16xi32>
      %broadcast_in_dim3A_754 = arith.constant 100000 : i32
      %broadcast_in_dim3A_755 = vector.broadcast %broadcast_in_dim3A_754 : i32 to vector<16xi32>
      %scan3A_756 = arith.constant 0 : i32
      %scan3A_757 = arith.constant 17 : i32
      %scan3A_758 = arith.addi %scan3A_756, %scan3A_757 : i32
      %scan3A_759 = arith.constant 1 : i32
      %scan3A_760:2 = scf.for %scan3A_997 = %scan3A_756 to %scan3A_758 step %scan3A_759 iter_args(%scan3A_998 = %broadcast_in_dim3A_753, %scan3A_999 = %broadcast_in_dim3A_755) -> (vector<16xi32>, vector<16xi32>)  : i32 {
        %add3A_1000 = arith.addi %scan3A_998, %scan3A_999 : vector<16xi32>
        %shift_right_logical3A = arith.constant 1 : i32
        %shift_right_logical3A_1001 = vector.broadcast %shift_right_logical3A : i32 to vector<16xi32>
        %shift_right_logical3A_1002 = arith.shrui %add3A_1000, %shift_right_logical3A_1001 : vector<16xi32>
        %min3A_1003 = arith.constant 99999 : i32
        %min3A_1004 = vector.broadcast %min3A_1003 : i32 to vector<16xi32>
        %min3A_1005 = arith.minsi %shift_right_logical3A_1002, %min3A_1004 : vector<16xi32>
        %gather3A_1006 = tpu.vector_load_idx %arg10[%min3A_1005] : memref<100000xi32, #tpu.memory_space<vmem>>[vector<16xi32>], vector<16xi32>,
        %lt3A_1007 = arith.cmpi slt, %gather3A_1006, %add3A_751 : vector<16xi32>
        %convert_element_type3A_1008 = arith.extui %lt3A_1007 : vector<16xi1> to vector<16xi32>
        %lt3A_1009 = arith.cmpi slt, %scan3A_998, %scan3A_999 : vector<16xi32>
        %convert_element_type3A_1010 = arith.extui %lt3A_1009 : vector<16xi1> to vector<16xi32>
        %mul3A_1011 = arith.muli %convert_element_type3A_1010, %convert_element_type3A_1008 : vector<16xi32>
        %sub3A = arith.constant 1 : i32
        %sub3A_1012 = vector.broadcast %sub3A : i32 to vector<16xi32>
        %sub3A_1013 = arith.subi %sub3A_1012, %convert_element_type3A_1008 : vector<16xi32>
        %mul3A_1014 = arith.muli %convert_element_type3A_1010, %sub3A_1013 : vector<16xi32>
        %eq3A_1015 = arith.constant 1 : i32
        %eq3A_1016 = vector.broadcast %eq3A_1015 : i32 to vector<16xi32>
        %eq3A_1017 = arith.cmpi eq, %mul3A_1011, %eq3A_1016 : vector<16xi32>
        %add3A_1018 = arith.constant 1 : i32
        %add3A_1019 = vector.broadcast %add3A_1018 : i32 to vector<16xi32>
        %add3A_1020 = arith.addi %min3A_1005, %add3A_1019 : vector<16xi32>
        %select_n3A = arith.select %eq3A_1017, %add3A_1020, %scan3A_998 : vector<16xi1>, vector<16xi32>
        %eq3A_1021 = arith.constant 1 : i32
        %eq3A_1022 = vector.broadcast %eq3A_1021 : i32 to vector<16xi32>
        %eq3A_1023 = arith.cmpi eq, %mul3A_1014, %eq3A_1022 : vector<16xi32>
        %select_n3A_1024 = arith.select %eq3A_1023, %min3A_1005, %scan3A_999 : vector<16xi1>, vector<16xi32>
        scf.yield %select_n3A, %select_n3A_1024 : vector<16xi32>, vector<16xi32>
      }
      %scan3A_761 = arith.constant 17 : i32
      %min3A_762 = arith.constant 99999 : i32
      %min3A_763 = vector.broadcast %min3A_762 : i32 to vector<16xi32>
      %min3A_764 = arith.minsi %scan3A_760#0, %min3A_763 : vector<16xi32>
      %gather3A_765 = tpu.vector_load_idx %arg10[%min3A_764] : memref<100000xi32, #tpu.memory_space<vmem>>[vector<16xi32>], vector<16xi32>,
      %eq3A_766 = arith.cmpi eq, %gather3A_765, %add3A_751 : vector<16xi32>
      %convert_element_type3A_767 = arith.extui %eq3A_766 : vector<16xi1> to vector<16xi32>
      %reduce_sum3A_768 = arith.constant true
      %reduce_sum3A_769 = vector.broadcast %reduce_sum3A_768 : i1 to vector<16xi1>
      %reduce_sum3A_770 = tpu.scan <sum>, %convert_element_type3A_767 masked %reduce_sum3A_769 : vector<16xi32>, vector<16xi1> -> vector<16xi32>
      %reduce_sum3A_771 = vector.extract %reduce_sum3A_770[15] : i32 from vector<16xi32>
      %min3A_772 = arith.constant 496 : i32
      %min3A_773 = arith.minsi %add3A_748, %min3A_772 : i32
      %gt3A_774 = arith.constant 0 : i32
      %gt3A_775 = arith.cmpi sgt, %reduce_sum3A_771, %gt3A_774 : i32
      %convert_element_type3A_776 = arith.extui %gt3A_775 : i1 to i32
      %cond3A_777 = arith.constant 0 : i32
      %cond3A_778 = arith.cmpi ne, %convert_element_type3A_776, %cond3A_777 : i32
      scf.if %cond3A_778 {
        %swap3A = arith.index_cast %min3A_773 : i32 to index
        %swap3A_997 = tpu.vector_load %arg12[%swap3A] masked %eq3A_766 {strides = array<i32>} : memref<512xi32, #tpu.memory_space<vmem>>, vector<16xi32>, vector<16xi1>
        tpu.vector_store %arg12[%swap3A], %min3A_764 masked %eq3A_766 {strides = array<i32>} : memref<512xi32, #tpu.memory_space<vmem>>, vector<16xi32>, vector<16xi1>
        %broadcast_in_dim3A_998 = arith.constant 0 : i32
        %broadcast_in_dim3A_999 = vector.broadcast %broadcast_in_dim3A_998 : i32 to vector<16xi32>
        %swap3A_1000 = arith.index_cast %min3A_773 : i32 to index
        %swap3A_1001 = tpu.vector_load %arg13[%swap3A_1000] masked %eq3A_766 {strides = array<i32>} : memref<512xi32, #tpu.memory_space<vmem>>, vector<16xi32>, vector<16xi1>
        tpu.vector_store %arg13[%swap3A_1000], %broadcast_in_dim3A_999 masked %eq3A_766 {strides = array<i32>} : memref<512xi32, #tpu.memory_space<vmem>>, vector<16xi32>, vector<16xi1>
        %swap3A_1002 = arith.index_cast %min3A_773 : i32 to index
        %swap3A_1003 = tpu.vector_load %arg14[%swap3A_1002] masked %eq3A_766 {strides = array<i32>} : memref<512xi32, #tpu.memory_space<vmem>>, vector<16xi32>, vector<16xi1>
        tpu.vector_store %arg14[%swap3A_1002], %add3A_149 masked %eq3A_766 {strides = array<i32>} : memref<512xi32, #tpu.memory_space<vmem>>, vector<16xi32>, vector<16xi1>
        %broadcast_in_dim3A_1004 = arith.constant 19 : i32
        %broadcast_in_dim3A_1005 = vector.broadcast %broadcast_in_dim3A_1004 : i32 to vector<16xi32>
        %swap3A_1006 = arith.index_cast %min3A_773 : i32 to index
        %swap3A_1007 = tpu.vector_load %arg15[%swap3A_1006] masked %eq3A_766 {strides = array<i32>} : memref<512xi32, #tpu.memory_space<vmem>>, vector<16xi32>, vector<16xi1>
        tpu.vector_store %arg15[%swap3A_1006], %broadcast_in_dim3A_1005 masked %eq3A_766 {strides = array<i32>} : memref<512xi32, #tpu.memory_space<vmem>>, vector<16xi32>, vector<16xi1>
        %broadcast_in_dim3A_1008 = arith.constant 1.000000e+00 : f32
        %broadcast_in_dim3A_1009 = vector.broadcast %broadcast_in_dim3A_1008 : f32 to vector<16xf32>
        %swap3A_1010 = arith.index_cast %min3A_773 : i32 to index
        %swap3A_1011 = tpu.vector_load %arg16[%swap3A_1010] masked %eq3A_766 {strides = array<i32>} : memref<512xf32, #tpu.memory_space<vmem>>, vector<16xf32>, vector<16xi1>
        tpu.vector_store %arg16[%swap3A_1010], %broadcast_in_dim3A_1009 masked %eq3A_766 {strides = array<i32>} : memref<512xf32, #tpu.memory_space<vmem>>, vector<16xf32>, vector<16xi1>
      } else {
      }
      %add3A_779 = arith.addi %min3A_773, %reduce_sum3A_771 : i32
      %add3A_780 = arith.constant 1047553 : i32
      %add3A_781 = vector.broadcast %add3A_780 : i32 to vector<16xi32>
      %add3A_782 = arith.addi %get3A_144, %add3A_781 : vector<16xi32>
      %broadcast_in_dim3A_783 = arith.constant 0 : i32
      %broadcast_in_dim3A_784 = vector.broadcast %broadcast_in_dim3A_783 : i32 to vector<16xi32>
      %broadcast_in_dim3A_785 = arith.constant 100000 : i32
      %broadcast_in_dim3A_786 = vector.broadcast %broadcast_in_dim3A_785 : i32 to vector<16xi32>
      %scan3A_787 = arith.constant 0 : i32
      %scan3A_788 = arith.constant 17 : i32
      %scan3A_789 = arith.addi %scan3A_787, %scan3A_788 : i32
      %scan3A_790 = arith.constant 1 : i32
      %scan3A_791:2 = scf.for %scan3A_997 = %scan3A_787 to %scan3A_789 step %scan3A_790 iter_args(%scan3A_998 = %broadcast_in_dim3A_784, %scan3A_999 = %broadcast_in_dim3A_786) -> (vector<16xi32>, vector<16xi32>)  : i32 {
        %add3A_1000 = arith.addi %scan3A_998, %scan3A_999 : vector<16xi32>
        %shift_right_logical3A = arith.constant 1 : i32
        %shift_right_logical3A_1001 = vector.broadcast %shift_right_logical3A : i32 to vector<16xi32>
        %shift_right_logical3A_1002 = arith.shrui %add3A_1000, %shift_right_logical3A_1001 : vector<16xi32>
        %min3A_1003 = arith.constant 99999 : i32
        %min3A_1004 = vector.broadcast %min3A_1003 : i32 to vector<16xi32>
        %min3A_1005 = arith.minsi %shift_right_logical3A_1002, %min3A_1004 : vector<16xi32>
        %gather3A_1006 = tpu.vector_load_idx %arg10[%min3A_1005] : memref<100000xi32, #tpu.memory_space<vmem>>[vector<16xi32>], vector<16xi32>,
        %lt3A_1007 = arith.cmpi slt, %gather3A_1006, %add3A_782 : vector<16xi32>
        %convert_element_type3A_1008 = arith.extui %lt3A_1007 : vector<16xi1> to vector<16xi32>
        %lt3A_1009 = arith.cmpi slt, %scan3A_998, %scan3A_999 : vector<16xi32>
        %convert_element_type3A_1010 = arith.extui %lt3A_1009 : vector<16xi1> to vector<16xi32>
        %mul3A_1011 = arith.muli %convert_element_type3A_1010, %convert_element_type3A_1008 : vector<16xi32>
        %sub3A = arith.constant 1 : i32
        %sub3A_1012 = vector.broadcast %sub3A : i32 to vector<16xi32>
        %sub3A_1013 = arith.subi %sub3A_1012, %convert_element_type3A_1008 : vector<16xi32>
        %mul3A_1014 = arith.muli %convert_element_type3A_1010, %sub3A_1013 : vector<16xi32>
        %eq3A_1015 = arith.constant 1 : i32
        %eq3A_1016 = vector.broadcast %eq3A_1015 : i32 to vector<16xi32>
        %eq3A_1017 = arith.cmpi eq, %mul3A_1011, %eq3A_1016 : vector<16xi32>
        %add3A_1018 = arith.constant 1 : i32
        %add3A_1019 = vector.broadcast %add3A_1018 : i32 to vector<16xi32>
        %add3A_1020 = arith.addi %min3A_1005, %add3A_1019 : vector<16xi32>
        %select_n3A = arith.select %eq3A_1017, %add3A_1020, %scan3A_998 : vector<16xi1>, vector<16xi32>
        %eq3A_1021 = arith.constant 1 : i32
        %eq3A_1022 = vector.broadcast %eq3A_1021 : i32 to vector<16xi32>
        %eq3A_1023 = arith.cmpi eq, %mul3A_1014, %eq3A_1022 : vector<16xi32>
        %select_n3A_1024 = arith.select %eq3A_1023, %min3A_1005, %scan3A_999 : vector<16xi1>, vector<16xi32>
        scf.yield %select_n3A, %select_n3A_1024 : vector<16xi32>, vector<16xi32>
      }
      %scan3A_792 = arith.constant 17 : i32
      %min3A_793 = arith.constant 99999 : i32
      %min3A_794 = vector.broadcast %min3A_793 : i32 to vector<16xi32>
      %min3A_795 = arith.minsi %scan3A_791#0, %min3A_794 : vector<16xi32>
      %gather3A_796 = tpu.vector_load_idx %arg10[%min3A_795] : memref<100000xi32, #tpu.memory_space<vmem>>[vector<16xi32>], vector<16xi32>,
      %eq3A_797 = arith.cmpi eq, %gather3A_796, %add3A_782 : vector<16xi32>
      %convert_element_type3A_798 = arith.extui %eq3A_797 : vector<16xi1> to vector<16xi32>
      %reduce_sum3A_799 = arith.constant true
      %reduce_sum3A_800 = vector.broadcast %reduce_sum3A_799 : i1 to vector<16xi1>
      %reduce_sum3A_801 = tpu.scan <sum>, %convert_element_type3A_798 masked %reduce_sum3A_800 : vector<16xi32>, vector<16xi1> -> vector<16xi32>
      %reduce_sum3A_802 = vector.extract %reduce_sum3A_801[15] : i32 from vector<16xi32>
      %min3A_803 = arith.constant 496 : i32
      %min3A_804 = arith.minsi %add3A_779, %min3A_803 : i32
      %gt3A_805 = arith.constant 0 : i32
      %gt3A_806 = arith.cmpi sgt, %reduce_sum3A_802, %gt3A_805 : i32
      %convert_element_type3A_807 = arith.extui %gt3A_806 : i1 to i32
      %cond3A_808 = arith.constant 0 : i32
      %cond3A_809 = arith.cmpi ne, %convert_element_type3A_807, %cond3A_808 : i32
      scf.if %cond3A_809 {
        %swap3A = arith.index_cast %min3A_804 : i32 to index
        %swap3A_997 = tpu.vector_load %arg12[%swap3A] masked %eq3A_797 {strides = array<i32>} : memref<512xi32, #tpu.memory_space<vmem>>, vector<16xi32>, vector<16xi1>
        tpu.vector_store %arg12[%swap3A], %min3A_795 masked %eq3A_797 {strides = array<i32>} : memref<512xi32, #tpu.memory_space<vmem>>, vector<16xi32>, vector<16xi1>
        %broadcast_in_dim3A_998 = arith.constant 0 : i32
        %broadcast_in_dim3A_999 = vector.broadcast %broadcast_in_dim3A_998 : i32 to vector<16xi32>
        %swap3A_1000 = arith.index_cast %min3A_804 : i32 to index
        %swap3A_1001 = tpu.vector_load %arg13[%swap3A_1000] masked %eq3A_797 {strides = array<i32>} : memref<512xi32, #tpu.memory_space<vmem>>, vector<16xi32>, vector<16xi1>
        tpu.vector_store %arg13[%swap3A_1000], %broadcast_in_dim3A_999 masked %eq3A_797 {strides = array<i32>} : memref<512xi32, #tpu.memory_space<vmem>>, vector<16xi32>, vector<16xi1>
        %swap3A_1002 = arith.index_cast %min3A_804 : i32 to index
        %swap3A_1003 = tpu.vector_load %arg14[%swap3A_1002] masked %eq3A_797 {strides = array<i32>} : memref<512xi32, #tpu.memory_space<vmem>>, vector<16xi32>, vector<16xi1>
        tpu.vector_store %arg14[%swap3A_1002], %add3A_149 masked %eq3A_797 {strides = array<i32>} : memref<512xi32, #tpu.memory_space<vmem>>, vector<16xi32>, vector<16xi1>
        %broadcast_in_dim3A_1004 = arith.constant 20 : i32
        %broadcast_in_dim3A_1005 = vector.broadcast %broadcast_in_dim3A_1004 : i32 to vector<16xi32>
        %swap3A_1006 = arith.index_cast %min3A_804 : i32 to index
        %swap3A_1007 = tpu.vector_load %arg15[%swap3A_1006] masked %eq3A_797 {strides = array<i32>} : memref<512xi32, #tpu.memory_space<vmem>>, vector<16xi32>, vector<16xi1>
        tpu.vector_store %arg15[%swap3A_1006], %broadcast_in_dim3A_1005 masked %eq3A_797 {strides = array<i32>} : memref<512xi32, #tpu.memory_space<vmem>>, vector<16xi32>, vector<16xi1>
        %broadcast_in_dim3A_1008 = arith.constant 1.000000e+00 : f32
        %broadcast_in_dim3A_1009 = vector.broadcast %broadcast_in_dim3A_1008 : f32 to vector<16xf32>
        %swap3A_1010 = arith.index_cast %min3A_804 : i32 to index
        %swap3A_1011 = tpu.vector_load %arg16[%swap3A_1010] masked %eq3A_797 {strides = array<i32>} : memref<512xf32, #tpu.memory_space<vmem>>, vector<16xf32>, vector<16xi1>
        tpu.vector_store %arg16[%swap3A_1010], %broadcast_in_dim3A_1009 masked %eq3A_797 {strides = array<i32>} : memref<512xf32, #tpu.memory_space<vmem>>, vector<16xf32>, vector<16xi1>
      } else {
      }
      %add3A_810 = arith.addi %min3A_804, %reduce_sum3A_802 : i32
      %add3A_811 = arith.constant 1048575 : i32
      %add3A_812 = vector.broadcast %add3A_811 : i32 to vector<16xi32>
      %add3A_813 = arith.addi %get3A_144, %add3A_812 : vector<16xi32>
      %broadcast_in_dim3A_814 = arith.constant 0 : i32
      %broadcast_in_dim3A_815 = vector.broadcast %broadcast_in_dim3A_814 : i32 to vector<16xi32>
      %broadcast_in_dim3A_816 = arith.constant 100000 : i32
      %broadcast_in_dim3A_817 = vector.broadcast %broadcast_in_dim3A_816 : i32 to vector<16xi32>
      %scan3A_818 = arith.constant 0 : i32
      %scan3A_819 = arith.constant 17 : i32
      %scan3A_820 = arith.addi %scan3A_818, %scan3A_819 : i32
      %scan3A_821 = arith.constant 1 : i32
      %scan3A_822:2 = scf.for %scan3A_997 = %scan3A_818 to %scan3A_820 step %scan3A_821 iter_args(%scan3A_998 = %broadcast_in_dim3A_815, %scan3A_999 = %broadcast_in_dim3A_817) -> (vector<16xi32>, vector<16xi32>)  : i32 {
        %add3A_1000 = arith.addi %scan3A_998, %scan3A_999 : vector<16xi32>
        %shift_right_logical3A = arith.constant 1 : i32
        %shift_right_logical3A_1001 = vector.broadcast %shift_right_logical3A : i32 to vector<16xi32>
        %shift_right_logical3A_1002 = arith.shrui %add3A_1000, %shift_right_logical3A_1001 : vector<16xi32>
        %min3A_1003 = arith.constant 99999 : i32
        %min3A_1004 = vector.broadcast %min3A_1003 : i32 to vector<16xi32>
        %min3A_1005 = arith.minsi %shift_right_logical3A_1002, %min3A_1004 : vector<16xi32>
        %gather3A_1006 = tpu.vector_load_idx %arg10[%min3A_1005] : memref<100000xi32, #tpu.memory_space<vmem>>[vector<16xi32>], vector<16xi32>,
        %lt3A_1007 = arith.cmpi slt, %gather3A_1006, %add3A_813 : vector<16xi32>
        %convert_element_type3A_1008 = arith.extui %lt3A_1007 : vector<16xi1> to vector<16xi32>
        %lt3A_1009 = arith.cmpi slt, %scan3A_998, %scan3A_999 : vector<16xi32>
        %convert_element_type3A_1010 = arith.extui %lt3A_1009 : vector<16xi1> to vector<16xi32>
        %mul3A_1011 = arith.muli %convert_element_type3A_1010, %convert_element_type3A_1008 : vector<16xi32>
        %sub3A = arith.constant 1 : i32
        %sub3A_1012 = vector.broadcast %sub3A : i32 to vector<16xi32>
        %sub3A_1013 = arith.subi %sub3A_1012, %convert_element_type3A_1008 : vector<16xi32>
        %mul3A_1014 = arith.muli %convert_element_type3A_1010, %sub3A_1013 : vector<16xi32>
        %eq3A_1015 = arith.constant 1 : i32
        %eq3A_1016 = vector.broadcast %eq3A_1015 : i32 to vector<16xi32>
        %eq3A_1017 = arith.cmpi eq, %mul3A_1011, %eq3A_1016 : vector<16xi32>
        %add3A_1018 = arith.constant 1 : i32
        %add3A_1019 = vector.broadcast %add3A_1018 : i32 to vector<16xi32>
        %add3A_1020 = arith.addi %min3A_1005, %add3A_1019 : vector<16xi32>
        %select_n3A = arith.select %eq3A_1017, %add3A_1020, %scan3A_998 : vector<16xi1>, vector<16xi32>
        %eq3A_1021 = arith.constant 1 : i32
        %eq3A_1022 = vector.broadcast %eq3A_1021 : i32 to vector<16xi32>
        %eq3A_1023 = arith.cmpi eq, %mul3A_1014, %eq3A_1022 : vector<16xi32>
        %select_n3A_1024 = arith.select %eq3A_1023, %min3A_1005, %scan3A_999 : vector<16xi1>, vector<16xi32>
        scf.yield %select_n3A, %select_n3A_1024 : vector<16xi32>, vector<16xi32>
      }
      %scan3A_823 = arith.constant 17 : i32
      %min3A_824 = arith.constant 99999 : i32
      %min3A_825 = vector.broadcast %min3A_824 : i32 to vector<16xi32>
      %min3A_826 = arith.minsi %scan3A_822#0, %min3A_825 : vector<16xi32>
      %gather3A_827 = tpu.vector_load_idx %arg10[%min3A_826] : memref<100000xi32, #tpu.memory_space<vmem>>[vector<16xi32>], vector<16xi32>,
      %eq3A_828 = arith.cmpi eq, %gather3A_827, %add3A_813 : vector<16xi32>
      %convert_element_type3A_829 = arith.extui %eq3A_828 : vector<16xi1> to vector<16xi32>
      %reduce_sum3A_830 = arith.constant true
      %reduce_sum3A_831 = vector.broadcast %reduce_sum3A_830 : i1 to vector<16xi1>
      %reduce_sum3A_832 = tpu.scan <sum>, %convert_element_type3A_829 masked %reduce_sum3A_831 : vector<16xi32>, vector<16xi1> -> vector<16xi32>
      %reduce_sum3A_833 = vector.extract %reduce_sum3A_832[15] : i32 from vector<16xi32>
      %min3A_834 = arith.constant 496 : i32
      %min3A_835 = arith.minsi %add3A_810, %min3A_834 : i32
      %gt3A_836 = arith.constant 0 : i32
      %gt3A_837 = arith.cmpi sgt, %reduce_sum3A_833, %gt3A_836 : i32
      %convert_element_type3A_838 = arith.extui %gt3A_837 : i1 to i32
      %cond3A_839 = arith.constant 0 : i32
      %cond3A_840 = arith.cmpi ne, %convert_element_type3A_838, %cond3A_839 : i32
      scf.if %cond3A_840 {
        %swap3A = arith.index_cast %min3A_835 : i32 to index
        %swap3A_997 = tpu.vector_load %arg12[%swap3A] masked %eq3A_828 {strides = array<i32>} : memref<512xi32, #tpu.memory_space<vmem>>, vector<16xi32>, vector<16xi1>
        tpu.vector_store %arg12[%swap3A], %min3A_826 masked %eq3A_828 {strides = array<i32>} : memref<512xi32, #tpu.memory_space<vmem>>, vector<16xi32>, vector<16xi1>
        %broadcast_in_dim3A_998 = arith.constant 0 : i32
        %broadcast_in_dim3A_999 = vector.broadcast %broadcast_in_dim3A_998 : i32 to vector<16xi32>
        %swap3A_1000 = arith.index_cast %min3A_835 : i32 to index
        %swap3A_1001 = tpu.vector_load %arg13[%swap3A_1000] masked %eq3A_828 {strides = array<i32>} : memref<512xi32, #tpu.memory_space<vmem>>, vector<16xi32>, vector<16xi1>
        tpu.vector_store %arg13[%swap3A_1000], %broadcast_in_dim3A_999 masked %eq3A_828 {strides = array<i32>} : memref<512xi32, #tpu.memory_space<vmem>>, vector<16xi32>, vector<16xi1>
        %swap3A_1002 = arith.index_cast %min3A_835 : i32 to index
        %swap3A_1003 = tpu.vector_load %arg14[%swap3A_1002] masked %eq3A_828 {strides = array<i32>} : memref<512xi32, #tpu.memory_space<vmem>>, vector<16xi32>, vector<16xi1>
        tpu.vector_store %arg14[%swap3A_1002], %add3A_149 masked %eq3A_828 {strides = array<i32>} : memref<512xi32, #tpu.memory_space<vmem>>, vector<16xi32>, vector<16xi1>
        %broadcast_in_dim3A_1004 = arith.constant 21 : i32
        %broadcast_in_dim3A_1005 = vector.broadcast %broadcast_in_dim3A_1004 : i32 to vector<16xi32>
        %swap3A_1006 = arith.index_cast %min3A_835 : i32 to index
        %swap3A_1007 = tpu.vector_load %arg15[%swap3A_1006] masked %eq3A_828 {strides = array<i32>} : memref<512xi32, #tpu.memory_space<vmem>>, vector<16xi32>, vector<16xi1>
        tpu.vector_store %arg15[%swap3A_1006], %broadcast_in_dim3A_1005 masked %eq3A_828 {strides = array<i32>} : memref<512xi32, #tpu.memory_space<vmem>>, vector<16xi32>, vector<16xi1>
        %broadcast_in_dim3A_1008 = arith.constant 1.000000e+00 : f32
        %broadcast_in_dim3A_1009 = vector.broadcast %broadcast_in_dim3A_1008 : f32 to vector<16xf32>
        %swap3A_1010 = arith.index_cast %min3A_835 : i32 to index
        %swap3A_1011 = tpu.vector_load %arg16[%swap3A_1010] masked %eq3A_828 {strides = array<i32>} : memref<512xf32, #tpu.memory_space<vmem>>, vector<16xf32>, vector<16xi1>
        tpu.vector_store %arg16[%swap3A_1010], %broadcast_in_dim3A_1009 masked %eq3A_828 {strides = array<i32>} : memref<512xf32, #tpu.memory_space<vmem>>, vector<16xf32>, vector<16xi1>
      } else {
      }
      %add3A_841 = arith.addi %min3A_835, %reduce_sum3A_833 : i32
      %add3A_842 = arith.constant 1048576 : i32
      %add3A_843 = vector.broadcast %add3A_842 : i32 to vector<16xi32>
      %add3A_844 = arith.addi %get3A_144, %add3A_843 : vector<16xi32>
      %broadcast_in_dim3A_845 = arith.constant 0 : i32
      %broadcast_in_dim3A_846 = vector.broadcast %broadcast_in_dim3A_845 : i32 to vector<16xi32>
      %broadcast_in_dim3A_847 = arith.constant 100000 : i32
      %broadcast_in_dim3A_848 = vector.broadcast %broadcast_in_dim3A_847 : i32 to vector<16xi32>
      %scan3A_849 = arith.constant 0 : i32
      %scan3A_850 = arith.constant 17 : i32
      %scan3A_851 = arith.addi %scan3A_849, %scan3A_850 : i32
      %scan3A_852 = arith.constant 1 : i32
      %scan3A_853:2 = scf.for %scan3A_997 = %scan3A_849 to %scan3A_851 step %scan3A_852 iter_args(%scan3A_998 = %broadcast_in_dim3A_846, %scan3A_999 = %broadcast_in_dim3A_848) -> (vector<16xi32>, vector<16xi32>)  : i32 {
        %add3A_1000 = arith.addi %scan3A_998, %scan3A_999 : vector<16xi32>
        %shift_right_logical3A = arith.constant 1 : i32
        %shift_right_logical3A_1001 = vector.broadcast %shift_right_logical3A : i32 to vector<16xi32>
        %shift_right_logical3A_1002 = arith.shrui %add3A_1000, %shift_right_logical3A_1001 : vector<16xi32>
        %min3A_1003 = arith.constant 99999 : i32
        %min3A_1004 = vector.broadcast %min3A_1003 : i32 to vector<16xi32>
        %min3A_1005 = arith.minsi %shift_right_logical3A_1002, %min3A_1004 : vector<16xi32>
        %gather3A_1006 = tpu.vector_load_idx %arg10[%min3A_1005] : memref<100000xi32, #tpu.memory_space<vmem>>[vector<16xi32>], vector<16xi32>,
        %lt3A_1007 = arith.cmpi slt, %gather3A_1006, %add3A_844 : vector<16xi32>
        %convert_element_type3A_1008 = arith.extui %lt3A_1007 : vector<16xi1> to vector<16xi32>
        %lt3A_1009 = arith.cmpi slt, %scan3A_998, %scan3A_999 : vector<16xi32>
        %convert_element_type3A_1010 = arith.extui %lt3A_1009 : vector<16xi1> to vector<16xi32>
        %mul3A_1011 = arith.muli %convert_element_type3A_1010, %convert_element_type3A_1008 : vector<16xi32>
        %sub3A = arith.constant 1 : i32
        %sub3A_1012 = vector.broadcast %sub3A : i32 to vector<16xi32>
        %sub3A_1013 = arith.subi %sub3A_1012, %convert_element_type3A_1008 : vector<16xi32>
        %mul3A_1014 = arith.muli %convert_element_type3A_1010, %sub3A_1013 : vector<16xi32>
        %eq3A_1015 = arith.constant 1 : i32
        %eq3A_1016 = vector.broadcast %eq3A_1015 : i32 to vector<16xi32>
        %eq3A_1017 = arith.cmpi eq, %mul3A_1011, %eq3A_1016 : vector<16xi32>
        %add3A_1018 = arith.constant 1 : i32
        %add3A_1019 = vector.broadcast %add3A_1018 : i32 to vector<16xi32>
        %add3A_1020 = arith.addi %min3A_1005, %add3A_1019 : vector<16xi32>
        %select_n3A = arith.select %eq3A_1017, %add3A_1020, %scan3A_998 : vector<16xi1>, vector<16xi32>
        %eq3A_1021 = arith.constant 1 : i32
        %eq3A_1022 = vector.broadcast %eq3A_1021 : i32 to vector<16xi32>
        %eq3A_1023 = arith.cmpi eq, %mul3A_1014, %eq3A_1022 : vector<16xi32>
        %select_n3A_1024 = arith.select %eq3A_1023, %min3A_1005, %scan3A_999 : vector<16xi1>, vector<16xi32>
        scf.yield %select_n3A, %select_n3A_1024 : vector<16xi32>, vector<16xi32>
      }
      %scan3A_854 = arith.constant 17 : i32
      %min3A_855 = arith.constant 99999 : i32
      %min3A_856 = vector.broadcast %min3A_855 : i32 to vector<16xi32>
      %min3A_857 = arith.minsi %scan3A_853#0, %min3A_856 : vector<16xi32>
      %gather3A_858 = tpu.vector_load_idx %arg10[%min3A_857] : memref<100000xi32, #tpu.memory_space<vmem>>[vector<16xi32>], vector<16xi32>,
      %eq3A_859 = arith.cmpi eq, %gather3A_858, %add3A_844 : vector<16xi32>
      %convert_element_type3A_860 = arith.extui %eq3A_859 : vector<16xi1> to vector<16xi32>
      %reduce_sum3A_861 = arith.constant true
      %reduce_sum3A_862 = vector.broadcast %reduce_sum3A_861 : i1 to vector<16xi1>
      %reduce_sum3A_863 = tpu.scan <sum>, %convert_element_type3A_860 masked %reduce_sum3A_862 : vector<16xi32>, vector<16xi1> -> vector<16xi32>
      %reduce_sum3A_864 = vector.extract %reduce_sum3A_863[15] : i32 from vector<16xi32>
      %min3A_865 = arith.constant 496 : i32
      %min3A_866 = arith.minsi %add3A_841, %min3A_865 : i32
      %gt3A_867 = arith.constant 0 : i32
      %gt3A_868 = arith.cmpi sgt, %reduce_sum3A_864, %gt3A_867 : i32
      %convert_element_type3A_869 = arith.extui %gt3A_868 : i1 to i32
      %cond3A_870 = arith.constant 0 : i32
      %cond3A_871 = arith.cmpi ne, %convert_element_type3A_869, %cond3A_870 : i32
      scf.if %cond3A_871 {
        %swap3A = arith.index_cast %min3A_866 : i32 to index
        %swap3A_997 = tpu.vector_load %arg12[%swap3A] masked %eq3A_859 {strides = array<i32>} : memref<512xi32, #tpu.memory_space<vmem>>, vector<16xi32>, vector<16xi1>
        tpu.vector_store %arg12[%swap3A], %min3A_857 masked %eq3A_859 {strides = array<i32>} : memref<512xi32, #tpu.memory_space<vmem>>, vector<16xi32>, vector<16xi1>
        %broadcast_in_dim3A_998 = arith.constant 0 : i32
        %broadcast_in_dim3A_999 = vector.broadcast %broadcast_in_dim3A_998 : i32 to vector<16xi32>
        %swap3A_1000 = arith.index_cast %min3A_866 : i32 to index
        %swap3A_1001 = tpu.vector_load %arg13[%swap3A_1000] masked %eq3A_859 {strides = array<i32>} : memref<512xi32, #tpu.memory_space<vmem>>, vector<16xi32>, vector<16xi1>
        tpu.vector_store %arg13[%swap3A_1000], %broadcast_in_dim3A_999 masked %eq3A_859 {strides = array<i32>} : memref<512xi32, #tpu.memory_space<vmem>>, vector<16xi32>, vector<16xi1>
        %swap3A_1002 = arith.index_cast %min3A_866 : i32 to index
        %swap3A_1003 = tpu.vector_load %arg14[%swap3A_1002] masked %eq3A_859 {strides = array<i32>} : memref<512xi32, #tpu.memory_space<vmem>>, vector<16xi32>, vector<16xi1>
        tpu.vector_store %arg14[%swap3A_1002], %add3A_149 masked %eq3A_859 {strides = array<i32>} : memref<512xi32, #tpu.memory_space<vmem>>, vector<16xi32>, vector<16xi1>
        %broadcast_in_dim3A_1004 = arith.constant 22 : i32
        %broadcast_in_dim3A_1005 = vector.broadcast %broadcast_in_dim3A_1004 : i32 to vector<16xi32>
        %swap3A_1006 = arith.index_cast %min3A_866 : i32 to index
        %swap3A_1007 = tpu.vector_load %arg15[%swap3A_1006] masked %eq3A_859 {strides = array<i32>} : memref<512xi32, #tpu.memory_space<vmem>>, vector<16xi32>, vector<16xi1>
        tpu.vector_store %arg15[%swap3A_1006], %broadcast_in_dim3A_1005 masked %eq3A_859 {strides = array<i32>} : memref<512xi32, #tpu.memory_space<vmem>>, vector<16xi32>, vector<16xi1>
        %broadcast_in_dim3A_1008 = arith.constant 1.000000e+00 : f32
        %broadcast_in_dim3A_1009 = vector.broadcast %broadcast_in_dim3A_1008 : f32 to vector<16xf32>
        %swap3A_1010 = arith.index_cast %min3A_866 : i32 to index
        %swap3A_1011 = tpu.vector_load %arg16[%swap3A_1010] masked %eq3A_859 {strides = array<i32>} : memref<512xf32, #tpu.memory_space<vmem>>, vector<16xf32>, vector<16xi1>
        tpu.vector_store %arg16[%swap3A_1010], %broadcast_in_dim3A_1009 masked %eq3A_859 {strides = array<i32>} : memref<512xf32, #tpu.memory_space<vmem>>, vector<16xf32>, vector<16xi1>
      } else {
      }
      %add3A_872 = arith.addi %min3A_866, %reduce_sum3A_864 : i32
      %add3A_873 = arith.constant 1048577 : i32
      %add3A_874 = vector.broadcast %add3A_873 : i32 to vector<16xi32>
      %add3A_875 = arith.addi %get3A_144, %add3A_874 : vector<16xi32>
      %broadcast_in_dim3A_876 = arith.constant 0 : i32
      %broadcast_in_dim3A_877 = vector.broadcast %broadcast_in_dim3A_876 : i32 to vector<16xi32>
      %broadcast_in_dim3A_878 = arith.constant 100000 : i32
      %broadcast_in_dim3A_879 = vector.broadcast %broadcast_in_dim3A_878 : i32 to vector<16xi32>
      %scan3A_880 = arith.constant 0 : i32
      %scan3A_881 = arith.constant 17 : i32
      %scan3A_882 = arith.addi %scan3A_880, %scan3A_881 : i32
      %scan3A_883 = arith.constant 1 : i32
      %scan3A_884:2 = scf.for %scan3A_997 = %scan3A_880 to %scan3A_882 step %scan3A_883 iter_args(%scan3A_998 = %broadcast_in_dim3A_877, %scan3A_999 = %broadcast_in_dim3A_879) -> (vector<16xi32>, vector<16xi32>)  : i32 {
        %add3A_1000 = arith.addi %scan3A_998, %scan3A_999 : vector<16xi32>
        %shift_right_logical3A = arith.constant 1 : i32
        %shift_right_logical3A_1001 = vector.broadcast %shift_right_logical3A : i32 to vector<16xi32>
        %shift_right_logical3A_1002 = arith.shrui %add3A_1000, %shift_right_logical3A_1001 : vector<16xi32>
        %min3A_1003 = arith.constant 99999 : i32
        %min3A_1004 = vector.broadcast %min3A_1003 : i32 to vector<16xi32>
        %min3A_1005 = arith.minsi %shift_right_logical3A_1002, %min3A_1004 : vector<16xi32>
        %gather3A_1006 = tpu.vector_load_idx %arg10[%min3A_1005] : memref<100000xi32, #tpu.memory_space<vmem>>[vector<16xi32>], vector<16xi32>,
        %lt3A_1007 = arith.cmpi slt, %gather3A_1006, %add3A_875 : vector<16xi32>
        %convert_element_type3A_1008 = arith.extui %lt3A_1007 : vector<16xi1> to vector<16xi32>
        %lt3A_1009 = arith.cmpi slt, %scan3A_998, %scan3A_999 : vector<16xi32>
        %convert_element_type3A_1010 = arith.extui %lt3A_1009 : vector<16xi1> to vector<16xi32>
        %mul3A_1011 = arith.muli %convert_element_type3A_1010, %convert_element_type3A_1008 : vector<16xi32>
        %sub3A = arith.constant 1 : i32
        %sub3A_1012 = vector.broadcast %sub3A : i32 to vector<16xi32>
        %sub3A_1013 = arith.subi %sub3A_1012, %convert_element_type3A_1008 : vector<16xi32>
        %mul3A_1014 = arith.muli %convert_element_type3A_1010, %sub3A_1013 : vector<16xi32>
        %eq3A_1015 = arith.constant 1 : i32
        %eq3A_1016 = vector.broadcast %eq3A_1015 : i32 to vector<16xi32>
        %eq3A_1017 = arith.cmpi eq, %mul3A_1011, %eq3A_1016 : vector<16xi32>
        %add3A_1018 = arith.constant 1 : i32
        %add3A_1019 = vector.broadcast %add3A_1018 : i32 to vector<16xi32>
        %add3A_1020 = arith.addi %min3A_1005, %add3A_1019 : vector<16xi32>
        %select_n3A = arith.select %eq3A_1017, %add3A_1020, %scan3A_998 : vector<16xi1>, vector<16xi32>
        %eq3A_1021 = arith.constant 1 : i32
        %eq3A_1022 = vector.broadcast %eq3A_1021 : i32 to vector<16xi32>
        %eq3A_1023 = arith.cmpi eq, %mul3A_1014, %eq3A_1022 : vector<16xi32>
        %select_n3A_1024 = arith.select %eq3A_1023, %min3A_1005, %scan3A_999 : vector<16xi1>, vector<16xi32>
        scf.yield %select_n3A, %select_n3A_1024 : vector<16xi32>, vector<16xi32>
      }
      %scan3A_885 = arith.constant 17 : i32
      %min3A_886 = arith.constant 99999 : i32
      %min3A_887 = vector.broadcast %min3A_886 : i32 to vector<16xi32>
      %min3A_888 = arith.minsi %scan3A_884#0, %min3A_887 : vector<16xi32>
      %gather3A_889 = tpu.vector_load_idx %arg10[%min3A_888] : memref<100000xi32, #tpu.memory_space<vmem>>[vector<16xi32>], vector<16xi32>,
      %eq3A_890 = arith.cmpi eq, %gather3A_889, %add3A_875 : vector<16xi32>
      %convert_element_type3A_891 = arith.extui %eq3A_890 : vector<16xi1> to vector<16xi32>
      %reduce_sum3A_892 = arith.constant true
      %reduce_sum3A_893 = vector.broadcast %reduce_sum3A_892 : i1 to vector<16xi1>
      %reduce_sum3A_894 = tpu.scan <sum>, %convert_element_type3A_891 masked %reduce_sum3A_893 : vector<16xi32>, vector<16xi1> -> vector<16xi32>
      %reduce_sum3A_895 = vector.extract %reduce_sum3A_894[15] : i32 from vector<16xi32>
      %min3A_896 = arith.constant 496 : i32
      %min3A_897 = arith.minsi %add3A_872, %min3A_896 : i32
      %gt3A_898 = arith.constant 0 : i32
      %gt3A_899 = arith.cmpi sgt, %reduce_sum3A_895, %gt3A_898 : i32
      %convert_element_type3A_900 = arith.extui %gt3A_899 : i1 to i32
      %cond3A_901 = arith.constant 0 : i32
      %cond3A_902 = arith.cmpi ne, %convert_element_type3A_900, %cond3A_901 : i32
      scf.if %cond3A_902 {
        %swap3A = arith.index_cast %min3A_897 : i32 to index
        %swap3A_997 = tpu.vector_load %arg12[%swap3A] masked %eq3A_890 {strides = array<i32>} : memref<512xi32, #tpu.memory_space<vmem>>, vector<16xi32>, vector<16xi1>
        tpu.vector_store %arg12[%swap3A], %min3A_888 masked %eq3A_890 {strides = array<i32>} : memref<512xi32, #tpu.memory_space<vmem>>, vector<16xi32>, vector<16xi1>
        %broadcast_in_dim3A_998 = arith.constant 0 : i32
        %broadcast_in_dim3A_999 = vector.broadcast %broadcast_in_dim3A_998 : i32 to vector<16xi32>
        %swap3A_1000 = arith.index_cast %min3A_897 : i32 to index
        %swap3A_1001 = tpu.vector_load %arg13[%swap3A_1000] masked %eq3A_890 {strides = array<i32>} : memref<512xi32, #tpu.memory_space<vmem>>, vector<16xi32>, vector<16xi1>
        tpu.vector_store %arg13[%swap3A_1000], %broadcast_in_dim3A_999 masked %eq3A_890 {strides = array<i32>} : memref<512xi32, #tpu.memory_space<vmem>>, vector<16xi32>, vector<16xi1>
        %swap3A_1002 = arith.index_cast %min3A_897 : i32 to index
        %swap3A_1003 = tpu.vector_load %arg14[%swap3A_1002] masked %eq3A_890 {strides = array<i32>} : memref<512xi32, #tpu.memory_space<vmem>>, vector<16xi32>, vector<16xi1>
        tpu.vector_store %arg14[%swap3A_1002], %add3A_149 masked %eq3A_890 {strides = array<i32>} : memref<512xi32, #tpu.memory_space<vmem>>, vector<16xi32>, vector<16xi1>
        %broadcast_in_dim3A_1004 = arith.constant 23 : i32
        %broadcast_in_dim3A_1005 = vector.broadcast %broadcast_in_dim3A_1004 : i32 to vector<16xi32>
        %swap3A_1006 = arith.index_cast %min3A_897 : i32 to index
        %swap3A_1007 = tpu.vector_load %arg15[%swap3A_1006] masked %eq3A_890 {strides = array<i32>} : memref<512xi32, #tpu.memory_space<vmem>>, vector<16xi32>, vector<16xi1>
        tpu.vector_store %arg15[%swap3A_1006], %broadcast_in_dim3A_1005 masked %eq3A_890 {strides = array<i32>} : memref<512xi32, #tpu.memory_space<vmem>>, vector<16xi32>, vector<16xi1>
        %broadcast_in_dim3A_1008 = arith.constant 1.000000e+00 : f32
        %broadcast_in_dim3A_1009 = vector.broadcast %broadcast_in_dim3A_1008 : f32 to vector<16xf32>
        %swap3A_1010 = arith.index_cast %min3A_897 : i32 to index
        %swap3A_1011 = tpu.vector_load %arg16[%swap3A_1010] masked %eq3A_890 {strides = array<i32>} : memref<512xf32, #tpu.memory_space<vmem>>, vector<16xf32>, vector<16xi1>
        tpu.vector_store %arg16[%swap3A_1010], %broadcast_in_dim3A_1009 masked %eq3A_890 {strides = array<i32>} : memref<512xf32, #tpu.memory_space<vmem>>, vector<16xf32>, vector<16xi1>
      } else {
      }
      %add3A_903 = arith.addi %min3A_897, %reduce_sum3A_895 : i32
      %add3A_904 = arith.constant 1049599 : i32
      %add3A_905 = vector.broadcast %add3A_904 : i32 to vector<16xi32>
      %add3A_906 = arith.addi %get3A_144, %add3A_905 : vector<16xi32>
      %broadcast_in_dim3A_907 = arith.constant 0 : i32
      %broadcast_in_dim3A_908 = vector.broadcast %broadcast_in_dim3A_907 : i32 to vector<16xi32>
      %broadcast_in_dim3A_909 = arith.constant 100000 : i32
      %broadcast_in_dim3A_910 = vector.broadcast %broadcast_in_dim3A_909 : i32 to vector<16xi32>
      %scan3A_911 = arith.constant 0 : i32
      %scan3A_912 = arith.constant 17 : i32
      %scan3A_913 = arith.addi %scan3A_911, %scan3A_912 : i32
      %scan3A_914 = arith.constant 1 : i32
      %scan3A_915:2 = scf.for %scan3A_997 = %scan3A_911 to %scan3A_913 step %scan3A_914 iter_args(%scan3A_998 = %broadcast_in_dim3A_908, %scan3A_999 = %broadcast_in_dim3A_910) -> (vector<16xi32>, vector<16xi32>)  : i32 {
        %add3A_1000 = arith.addi %scan3A_998, %scan3A_999 : vector<16xi32>
        %shift_right_logical3A = arith.constant 1 : i32
        %shift_right_logical3A_1001 = vector.broadcast %shift_right_logical3A : i32 to vector<16xi32>
        %shift_right_logical3A_1002 = arith.shrui %add3A_1000, %shift_right_logical3A_1001 : vector<16xi32>
        %min3A_1003 = arith.constant 99999 : i32
        %min3A_1004 = vector.broadcast %min3A_1003 : i32 to vector<16xi32>
        %min3A_1005 = arith.minsi %shift_right_logical3A_1002, %min3A_1004 : vector<16xi32>
        %gather3A_1006 = tpu.vector_load_idx %arg10[%min3A_1005] : memref<100000xi32, #tpu.memory_space<vmem>>[vector<16xi32>], vector<16xi32>,
        %lt3A_1007 = arith.cmpi slt, %gather3A_1006, %add3A_906 : vector<16xi32>
        %convert_element_type3A_1008 = arith.extui %lt3A_1007 : vector<16xi1> to vector<16xi32>
        %lt3A_1009 = arith.cmpi slt, %scan3A_998, %scan3A_999 : vector<16xi32>
        %convert_element_type3A_1010 = arith.extui %lt3A_1009 : vector<16xi1> to vector<16xi32>
        %mul3A_1011 = arith.muli %convert_element_type3A_1010, %convert_element_type3A_1008 : vector<16xi32>
        %sub3A = arith.constant 1 : i32
        %sub3A_1012 = vector.broadcast %sub3A : i32 to vector<16xi32>
        %sub3A_1013 = arith.subi %sub3A_1012, %convert_element_type3A_1008 : vector<16xi32>
        %mul3A_1014 = arith.muli %convert_element_type3A_1010, %sub3A_1013 : vector<16xi32>
        %eq3A_1015 = arith.constant 1 : i32
        %eq3A_1016 = vector.broadcast %eq3A_1015 : i32 to vector<16xi32>
        %eq3A_1017 = arith.cmpi eq, %mul3A_1011, %eq3A_1016 : vector<16xi32>
        %add3A_1018 = arith.constant 1 : i32
        %add3A_1019 = vector.broadcast %add3A_1018 : i32 to vector<16xi32>
        %add3A_1020 = arith.addi %min3A_1005, %add3A_1019 : vector<16xi32>
        %select_n3A = arith.select %eq3A_1017, %add3A_1020, %scan3A_998 : vector<16xi1>, vector<16xi32>
        %eq3A_1021 = arith.constant 1 : i32
        %eq3A_1022 = vector.broadcast %eq3A_1021 : i32 to vector<16xi32>
        %eq3A_1023 = arith.cmpi eq, %mul3A_1014, %eq3A_1022 : vector<16xi32>
        %select_n3A_1024 = arith.select %eq3A_1023, %min3A_1005, %scan3A_999 : vector<16xi1>, vector<16xi32>
        scf.yield %select_n3A, %select_n3A_1024 : vector<16xi32>, vector<16xi32>
      }
      %scan3A_916 = arith.constant 17 : i32
      %min3A_917 = arith.constant 99999 : i32
      %min3A_918 = vector.broadcast %min3A_917 : i32 to vector<16xi32>
      %min3A_919 = arith.minsi %scan3A_915#0, %min3A_918 : vector<16xi32>
      %gather3A_920 = tpu.vector_load_idx %arg10[%min3A_919] : memref<100000xi32, #tpu.memory_space<vmem>>[vector<16xi32>], vector<16xi32>,
      %eq3A_921 = arith.cmpi eq, %gather3A_920, %add3A_906 : vector<16xi32>
      %convert_element_type3A_922 = arith.extui %eq3A_921 : vector<16xi1> to vector<16xi32>
      %reduce_sum3A_923 = arith.constant true
      %reduce_sum3A_924 = vector.broadcast %reduce_sum3A_923 : i1 to vector<16xi1>
      %reduce_sum3A_925 = tpu.scan <sum>, %convert_element_type3A_922 masked %reduce_sum3A_924 : vector<16xi32>, vector<16xi1> -> vector<16xi32>
      %reduce_sum3A_926 = vector.extract %reduce_sum3A_925[15] : i32 from vector<16xi32>
      %min3A_927 = arith.constant 496 : i32
      %min3A_928 = arith.minsi %add3A_903, %min3A_927 : i32
      %gt3A_929 = arith.constant 0 : i32
      %gt3A_930 = arith.cmpi sgt, %reduce_sum3A_926, %gt3A_929 : i32
      %convert_element_type3A_931 = arith.extui %gt3A_930 : i1 to i32
      %cond3A_932 = arith.constant 0 : i32
      %cond3A_933 = arith.cmpi ne, %convert_element_type3A_931, %cond3A_932 : i32
      scf.if %cond3A_933 {
        %swap3A = arith.index_cast %min3A_928 : i32 to index
        %swap3A_997 = tpu.vector_load %arg12[%swap3A] masked %eq3A_921 {strides = array<i32>} : memref<512xi32, #tpu.memory_space<vmem>>, vector<16xi32>, vector<16xi1>
        tpu.vector_store %arg12[%swap3A], %min3A_919 masked %eq3A_921 {strides = array<i32>} : memref<512xi32, #tpu.memory_space<vmem>>, vector<16xi32>, vector<16xi1>
        %broadcast_in_dim3A_998 = arith.constant 0 : i32
        %broadcast_in_dim3A_999 = vector.broadcast %broadcast_in_dim3A_998 : i32 to vector<16xi32>
        %swap3A_1000 = arith.index_cast %min3A_928 : i32 to index
        %swap3A_1001 = tpu.vector_load %arg13[%swap3A_1000] masked %eq3A_921 {strides = array<i32>} : memref<512xi32, #tpu.memory_space<vmem>>, vector<16xi32>, vector<16xi1>
        tpu.vector_store %arg13[%swap3A_1000], %broadcast_in_dim3A_999 masked %eq3A_921 {strides = array<i32>} : memref<512xi32, #tpu.memory_space<vmem>>, vector<16xi32>, vector<16xi1>
        %swap3A_1002 = arith.index_cast %min3A_928 : i32 to index
        %swap3A_1003 = tpu.vector_load %arg14[%swap3A_1002] masked %eq3A_921 {strides = array<i32>} : memref<512xi32, #tpu.memory_space<vmem>>, vector<16xi32>, vector<16xi1>
        tpu.vector_store %arg14[%swap3A_1002], %add3A_149 masked %eq3A_921 {strides = array<i32>} : memref<512xi32, #tpu.memory_space<vmem>>, vector<16xi32>, vector<16xi1>
        %broadcast_in_dim3A_1004 = arith.constant 24 : i32
        %broadcast_in_dim3A_1005 = vector.broadcast %broadcast_in_dim3A_1004 : i32 to vector<16xi32>
        %swap3A_1006 = arith.index_cast %min3A_928 : i32 to index
        %swap3A_1007 = tpu.vector_load %arg15[%swap3A_1006] masked %eq3A_921 {strides = array<i32>} : memref<512xi32, #tpu.memory_space<vmem>>, vector<16xi32>, vector<16xi1>
        tpu.vector_store %arg15[%swap3A_1006], %broadcast_in_dim3A_1005 masked %eq3A_921 {strides = array<i32>} : memref<512xi32, #tpu.memory_space<vmem>>, vector<16xi32>, vector<16xi1>
        %broadcast_in_dim3A_1008 = arith.constant 1.000000e+00 : f32
        %broadcast_in_dim3A_1009 = vector.broadcast %broadcast_in_dim3A_1008 : f32 to vector<16xf32>
        %swap3A_1010 = arith.index_cast %min3A_928 : i32 to index
        %swap3A_1011 = tpu.vector_load %arg16[%swap3A_1010] masked %eq3A_921 {strides = array<i32>} : memref<512xf32, #tpu.memory_space<vmem>>, vector<16xf32>, vector<16xi1>
        tpu.vector_store %arg16[%swap3A_1010], %broadcast_in_dim3A_1009 masked %eq3A_921 {strides = array<i32>} : memref<512xf32, #tpu.memory_space<vmem>>, vector<16xf32>, vector<16xi1>
      } else {
      }
      %add3A_934 = arith.addi %min3A_928, %reduce_sum3A_926 : i32
      %add3A_935 = arith.constant 1049600 : i32
      %add3A_936 = vector.broadcast %add3A_935 : i32 to vector<16xi32>
      %add3A_937 = arith.addi %get3A_144, %add3A_936 : vector<16xi32>
      %broadcast_in_dim3A_938 = arith.constant 0 : i32
      %broadcast_in_dim3A_939 = vector.broadcast %broadcast_in_dim3A_938 : i32 to vector<16xi32>
      %broadcast_in_dim3A_940 = arith.constant 100000 : i32
      %broadcast_in_dim3A_941 = vector.broadcast %broadcast_in_dim3A_940 : i32 to vector<16xi32>
      %scan3A_942 = arith.constant 0 : i32
      %scan3A_943 = arith.constant 17 : i32
      %scan3A_944 = arith.addi %scan3A_942, %scan3A_943 : i32
      %scan3A_945 = arith.constant 1 : i32
      %scan3A_946:2 = scf.for %scan3A_997 = %scan3A_942 to %scan3A_944 step %scan3A_945 iter_args(%scan3A_998 = %broadcast_in_dim3A_939, %scan3A_999 = %broadcast_in_dim3A_941) -> (vector<16xi32>, vector<16xi32>)  : i32 {
        %add3A_1000 = arith.addi %scan3A_998, %scan3A_999 : vector<16xi32>
        %shift_right_logical3A = arith.constant 1 : i32
        %shift_right_logical3A_1001 = vector.broadcast %shift_right_logical3A : i32 to vector<16xi32>
        %shift_right_logical3A_1002 = arith.shrui %add3A_1000, %shift_right_logical3A_1001 : vector<16xi32>
        %min3A_1003 = arith.constant 99999 : i32
        %min3A_1004 = vector.broadcast %min3A_1003 : i32 to vector<16xi32>
        %min3A_1005 = arith.minsi %shift_right_logical3A_1002, %min3A_1004 : vector<16xi32>
        %gather3A_1006 = tpu.vector_load_idx %arg10[%min3A_1005] : memref<100000xi32, #tpu.memory_space<vmem>>[vector<16xi32>], vector<16xi32>,
        %lt3A_1007 = arith.cmpi slt, %gather3A_1006, %add3A_937 : vector<16xi32>
        %convert_element_type3A_1008 = arith.extui %lt3A_1007 : vector<16xi1> to vector<16xi32>
        %lt3A_1009 = arith.cmpi slt, %scan3A_998, %scan3A_999 : vector<16xi32>
        %convert_element_type3A_1010 = arith.extui %lt3A_1009 : vector<16xi1> to vector<16xi32>
        %mul3A_1011 = arith.muli %convert_element_type3A_1010, %convert_element_type3A_1008 : vector<16xi32>
        %sub3A = arith.constant 1 : i32
        %sub3A_1012 = vector.broadcast %sub3A : i32 to vector<16xi32>
        %sub3A_1013 = arith.subi %sub3A_1012, %convert_element_type3A_1008 : vector<16xi32>
        %mul3A_1014 = arith.muli %convert_element_type3A_1010, %sub3A_1013 : vector<16xi32>
        %eq3A_1015 = arith.constant 1 : i32
        %eq3A_1016 = vector.broadcast %eq3A_1015 : i32 to vector<16xi32>
        %eq3A_1017 = arith.cmpi eq, %mul3A_1011, %eq3A_1016 : vector<16xi32>
        %add3A_1018 = arith.constant 1 : i32
        %add3A_1019 = vector.broadcast %add3A_1018 : i32 to vector<16xi32>
        %add3A_1020 = arith.addi %min3A_1005, %add3A_1019 : vector<16xi32>
        %select_n3A = arith.select %eq3A_1017, %add3A_1020, %scan3A_998 : vector<16xi1>, vector<16xi32>
        %eq3A_1021 = arith.constant 1 : i32
        %eq3A_1022 = vector.broadcast %eq3A_1021 : i32 to vector<16xi32>
        %eq3A_1023 = arith.cmpi eq, %mul3A_1014, %eq3A_1022 : vector<16xi32>
        %select_n3A_1024 = arith.select %eq3A_1023, %min3A_1005, %scan3A_999 : vector<16xi1>, vector<16xi32>
        scf.yield %select_n3A, %select_n3A_1024 : vector<16xi32>, vector<16xi32>
      }
      %scan3A_947 = arith.constant 17 : i32
      %min3A_948 = arith.constant 99999 : i32
      %min3A_949 = vector.broadcast %min3A_948 : i32 to vector<16xi32>
      %min3A_950 = arith.minsi %scan3A_946#0, %min3A_949 : vector<16xi32>
      %gather3A_951 = tpu.vector_load_idx %arg10[%min3A_950] : memref<100000xi32, #tpu.memory_space<vmem>>[vector<16xi32>], vector<16xi32>,
      %eq3A_952 = arith.cmpi eq, %gather3A_951, %add3A_937 : vector<16xi32>
      %convert_element_type3A_953 = arith.extui %eq3A_952 : vector<16xi1> to vector<16xi32>
      %reduce_sum3A_954 = arith.constant true
      %reduce_sum3A_955 = vector.broadcast %reduce_sum3A_954 : i1 to vector<16xi1>
      %reduce_sum3A_956 = tpu.scan <sum>, %convert_element_type3A_953 masked %reduce_sum3A_955 : vector<16xi32>, vector<16xi1> -> vector<16xi32>
      %reduce_sum3A_957 = vector.extract %reduce_sum3A_956[15] : i32 from vector<16xi32>
      %min3A_958 = arith.constant 496 : i32
      %min3A_959 = arith.minsi %add3A_934, %min3A_958 : i32
      %gt3A_960 = arith.constant 0 : i32
      %gt3A_961 = arith.cmpi sgt, %reduce_sum3A_957, %gt3A_960 : i32
      %convert_element_type3A_962 = arith.extui %gt3A_961 : i1 to i32
      %cond3A_963 = arith.constant 0 : i32
      %cond3A_964 = arith.cmpi ne, %convert_element_type3A_962, %cond3A_963 : i32
      scf.if %cond3A_964 {
        %swap3A = arith.index_cast %min3A_959 : i32 to index
        %swap3A_997 = tpu.vector_load %arg12[%swap3A] masked %eq3A_952 {strides = array<i32>} : memref<512xi32, #tpu.memory_space<vmem>>, vector<16xi32>, vector<16xi1>
        tpu.vector_store %arg12[%swap3A], %min3A_950 masked %eq3A_952 {strides = array<i32>} : memref<512xi32, #tpu.memory_space<vmem>>, vector<16xi32>, vector<16xi1>
        %broadcast_in_dim3A_998 = arith.constant 0 : i32
        %broadcast_in_dim3A_999 = vector.broadcast %broadcast_in_dim3A_998 : i32 to vector<16xi32>
        %swap3A_1000 = arith.index_cast %min3A_959 : i32 to index
        %swap3A_1001 = tpu.vector_load %arg13[%swap3A_1000] masked %eq3A_952 {strides = array<i32>} : memref<512xi32, #tpu.memory_space<vmem>>, vector<16xi32>, vector<16xi1>
        tpu.vector_store %arg13[%swap3A_1000], %broadcast_in_dim3A_999 masked %eq3A_952 {strides = array<i32>} : memref<512xi32, #tpu.memory_space<vmem>>, vector<16xi32>, vector<16xi1>
        %swap3A_1002 = arith.index_cast %min3A_959 : i32 to index
        %swap3A_1003 = tpu.vector_load %arg14[%swap3A_1002] masked %eq3A_952 {strides = array<i32>} : memref<512xi32, #tpu.memory_space<vmem>>, vector<16xi32>, vector<16xi1>
        tpu.vector_store %arg14[%swap3A_1002], %add3A_149 masked %eq3A_952 {strides = array<i32>} : memref<512xi32, #tpu.memory_space<vmem>>, vector<16xi32>, vector<16xi1>
        %broadcast_in_dim3A_1004 = arith.constant 25 : i32
        %broadcast_in_dim3A_1005 = vector.broadcast %broadcast_in_dim3A_1004 : i32 to vector<16xi32>
        %swap3A_1006 = arith.index_cast %min3A_959 : i32 to index
        %swap3A_1007 = tpu.vector_load %arg15[%swap3A_1006] masked %eq3A_952 {strides = array<i32>} : memref<512xi32, #tpu.memory_space<vmem>>, vector<16xi32>, vector<16xi1>
        tpu.vector_store %arg15[%swap3A_1006], %broadcast_in_dim3A_1005 masked %eq3A_952 {strides = array<i32>} : memref<512xi32, #tpu.memory_space<vmem>>, vector<16xi32>, vector<16xi1>
        %broadcast_in_dim3A_1008 = arith.constant 1.000000e+00 : f32
        %broadcast_in_dim3A_1009 = vector.broadcast %broadcast_in_dim3A_1008 : f32 to vector<16xf32>
        %swap3A_1010 = arith.index_cast %min3A_959 : i32 to index
        %swap3A_1011 = tpu.vector_load %arg16[%swap3A_1010] masked %eq3A_952 {strides = array<i32>} : memref<512xf32, #tpu.memory_space<vmem>>, vector<16xf32>, vector<16xi1>
        tpu.vector_store %arg16[%swap3A_1010], %broadcast_in_dim3A_1009 masked %eq3A_952 {strides = array<i32>} : memref<512xf32, #tpu.memory_space<vmem>>, vector<16xf32>, vector<16xi1>
      } else {
      }
      %add3A_965 = arith.addi %min3A_959, %reduce_sum3A_957 : i32
      %add3A_966 = arith.constant 1049601 : i32
      %add3A_967 = vector.broadcast %add3A_966 : i32 to vector<16xi32>
      %add3A_968 = arith.addi %get3A_144, %add3A_967 : vector<16xi32>
      %broadcast_in_dim3A_969 = arith.constant 0 : i32
      %broadcast_in_dim3A_970 = vector.broadcast %broadcast_in_dim3A_969 : i32 to vector<16xi32>
      %broadcast_in_dim3A_971 = arith.constant 100000 : i32
      %broadcast_in_dim3A_972 = vector.broadcast %broadcast_in_dim3A_971 : i32 to vector<16xi32>
      %scan3A_973 = arith.constant 0 : i32
      %scan3A_974 = arith.constant 17 : i32
      %scan3A_975 = arith.addi %scan3A_973, %scan3A_974 : i32
      %scan3A_976 = arith.constant 1 : i32
      %scan3A_977:2 = scf.for %scan3A_997 = %scan3A_973 to %scan3A_975 step %scan3A_976 iter_args(%scan3A_998 = %broadcast_in_dim3A_970, %scan3A_999 = %broadcast_in_dim3A_972) -> (vector<16xi32>, vector<16xi32>)  : i32 {
        %add3A_1000 = arith.addi %scan3A_998, %scan3A_999 : vector<16xi32>
        %shift_right_logical3A = arith.constant 1 : i32
        %shift_right_logical3A_1001 = vector.broadcast %shift_right_logical3A : i32 to vector<16xi32>
        %shift_right_logical3A_1002 = arith.shrui %add3A_1000, %shift_right_logical3A_1001 : vector<16xi32>
        %min3A_1003 = arith.constant 99999 : i32
        %min3A_1004 = vector.broadcast %min3A_1003 : i32 to vector<16xi32>
        %min3A_1005 = arith.minsi %shift_right_logical3A_1002, %min3A_1004 : vector<16xi32>
        %gather3A_1006 = tpu.vector_load_idx %arg10[%min3A_1005] : memref<100000xi32, #tpu.memory_space<vmem>>[vector<16xi32>], vector<16xi32>,
        %lt3A_1007 = arith.cmpi slt, %gather3A_1006, %add3A_968 : vector<16xi32>
        %convert_element_type3A_1008 = arith.extui %lt3A_1007 : vector<16xi1> to vector<16xi32>
        %lt3A_1009 = arith.cmpi slt, %scan3A_998, %scan3A_999 : vector<16xi32>
        %convert_element_type3A_1010 = arith.extui %lt3A_1009 : vector<16xi1> to vector<16xi32>
        %mul3A_1011 = arith.muli %convert_element_type3A_1010, %convert_element_type3A_1008 : vector<16xi32>
        %sub3A = arith.constant 1 : i32
        %sub3A_1012 = vector.broadcast %sub3A : i32 to vector<16xi32>
        %sub3A_1013 = arith.subi %sub3A_1012, %convert_element_type3A_1008 : vector<16xi32>
        %mul3A_1014 = arith.muli %convert_element_type3A_1010, %sub3A_1013 : vector<16xi32>
        %eq3A_1015 = arith.constant 1 : i32
        %eq3A_1016 = vector.broadcast %eq3A_1015 : i32 to vector<16xi32>
        %eq3A_1017 = arith.cmpi eq, %mul3A_1011, %eq3A_1016 : vector<16xi32>
        %add3A_1018 = arith.constant 1 : i32
        %add3A_1019 = vector.broadcast %add3A_1018 : i32 to vector<16xi32>
        %add3A_1020 = arith.addi %min3A_1005, %add3A_1019 : vector<16xi32>
        %select_n3A = arith.select %eq3A_1017, %add3A_1020, %scan3A_998 : vector<16xi1>, vector<16xi32>
        %eq3A_1021 = arith.constant 1 : i32
        %eq3A_1022 = vector.broadcast %eq3A_1021 : i32 to vector<16xi32>
        %eq3A_1023 = arith.cmpi eq, %mul3A_1014, %eq3A_1022 : vector<16xi32>
        %select_n3A_1024 = arith.select %eq3A_1023, %min3A_1005, %scan3A_999 : vector<16xi1>, vector<16xi32>
        scf.yield %select_n3A, %select_n3A_1024 : vector<16xi32>, vector<16xi32>
      }
      %scan3A_978 = arith.constant 17 : i32
      %min3A_979 = arith.constant 99999 : i32
      %min3A_980 = vector.broadcast %min3A_979 : i32 to vector<16xi32>
      %min3A_981 = arith.minsi %scan3A_977#0, %min3A_980 : vector<16xi32>
      %gather3A_982 = tpu.vector_load_idx %arg10[%min3A_981] : memref<100000xi32, #tpu.memory_space<vmem>>[vector<16xi32>], vector<16xi32>,
      %eq3A_983 = arith.cmpi eq, %gather3A_982, %add3A_968 : vector<16xi32>
      %convert_element_type3A_984 = arith.extui %eq3A_983 : vector<16xi1> to vector<16xi32>
      %reduce_sum3A_985 = arith.constant true
      %reduce_sum3A_986 = vector.broadcast %reduce_sum3A_985 : i1 to vector<16xi1>
      %reduce_sum3A_987 = tpu.scan <sum>, %convert_element_type3A_984 masked %reduce_sum3A_986 : vector<16xi32>, vector<16xi1> -> vector<16xi32>
      %reduce_sum3A_988 = vector.extract %reduce_sum3A_987[15] : i32 from vector<16xi32>
      %min3A_989 = arith.constant 496 : i32
      %min3A_990 = arith.minsi %add3A_965, %min3A_989 : i32
      %gt3A_991 = arith.constant 0 : i32
      %gt3A_992 = arith.cmpi sgt, %reduce_sum3A_988, %gt3A_991 : i32
      %convert_element_type3A_993 = arith.extui %gt3A_992 : i1 to i32
      %cond3A_994 = arith.constant 0 : i32
      %cond3A_995 = arith.cmpi ne, %convert_element_type3A_993, %cond3A_994 : i32
      scf.if %cond3A_995 {
        %swap3A = arith.index_cast %min3A_990 : i32 to index
        %swap3A_997 = tpu.vector_load %arg12[%swap3A] masked %eq3A_983 {strides = array<i32>} : memref<512xi32, #tpu.memory_space<vmem>>, vector<16xi32>, vector<16xi1>
        tpu.vector_store %arg12[%swap3A], %min3A_981 masked %eq3A_983 {strides = array<i32>} : memref<512xi32, #tpu.memory_space<vmem>>, vector<16xi32>, vector<16xi1>
        %broadcast_in_dim3A_998 = arith.constant 0 : i32
        %broadcast_in_dim3A_999 = vector.broadcast %broadcast_in_dim3A_998 : i32 to vector<16xi32>
        %swap3A_1000 = arith.index_cast %min3A_990 : i32 to index
        %swap3A_1001 = tpu.vector_load %arg13[%swap3A_1000] masked %eq3A_983 {strides = array<i32>} : memref<512xi32, #tpu.memory_space<vmem>>, vector<16xi32>, vector<16xi1>
        tpu.vector_store %arg13[%swap3A_1000], %broadcast_in_dim3A_999 masked %eq3A_983 {strides = array<i32>} : memref<512xi32, #tpu.memory_space<vmem>>, vector<16xi32>, vector<16xi1>
        %swap3A_1002 = arith.index_cast %min3A_990 : i32 to index
        %swap3A_1003 = tpu.vector_load %arg14[%swap3A_1002] masked %eq3A_983 {strides = array<i32>} : memref<512xi32, #tpu.memory_space<vmem>>, vector<16xi32>, vector<16xi1>
        tpu.vector_store %arg14[%swap3A_1002], %add3A_149 masked %eq3A_983 {strides = array<i32>} : memref<512xi32, #tpu.memory_space<vmem>>, vector<16xi32>, vector<16xi1>
        %broadcast_in_dim3A_1004 = arith.constant 26 : i32
        %broadcast_in_dim3A_1005 = vector.broadcast %broadcast_in_dim3A_1004 : i32 to vector<16xi32>
        %swap3A_1006 = arith.index_cast %min3A_990 : i32 to index
        %swap3A_1007 = tpu.vector_load %arg15[%swap3A_1006] masked %eq3A_983 {strides = array<i32>} : memref<512xi32, #tpu.memory_space<vmem>>, vector<16xi32>, vector<16xi1>
        tpu.vector_store %arg15[%swap3A_1006], %broadcast_in_dim3A_1005 masked %eq3A_983 {strides = array<i32>} : memref<512xi32, #tpu.memory_space<vmem>>, vector<16xi32>, vector<16xi1>
        %broadcast_in_dim3A_1008 = arith.constant 1.000000e+00 : f32
        %broadcast_in_dim3A_1009 = vector.broadcast %broadcast_in_dim3A_1008 : f32 to vector<16xf32>
        %swap3A_1010 = arith.index_cast %min3A_990 : i32 to index
        %swap3A_1011 = tpu.vector_load %arg16[%swap3A_1010] masked %eq3A_983 {strides = array<i32>} : memref<512xf32, #tpu.memory_space<vmem>>, vector<16xf32>, vector<16xi1>
        tpu.vector_store %arg16[%swap3A_1010], %broadcast_in_dim3A_1009 masked %eq3A_983 {strides = array<i32>} : memref<512xf32, #tpu.memory_space<vmem>>, vector<16xf32>, vector<16xi1>
      } else {
      }
      %add3A_996 = arith.addi %min3A_990, %reduce_sum3A_988 : i32
      scf.yield %add3A_996 : i32
    }
    %scan3A_15 = arith.constant 196 : i32
    %scan3A_16 = arith.constant 0 : i32
    %scan3A_17 = arith.constant 0 : i32
    %scan3A_18 = arith.constant 32 : i32
    %scan3A_19 = arith.addi %scan3A_17, %scan3A_18 : i32
    %scan3A_20 = arith.constant 1 : i32
    %scan3A_21 = scf.for %scan3A_140 = %scan3A_17 to %scan3A_19 step %scan3A_20 iter_args(%scan3A_141 = %scan3A_16) -> (i32)  : i32 {
      %mul3A_142 = arith.constant 16 : i32
      %mul3A_143 = arith.muli %scan3A_140, %mul3A_142 : i32
      %get3A = arith.index_cast %mul3A_143 : i32 to index
      %get3A_144 = tpu.vector_load %arg12[%get3A] {strides = array<i32>} : memref<512xi32, #tpu.memory_space<vmem>>, vector<16xi32>,
      %min3A = arith.constant 99999 : i32
      %min3A_145 = vector.broadcast %min3A : i32 to vector<16xi32>
      %min3A_146 = arith.minsi %get3A_144, %min3A_145 : vector<16xi32>
      %swap3A = arith.index_cast %mul3A_143 : i32 to index
      %swap3A_147 = tpu.vector_load %arg17[%swap3A] {strides = array<i32>} : memref<512xi32, #tpu.memory_space<vmem>>, vector<16xi32>,
      tpu.vector_store %arg17[%swap3A], %min3A_146 {strides = array<i32>} : memref<512xi32, #tpu.memory_space<vmem>>, vector<16xi32>,
      %scan3A_148 = arith.constant 0 : i32
      scf.yield %scan3A_148 : i32
    }
    %scan3A_22 = arith.constant 32 : i32
    %dma_start3A = arith.constant 0 : i32
    %dma_start3A_23 = tpu.memref_slice %arg18[%dma_start3A] : memref<512xi32, #tpu.memory_space<vmem>> -> memref<128xi32, #tpu.memory_space<vmem>>
    %dma_start3A_24 = arith.constant 0 : i32
    %dma_start3A_25 = tpu.memref_slice %arg17[%dma_start3A_24] : memref<512xi32, #tpu.memory_space<vmem>> -> memref<128xi32, #tpu.memory_space<vmem>>
    %dma_start3A_26 = arith.constant 0 : i32
    %dma_start3A_27 = tpu.memref_slice %arg4[%dma_start3A_26] : memref<100000xi32, #tpu.memory_space<hbm>> -> memref<100000xi32, #tpu.memory_space<hbm>>
    tpu.enqueue_indirect_dma source(%dma_start3A_27 : memref<100000xi32, #tpu.memory_space<hbm>>) target(%dma_start3A_23 : memref<128xi32, #tpu.memory_space<vmem>>) offsets(%dma_start3A_25 : memref<128xi32, #tpu.memory_space<vmem>>) semaphore(%arg20 : memref<!tpu.dma_semaphore, #tpu.memory_space<semaphore_mem>>)
    %dma_wait3A = arith.constant 0 : i32
    %dma_wait3A_28 = tpu.memref_slice %arg18[%dma_wait3A] : memref<512xi32, #tpu.memory_space<vmem>> -> memref<128xi32, #tpu.memory_space<vmem>>
    %dma_wait3A_29 = arith.constant 0 : i32
    %dma_wait3A_30 = tpu.memref_slice %arg17[%dma_wait3A_29] : memref<512xi32, #tpu.memory_space<vmem>> -> memref<128xi32, #tpu.memory_space<vmem>>
    %dma_wait3A_31 = arith.constant 0 : i32
    %dma_wait3A_32 = tpu.memref_slice %arg4[%dma_wait3A_31] : memref<100000xi32, #tpu.memory_space<hbm>> -> memref<100000xi32, #tpu.memory_space<hbm>>
    tpu.wait_indirect_dma semaphore(%arg20 : memref<!tpu.dma_semaphore, #tpu.memory_space<semaphore_mem>>) src(%dma_wait3A_32 : memref<100000xi32, #tpu.memory_space<hbm>>) dst(%dma_wait3A_28 : memref<128xi32, #tpu.memory_space<vmem>>)
    %dma_start3A_33 = arith.constant 128 : i32
    %dma_start3A_34 = tpu.memref_slice %arg18[%dma_start3A_33] : memref<512xi32, #tpu.memory_space<vmem>> -> memref<128xi32, #tpu.memory_space<vmem>>
    %dma_start3A_35 = arith.constant 128 : i32
    %dma_start3A_36 = tpu.memref_slice %arg17[%dma_start3A_35] : memref<512xi32, #tpu.memory_space<vmem>> -> memref<128xi32, #tpu.memory_space<vmem>>
    %dma_start3A_37 = arith.constant 0 : i32
    %dma_start3A_38 = tpu.memref_slice %arg4[%dma_start3A_37] : memref<100000xi32, #tpu.memory_space<hbm>> -> memref<100000xi32, #tpu.memory_space<hbm>>
    tpu.enqueue_indirect_dma source(%dma_start3A_38 : memref<100000xi32, #tpu.memory_space<hbm>>) target(%dma_start3A_34 : memref<128xi32, #tpu.memory_space<vmem>>) offsets(%dma_start3A_36 : memref<128xi32, #tpu.memory_space<vmem>>) semaphore(%arg20 : memref<!tpu.dma_semaphore, #tpu.memory_space<semaphore_mem>>)
    %dma_wait3A_39 = arith.constant 128 : i32
    %dma_wait3A_40 = tpu.memref_slice %arg18[%dma_wait3A_39] : memref<512xi32, #tpu.memory_space<vmem>> -> memref<128xi32, #tpu.memory_space<vmem>>
    %dma_wait3A_41 = arith.constant 128 : i32
    %dma_wait3A_42 = tpu.memref_slice %arg17[%dma_wait3A_41] : memref<512xi32, #tpu.memory_space<vmem>> -> memref<128xi32, #tpu.memory_space<vmem>>
    %dma_wait3A_43 = arith.constant 0 : i32
    %dma_wait3A_44 = tpu.memref_slice %arg4[%dma_wait3A_43] : memref<100000xi32, #tpu.memory_space<hbm>> -> memref<100000xi32, #tpu.memory_space<hbm>>
    tpu.wait_indirect_dma semaphore(%arg20 : memref<!tpu.dma_semaphore, #tpu.memory_space<semaphore_mem>>) src(%dma_wait3A_44 : memref<100000xi32, #tpu.memory_space<hbm>>) dst(%dma_wait3A_40 : memref<128xi32, #tpu.memory_space<vmem>>)
    %dma_start3A_45 = arith.constant 256 : i32
    %dma_start3A_46 = tpu.memref_slice %arg18[%dma_start3A_45] : memref<512xi32, #tpu.memory_space<vmem>> -> memref<128xi32, #tpu.memory_space<vmem>>
    %dma_start3A_47 = arith.constant 256 : i32
    %dma_start3A_48 = tpu.memref_slice %arg17[%dma_start3A_47] : memref<512xi32, #tpu.memory_space<vmem>> -> memref<128xi32, #tpu.memory_space<vmem>>
    %dma_start3A_49 = arith.constant 0 : i32
    %dma_start3A_50 = tpu.memref_slice %arg4[%dma_start3A_49] : memref<100000xi32, #tpu.memory_space<hbm>> -> memref<100000xi32, #tpu.memory_space<hbm>>
    tpu.enqueue_indirect_dma source(%dma_start3A_50 : memref<100000xi32, #tpu.memory_space<hbm>>) target(%dma_start3A_46 : memref<128xi32, #tpu.memory_space<vmem>>) offsets(%dma_start3A_48 : memref<128xi32, #tpu.memory_space<vmem>>) semaphore(%arg20 : memref<!tpu.dma_semaphore, #tpu.memory_space<semaphore_mem>>)
    %dma_wait3A_51 = arith.constant 256 : i32
    %dma_wait3A_52 = tpu.memref_slice %arg18[%dma_wait3A_51] : memref<512xi32, #tpu.memory_space<vmem>> -> memref<128xi32, #tpu.memory_space<vmem>>
    %dma_wait3A_53 = arith.constant 256 : i32
    %dma_wait3A_54 = tpu.memref_slice %arg17[%dma_wait3A_53] : memref<512xi32, #tpu.memory_space<vmem>> -> memref<128xi32, #tpu.memory_space<vmem>>
    %dma_wait3A_55 = arith.constant 0 : i32
    %dma_wait3A_56 = tpu.memref_slice %arg4[%dma_wait3A_55] : memref<100000xi32, #tpu.memory_space<hbm>> -> memref<100000xi32, #tpu.memory_space<hbm>>
    tpu.wait_indirect_dma semaphore(%arg20 : memref<!tpu.dma_semaphore, #tpu.memory_space<semaphore_mem>>) src(%dma_wait3A_56 : memref<100000xi32, #tpu.memory_space<hbm>>) dst(%dma_wait3A_52 : memref<128xi32, #tpu.memory_space<vmem>>)
    %dma_start3A_57 = arith.constant 384 : i32
    %dma_start3A_58 = tpu.memref_slice %arg18[%dma_start3A_57] : memref<512xi32, #tpu.memory_space<vmem>> -> memref<128xi32, #tpu.memory_space<vmem>>
    %dma_start3A_59 = arith.constant 384 : i32
    %dma_start3A_60 = tpu.memref_slice %arg17[%dma_start3A_59] : memref<512xi32, #tpu.memory_space<vmem>> -> memref<128xi32, #tpu.memory_space<vmem>>
    %dma_start3A_61 = arith.constant 0 : i32
    %dma_start3A_62 = tpu.memref_slice %arg4[%dma_start3A_61] : memref<100000xi32, #tpu.memory_space<hbm>> -> memref<100000xi32, #tpu.memory_space<hbm>>
    tpu.enqueue_indirect_dma source(%dma_start3A_62 : memref<100000xi32, #tpu.memory_space<hbm>>) target(%dma_start3A_58 : memref<128xi32, #tpu.memory_space<vmem>>) offsets(%dma_start3A_60 : memref<128xi32, #tpu.memory_space<vmem>>) semaphore(%arg20 : memref<!tpu.dma_semaphore, #tpu.memory_space<semaphore_mem>>)
    %dma_wait3A_63 = arith.constant 384 : i32
    %dma_wait3A_64 = tpu.memref_slice %arg18[%dma_wait3A_63] : memref<512xi32, #tpu.memory_space<vmem>> -> memref<128xi32, #tpu.memory_space<vmem>>
    %dma_wait3A_65 = arith.constant 384 : i32
    %dma_wait3A_66 = tpu.memref_slice %arg17[%dma_wait3A_65] : memref<512xi32, #tpu.memory_space<vmem>> -> memref<128xi32, #tpu.memory_space<vmem>>
    %dma_wait3A_67 = arith.constant 0 : i32
    %dma_wait3A_68 = tpu.memref_slice %arg4[%dma_wait3A_67] : memref<100000xi32, #tpu.memory_space<hbm>> -> memref<100000xi32, #tpu.memory_space<hbm>>
    tpu.wait_indirect_dma semaphore(%arg20 : memref<!tpu.dma_semaphore, #tpu.memory_space<semaphore_mem>>) src(%dma_wait3A_68 : memref<100000xi32, #tpu.memory_space<hbm>>) dst(%dma_wait3A_64 : memref<128xi32, #tpu.memory_space<vmem>>)
    %scan3A_69 = arith.constant 0 : i32
    %scan3A_70 = arith.constant 0 : i32
    %scan3A_71 = arith.constant 32 : i32
    %scan3A_72 = arith.addi %scan3A_70, %scan3A_71 : i32
    %scan3A_73 = arith.constant 1 : i32
    %scan3A_74 = scf.for %scan3A_140 = %scan3A_70 to %scan3A_72 step %scan3A_73 iter_args(%scan3A_141 = %scan3A_69) -> (i32)  : i32 {
      %mul3A_142 = arith.constant 16 : i32
      %mul3A_143 = arith.muli %scan3A_140, %mul3A_142 : i32
      %get3A = arith.index_cast %mul3A_143 : i32 to index
      %get3A_144 = tpu.vector_load %arg13[%get3A] {strides = array<i32>} : memref<512xi32, #tpu.memory_space<vmem>>, vector<16xi32>,
      %eq3A = arith.constant 1 : i32
      %eq3A_145 = vector.broadcast %eq3A : i32 to vector<16xi32>
      %eq3A_146 = arith.cmpi eq, %get3A_144, %eq3A_145 : vector<16xi32>
      %get3A_147 = arith.index_cast %mul3A_143 : i32 to index
      %get3A_148 = tpu.vector_load %arg12[%get3A_147] {strides = array<i32>} : memref<512xi32, #tpu.memory_space<vmem>>, vector<16xi32>,
      %get3A_149 = arith.index_cast %mul3A_143 : i32 to index
      %get3A_150 = tpu.vector_load %arg18[%get3A_149] {strides = array<i32>} : memref<512xi32, #tpu.memory_space<vmem>>, vector<16xi32>,
      %select_n3A = arith.select %eq3A_146, %get3A_148, %get3A_150 : vector<16xi1>, vector<16xi32>
      %swap3A = arith.index_cast %mul3A_143 : i32 to index
      %swap3A_151 = tpu.vector_load %arg18[%swap3A] {strides = array<i32>} : memref<512xi32, #tpu.memory_space<vmem>>, vector<16xi32>,
      tpu.vector_store %arg18[%swap3A], %select_n3A {strides = array<i32>} : memref<512xi32, #tpu.memory_space<vmem>>, vector<16xi32>,
      %scan3A_152 = arith.constant 0 : i32
      scf.yield %scan3A_152 : i32
    }
    %scan3A_75 = arith.constant 32 : i32
    %dma_start3A_76 = arith.constant 0 : i32
    %dma_start3A_77 = arith.constant 0 : i32
    %dma_start3A_78 = tpu.memref_slice %arg19[%dma_start3A_76, %dma_start3A_77] : memref<512x32xf32, #tpu.memory_space<vmem>> -> memref<128x32xf32, #tpu.memory_space<vmem>>
    %dma_start3A_79 = arith.constant 0 : i32
    %dma_start3A_80 = tpu.memref_slice %arg18[%dma_start3A_79] : memref<512xi32, #tpu.memory_space<vmem>> -> memref<128xi32, #tpu.memory_space<vmem>>
    %dma_start3A_81 = arith.constant 0 : i32
    %dma_start3A_82 = arith.constant 0 : i32
    %dma_start3A_83 = tpu.memref_slice %arg5[%dma_start3A_81, %dma_start3A_82] : memref<100000x32xf32, #tpu.memory_space<hbm>> -> memref<100000x32xf32, #tpu.memory_space<hbm>>
    tpu.enqueue_indirect_dma source(%dma_start3A_83 : memref<100000x32xf32, #tpu.memory_space<hbm>>) target(%dma_start3A_78 : memref<128x32xf32, #tpu.memory_space<vmem>>) offsets(%dma_start3A_80 : memref<128xi32, #tpu.memory_space<vmem>>) semaphore(%arg20 : memref<!tpu.dma_semaphore, #tpu.memory_space<semaphore_mem>>)
    %dma_wait3A_84 = arith.constant 0 : i32
    %dma_wait3A_85 = arith.constant 0 : i32
    %dma_wait3A_86 = tpu.memref_slice %arg19[%dma_wait3A_84, %dma_wait3A_85] : memref<512x32xf32, #tpu.memory_space<vmem>> -> memref<128x32xf32, #tpu.memory_space<vmem>>
    %dma_wait3A_87 = arith.constant 0 : i32
    %dma_wait3A_88 = tpu.memref_slice %arg18[%dma_wait3A_87] : memref<512xi32, #tpu.memory_space<vmem>> -> memref<128xi32, #tpu.memory_space<vmem>>
    %dma_wait3A_89 = arith.constant 0 : i32
    %dma_wait3A_90 = arith.constant 0 : i32
    %dma_wait3A_91 = tpu.memref_slice %arg5[%dma_wait3A_89, %dma_wait3A_90] : memref<100000x32xf32, #tpu.memory_space<hbm>> -> memref<100000x32xf32, #tpu.memory_space<hbm>>
    tpu.wait_indirect_dma semaphore(%arg20 : memref<!tpu.dma_semaphore, #tpu.memory_space<semaphore_mem>>) src(%dma_wait3A_91 : memref<100000x32xf32, #tpu.memory_space<hbm>>) dst(%dma_wait3A_86 : memref<128x32xf32, #tpu.memory_space<vmem>>)
    %dma_start3A_92 = arith.constant 128 : i32
    %dma_start3A_93 = arith.constant 0 : i32
    %dma_start3A_94 = tpu.memref_slice %arg19[%dma_start3A_92, %dma_start3A_93] : memref<512x32xf32, #tpu.memory_space<vmem>> -> memref<128x32xf32, #tpu.memory_space<vmem>>
    %dma_start3A_95 = arith.constant 128 : i32
    %dma_start3A_96 = tpu.memref_slice %arg18[%dma_start3A_95] : memref<512xi32, #tpu.memory_space<vmem>> -> memref<128xi32, #tpu.memory_space<vmem>>
    %dma_start3A_97 = arith.constant 0 : i32
    %dma_start3A_98 = arith.constant 0 : i32
    %dma_start3A_99 = tpu.memref_slice %arg5[%dma_start3A_97, %dma_start3A_98] : memref<100000x32xf32, #tpu.memory_space<hbm>> -> memref<100000x32xf32, #tpu.memory_space<hbm>>
    tpu.enqueue_indirect_dma source(%dma_start3A_99 : memref<100000x32xf32, #tpu.memory_space<hbm>>) target(%dma_start3A_94 : memref<128x32xf32, #tpu.memory_space<vmem>>) offsets(%dma_start3A_96 : memref<128xi32, #tpu.memory_space<vmem>>) semaphore(%arg20 : memref<!tpu.dma_semaphore, #tpu.memory_space<semaphore_mem>>)
    %dma_wait3A_100 = arith.constant 128 : i32
    %dma_wait3A_101 = arith.constant 0 : i32
    %dma_wait3A_102 = tpu.memref_slice %arg19[%dma_wait3A_100, %dma_wait3A_101] : memref<512x32xf32, #tpu.memory_space<vmem>> -> memref<128x32xf32, #tpu.memory_space<vmem>>
    %dma_wait3A_103 = arith.constant 128 : i32
    %dma_wait3A_104 = tpu.memref_slice %arg18[%dma_wait3A_103] : memref<512xi32, #tpu.memory_space<vmem>> -> memref<128xi32, #tpu.memory_space<vmem>>
    %dma_wait3A_105 = arith.constant 0 : i32
    %dma_wait3A_106 = arith.constant 0 : i32
    %dma_wait3A_107 = tpu.memref_slice %arg5[%dma_wait3A_105, %dma_wait3A_106] : memref<100000x32xf32, #tpu.memory_space<hbm>> -> memref<100000x32xf32, #tpu.memory_space<hbm>>
    tpu.wait_indirect_dma semaphore(%arg20 : memref<!tpu.dma_semaphore, #tpu.memory_space<semaphore_mem>>) src(%dma_wait3A_107 : memref<100000x32xf32, #tpu.memory_space<hbm>>) dst(%dma_wait3A_102 : memref<128x32xf32, #tpu.memory_space<vmem>>)
    %dma_start3A_108 = arith.constant 256 : i32
    %dma_start3A_109 = arith.constant 0 : i32
    %dma_start3A_110 = tpu.memref_slice %arg19[%dma_start3A_108, %dma_start3A_109] : memref<512x32xf32, #tpu.memory_space<vmem>> -> memref<128x32xf32, #tpu.memory_space<vmem>>
    %dma_start3A_111 = arith.constant 256 : i32
    %dma_start3A_112 = tpu.memref_slice %arg18[%dma_start3A_111] : memref<512xi32, #tpu.memory_space<vmem>> -> memref<128xi32, #tpu.memory_space<vmem>>
    %dma_start3A_113 = arith.constant 0 : i32
    %dma_start3A_114 = arith.constant 0 : i32
    %dma_start3A_115 = tpu.memref_slice %arg5[%dma_start3A_113, %dma_start3A_114] : memref<100000x32xf32, #tpu.memory_space<hbm>> -> memref<100000x32xf32, #tpu.memory_space<hbm>>
    tpu.enqueue_indirect_dma source(%dma_start3A_115 : memref<100000x32xf32, #tpu.memory_space<hbm>>) target(%dma_start3A_110 : memref<128x32xf32, #tpu.memory_space<vmem>>) offsets(%dma_start3A_112 : memref<128xi32, #tpu.memory_space<vmem>>) semaphore(%arg20 : memref<!tpu.dma_semaphore, #tpu.memory_space<semaphore_mem>>)
    %dma_wait3A_116 = arith.constant 256 : i32
    %dma_wait3A_117 = arith.constant 0 : i32
    %dma_wait3A_118 = tpu.memref_slice %arg19[%dma_wait3A_116, %dma_wait3A_117] : memref<512x32xf32, #tpu.memory_space<vmem>> -> memref<128x32xf32, #tpu.memory_space<vmem>>
    %dma_wait3A_119 = arith.constant 256 : i32
    %dma_wait3A_120 = tpu.memref_slice %arg18[%dma_wait3A_119] : memref<512xi32, #tpu.memory_space<vmem>> -> memref<128xi32, #tpu.memory_space<vmem>>
    %dma_wait3A_121 = arith.constant 0 : i32
    %dma_wait3A_122 = arith.constant 0 : i32
    %dma_wait3A_123 = tpu.memref_slice %arg5[%dma_wait3A_121, %dma_wait3A_122] : memref<100000x32xf32, #tpu.memory_space<hbm>> -> memref<100000x32xf32, #tpu.memory_space<hbm>>
    tpu.wait_indirect_dma semaphore(%arg20 : memref<!tpu.dma_semaphore, #tpu.memory_space<semaphore_mem>>) src(%dma_wait3A_123 : memref<100000x32xf32, #tpu.memory_space<hbm>>) dst(%dma_wait3A_118 : memref<128x32xf32, #tpu.memory_space<vmem>>)
    %dma_start3A_124 = arith.constant 384 : i32
    %dma_start3A_125 = arith.constant 0 : i32
    %dma_start3A_126 = tpu.memref_slice %arg19[%dma_start3A_124, %dma_start3A_125] : memref<512x32xf32, #tpu.memory_space<vmem>> -> memref<128x32xf32, #tpu.memory_space<vmem>>
    %dma_start3A_127 = arith.constant 384 : i32
    %dma_start3A_128 = tpu.memref_slice %arg18[%dma_start3A_127] : memref<512xi32, #tpu.memory_space<vmem>> -> memref<128xi32, #tpu.memory_space<vmem>>
    %dma_start3A_129 = arith.constant 0 : i32
    %dma_start3A_130 = arith.constant 0 : i32
    %dma_start3A_131 = tpu.memref_slice %arg5[%dma_start3A_129, %dma_start3A_130] : memref<100000x32xf32, #tpu.memory_space<hbm>> -> memref<100000x32xf32, #tpu.memory_space<hbm>>
    tpu.enqueue_indirect_dma source(%dma_start3A_131 : memref<100000x32xf32, #tpu.memory_space<hbm>>) target(%dma_start3A_126 : memref<128x32xf32, #tpu.memory_space<vmem>>) offsets(%dma_start3A_128 : memref<128xi32, #tpu.memory_space<vmem>>) semaphore(%arg20 : memref<!tpu.dma_semaphore, #tpu.memory_space<semaphore_mem>>)
    %dma_wait3A_132 = arith.constant 384 : i32
    %dma_wait3A_133 = arith.constant 0 : i32
    %dma_wait3A_134 = tpu.memref_slice %arg19[%dma_wait3A_132, %dma_wait3A_133] : memref<512x32xf32, #tpu.memory_space<vmem>> -> memref<128x32xf32, #tpu.memory_space<vmem>>
    %dma_wait3A_135 = arith.constant 384 : i32
    %dma_wait3A_136 = tpu.memref_slice %arg18[%dma_wait3A_135] : memref<512xi32, #tpu.memory_space<vmem>> -> memref<128xi32, #tpu.memory_space<vmem>>
    %dma_wait3A_137 = arith.constant 0 : i32
    %dma_wait3A_138 = arith.constant 0 : i32
    %dma_wait3A_139 = tpu.memref_slice %arg5[%dma_wait3A_137, %dma_wait3A_138] : memref<100000x32xf32, #tpu.memory_space<hbm>> -> memref<100000x32xf32, #tpu.memory_space<hbm>>
    tpu.wait_indirect_dma semaphore(%arg20 : memref<!tpu.dma_semaphore, #tpu.memory_space<semaphore_mem>>) src(%dma_wait3A_139 : memref<100000x32xf32, #tpu.memory_space<hbm>>) dst(%dma_wait3A_134 : memref<128x32xf32, #tpu.memory_space<vmem>>)
    "tpu.region"() ({
      %run_scoped3A = tpu.sem_alloc : memref<!tpu.dma_semaphore, #tpu.memory_space<semaphore_mem>>
      %dma_start3A_140 = arith.constant 0 : i32
      %dma_start3A_141 = tpu.memref_slice %arg6[%add3A, %dma_start3A_140] : memref<32x512xi32, #tpu.memory_space<hbm>> -> memref<1x512xi32, #tpu.memory_space<hbm>>
      %dma_start3A_142 = tpu.memref_squeeze %dma_start3A_141 : memref<1x512xi32, #tpu.memory_space<hbm>> -> memref<512xi32, #tpu.memory_space<hbm>>
      %dma_start3A_143 = arith.constant 0 : i32
      %dma_start3A_144 = tpu.memref_slice %arg6[%add3A, %dma_start3A_143] : memref<32x512xi32, #tpu.memory_space<hbm>> -> memref<1x512xi32, #tpu.memory_space<hbm>>
      %dma_start3A_145 = tpu.memref_squeeze %dma_start3A_144 : memref<1x512xi32, #tpu.memory_space<hbm>> -> memref<512xi32, #tpu.memory_space<hbm>>
      tpu.enqueue_dma source(%arg14 : memref<512xi32, #tpu.memory_space<vmem>>) target(%dma_start3A_145 : memref<512xi32, #tpu.memory_space<hbm>>) target_semaphore(%run_scoped3A : memref<!tpu.dma_semaphore, #tpu.memory_space<semaphore_mem>>)
      %dma_wait3A_146 = arith.constant 0 : i32
      %dma_wait3A_147 = tpu.memref_slice %arg6[%add3A, %dma_wait3A_146] : memref<32x512xi32, #tpu.memory_space<hbm>> -> memref<1x512xi32, #tpu.memory_space<hbm>>
      %dma_wait3A_148 = tpu.memref_squeeze %dma_wait3A_147 : memref<1x512xi32, #tpu.memory_space<hbm>> -> memref<512xi32, #tpu.memory_space<hbm>>
      %dma_wait3A_149 = arith.constant 0 : i32
      %dma_wait3A_150 = tpu.memref_slice %arg6[%add3A, %dma_wait3A_149] : memref<32x512xi32, #tpu.memory_space<hbm>> -> memref<1x512xi32, #tpu.memory_space<hbm>>
      %dma_wait3A_151 = tpu.memref_squeeze %dma_wait3A_150 : memref<1x512xi32, #tpu.memory_space<hbm>> -> memref<512xi32, #tpu.memory_space<hbm>>
      tpu.wait_dma2 semaphore(%run_scoped3A : memref<!tpu.dma_semaphore, #tpu.memory_space<semaphore_mem>>) src(%arg14 : memref<512xi32, #tpu.memory_space<vmem>>) dst(%dma_wait3A_151 : memref<512xi32, #tpu.memory_space<hbm>>)
      tpu.yield
    }) : () -> ()
    "tpu.region"() ({
      %run_scoped3A = tpu.sem_alloc : memref<!tpu.dma_semaphore, #tpu.memory_space<semaphore_mem>>
      %dma_start3A_140 = arith.constant 0 : i32
      %dma_start3A_141 = tpu.memref_slice %arg7[%add3A, %dma_start3A_140] : memref<32x512xi32, #tpu.memory_space<hbm>> -> memref<1x512xi32, #tpu.memory_space<hbm>>
      %dma_start3A_142 = tpu.memref_squeeze %dma_start3A_141 : memref<1x512xi32, #tpu.memory_space<hbm>> -> memref<512xi32, #tpu.memory_space<hbm>>
      %dma_start3A_143 = arith.constant 0 : i32
      %dma_start3A_144 = tpu.memref_slice %arg7[%add3A, %dma_start3A_143] : memref<32x512xi32, #tpu.memory_space<hbm>> -> memref<1x512xi32, #tpu.memory_space<hbm>>
      %dma_start3A_145 = tpu.memref_squeeze %dma_start3A_144 : memref<1x512xi32, #tpu.memory_space<hbm>> -> memref<512xi32, #tpu.memory_space<hbm>>
      tpu.enqueue_dma source(%arg15 : memref<512xi32, #tpu.memory_space<vmem>>) target(%dma_start3A_145 : memref<512xi32, #tpu.memory_space<hbm>>) target_semaphore(%run_scoped3A : memref<!tpu.dma_semaphore, #tpu.memory_space<semaphore_mem>>)
      %dma_wait3A_146 = arith.constant 0 : i32
      %dma_wait3A_147 = tpu.memref_slice %arg7[%add3A, %dma_wait3A_146] : memref<32x512xi32, #tpu.memory_space<hbm>> -> memref<1x512xi32, #tpu.memory_space<hbm>>
      %dma_wait3A_148 = tpu.memref_squeeze %dma_wait3A_147 : memref<1x512xi32, #tpu.memory_space<hbm>> -> memref<512xi32, #tpu.memory_space<hbm>>
      %dma_wait3A_149 = arith.constant 0 : i32
      %dma_wait3A_150 = tpu.memref_slice %arg7[%add3A, %dma_wait3A_149] : memref<32x512xi32, #tpu.memory_space<hbm>> -> memref<1x512xi32, #tpu.memory_space<hbm>>
      %dma_wait3A_151 = tpu.memref_squeeze %dma_wait3A_150 : memref<1x512xi32, #tpu.memory_space<hbm>> -> memref<512xi32, #tpu.memory_space<hbm>>
      tpu.wait_dma2 semaphore(%run_scoped3A : memref<!tpu.dma_semaphore, #tpu.memory_space<semaphore_mem>>) src(%arg15 : memref<512xi32, #tpu.memory_space<vmem>>) dst(%dma_wait3A_151 : memref<512xi32, #tpu.memory_space<hbm>>)
      tpu.yield
    }) : () -> ()
    "tpu.region"() ({
      %run_scoped3A = tpu.sem_alloc : memref<!tpu.dma_semaphore, #tpu.memory_space<semaphore_mem>>
      %dma_start3A_140 = arith.constant 0 : i32
      %dma_start3A_141 = tpu.memref_slice %arg8[%add3A, %dma_start3A_140] : memref<32x512xf32, #tpu.memory_space<hbm>> -> memref<1x512xf32, #tpu.memory_space<hbm>>
      %dma_start3A_142 = tpu.memref_squeeze %dma_start3A_141 : memref<1x512xf32, #tpu.memory_space<hbm>> -> memref<512xf32, #tpu.memory_space<hbm>>
      %dma_start3A_143 = arith.constant 0 : i32
      %dma_start3A_144 = tpu.memref_slice %arg8[%add3A, %dma_start3A_143] : memref<32x512xf32, #tpu.memory_space<hbm>> -> memref<1x512xf32, #tpu.memory_space<hbm>>
      %dma_start3A_145 = tpu.memref_squeeze %dma_start3A_144 : memref<1x512xf32, #tpu.memory_space<hbm>> -> memref<512xf32, #tpu.memory_space<hbm>>
      tpu.enqueue_dma source(%arg16 : memref<512xf32, #tpu.memory_space<vmem>>) target(%dma_start3A_145 : memref<512xf32, #tpu.memory_space<hbm>>) target_semaphore(%run_scoped3A : memref<!tpu.dma_semaphore, #tpu.memory_space<semaphore_mem>>)
      %dma_wait3A_146 = arith.constant 0 : i32
      %dma_wait3A_147 = tpu.memref_slice %arg8[%add3A, %dma_wait3A_146] : memref<32x512xf32, #tpu.memory_space<hbm>> -> memref<1x512xf32, #tpu.memory_space<hbm>>
      %dma_wait3A_148 = tpu.memref_squeeze %dma_wait3A_147 : memref<1x512xf32, #tpu.memory_space<hbm>> -> memref<512xf32, #tpu.memory_space<hbm>>
      %dma_wait3A_149 = arith.constant 0 : i32
      %dma_wait3A_150 = tpu.memref_slice %arg8[%add3A, %dma_wait3A_149] : memref<32x512xf32, #tpu.memory_space<hbm>> -> memref<1x512xf32, #tpu.memory_space<hbm>>
      %dma_wait3A_151 = tpu.memref_squeeze %dma_wait3A_150 : memref<1x512xf32, #tpu.memory_space<hbm>> -> memref<512xf32, #tpu.memory_space<hbm>>
      tpu.wait_dma2 semaphore(%run_scoped3A : memref<!tpu.dma_semaphore, #tpu.memory_space<semaphore_mem>>) src(%arg16 : memref<512xf32, #tpu.memory_space<vmem>>) dst(%dma_wait3A_151 : memref<512xf32, #tpu.memory_space<hbm>>)
      tpu.yield
    }) : () -> ()
    "tpu.region"() ({
      %run_scoped3A = tpu.sem_alloc : memref<!tpu.dma_semaphore, #tpu.memory_space<semaphore_mem>>
      %dma_start3A_140 = arith.constant 0 : i32
      %dma_start3A_141 = arith.constant 0 : i32
      %dma_start3A_142 = tpu.memref_slice %arg9[%add3A, %dma_start3A_140, %dma_start3A_141] : memref<32x512x32xf32, #tpu.memory_space<hbm>> -> memref<1x512x32xf32, #tpu.memory_space<hbm>>
      %dma_start3A_143 = tpu.memref_squeeze %dma_start3A_142 : memref<1x512x32xf32, #tpu.memory_space<hbm>> -> memref<512x32xf32, #tpu.memory_space<hbm>>
      %dma_start3A_144 = arith.constant 0 : i32
      %dma_start3A_145 = arith.constant 0 : i32
      %dma_start3A_146 = tpu.memref_slice %arg9[%add3A, %dma_start3A_144, %dma_start3A_145] : memref<32x512x32xf32, #tpu.memory_space<hbm>> -> memref<1x512x32xf32, #tpu.memory_space<hbm>>
      %dma_start3A_147 = tpu.memref_squeeze %dma_start3A_146 : memref<1x512x32xf32, #tpu.memory_space<hbm>> -> memref<512x32xf32, #tpu.memory_space<hbm>>
      tpu.enqueue_dma source(%arg19 : memref<512x32xf32, #tpu.memory_space<vmem>>) target(%dma_start3A_147 : memref<512x32xf32, #tpu.memory_space<hbm>>) target_semaphore(%run_scoped3A : memref<!tpu.dma_semaphore, #tpu.memory_space<semaphore_mem>>)
      %dma_wait3A_148 = arith.constant 0 : i32
      %dma_wait3A_149 = arith.constant 0 : i32
      %dma_wait3A_150 = tpu.memref_slice %arg9[%add3A, %dma_wait3A_148, %dma_wait3A_149] : memref<32x512x32xf32, #tpu.memory_space<hbm>> -> memref<1x512x32xf32, #tpu.memory_space<hbm>>
      %dma_wait3A_151 = tpu.memref_squeeze %dma_wait3A_150 : memref<1x512x32xf32, #tpu.memory_space<hbm>> -> memref<512x32xf32, #tpu.memory_space<hbm>>
      %dma_wait3A_152 = arith.constant 0 : i32
      %dma_wait3A_153 = arith.constant 0 : i32
      %dma_wait3A_154 = tpu.memref_slice %arg9[%add3A, %dma_wait3A_152, %dma_wait3A_153] : memref<32x512x32xf32, #tpu.memory_space<hbm>> -> memref<1x512x32xf32, #tpu.memory_space<hbm>>
      %dma_wait3A_155 = tpu.memref_squeeze %dma_wait3A_154 : memref<1x512x32xf32, #tpu.memory_space<hbm>> -> memref<512x32xf32, #tpu.memory_space<hbm>>
      tpu.wait_dma2 semaphore(%run_scoped3A : memref<!tpu.dma_semaphore, #tpu.memory_space<semaphore_mem>>) src(%arg19 : memref<512x32xf32, #tpu.memory_space<vmem>>) dst(%dma_wait3A_155 : memref<512x32xf32, #tpu.memory_space<hbm>>)
      tpu.yield
    }) : () -> ()
    return
  }
}

module attributes {stable_mosaic.version = 14 : i64} {
  func.func @_tc_combine(%arg0: i32, %arg1: memref<3136x32xf32, #tpu.memory_space<vmem>>, %arg2: memref<1x512x32xf32, #tpu.memory_space<vmem>>, %arg3: memref<1x1x512xi32, #tpu.memory_space<vmem>>, %arg4: memref<1x512x1xi32, #tpu.memory_space<vmem>>, %arg5: memref<1x512x1xf32, #tpu.memory_space<vmem>>, %arg6: memref<27x32x32xf32, #tpu.memory_space<vmem>>, %arg7: memref<3136x32xf32, #tpu.memory_space<vmem>>) attributes {dimension_semantics = [#tpu.dimension_semantics<arbitrary>], iteration_bounds = array<i64: 32>, scalar_prefetch = 0 : i64, scratch_operands = 0 : i64, tpu.core_type = #tpu.core_type<tc>, window_params = [{transform_indices = @transform_0, window_bounds = array<i64: 3136, 32>}, {transform_indices = @transform_1, window_bounds = array<i64: 1, 512, 32>}, {transform_indices = @transform_2, window_bounds = array<i64: 1, 1, 512>}, {transform_indices = @transform_3, window_bounds = array<i64: 1, 512, 1>}, {transform_indices = @transform_4, window_bounds = array<i64: 1, 512, 1>}, {pipeline_mode = #tpu.pipeline_mode<synchronous>, transform_indices = @transform_5, window_bounds = array<i64: 27, 32, 32>}, {transform_indices = @transform_6, window_bounds = array<i64: 3136, 32>}]} {
    %get3A = arith.constant 0 : index
    %get3A_0 = arith.constant 0 : index
    %get3A_1 = vector.load %arg1[%get3A, %get3A_0] : memref<3136x32xf32, #tpu.memory_space<vmem>>, vector<3136x32xf32>
    %get3A_2 = arith.constant 13 : index
    %get3A_3 = arith.constant 0 : index
    %get3A_4 = arith.constant 0 : index
    %get3A_5 = vector.load %arg6[%get3A_2, %get3A_3, %get3A_4] : memref<27x32x32xf32, #tpu.memory_space<vmem>>, vector<1x32x32xf32>
    %get3A_6 = vector.shape_cast %get3A_5 : vector<1x32x32xf32> to vector<32x32xf32>
    %dot_general3A = arith.constant dense<0.000000e+00> : vector<3136x32xf32>
    %dot_general3A_7 = tpu.matmul %get3A_1, %get3A_6, %dot_general3A {dimension_numbers = #tpu.dot_dimension_numbers<[1], [0], [0], [1], [0, 0, 1, 1], [], []>, transpose_lhs_hint = false} : vector<3136x32xf32>, vector<32x32xf32>, vector<3136x32xf32> -> vector<3136x32xf32>
    %get3A_8 = arith.constant 0 : index
    %get3A_9 = arith.constant 0 : index
    %get3A_10 = arith.constant 0 : index
    %get3A_11 = vector.load %arg2[%get3A_8, %get3A_9, %get3A_10] : memref<1x512x32xf32, #tpu.memory_space<vmem>>, vector<1x512x32xf32>
    %get3A_12 = vector.shape_cast %get3A_11 : vector<1x512x32xf32> to vector<512x32xf32>
    %get3A_13 = arith.constant 0 : index
    %get3A_14 = arith.constant 0 : index
    %get3A_15 = arith.constant 0 : index
    %get3A_16 = vector.load %arg4[%get3A_13, %get3A_14, %get3A_15] : memref<1x512x1xi32, #tpu.memory_space<vmem>>, vector<1x512x1xi32>
    %get3A_17 = vector.shape_cast %get3A_16 : vector<1x512x1xi32> to vector<512x1xi32>
    %get3A_18 = arith.constant 0 : index
    %get3A_19 = arith.constant 0 : index
    %get3A_20 = arith.constant 0 : index
    %get3A_21 = vector.load %arg5[%get3A_18, %get3A_19, %get3A_20] : memref<1x512x1xf32, #tpu.memory_space<vmem>>, vector<1x512x1xf32>
    %get3A_22 = vector.shape_cast %get3A_21 : vector<1x512x1xf32> to vector<512x1xf32>
    %get3A_23 = arith.constant 0 : index
    %get3A_24 = arith.constant 0 : index
    %get3A_25 = arith.constant 0 : index
    %get3A_26 = vector.load %arg3[%get3A_23, %get3A_24, %get3A_25] : memref<1x1x512xi32, #tpu.memory_space<vmem>>, vector<1x1x512xi32>
    %get3A_27 = vector.shape_cast %get3A_26 : vector<1x1x512xi32> to vector<1x512xi32>
    %mul3A = vector.broadcast %get3A_22 : vector<512x1xf32> to vector<512x32xf32>
    %mul3A_28 = arith.mulf %get3A_12, %mul3A : vector<512x32xf32>
    %broadcast_in_dim3A = arith.constant 0.000000e+00 : f32
    %broadcast_in_dim3A_29 = vector.broadcast %broadcast_in_dim3A : f32 to vector<512x32xf32>
    %eq3A = arith.constant 0 : i32
    %eq3A_30 = vector.broadcast %eq3A : i32 to vector<512x1xi32>
    %eq3A_31 = arith.cmpi eq, %get3A_17, %eq3A_30 : vector<512x1xi32>
    %jit3A = arith.constant 0.000000e+00 : f32
    %broadcast_in_dim3A_32 = vector.shape_cast %eq3A_31 : vector<512x1xi1> to vector<512x1xi1>
    %broadcast_in_dim3A_33 = vector.broadcast %broadcast_in_dim3A_32 : vector<512x1xi1> to vector<512x32xi1>
    %broadcast_in_dim3A_34 = vector.broadcast %jit3A : f32 to vector<512x32xf32>
    %select_n3A = arith.select %broadcast_in_dim3A_33, %mul3A_28, %broadcast_in_dim3A_34 : vector<512x32xi1>, vector<512x32xf32>
    %get3A_35 = arith.constant 0 : index
    %get3A_36 = arith.constant 0 : index
    %get3A_37 = arith.constant 0 : index
    %get3A_38 = vector.load %arg6[%get3A_35, %get3A_36, %get3A_37] : memref<27x32x32xf32, #tpu.memory_space<vmem>>, vector<1x32x32xf32>
    %get3A_39 = vector.shape_cast %get3A_38 : vector<1x32x32xf32> to vector<32x32xf32>
    %dot_general3A_40 = arith.constant dense<0.000000e+00> : vector<512x32xf32>
    %dot_general3A_41 = tpu.matmul %select_n3A, %get3A_39, %dot_general3A_40 {dimension_numbers = #tpu.dot_dimension_numbers<[1], [0], [0], [1], [0, 0, 1, 1], [], []>, transpose_lhs_hint = false} : vector<512x32xf32>, vector<32x32xf32>, vector<512x32xf32> -> vector<512x32xf32>
    %add3A = arith.addf %broadcast_in_dim3A_29, %dot_general3A_41 : vector<512x32xf32>
    %eq3A_42 = arith.constant 1 : i32
    %eq3A_43 = vector.broadcast %eq3A_42 : i32 to vector<512x1xi32>
    %eq3A_44 = arith.cmpi eq, %get3A_17, %eq3A_43 : vector<512x1xi32>
    %jit3A_45 = arith.constant 0.000000e+00 : f32
    %broadcast_in_dim3A_46 = vector.shape_cast %eq3A_44 : vector<512x1xi1> to vector<512x1xi1>
    %broadcast_in_dim3A_47 = vector.broadcast %broadcast_in_dim3A_46 : vector<512x1xi1> to vector<512x32xi1>
    %broadcast_in_dim3A_48 = vector.broadcast %jit3A_45 : f32 to vector<512x32xf32>
    %select_n3A_49 = arith.select %broadcast_in_dim3A_47, %mul3A_28, %broadcast_in_dim3A_48 : vector<512x32xi1>, vector<512x32xf32>
    %get3A_50 = arith.constant 1 : index
    %get3A_51 = arith.constant 0 : index
    %get3A_52 = arith.constant 0 : index
    %get3A_53 = vector.load %arg6[%get3A_50, %get3A_51, %get3A_52] : memref<27x32x32xf32, #tpu.memory_space<vmem>>, vector<1x32x32xf32>
    %get3A_54 = vector.shape_cast %get3A_53 : vector<1x32x32xf32> to vector<32x32xf32>
    %dot_general3A_55 = arith.constant dense<0.000000e+00> : vector<512x32xf32>
    %dot_general3A_56 = tpu.matmul %select_n3A_49, %get3A_54, %dot_general3A_55 {dimension_numbers = #tpu.dot_dimension_numbers<[1], [0], [0], [1], [0, 0, 1, 1], [], []>, transpose_lhs_hint = false} : vector<512x32xf32>, vector<32x32xf32>, vector<512x32xf32> -> vector<512x32xf32>
    %add3A_57 = arith.addf %add3A, %dot_general3A_56 : vector<512x32xf32>
    %eq3A_58 = arith.constant 2 : i32
    %eq3A_59 = vector.broadcast %eq3A_58 : i32 to vector<512x1xi32>
    %eq3A_60 = arith.cmpi eq, %get3A_17, %eq3A_59 : vector<512x1xi32>
    %jit3A_61 = arith.constant 0.000000e+00 : f32
    %broadcast_in_dim3A_62 = vector.shape_cast %eq3A_60 : vector<512x1xi1> to vector<512x1xi1>
    %broadcast_in_dim3A_63 = vector.broadcast %broadcast_in_dim3A_62 : vector<512x1xi1> to vector<512x32xi1>
    %broadcast_in_dim3A_64 = vector.broadcast %jit3A_61 : f32 to vector<512x32xf32>
    %select_n3A_65 = arith.select %broadcast_in_dim3A_63, %mul3A_28, %broadcast_in_dim3A_64 : vector<512x32xi1>, vector<512x32xf32>
    %get3A_66 = arith.constant 2 : index
    %get3A_67 = arith.constant 0 : index
    %get3A_68 = arith.constant 0 : index
    %get3A_69 = vector.load %arg6[%get3A_66, %get3A_67, %get3A_68] : memref<27x32x32xf32, #tpu.memory_space<vmem>>, vector<1x32x32xf32>
    %get3A_70 = vector.shape_cast %get3A_69 : vector<1x32x32xf32> to vector<32x32xf32>
    %dot_general3A_71 = arith.constant dense<0.000000e+00> : vector<512x32xf32>
    %dot_general3A_72 = tpu.matmul %select_n3A_65, %get3A_70, %dot_general3A_71 {dimension_numbers = #tpu.dot_dimension_numbers<[1], [0], [0], [1], [0, 0, 1, 1], [], []>, transpose_lhs_hint = false} : vector<512x32xf32>, vector<32x32xf32>, vector<512x32xf32> -> vector<512x32xf32>
    %add3A_73 = arith.addf %add3A_57, %dot_general3A_72 : vector<512x32xf32>
    %eq3A_74 = arith.constant 3 : i32
    %eq3A_75 = vector.broadcast %eq3A_74 : i32 to vector<512x1xi32>
    %eq3A_76 = arith.cmpi eq, %get3A_17, %eq3A_75 : vector<512x1xi32>
    %jit3A_77 = arith.constant 0.000000e+00 : f32
    %broadcast_in_dim3A_78 = vector.shape_cast %eq3A_76 : vector<512x1xi1> to vector<512x1xi1>
    %broadcast_in_dim3A_79 = vector.broadcast %broadcast_in_dim3A_78 : vector<512x1xi1> to vector<512x32xi1>
    %broadcast_in_dim3A_80 = vector.broadcast %jit3A_77 : f32 to vector<512x32xf32>
    %select_n3A_81 = arith.select %broadcast_in_dim3A_79, %mul3A_28, %broadcast_in_dim3A_80 : vector<512x32xi1>, vector<512x32xf32>
    %get3A_82 = arith.constant 3 : index
    %get3A_83 = arith.constant 0 : index
    %get3A_84 = arith.constant 0 : index
    %get3A_85 = vector.load %arg6[%get3A_82, %get3A_83, %get3A_84] : memref<27x32x32xf32, #tpu.memory_space<vmem>>, vector<1x32x32xf32>
    %get3A_86 = vector.shape_cast %get3A_85 : vector<1x32x32xf32> to vector<32x32xf32>
    %dot_general3A_87 = arith.constant dense<0.000000e+00> : vector<512x32xf32>
    %dot_general3A_88 = tpu.matmul %select_n3A_81, %get3A_86, %dot_general3A_87 {dimension_numbers = #tpu.dot_dimension_numbers<[1], [0], [0], [1], [0, 0, 1, 1], [], []>, transpose_lhs_hint = false} : vector<512x32xf32>, vector<32x32xf32>, vector<512x32xf32> -> vector<512x32xf32>
    %add3A_89 = arith.addf %add3A_73, %dot_general3A_88 : vector<512x32xf32>
    %eq3A_90 = arith.constant 4 : i32
    %eq3A_91 = vector.broadcast %eq3A_90 : i32 to vector<512x1xi32>
    %eq3A_92 = arith.cmpi eq, %get3A_17, %eq3A_91 : vector<512x1xi32>
    %jit3A_93 = arith.constant 0.000000e+00 : f32
    %broadcast_in_dim3A_94 = vector.shape_cast %eq3A_92 : vector<512x1xi1> to vector<512x1xi1>
    %broadcast_in_dim3A_95 = vector.broadcast %broadcast_in_dim3A_94 : vector<512x1xi1> to vector<512x32xi1>
    %broadcast_in_dim3A_96 = vector.broadcast %jit3A_93 : f32 to vector<512x32xf32>
    %select_n3A_97 = arith.select %broadcast_in_dim3A_95, %mul3A_28, %broadcast_in_dim3A_96 : vector<512x32xi1>, vector<512x32xf32>
    %get3A_98 = arith.constant 4 : index
    %get3A_99 = arith.constant 0 : index
    %get3A_100 = arith.constant 0 : index
    %get3A_101 = vector.load %arg6[%get3A_98, %get3A_99, %get3A_100] : memref<27x32x32xf32, #tpu.memory_space<vmem>>, vector<1x32x32xf32>
    %get3A_102 = vector.shape_cast %get3A_101 : vector<1x32x32xf32> to vector<32x32xf32>
    %dot_general3A_103 = arith.constant dense<0.000000e+00> : vector<512x32xf32>
    %dot_general3A_104 = tpu.matmul %select_n3A_97, %get3A_102, %dot_general3A_103 {dimension_numbers = #tpu.dot_dimension_numbers<[1], [0], [0], [1], [0, 0, 1, 1], [], []>, transpose_lhs_hint = false} : vector<512x32xf32>, vector<32x32xf32>, vector<512x32xf32> -> vector<512x32xf32>
    %add3A_105 = arith.addf %add3A_89, %dot_general3A_104 : vector<512x32xf32>
    %eq3A_106 = arith.constant 5 : i32
    %eq3A_107 = vector.broadcast %eq3A_106 : i32 to vector<512x1xi32>
    %eq3A_108 = arith.cmpi eq, %get3A_17, %eq3A_107 : vector<512x1xi32>
    %jit3A_109 = arith.constant 0.000000e+00 : f32
    %broadcast_in_dim3A_110 = vector.shape_cast %eq3A_108 : vector<512x1xi1> to vector<512x1xi1>
    %broadcast_in_dim3A_111 = vector.broadcast %broadcast_in_dim3A_110 : vector<512x1xi1> to vector<512x32xi1>
    %broadcast_in_dim3A_112 = vector.broadcast %jit3A_109 : f32 to vector<512x32xf32>
    %select_n3A_113 = arith.select %broadcast_in_dim3A_111, %mul3A_28, %broadcast_in_dim3A_112 : vector<512x32xi1>, vector<512x32xf32>
    %get3A_114 = arith.constant 5 : index
    %get3A_115 = arith.constant 0 : index
    %get3A_116 = arith.constant 0 : index
    %get3A_117 = vector.load %arg6[%get3A_114, %get3A_115, %get3A_116] : memref<27x32x32xf32, #tpu.memory_space<vmem>>, vector<1x32x32xf32>
    %get3A_118 = vector.shape_cast %get3A_117 : vector<1x32x32xf32> to vector<32x32xf32>
    %dot_general3A_119 = arith.constant dense<0.000000e+00> : vector<512x32xf32>
    %dot_general3A_120 = tpu.matmul %select_n3A_113, %get3A_118, %dot_general3A_119 {dimension_numbers = #tpu.dot_dimension_numbers<[1], [0], [0], [1], [0, 0, 1, 1], [], []>, transpose_lhs_hint = false} : vector<512x32xf32>, vector<32x32xf32>, vector<512x32xf32> -> vector<512x32xf32>
    %add3A_121 = arith.addf %add3A_105, %dot_general3A_120 : vector<512x32xf32>
    %eq3A_122 = arith.constant 6 : i32
    %eq3A_123 = vector.broadcast %eq3A_122 : i32 to vector<512x1xi32>
    %eq3A_124 = arith.cmpi eq, %get3A_17, %eq3A_123 : vector<512x1xi32>
    %jit3A_125 = arith.constant 0.000000e+00 : f32
    %broadcast_in_dim3A_126 = vector.shape_cast %eq3A_124 : vector<512x1xi1> to vector<512x1xi1>
    %broadcast_in_dim3A_127 = vector.broadcast %broadcast_in_dim3A_126 : vector<512x1xi1> to vector<512x32xi1>
    %broadcast_in_dim3A_128 = vector.broadcast %jit3A_125 : f32 to vector<512x32xf32>
    %select_n3A_129 = arith.select %broadcast_in_dim3A_127, %mul3A_28, %broadcast_in_dim3A_128 : vector<512x32xi1>, vector<512x32xf32>
    %get3A_130 = arith.constant 6 : index
    %get3A_131 = arith.constant 0 : index
    %get3A_132 = arith.constant 0 : index
    %get3A_133 = vector.load %arg6[%get3A_130, %get3A_131, %get3A_132] : memref<27x32x32xf32, #tpu.memory_space<vmem>>, vector<1x32x32xf32>
    %get3A_134 = vector.shape_cast %get3A_133 : vector<1x32x32xf32> to vector<32x32xf32>
    %dot_general3A_135 = arith.constant dense<0.000000e+00> : vector<512x32xf32>
    %dot_general3A_136 = tpu.matmul %select_n3A_129, %get3A_134, %dot_general3A_135 {dimension_numbers = #tpu.dot_dimension_numbers<[1], [0], [0], [1], [0, 0, 1, 1], [], []>, transpose_lhs_hint = false} : vector<512x32xf32>, vector<32x32xf32>, vector<512x32xf32> -> vector<512x32xf32>
    %add3A_137 = arith.addf %add3A_121, %dot_general3A_136 : vector<512x32xf32>
    %eq3A_138 = arith.constant 7 : i32
    %eq3A_139 = vector.broadcast %eq3A_138 : i32 to vector<512x1xi32>
    %eq3A_140 = arith.cmpi eq, %get3A_17, %eq3A_139 : vector<512x1xi32>
    %jit3A_141 = arith.constant 0.000000e+00 : f32
    %broadcast_in_dim3A_142 = vector.shape_cast %eq3A_140 : vector<512x1xi1> to vector<512x1xi1>
    %broadcast_in_dim3A_143 = vector.broadcast %broadcast_in_dim3A_142 : vector<512x1xi1> to vector<512x32xi1>
    %broadcast_in_dim3A_144 = vector.broadcast %jit3A_141 : f32 to vector<512x32xf32>
    %select_n3A_145 = arith.select %broadcast_in_dim3A_143, %mul3A_28, %broadcast_in_dim3A_144 : vector<512x32xi1>, vector<512x32xf32>
    %get3A_146 = arith.constant 7 : index
    %get3A_147 = arith.constant 0 : index
    %get3A_148 = arith.constant 0 : index
    %get3A_149 = vector.load %arg6[%get3A_146, %get3A_147, %get3A_148] : memref<27x32x32xf32, #tpu.memory_space<vmem>>, vector<1x32x32xf32>
    %get3A_150 = vector.shape_cast %get3A_149 : vector<1x32x32xf32> to vector<32x32xf32>
    %dot_general3A_151 = arith.constant dense<0.000000e+00> : vector<512x32xf32>
    %dot_general3A_152 = tpu.matmul %select_n3A_145, %get3A_150, %dot_general3A_151 {dimension_numbers = #tpu.dot_dimension_numbers<[1], [0], [0], [1], [0, 0, 1, 1], [], []>, transpose_lhs_hint = false} : vector<512x32xf32>, vector<32x32xf32>, vector<512x32xf32> -> vector<512x32xf32>
    %add3A_153 = arith.addf %add3A_137, %dot_general3A_152 : vector<512x32xf32>
    %eq3A_154 = arith.constant 8 : i32
    %eq3A_155 = vector.broadcast %eq3A_154 : i32 to vector<512x1xi32>
    %eq3A_156 = arith.cmpi eq, %get3A_17, %eq3A_155 : vector<512x1xi32>
    %jit3A_157 = arith.constant 0.000000e+00 : f32
    %broadcast_in_dim3A_158 = vector.shape_cast %eq3A_156 : vector<512x1xi1> to vector<512x1xi1>
    %broadcast_in_dim3A_159 = vector.broadcast %broadcast_in_dim3A_158 : vector<512x1xi1> to vector<512x32xi1>
    %broadcast_in_dim3A_160 = vector.broadcast %jit3A_157 : f32 to vector<512x32xf32>
    %select_n3A_161 = arith.select %broadcast_in_dim3A_159, %mul3A_28, %broadcast_in_dim3A_160 : vector<512x32xi1>, vector<512x32xf32>
    %get3A_162 = arith.constant 8 : index
    %get3A_163 = arith.constant 0 : index
    %get3A_164 = arith.constant 0 : index
    %get3A_165 = vector.load %arg6[%get3A_162, %get3A_163, %get3A_164] : memref<27x32x32xf32, #tpu.memory_space<vmem>>, vector<1x32x32xf32>
    %get3A_166 = vector.shape_cast %get3A_165 : vector<1x32x32xf32> to vector<32x32xf32>
    %dot_general3A_167 = arith.constant dense<0.000000e+00> : vector<512x32xf32>
    %dot_general3A_168 = tpu.matmul %select_n3A_161, %get3A_166, %dot_general3A_167 {dimension_numbers = #tpu.dot_dimension_numbers<[1], [0], [0], [1], [0, 0, 1, 1], [], []>, transpose_lhs_hint = false} : vector<512x32xf32>, vector<32x32xf32>, vector<512x32xf32> -> vector<512x32xf32>
    %add3A_169 = arith.addf %add3A_153, %dot_general3A_168 : vector<512x32xf32>
    %eq3A_170 = arith.constant 9 : i32
    %eq3A_171 = vector.broadcast %eq3A_170 : i32 to vector<512x1xi32>
    %eq3A_172 = arith.cmpi eq, %get3A_17, %eq3A_171 : vector<512x1xi32>
    %jit3A_173 = arith.constant 0.000000e+00 : f32
    %broadcast_in_dim3A_174 = vector.shape_cast %eq3A_172 : vector<512x1xi1> to vector<512x1xi1>
    %broadcast_in_dim3A_175 = vector.broadcast %broadcast_in_dim3A_174 : vector<512x1xi1> to vector<512x32xi1>
    %broadcast_in_dim3A_176 = vector.broadcast %jit3A_173 : f32 to vector<512x32xf32>
    %select_n3A_177 = arith.select %broadcast_in_dim3A_175, %mul3A_28, %broadcast_in_dim3A_176 : vector<512x32xi1>, vector<512x32xf32>
    %get3A_178 = arith.constant 9 : index
    %get3A_179 = arith.constant 0 : index
    %get3A_180 = arith.constant 0 : index
    %get3A_181 = vector.load %arg6[%get3A_178, %get3A_179, %get3A_180] : memref<27x32x32xf32, #tpu.memory_space<vmem>>, vector<1x32x32xf32>
    %get3A_182 = vector.shape_cast %get3A_181 : vector<1x32x32xf32> to vector<32x32xf32>
    %dot_general3A_183 = arith.constant dense<0.000000e+00> : vector<512x32xf32>
    %dot_general3A_184 = tpu.matmul %select_n3A_177, %get3A_182, %dot_general3A_183 {dimension_numbers = #tpu.dot_dimension_numbers<[1], [0], [0], [1], [0, 0, 1, 1], [], []>, transpose_lhs_hint = false} : vector<512x32xf32>, vector<32x32xf32>, vector<512x32xf32> -> vector<512x32xf32>
    %add3A_185 = arith.addf %add3A_169, %dot_general3A_184 : vector<512x32xf32>
    %eq3A_186 = arith.constant 10 : i32
    %eq3A_187 = vector.broadcast %eq3A_186 : i32 to vector<512x1xi32>
    %eq3A_188 = arith.cmpi eq, %get3A_17, %eq3A_187 : vector<512x1xi32>
    %jit3A_189 = arith.constant 0.000000e+00 : f32
    %broadcast_in_dim3A_190 = vector.shape_cast %eq3A_188 : vector<512x1xi1> to vector<512x1xi1>
    %broadcast_in_dim3A_191 = vector.broadcast %broadcast_in_dim3A_190 : vector<512x1xi1> to vector<512x32xi1>
    %broadcast_in_dim3A_192 = vector.broadcast %jit3A_189 : f32 to vector<512x32xf32>
    %select_n3A_193 = arith.select %broadcast_in_dim3A_191, %mul3A_28, %broadcast_in_dim3A_192 : vector<512x32xi1>, vector<512x32xf32>
    %get3A_194 = arith.constant 10 : index
    %get3A_195 = arith.constant 0 : index
    %get3A_196 = arith.constant 0 : index
    %get3A_197 = vector.load %arg6[%get3A_194, %get3A_195, %get3A_196] : memref<27x32x32xf32, #tpu.memory_space<vmem>>, vector<1x32x32xf32>
    %get3A_198 = vector.shape_cast %get3A_197 : vector<1x32x32xf32> to vector<32x32xf32>
    %dot_general3A_199 = arith.constant dense<0.000000e+00> : vector<512x32xf32>
    %dot_general3A_200 = tpu.matmul %select_n3A_193, %get3A_198, %dot_general3A_199 {dimension_numbers = #tpu.dot_dimension_numbers<[1], [0], [0], [1], [0, 0, 1, 1], [], []>, transpose_lhs_hint = false} : vector<512x32xf32>, vector<32x32xf32>, vector<512x32xf32> -> vector<512x32xf32>
    %add3A_201 = arith.addf %add3A_185, %dot_general3A_200 : vector<512x32xf32>
    %eq3A_202 = arith.constant 11 : i32
    %eq3A_203 = vector.broadcast %eq3A_202 : i32 to vector<512x1xi32>
    %eq3A_204 = arith.cmpi eq, %get3A_17, %eq3A_203 : vector<512x1xi32>
    %jit3A_205 = arith.constant 0.000000e+00 : f32
    %broadcast_in_dim3A_206 = vector.shape_cast %eq3A_204 : vector<512x1xi1> to vector<512x1xi1>
    %broadcast_in_dim3A_207 = vector.broadcast %broadcast_in_dim3A_206 : vector<512x1xi1> to vector<512x32xi1>
    %broadcast_in_dim3A_208 = vector.broadcast %jit3A_205 : f32 to vector<512x32xf32>
    %select_n3A_209 = arith.select %broadcast_in_dim3A_207, %mul3A_28, %broadcast_in_dim3A_208 : vector<512x32xi1>, vector<512x32xf32>
    %get3A_210 = arith.constant 11 : index
    %get3A_211 = arith.constant 0 : index
    %get3A_212 = arith.constant 0 : index
    %get3A_213 = vector.load %arg6[%get3A_210, %get3A_211, %get3A_212] : memref<27x32x32xf32, #tpu.memory_space<vmem>>, vector<1x32x32xf32>
    %get3A_214 = vector.shape_cast %get3A_213 : vector<1x32x32xf32> to vector<32x32xf32>
    %dot_general3A_215 = arith.constant dense<0.000000e+00> : vector<512x32xf32>
    %dot_general3A_216 = tpu.matmul %select_n3A_209, %get3A_214, %dot_general3A_215 {dimension_numbers = #tpu.dot_dimension_numbers<[1], [0], [0], [1], [0, 0, 1, 1], [], []>, transpose_lhs_hint = false} : vector<512x32xf32>, vector<32x32xf32>, vector<512x32xf32> -> vector<512x32xf32>
    %add3A_217 = arith.addf %add3A_201, %dot_general3A_216 : vector<512x32xf32>
    %eq3A_218 = arith.constant 12 : i32
    %eq3A_219 = vector.broadcast %eq3A_218 : i32 to vector<512x1xi32>
    %eq3A_220 = arith.cmpi eq, %get3A_17, %eq3A_219 : vector<512x1xi32>
    %jit3A_221 = arith.constant 0.000000e+00 : f32
    %broadcast_in_dim3A_222 = vector.shape_cast %eq3A_220 : vector<512x1xi1> to vector<512x1xi1>
    %broadcast_in_dim3A_223 = vector.broadcast %broadcast_in_dim3A_222 : vector<512x1xi1> to vector<512x32xi1>
    %broadcast_in_dim3A_224 = vector.broadcast %jit3A_221 : f32 to vector<512x32xf32>
    %select_n3A_225 = arith.select %broadcast_in_dim3A_223, %mul3A_28, %broadcast_in_dim3A_224 : vector<512x32xi1>, vector<512x32xf32>
    %get3A_226 = arith.constant 12 : index
    %get3A_227 = arith.constant 0 : index
    %get3A_228 = arith.constant 0 : index
    %get3A_229 = vector.load %arg6[%get3A_226, %get3A_227, %get3A_228] : memref<27x32x32xf32, #tpu.memory_space<vmem>>, vector<1x32x32xf32>
    %get3A_230 = vector.shape_cast %get3A_229 : vector<1x32x32xf32> to vector<32x32xf32>
    %dot_general3A_231 = arith.constant dense<0.000000e+00> : vector<512x32xf32>
    %dot_general3A_232 = tpu.matmul %select_n3A_225, %get3A_230, %dot_general3A_231 {dimension_numbers = #tpu.dot_dimension_numbers<[1], [0], [0], [1], [0, 0, 1, 1], [], []>, transpose_lhs_hint = false} : vector<512x32xf32>, vector<32x32xf32>, vector<512x32xf32> -> vector<512x32xf32>
    %add3A_233 = arith.addf %add3A_217, %dot_general3A_232 : vector<512x32xf32>
    %eq3A_234 = arith.constant 13 : i32
    %eq3A_235 = vector.broadcast %eq3A_234 : i32 to vector<512x1xi32>
    %eq3A_236 = arith.cmpi eq, %get3A_17, %eq3A_235 : vector<512x1xi32>
    %jit3A_237 = arith.constant 0.000000e+00 : f32
    %broadcast_in_dim3A_238 = vector.shape_cast %eq3A_236 : vector<512x1xi1> to vector<512x1xi1>
    %broadcast_in_dim3A_239 = vector.broadcast %broadcast_in_dim3A_238 : vector<512x1xi1> to vector<512x32xi1>
    %broadcast_in_dim3A_240 = vector.broadcast %jit3A_237 : f32 to vector<512x32xf32>
    %select_n3A_241 = arith.select %broadcast_in_dim3A_239, %mul3A_28, %broadcast_in_dim3A_240 : vector<512x32xi1>, vector<512x32xf32>
    %get3A_242 = arith.constant 13 : index
    %get3A_243 = arith.constant 0 : index
    %get3A_244 = arith.constant 0 : index
    %get3A_245 = vector.load %arg6[%get3A_242, %get3A_243, %get3A_244] : memref<27x32x32xf32, #tpu.memory_space<vmem>>, vector<1x32x32xf32>
    %get3A_246 = vector.shape_cast %get3A_245 : vector<1x32x32xf32> to vector<32x32xf32>
    %dot_general3A_247 = arith.constant dense<0.000000e+00> : vector<512x32xf32>
    %dot_general3A_248 = tpu.matmul %select_n3A_241, %get3A_246, %dot_general3A_247 {dimension_numbers = #tpu.dot_dimension_numbers<[1], [0], [0], [1], [0, 0, 1, 1], [], []>, transpose_lhs_hint = false} : vector<512x32xf32>, vector<32x32xf32>, vector<512x32xf32> -> vector<512x32xf32>
    %add3A_249 = arith.addf %add3A_233, %dot_general3A_248 : vector<512x32xf32>
    %eq3A_250 = arith.constant 14 : i32
    %eq3A_251 = vector.broadcast %eq3A_250 : i32 to vector<512x1xi32>
    %eq3A_252 = arith.cmpi eq, %get3A_17, %eq3A_251 : vector<512x1xi32>
    %jit3A_253 = arith.constant 0.000000e+00 : f32
    %broadcast_in_dim3A_254 = vector.shape_cast %eq3A_252 : vector<512x1xi1> to vector<512x1xi1>
    %broadcast_in_dim3A_255 = vector.broadcast %broadcast_in_dim3A_254 : vector<512x1xi1> to vector<512x32xi1>
    %broadcast_in_dim3A_256 = vector.broadcast %jit3A_253 : f32 to vector<512x32xf32>
    %select_n3A_257 = arith.select %broadcast_in_dim3A_255, %mul3A_28, %broadcast_in_dim3A_256 : vector<512x32xi1>, vector<512x32xf32>
    %get3A_258 = arith.constant 14 : index
    %get3A_259 = arith.constant 0 : index
    %get3A_260 = arith.constant 0 : index
    %get3A_261 = vector.load %arg6[%get3A_258, %get3A_259, %get3A_260] : memref<27x32x32xf32, #tpu.memory_space<vmem>>, vector<1x32x32xf32>
    %get3A_262 = vector.shape_cast %get3A_261 : vector<1x32x32xf32> to vector<32x32xf32>
    %dot_general3A_263 = arith.constant dense<0.000000e+00> : vector<512x32xf32>
    %dot_general3A_264 = tpu.matmul %select_n3A_257, %get3A_262, %dot_general3A_263 {dimension_numbers = #tpu.dot_dimension_numbers<[1], [0], [0], [1], [0, 0, 1, 1], [], []>, transpose_lhs_hint = false} : vector<512x32xf32>, vector<32x32xf32>, vector<512x32xf32> -> vector<512x32xf32>
    %add3A_265 = arith.addf %add3A_249, %dot_general3A_264 : vector<512x32xf32>
    %eq3A_266 = arith.constant 15 : i32
    %eq3A_267 = vector.broadcast %eq3A_266 : i32 to vector<512x1xi32>
    %eq3A_268 = arith.cmpi eq, %get3A_17, %eq3A_267 : vector<512x1xi32>
    %jit3A_269 = arith.constant 0.000000e+00 : f32
    %broadcast_in_dim3A_270 = vector.shape_cast %eq3A_268 : vector<512x1xi1> to vector<512x1xi1>
    %broadcast_in_dim3A_271 = vector.broadcast %broadcast_in_dim3A_270 : vector<512x1xi1> to vector<512x32xi1>
    %broadcast_in_dim3A_272 = vector.broadcast %jit3A_269 : f32 to vector<512x32xf32>
    %select_n3A_273 = arith.select %broadcast_in_dim3A_271, %mul3A_28, %broadcast_in_dim3A_272 : vector<512x32xi1>, vector<512x32xf32>
    %get3A_274 = arith.constant 15 : index
    %get3A_275 = arith.constant 0 : index
    %get3A_276 = arith.constant 0 : index
    %get3A_277 = vector.load %arg6[%get3A_274, %get3A_275, %get3A_276] : memref<27x32x32xf32, #tpu.memory_space<vmem>>, vector<1x32x32xf32>
    %get3A_278 = vector.shape_cast %get3A_277 : vector<1x32x32xf32> to vector<32x32xf32>
    %dot_general3A_279 = arith.constant dense<0.000000e+00> : vector<512x32xf32>
    %dot_general3A_280 = tpu.matmul %select_n3A_273, %get3A_278, %dot_general3A_279 {dimension_numbers = #tpu.dot_dimension_numbers<[1], [0], [0], [1], [0, 0, 1, 1], [], []>, transpose_lhs_hint = false} : vector<512x32xf32>, vector<32x32xf32>, vector<512x32xf32> -> vector<512x32xf32>
    %add3A_281 = arith.addf %add3A_265, %dot_general3A_280 : vector<512x32xf32>
    %eq3A_282 = arith.constant 16 : i32
    %eq3A_283 = vector.broadcast %eq3A_282 : i32 to vector<512x1xi32>
    %eq3A_284 = arith.cmpi eq, %get3A_17, %eq3A_283 : vector<512x1xi32>
    %jit3A_285 = arith.constant 0.000000e+00 : f32
    %broadcast_in_dim3A_286 = vector.shape_cast %eq3A_284 : vector<512x1xi1> to vector<512x1xi1>
    %broadcast_in_dim3A_287 = vector.broadcast %broadcast_in_dim3A_286 : vector<512x1xi1> to vector<512x32xi1>
    %broadcast_in_dim3A_288 = vector.broadcast %jit3A_285 : f32 to vector<512x32xf32>
    %select_n3A_289 = arith.select %broadcast_in_dim3A_287, %mul3A_28, %broadcast_in_dim3A_288 : vector<512x32xi1>, vector<512x32xf32>
    %get3A_290 = arith.constant 16 : index
    %get3A_291 = arith.constant 0 : index
    %get3A_292 = arith.constant 0 : index
    %get3A_293 = vector.load %arg6[%get3A_290, %get3A_291, %get3A_292] : memref<27x32x32xf32, #tpu.memory_space<vmem>>, vector<1x32x32xf32>
    %get3A_294 = vector.shape_cast %get3A_293 : vector<1x32x32xf32> to vector<32x32xf32>
    %dot_general3A_295 = arith.constant dense<0.000000e+00> : vector<512x32xf32>
    %dot_general3A_296 = tpu.matmul %select_n3A_289, %get3A_294, %dot_general3A_295 {dimension_numbers = #tpu.dot_dimension_numbers<[1], [0], [0], [1], [0, 0, 1, 1], [], []>, transpose_lhs_hint = false} : vector<512x32xf32>, vector<32x32xf32>, vector<512x32xf32> -> vector<512x32xf32>
    %add3A_297 = arith.addf %add3A_281, %dot_general3A_296 : vector<512x32xf32>
    %eq3A_298 = arith.constant 17 : i32
    %eq3A_299 = vector.broadcast %eq3A_298 : i32 to vector<512x1xi32>
    %eq3A_300 = arith.cmpi eq, %get3A_17, %eq3A_299 : vector<512x1xi32>
    %jit3A_301 = arith.constant 0.000000e+00 : f32
    %broadcast_in_dim3A_302 = vector.shape_cast %eq3A_300 : vector<512x1xi1> to vector<512x1xi1>
    %broadcast_in_dim3A_303 = vector.broadcast %broadcast_in_dim3A_302 : vector<512x1xi1> to vector<512x32xi1>
    %broadcast_in_dim3A_304 = vector.broadcast %jit3A_301 : f32 to vector<512x32xf32>
    %select_n3A_305 = arith.select %broadcast_in_dim3A_303, %mul3A_28, %broadcast_in_dim3A_304 : vector<512x32xi1>, vector<512x32xf32>
    %get3A_306 = arith.constant 17 : index
    %get3A_307 = arith.constant 0 : index
    %get3A_308 = arith.constant 0 : index
    %get3A_309 = vector.load %arg6[%get3A_306, %get3A_307, %get3A_308] : memref<27x32x32xf32, #tpu.memory_space<vmem>>, vector<1x32x32xf32>
    %get3A_310 = vector.shape_cast %get3A_309 : vector<1x32x32xf32> to vector<32x32xf32>
    %dot_general3A_311 = arith.constant dense<0.000000e+00> : vector<512x32xf32>
    %dot_general3A_312 = tpu.matmul %select_n3A_305, %get3A_310, %dot_general3A_311 {dimension_numbers = #tpu.dot_dimension_numbers<[1], [0], [0], [1], [0, 0, 1, 1], [], []>, transpose_lhs_hint = false} : vector<512x32xf32>, vector<32x32xf32>, vector<512x32xf32> -> vector<512x32xf32>
    %add3A_313 = arith.addf %add3A_297, %dot_general3A_312 : vector<512x32xf32>
    %eq3A_314 = arith.constant 18 : i32
    %eq3A_315 = vector.broadcast %eq3A_314 : i32 to vector<512x1xi32>
    %eq3A_316 = arith.cmpi eq, %get3A_17, %eq3A_315 : vector<512x1xi32>
    %jit3A_317 = arith.constant 0.000000e+00 : f32
    %broadcast_in_dim3A_318 = vector.shape_cast %eq3A_316 : vector<512x1xi1> to vector<512x1xi1>
    %broadcast_in_dim3A_319 = vector.broadcast %broadcast_in_dim3A_318 : vector<512x1xi1> to vector<512x32xi1>
    %broadcast_in_dim3A_320 = vector.broadcast %jit3A_317 : f32 to vector<512x32xf32>
    %select_n3A_321 = arith.select %broadcast_in_dim3A_319, %mul3A_28, %broadcast_in_dim3A_320 : vector<512x32xi1>, vector<512x32xf32>
    %get3A_322 = arith.constant 18 : index
    %get3A_323 = arith.constant 0 : index
    %get3A_324 = arith.constant 0 : index
    %get3A_325 = vector.load %arg6[%get3A_322, %get3A_323, %get3A_324] : memref<27x32x32xf32, #tpu.memory_space<vmem>>, vector<1x32x32xf32>
    %get3A_326 = vector.shape_cast %get3A_325 : vector<1x32x32xf32> to vector<32x32xf32>
    %dot_general3A_327 = arith.constant dense<0.000000e+00> : vector<512x32xf32>
    %dot_general3A_328 = tpu.matmul %select_n3A_321, %get3A_326, %dot_general3A_327 {dimension_numbers = #tpu.dot_dimension_numbers<[1], [0], [0], [1], [0, 0, 1, 1], [], []>, transpose_lhs_hint = false} : vector<512x32xf32>, vector<32x32xf32>, vector<512x32xf32> -> vector<512x32xf32>
    %add3A_329 = arith.addf %add3A_313, %dot_general3A_328 : vector<512x32xf32>
    %eq3A_330 = arith.constant 19 : i32
    %eq3A_331 = vector.broadcast %eq3A_330 : i32 to vector<512x1xi32>
    %eq3A_332 = arith.cmpi eq, %get3A_17, %eq3A_331 : vector<512x1xi32>
    %jit3A_333 = arith.constant 0.000000e+00 : f32
    %broadcast_in_dim3A_334 = vector.shape_cast %eq3A_332 : vector<512x1xi1> to vector<512x1xi1>
    %broadcast_in_dim3A_335 = vector.broadcast %broadcast_in_dim3A_334 : vector<512x1xi1> to vector<512x32xi1>
    %broadcast_in_dim3A_336 = vector.broadcast %jit3A_333 : f32 to vector<512x32xf32>
    %select_n3A_337 = arith.select %broadcast_in_dim3A_335, %mul3A_28, %broadcast_in_dim3A_336 : vector<512x32xi1>, vector<512x32xf32>
    %get3A_338 = arith.constant 19 : index
    %get3A_339 = arith.constant 0 : index
    %get3A_340 = arith.constant 0 : index
    %get3A_341 = vector.load %arg6[%get3A_338, %get3A_339, %get3A_340] : memref<27x32x32xf32, #tpu.memory_space<vmem>>, vector<1x32x32xf32>
    %get3A_342 = vector.shape_cast %get3A_341 : vector<1x32x32xf32> to vector<32x32xf32>
    %dot_general3A_343 = arith.constant dense<0.000000e+00> : vector<512x32xf32>
    %dot_general3A_344 = tpu.matmul %select_n3A_337, %get3A_342, %dot_general3A_343 {dimension_numbers = #tpu.dot_dimension_numbers<[1], [0], [0], [1], [0, 0, 1, 1], [], []>, transpose_lhs_hint = false} : vector<512x32xf32>, vector<32x32xf32>, vector<512x32xf32> -> vector<512x32xf32>
    %add3A_345 = arith.addf %add3A_329, %dot_general3A_344 : vector<512x32xf32>
    %eq3A_346 = arith.constant 20 : i32
    %eq3A_347 = vector.broadcast %eq3A_346 : i32 to vector<512x1xi32>
    %eq3A_348 = arith.cmpi eq, %get3A_17, %eq3A_347 : vector<512x1xi32>
    %jit3A_349 = arith.constant 0.000000e+00 : f32
    %broadcast_in_dim3A_350 = vector.shape_cast %eq3A_348 : vector<512x1xi1> to vector<512x1xi1>
    %broadcast_in_dim3A_351 = vector.broadcast %broadcast_in_dim3A_350 : vector<512x1xi1> to vector<512x32xi1>
    %broadcast_in_dim3A_352 = vector.broadcast %jit3A_349 : f32 to vector<512x32xf32>
    %select_n3A_353 = arith.select %broadcast_in_dim3A_351, %mul3A_28, %broadcast_in_dim3A_352 : vector<512x32xi1>, vector<512x32xf32>
    %get3A_354 = arith.constant 20 : index
    %get3A_355 = arith.constant 0 : index
    %get3A_356 = arith.constant 0 : index
    %get3A_357 = vector.load %arg6[%get3A_354, %get3A_355, %get3A_356] : memref<27x32x32xf32, #tpu.memory_space<vmem>>, vector<1x32x32xf32>
    %get3A_358 = vector.shape_cast %get3A_357 : vector<1x32x32xf32> to vector<32x32xf32>
    %dot_general3A_359 = arith.constant dense<0.000000e+00> : vector<512x32xf32>
    %dot_general3A_360 = tpu.matmul %select_n3A_353, %get3A_358, %dot_general3A_359 {dimension_numbers = #tpu.dot_dimension_numbers<[1], [0], [0], [1], [0, 0, 1, 1], [], []>, transpose_lhs_hint = false} : vector<512x32xf32>, vector<32x32xf32>, vector<512x32xf32> -> vector<512x32xf32>
    %add3A_361 = arith.addf %add3A_345, %dot_general3A_360 : vector<512x32xf32>
    %eq3A_362 = arith.constant 21 : i32
    %eq3A_363 = vector.broadcast %eq3A_362 : i32 to vector<512x1xi32>
    %eq3A_364 = arith.cmpi eq, %get3A_17, %eq3A_363 : vector<512x1xi32>
    %jit3A_365 = arith.constant 0.000000e+00 : f32
    %broadcast_in_dim3A_366 = vector.shape_cast %eq3A_364 : vector<512x1xi1> to vector<512x1xi1>
    %broadcast_in_dim3A_367 = vector.broadcast %broadcast_in_dim3A_366 : vector<512x1xi1> to vector<512x32xi1>
    %broadcast_in_dim3A_368 = vector.broadcast %jit3A_365 : f32 to vector<512x32xf32>
    %select_n3A_369 = arith.select %broadcast_in_dim3A_367, %mul3A_28, %broadcast_in_dim3A_368 : vector<512x32xi1>, vector<512x32xf32>
    %get3A_370 = arith.constant 21 : index
    %get3A_371 = arith.constant 0 : index
    %get3A_372 = arith.constant 0 : index
    %get3A_373 = vector.load %arg6[%get3A_370, %get3A_371, %get3A_372] : memref<27x32x32xf32, #tpu.memory_space<vmem>>, vector<1x32x32xf32>
    %get3A_374 = vector.shape_cast %get3A_373 : vector<1x32x32xf32> to vector<32x32xf32>
    %dot_general3A_375 = arith.constant dense<0.000000e+00> : vector<512x32xf32>
    %dot_general3A_376 = tpu.matmul %select_n3A_369, %get3A_374, %dot_general3A_375 {dimension_numbers = #tpu.dot_dimension_numbers<[1], [0], [0], [1], [0, 0, 1, 1], [], []>, transpose_lhs_hint = false} : vector<512x32xf32>, vector<32x32xf32>, vector<512x32xf32> -> vector<512x32xf32>
    %add3A_377 = arith.addf %add3A_361, %dot_general3A_376 : vector<512x32xf32>
    %eq3A_378 = arith.constant 22 : i32
    %eq3A_379 = vector.broadcast %eq3A_378 : i32 to vector<512x1xi32>
    %eq3A_380 = arith.cmpi eq, %get3A_17, %eq3A_379 : vector<512x1xi32>
    %jit3A_381 = arith.constant 0.000000e+00 : f32
    %broadcast_in_dim3A_382 = vector.shape_cast %eq3A_380 : vector<512x1xi1> to vector<512x1xi1>
    %broadcast_in_dim3A_383 = vector.broadcast %broadcast_in_dim3A_382 : vector<512x1xi1> to vector<512x32xi1>
    %broadcast_in_dim3A_384 = vector.broadcast %jit3A_381 : f32 to vector<512x32xf32>
    %select_n3A_385 = arith.select %broadcast_in_dim3A_383, %mul3A_28, %broadcast_in_dim3A_384 : vector<512x32xi1>, vector<512x32xf32>
    %get3A_386 = arith.constant 22 : index
    %get3A_387 = arith.constant 0 : index
    %get3A_388 = arith.constant 0 : index
    %get3A_389 = vector.load %arg6[%get3A_386, %get3A_387, %get3A_388] : memref<27x32x32xf32, #tpu.memory_space<vmem>>, vector<1x32x32xf32>
    %get3A_390 = vector.shape_cast %get3A_389 : vector<1x32x32xf32> to vector<32x32xf32>
    %dot_general3A_391 = arith.constant dense<0.000000e+00> : vector<512x32xf32>
    %dot_general3A_392 = tpu.matmul %select_n3A_385, %get3A_390, %dot_general3A_391 {dimension_numbers = #tpu.dot_dimension_numbers<[1], [0], [0], [1], [0, 0, 1, 1], [], []>, transpose_lhs_hint = false} : vector<512x32xf32>, vector<32x32xf32>, vector<512x32xf32> -> vector<512x32xf32>
    %add3A_393 = arith.addf %add3A_377, %dot_general3A_392 : vector<512x32xf32>
    %eq3A_394 = arith.constant 23 : i32
    %eq3A_395 = vector.broadcast %eq3A_394 : i32 to vector<512x1xi32>
    %eq3A_396 = arith.cmpi eq, %get3A_17, %eq3A_395 : vector<512x1xi32>
    %jit3A_397 = arith.constant 0.000000e+00 : f32
    %broadcast_in_dim3A_398 = vector.shape_cast %eq3A_396 : vector<512x1xi1> to vector<512x1xi1>
    %broadcast_in_dim3A_399 = vector.broadcast %broadcast_in_dim3A_398 : vector<512x1xi1> to vector<512x32xi1>
    %broadcast_in_dim3A_400 = vector.broadcast %jit3A_397 : f32 to vector<512x32xf32>
    %select_n3A_401 = arith.select %broadcast_in_dim3A_399, %mul3A_28, %broadcast_in_dim3A_400 : vector<512x32xi1>, vector<512x32xf32>
    %get3A_402 = arith.constant 23 : index
    %get3A_403 = arith.constant 0 : index
    %get3A_404 = arith.constant 0 : index
    %get3A_405 = vector.load %arg6[%get3A_402, %get3A_403, %get3A_404] : memref<27x32x32xf32, #tpu.memory_space<vmem>>, vector<1x32x32xf32>
    %get3A_406 = vector.shape_cast %get3A_405 : vector<1x32x32xf32> to vector<32x32xf32>
    %dot_general3A_407 = arith.constant dense<0.000000e+00> : vector<512x32xf32>
    %dot_general3A_408 = tpu.matmul %select_n3A_401, %get3A_406, %dot_general3A_407 {dimension_numbers = #tpu.dot_dimension_numbers<[1], [0], [0], [1], [0, 0, 1, 1], [], []>, transpose_lhs_hint = false} : vector<512x32xf32>, vector<32x32xf32>, vector<512x32xf32> -> vector<512x32xf32>
    %add3A_409 = arith.addf %add3A_393, %dot_general3A_408 : vector<512x32xf32>
    %eq3A_410 = arith.constant 24 : i32
    %eq3A_411 = vector.broadcast %eq3A_410 : i32 to vector<512x1xi32>
    %eq3A_412 = arith.cmpi eq, %get3A_17, %eq3A_411 : vector<512x1xi32>
    %jit3A_413 = arith.constant 0.000000e+00 : f32
    %broadcast_in_dim3A_414 = vector.shape_cast %eq3A_412 : vector<512x1xi1> to vector<512x1xi1>
    %broadcast_in_dim3A_415 = vector.broadcast %broadcast_in_dim3A_414 : vector<512x1xi1> to vector<512x32xi1>
    %broadcast_in_dim3A_416 = vector.broadcast %jit3A_413 : f32 to vector<512x32xf32>
    %select_n3A_417 = arith.select %broadcast_in_dim3A_415, %mul3A_28, %broadcast_in_dim3A_416 : vector<512x32xi1>, vector<512x32xf32>
    %get3A_418 = arith.constant 24 : index
    %get3A_419 = arith.constant 0 : index
    %get3A_420 = arith.constant 0 : index
    %get3A_421 = vector.load %arg6[%get3A_418, %get3A_419, %get3A_420] : memref<27x32x32xf32, #tpu.memory_space<vmem>>, vector<1x32x32xf32>
    %get3A_422 = vector.shape_cast %get3A_421 : vector<1x32x32xf32> to vector<32x32xf32>
    %dot_general3A_423 = arith.constant dense<0.000000e+00> : vector<512x32xf32>
    %dot_general3A_424 = tpu.matmul %select_n3A_417, %get3A_422, %dot_general3A_423 {dimension_numbers = #tpu.dot_dimension_numbers<[1], [0], [0], [1], [0, 0, 1, 1], [], []>, transpose_lhs_hint = false} : vector<512x32xf32>, vector<32x32xf32>, vector<512x32xf32> -> vector<512x32xf32>
    %add3A_425 = arith.addf %add3A_409, %dot_general3A_424 : vector<512x32xf32>
    %eq3A_426 = arith.constant 25 : i32
    %eq3A_427 = vector.broadcast %eq3A_426 : i32 to vector<512x1xi32>
    %eq3A_428 = arith.cmpi eq, %get3A_17, %eq3A_427 : vector<512x1xi32>
    %jit3A_429 = arith.constant 0.000000e+00 : f32
    %broadcast_in_dim3A_430 = vector.shape_cast %eq3A_428 : vector<512x1xi1> to vector<512x1xi1>
    %broadcast_in_dim3A_431 = vector.broadcast %broadcast_in_dim3A_430 : vector<512x1xi1> to vector<512x32xi1>
    %broadcast_in_dim3A_432 = vector.broadcast %jit3A_429 : f32 to vector<512x32xf32>
    %select_n3A_433 = arith.select %broadcast_in_dim3A_431, %mul3A_28, %broadcast_in_dim3A_432 : vector<512x32xi1>, vector<512x32xf32>
    %get3A_434 = arith.constant 25 : index
    %get3A_435 = arith.constant 0 : index
    %get3A_436 = arith.constant 0 : index
    %get3A_437 = vector.load %arg6[%get3A_434, %get3A_435, %get3A_436] : memref<27x32x32xf32, #tpu.memory_space<vmem>>, vector<1x32x32xf32>
    %get3A_438 = vector.shape_cast %get3A_437 : vector<1x32x32xf32> to vector<32x32xf32>
    %dot_general3A_439 = arith.constant dense<0.000000e+00> : vector<512x32xf32>
    %dot_general3A_440 = tpu.matmul %select_n3A_433, %get3A_438, %dot_general3A_439 {dimension_numbers = #tpu.dot_dimension_numbers<[1], [0], [0], [1], [0, 0, 1, 1], [], []>, transpose_lhs_hint = false} : vector<512x32xf32>, vector<32x32xf32>, vector<512x32xf32> -> vector<512x32xf32>
    %add3A_441 = arith.addf %add3A_425, %dot_general3A_440 : vector<512x32xf32>
    %eq3A_442 = arith.constant 26 : i32
    %eq3A_443 = vector.broadcast %eq3A_442 : i32 to vector<512x1xi32>
    %eq3A_444 = arith.cmpi eq, %get3A_17, %eq3A_443 : vector<512x1xi32>
    %jit3A_445 = arith.constant 0.000000e+00 : f32
    %broadcast_in_dim3A_446 = vector.shape_cast %eq3A_444 : vector<512x1xi1> to vector<512x1xi1>
    %broadcast_in_dim3A_447 = vector.broadcast %broadcast_in_dim3A_446 : vector<512x1xi1> to vector<512x32xi1>
    %broadcast_in_dim3A_448 = vector.broadcast %jit3A_445 : f32 to vector<512x32xf32>
    %select_n3A_449 = arith.select %broadcast_in_dim3A_447, %mul3A_28, %broadcast_in_dim3A_448 : vector<512x32xi1>, vector<512x32xf32>
    %get3A_450 = arith.constant 26 : index
    %get3A_451 = arith.constant 0 : index
    %get3A_452 = arith.constant 0 : index
    %get3A_453 = vector.load %arg6[%get3A_450, %get3A_451, %get3A_452] : memref<27x32x32xf32, #tpu.memory_space<vmem>>, vector<1x32x32xf32>
    %get3A_454 = vector.shape_cast %get3A_453 : vector<1x32x32xf32> to vector<32x32xf32>
    %dot_general3A_455 = arith.constant dense<0.000000e+00> : vector<512x32xf32>
    %dot_general3A_456 = tpu.matmul %select_n3A_449, %get3A_454, %dot_general3A_455 {dimension_numbers = #tpu.dot_dimension_numbers<[1], [0], [0], [1], [0, 0, 1, 1], [], []>, transpose_lhs_hint = false} : vector<512x32xf32>, vector<32x32xf32>, vector<512x32xf32> -> vector<512x32xf32>
    %add3A_457 = arith.addf %add3A_441, %dot_general3A_456 : vector<512x32xf32>
    %mul3A_458 = arith.constant 3136 : i32
    %mul3A_459 = arith.muli %arg0, %mul3A_458 : i32
    %sub3A = vector.broadcast %mul3A_459 : i32 to vector<1x512xi32>
    %sub3A_460 = arith.subi %get3A_27, %sub3A : vector<1x512xi32>
    %iota3A = tpu.iota {dimensions = array<i32: 0>} : vector<3136x512xi32>
    %eq3A_461 = vector.broadcast %sub3A_460 : vector<1x512xi32> to vector<3136x512xi32>
    %eq3A_462 = arith.cmpi eq, %iota3A, %eq3A_461 : vector<3136x512xi32>
    %convert_element_type3A = arith.extui %eq3A_462 : vector<3136x512xi1> to vector<3136x512xi32>
    %convert_element_type3A_463 = arith.sitofp %convert_element_type3A : vector<3136x512xi32> to vector<3136x512xf32>
    %dot_general3A_464 = arith.constant dense<0.000000e+00> : vector<3136x32xf32>
    %dot_general3A_465 = tpu.matmul %convert_element_type3A_463, %add3A_457, %dot_general3A_464 {dimension_numbers = #tpu.dot_dimension_numbers<[1], [0], [0], [1], [0, 0, 1, 1], [], []>, transpose_lhs_hint = false} : vector<3136x512xf32>, vector<512x32xf32>, vector<3136x32xf32> -> vector<3136x32xf32>
    %add3A_466 = arith.addf %dot_general3A_7, %dot_general3A_465 : vector<3136x32xf32>
    %swap3A = arith.constant 0 : index
    %swap3A_467 = arith.constant 0 : index
    %swap3A_468 = vector.load %arg7[%swap3A, %swap3A_467] : memref<3136x32xf32, #tpu.memory_space<vmem>>, vector<3136x32xf32>
    tpu.vector_store %arg7[%swap3A, %swap3A_467], %add3A_466 {strides = array<i32>} : memref<3136x32xf32, #tpu.memory_space<vmem>>, vector<3136x32xf32>,
    return
  }
  func.func @transform_0(%arg0: i32) -> (i32, i32) {
    %c0_i32 = arith.constant 0 : i32
    %c0_i32_0 = arith.constant 0 : i32
    return %arg0, %c0_i32 : i32, i32
  }
  func.func @transform_1(%arg0: i32) -> (i32, i32, i32) {
    %c0_i32 = arith.constant 0 : i32
    %c0_i32_0 = arith.constant 0 : i32
    %c0_i32_1 = arith.constant 0 : i32
    return %arg0, %c0_i32, %c0_i32_0 : i32, i32, i32
  }
  func.func @transform_2(%arg0: i32) -> (i32, i32, i32) {
    %c0_i32 = arith.constant 0 : i32
    %c0_i32_0 = arith.constant 0 : i32
    %c0_i32_1 = arith.constant 0 : i32
    return %arg0, %c0_i32, %c0_i32_0 : i32, i32, i32
  }
  func.func @transform_3(%arg0: i32) -> (i32, i32, i32) {
    %c0_i32 = arith.constant 0 : i32
    %c0_i32_0 = arith.constant 0 : i32
    %c0_i32_1 = arith.constant 0 : i32
    return %arg0, %c0_i32, %c0_i32_0 : i32, i32, i32
  }
  func.func @transform_4(%arg0: i32) -> (i32, i32, i32) {
    %c0_i32 = arith.constant 0 : i32
    %c0_i32_0 = arith.constant 0 : i32
    %c0_i32_1 = arith.constant 0 : i32
    return %arg0, %c0_i32, %c0_i32_0 : i32, i32, i32
  }
  func.func @transform_5(%arg0: i32) -> (i32, i32, i32) {
    %c0_i32 = arith.constant 0 : i32
    %c0_i32_0 = arith.constant 0 : i32
    %c0_i32_1 = arith.constant 0 : i32
    %c0_i32_2 = arith.constant 0 : i32
    return %c0_i32, %c0_i32_0, %c0_i32_1 : i32, i32, i32
  }
  func.func @transform_6(%arg0: i32) -> (i32, i32) {
    %c0_i32 = arith.constant 0 : i32
    %c0_i32_0 = arith.constant 0 : i32
    return %arg0, %c0_i32 : i32, i32
  }
}

</mosaic_0001>

<sc_bundles>
// kernel: kernel.4.cloned.1.call-start
scs
__scs_entry_jumppad:
0x0: {  	(pc) =	sbr.rel $0x88, $3  }
0x1: {  	(tag) =	ssettag $0x0;
	lr =	simm.s32 $0x1  }
0x2: {  	[smem:$0x3F9E] =	sst lr;
	_ =	strace $0xD0000000  }
0x3: {  	_ = 	snop  }
0x4: {  	_ = 	snop  }
0x5: {  	_ = 	snop  }
0x6: {  	_ = 	snop  }
0x7: {  	_ = 	snop  }
__scs_overlays_trampoline_lowered:
0x8: {  	[smem:$0x3FAD] =	sst s0  }
0x9: {  	[smem:$0x3FAE] =	sst s1  }
0xa: {  	[smem:$0x3FAF] =	sst s2  }
0xb: {  	[smem:$0x3FB0] =	sst s3  }
0xc: {  	[smem:$0x3FB1] =	sst s4  }
0xd: {  	[smem:$0x3FB2] =	sst s5  }
0xe: {  	[smem:$0x3FB3] =	sst s6  }
0xf: {  	[smem:$0x3FB4] =	sst s7  }
0x10: {  	[smem:$0x3FB5] =	sst s8  }
0x11: {  	[smem:$0x3FB6] =	sst s9;
	s0 =	simm.s32 @!p0 $0x0  }
0x12: {  	s1 =	sld [smem:$0x3F9C];
	s0 =	simm.s32 @p0 $0x1  }
0x13: {  	[smem:$0x3FB7] =	sst s0;
	s0 =	simm.s32 @!p1 $0x0  }
0x14: {  	s2 =	sld [smem:$0x3F9B];
	s0 =	simm.s32 @p1 $0x1  }
0x15: {  	[smem:$0x3FB8] =	sst s0;
	s0 =	simm.s32 @!p2 $0x0  }
0x16: {  	s3 =	sld [smem:$0x3FDB];
	s0 =	simm.s32 @p2 $0x1  }
0x17: {  	s4 =	simm.s32 $0x1BF5;
	[smem:$0x3FBA] =	sst s0  }
0x18: {  	s0 =	sld [smem:$0x3F9D];
	_ =	swait.ge [sflag:s4], $0x0  }
0x19: {  	s7 =	sld [smem:$0x3F9E]  }
0x1a: {  	s8 =	sadd.s32 $0xFFFFE003, lr  }
0x1b: {  	s9 =	sadd.s32 $0xFFFFFEF7, lr;
	s5 =	simm.s32 $0xFFFFFFFF;
	p2 =	slt.u32 s8, $0xFFFFF086  }
0x1c: {  	p1 =	slt.u32 s9, $0xF7A;
	s5 =	simm.s32 @!p2 $0x0  }
0x1d: {  	s5 =	simm.s32 @p1 $0x1;
	p0 =	seq.s32 s7, s2  }
0x1e: {  	s7 =	smul.u32 @!p0 $0xF7A, s2;
	p2 =	seq.s32 @!p0 s5, $0x0  }
0x1f: {  	s9 =	smul.u32 $0xF7A, s1;
	s8 =	simm.s32 @!p0 $0x1BF5;
	p2 =	por !p2, p0  }
0x20: {  	[sflag:s8] =	ssyncset.s32 @!p0 $0xFFFFF086;
	s6 =	sadd.s32 @!p0 s3, s7;
	s7 =	simm.s32 @!p0 $0x108  }
0x21: {  	s3 =	sadd.s32 s3, s9;
	s6 =	sadd.s32 @!p0 $0x88, s6;
	s7 =	simm.s32 @p2 $0x1082  }
0x22: {  	[simem:s7], [sflag:s8] =	dma.local @!p0 [hbm:s6], $0xF7A  }
0x23: {  	s9 =	sor.u32 $0xD0000000, s2;
	s6 =	simm.s32 $0x108;
	_ =	swait.ge @!p0 [sflag:s8], $0x0  }
0x24: {  	s3 =	sadd.s32 $0x88, s3;
	s6 =	simm.s32 @!p1 $0x1082;
	[sflag:s4] =	ssyncset.s32 $0xFFFFF086  }
0x25: {  	[simem:s6], [sflag:s4] =	dma.local [hbm:s3], $0xF7A  }
0x26: {  	[smem:$0x3F9E] =	sst s1;
	(tag) =	ssettag s2;
	_ =	strace s9  }
0x27: {  	s1 =	sld [smem:$0x3FAE]  }
0x28: {  	s2 =	sld [smem:$0x3FAF]  }
0x29: {  	s4 =	sld [smem:$0x3FB1]  }
0x2a: {  	p0 =	seq.s32 s5, $0x0;
	s5 =	sld [smem:$0x3FB2]  }
0x2b: {  	s6 =	sld [smem:$0x3FB3]  }
0x2c: {  	s7 =	sld [smem:$0x3FB4]  }
0x2d: {  	s3 =	simm.s32 $0x108;
	s8 =	sld [smem:$0x3FB5]  }
0x2e: {  	s3 =	simm.s32 @!p0 $0x1082;
	s9 =	sld [smem:$0x3FB6]  }
0x2f: {  	lr =	sadd.s32 s0, s3;
	s0 =	sld [smem:$0x3FAD]  }
0x30: {  	s3 =	sld [smem:$0x3FB0]  }
0x31: {  	[smem:$0x3FB9] =	sst s10  }
0x32: {  	s10 =	sld [smem:$0x3FB7];
	_ =	sdelay $0x3  }
0x33: {  	p0 =	seq.s32 s10, $0x1;
	s10 =	sld [smem:$0x3FB9];
	_ =	sdelay $0x3  }
0x34: {  	[smem:$0x3FB9] =	sst s10  }
0x35: {  	s10 =	sld [smem:$0x3FB8];
	_ =	sdelay $0x3  }
0x36: {  	p1 =	seq.s32 s10, $0x1;
	s10 =	sld [smem:$0x3FB9];
	_ =	sdelay $0x3  }
0x37: {  	[smem:$0x3FB9] =	sst s10  }
0x38: {  	s10 =	sld [smem:$0x3FBA]  }
0x39: {  	_ = 	snop;
	(pc) =	sbr.ind lr, $3  }
0x3a: {  	_ = 	snop  }
0x3b: {  	_ = 	snop  }
0x3c: {  	p2 =	seq.s32 s10, $0x1;
	s10 =	sld [smem:$0x3FB9]  }
0x3d: {  	_ =	shalt  }
0x3e: {  	_ =	shalt  }
0x3f: {  	_ =	shalt  }
0x40: {  	_ =	shalt  }
0x41: {  	_ =	shalt  }
0x42: {  	_ =	shalt  }
0x43: {  	_ =	shalt  }
0x44: {  	_ =	shalt  }
0x45: {  	_ =	shalt  }
0x46: {  	_ =	shalt  }
0x47: {  	_ =	shalt  }
0x48: {  	_ =	shalt  }
0x49: {  	_ =	shalt  }
0x4a: {  	_ =	shalt  }
0x4b: {  	_ =	shalt  }
0x4c: {  	_ =	shalt  }
0x4d: {  	_ =	shalt  }
0x4e: {  	_ =	shalt  }
0x4f: {  	_ =	shalt  }
0x50: {  	_ =	shalt  }
0x51: {  	_ =	shalt  }
0x52: {  	_ =	shalt  }
0x53: {  	_ =	shalt  }
0x54: {  	_ =	shalt  }
0x55: {  	_ =	shalt  }
0x56: {  	_ =	shalt  }
0x57: {  	_ =	shalt  }
0x58: {  	_ =	shalt  }
0x59: {  	_ =	shalt  }
0x5a: {  	_ =	shalt  }
0x5b: {  	_ =	shalt  }
0x5c: {  	_ =	shalt  }
0x5d: {  	_ =	shalt  }
0x5e: {  	_ =	shalt  }
0x5f: {  	_ =	shalt  }
0x60: {  	_ =	shalt  }
0x61: {  	_ =	shalt  }
0x62: {  	_ =	shalt  }
0x63: {  	_ =	shalt  }
0x64: {  	_ =	shalt  }
0x65: {  	_ =	shalt  }
0x66: {  	_ =	shalt  }
0x67: {  	_ =	shalt  }
0x68: {  	_ =	shalt  }
0x69: {  	_ =	shalt  }
0x6a: {  	_ =	shalt  }
0x6b: {  	_ =	shalt  }
0x6c: {  	_ =	shalt  }
0x6d: {  	_ =	shalt  }
0x6e: {  	_ =	shalt  }
0x6f: {  	_ =	shalt  }
0x70: {  	_ =	shalt  }
0x71: {  	_ =	shalt  }
0x72: {  	_ =	shalt  }
0x73: {  	_ =	shalt  }
0x74: {  	_ =	shalt  }
0x75: {  	_ =	shalt  }
0x76: {  	_ =	shalt  }
0x77: {  	_ =	shalt  }
0x78: {  	_ =	shalt  }
0x79: {  	_ =	shalt  }
0x7a: {  	_ =	shalt  }
0x7b: {  	_ =	shalt  }
0x7c: {  	_ =	shalt  }
0x7d: {  	_ =	shalt  }
0x7e: {  	_ =	shalt  }
0x7f: {  	_ =	shalt  }
0x80: {  	_ =	shalt  }
0x81: {  	_ =	shalt  }
0x82: {  	_ =	shalt  }
0x83: {  	_ =	shalt  }
0x84: {  	_ =	shalt  }
0x85: {  	_ =	shalt  }
0x86: {  	_ =	shalt  }
0x87: {  	_ =	shalt  }
.Lfunc_end0:
.L_simem_size_0:
called_computation_lowered:
.L_overlay_start_0:
0x88: {  	s2 =	sld [smem:$0x3FD9]  }
0x89: {  	s3 =	sld [smem:$0x3FFE];
	_ =	sdelay $0x1  }
0x8a: {  	s1 =	srdreg.scid  }
0x8b: {  	s0 =	sand.u32 $0x1, s1  }
0x8c: {  	s17 =	sshll.u32 s0, $0xA;
	s2 =	sadd.s32 s3, s2  }
0x8d: {  	s2 =	sadd.s32 s2, s17  }
0x8e: {  	[smem:$0x3FC5] =	sst s2  }
0x8f: {  	_ = 	snop  }
0x90: {  	s2 =	sld [smem:$0x3FD0];
	(tm) =	ssettm $0x1  }
0x91: {  	s18 =	sld [smem:$0x3FFB];
	_ =	sdelay $0x3  }
0x92: {  	_ =	strace s18  }
0x93: {  	s3 =	sld [smem:$0x3FFC];
	_ =	sdelay $0x3  }
0x94: {  	_ =	strace s3  }
0x95: {  	s3 =	sld [smem:$0x3FFD];
	_ =	sdelay $0x3  }
0x96: {  	_ =	strace s3  }
0x97: {  	_ =	strace $0x8FFFFFFF  }
0x98: {  	s19 =	sld [smem:$0x3FDB];
	_ =	sdelay $0x1  }
0x99: {  	s4 =	simm.s32 $_scs_section_size  }
0x9a: {  	s5 =	simm.s32 $_size__tile_overlayer_lowered;
	s6 =	simm.s32 $_tile_overlayer_lowered  }
0x9b: {  	s22 =	simm.s32 $0x1BFF;
	s21 =	sshll.u32 s6, $0x1;
	s3 =	sadd.s32 s4, s19  }
0x9c: {  	s7 =	simm.s32 $0x0;
	s20 =	sshll.u32 s5, $0x1;
	s5 =	sadd.s32 s21, s3  }
0x9d: {  	[timem:s7], [sflag:s22] =	dma.local [hbm:s5], s20  }
0x9e: {  	_ =	swait.ge [sflag:s22], s20  }
0x9f: {  	s4 =	ssub.s32 $0x0, s20;
	[sflag:s22] =	ssyncset.done $0x0  }
0xa0: {  	[sflag:s22] =	ssyncadd.s32 s4;
	_ =	sdelay $0x1  }
0xa1: {  	s23 =	simm.s32 $0x1B8B  }
0xa2: {  	_ =	swait.ge [sflag:s23], $0x1  }
0xa3: {  	[sflag:s23] =	ssyncset.done $0x0  }
0xa4: {  	s25 =	simm.s32 $0x1B8E;
	s24 =	sld [smem:$0x3FFE];
	[sflag:s23] =	ssyncadd.s32 $0xFFFFFFFF  }
0xa5: {  	s26 =	simm.s32 $execute0_lowered;
	[smem:$0x3FD2] =	sst s25  }
0xa6: {  	s5 =	sshll.u32 s26, $0x1;
	_ =	strace $0x80000046;
	[dreg:$0x1] =	wrdreg $0xFFFFFFFF  }
0xa7: {  	s28 =	simm.s32 $_size_execute0_lowered;
	s3 =	sadd.s32 s3, s5;
	[dreg:$0x0] =	wrdreg $0x0  }
0xa8: {  	s5 =	sshll.u32 s28, $0x1;
	[dreg:$0x2] =	wrdreg s3  }
0xa9: {  	[dreg:$0x3] =	wrdreg s5  }
0xaa: {  	[dreg:$0x4] =	wrdreg $0xC0  }
0xab: {  	_ =	task [dreg:s7], $0x5FFFF  }
0xac: {  	[dreg:$0x1] =	wrdreg $0xFFFFFFFF  }
0xad: {  	[dreg:$0x0] =	wrdreg $0x60  }
0xae: {  	[dreg:$0x2] =	wrdreg s24  }
0xaf: {  	[dreg:$0x3] =	wrdreg s2  }
0xb0: {  	[dreg:$0x4] =	wrdreg $0x9  }
0xb1: {  	_ =	task.clear_ibuf [dreg:s7], $0x5FFFF;
	_ =	strace $0x90000046  }
0xb2: {  	s29 =	simm.s32 $0x9;
	_ =	strace $0x80000048  }
0xb3: {  	_ =	swait.ge [sflag:s29], $0x1  }
0xb4: {  	[sflag:s29] =	ssyncadd.s32 $0xFFFFFFFF  }
0xb5: {  	_ =	strace $0x90000048  }
0xb6: {  	_ =	sfence  }
0xb7: {  	s30 =	sld [smem:$0x0];
	_ =	sdelay $0x2  }
0xb8: {  	s31 =	sshll.u32 s1, $0xD;
	s1 =	sshrl.u32 s1, $0x2  }
0xb9: {  	s3 =	sand.u32 $0x4000, s31;
	s1 =	sadd.s32 s1, s30  }
0xba: {  	s0 =	sor.u32 s3, s0;
	s1 =	sshll.u32 s1, $0x11  }
0xbb: {  	s0 =	sor.u32 s1, s0  }
0xbc: {  	s0 =	sadd.s32 $0x8F2B, s0  }
0xbd: {  	[sflag:s0] =	ssyncadd.remote.s32 $0x1  }
0xbe: {  	_ =	sfence.sel $0xFFFF  }
0xbf: {  	[dreg:$0x0] =	wrdreg $0xFFFFFFFF;
	(pc) =	sbr.abs _section_cstart, $3  }
0xc0: {  	[dreg:$0x1] =	wrdreg $0xFFFFFFFF  }
0xc1: {  	_ =	task.clear_ibuf [dreg:s7], $0x2FFFF;
	_ =	strace $0x9FFFFFFF  }
0xc2: {  	(tm) =	ssettm $0x7FFFFFFF  }
0xc3: {  	_ =	shalt  }
tec
execute0_lowered:
.L_overlay_start_1:
0x0: {  	(tag) =	ssettag $0x1  }
0x1: {  	s0 =	rddreg [dreg:$0x0]  }
0x2: {  	s2 =	rddreg [dreg:$0x1];
	s3 =	simm.s32 $0x0;
	s1 =	srdreg.scid  }
0x3: {  	s4 =	stileid.u32;
	s13 =	simm.s32 $0x2;
	s15 =	simm.s32 $0x80  }
0x4: {  	s17 =	simm.s32 $0x19EE0;
	s18 =	simm.s32 $0x1;
	s20 =	simm.s32 $0x19F60  }
0x5: {  	s22 =	simm.s32 $0x19FE0;
	s23 =	simm.s32 $0x19E60;
	s24 =	simm.s32 $0x1A060  }
0x6: {  	s28 =	simm.s32 $0x1C0E0;
	s29 =	simm.s32 $0x1D0E0;
	s30 =	simm.s32 $0x196E0  }
0x7: {  	s31 =	simm.s32 $0x198E0;
	[smem:$0x7FF] =	sst s3;
	s1 =	sand.u32 $0x1, s1  }
0x8: {  	s5 =	sshll.u32 s4, $0x1;
	s4 =	sadd.s32 $0x3200, s0;
	_ =	strace $0x80000047  }
0x9: {  	s7 =	sor.u32 s1, s5;
	s5 =	sadd.s32 $0x6400, s0;
	s1 =	ssub.s32 $0x2, s1  }
0xa: {  	s8 =	sshll.u32 s7, $0x6;
	s6 =	smul.u32 $0xC40, s7;
	s7 =	sshll.u32 s7, $0xB  }
0xb: {  	s25 =	sshrl.u32 s1, $0x1;
	s10 =	sadd.s32 s8, s0;
	s11 =	sadd.s32 s7, s0  }
0xc: {  	s1 =	ssub.s32 s1, s25;
	s25 =	simm.s32 $0x1A0E0;
	s26 =	sshrl.u32 s6, $0x3  }
0xd: {  	s8 =	sadd.s32 $0x1A1000, s10;
	s9 =	sadd.s32 $0x1A0000, s10;
	s10 =	sadd.s32 $0x1A0800, s10  }
0xe: {  	v1 =	vimm.s32 $0x0;
	v2 =	vimm.s32 $0x1;
	v3 =	vimm.s32 $0x36;
	s11 =	sadd.s32 $0x190000, s11;
	s12 =	smax.u32 s1, $0x1;
	s1 =	simm.s32 $0x0  }
0xf: {  	v4 =	vimm.f32 $0.0e+00;
	v5 =	vlaneseq.u32;
	v0 =	vmov s6;
	s7 =	sadd.s32 s0, s26;
	s26 =	simm.s32 $0x1B0E0;
	s0 =	simm.s32 $0x19AE0  }
.LBB2_1:
0x10: {  	[tilespmem:s3], [sflag:$0x2] =	stream.linear.gather [hbm4b:s4+s3], $0x186A0, $0x38;
	[tilespmem:$0x1E0E0] =	vst v63  }
0x11: {  	_ =	swait.ge [sflag:s13], $0x186A0  }
0x12: {  	[sflag:s13] =	ssyncset.done $0x0  }
0x13: {  	s14 =	simm.s32 $0x186A0;
	[sflag:s13] =	ssyncadd.s32 $0xFFFE7960  }
0x14: {  	[tilespmem:s14], [sflag:$0x2] =	stream.linear.gather [hbm4b:s7+s3], $0xC40, $0x38;
	[tilespmem:$0x1E0E0] =	vst v63  }
0x15: {  	_ =	swait.ge [sflag:s13], $0xC40  }
0x16: {  	[sflag:s13] =	ssyncset.done $0x0  }
0x17: {  	s16 =	simm.s32 $0x40;
	s14 =	simm.s32 $0x0;
	[sflag:s13] =	ssyncadd.s32 $0xFFFFF3C0  }
.LBB2_2:
0x18: {  	p0 =	sne.s32 s16, $0x7C0;
	[tilespmem:s14+$0x19AE0] =	vst v4;
	s19 =	smov.u32 s16;
	s16 =	sadd.s32 $0x40, s16  }
.Ltmp0:
0x19: {  	[tilespmem:s14+$0x198E0] =	vst v3;
	(pc) =	sbr.rel @p0 .LBB2_2-.Ltmp0, $4  }
0x1a: {  	[tilespmem:s14+$0x196E0] =	vst v0  }
0x1b: {  	[tilespmem:s14+$0x192E0] =	vst v1  }
0x1c: {  	[tilespmem:s14+$0x194E0] =	vst v2  }
0x1d: {  	s14 =	sshra.s32 s19, $0x2  }
0x1e: {  	[tilespmem:s14+$0x19AE0] =	vst v4  }
0x1f: {  	[tilespmem:s14+$0x198E0] =	vst v3  }
0x20: {  	[tilespmem:s14+$0x196E0] =	vst v0  }
0x21: {  	[tilespmem:s14+$0x192E0] =	vst v1  }
0x22: {  	[tilespmem:s14+$0x194E0] =	vst v2;
	s16 =	simm.s32 $0x0;
	s14 =	simm.s32 $0x0  }
.LBB2_4:
0x23: {  	s21 =	sshll.u32 s14, $0x4  }
0x24: {  	v6 =	vld [tilespmem:s21+$0x186A0];
	_ =	sdelay $0x3  }
0x25: {  	v8 =	vimm.s32 $0x0;
	v9 =	vimm.s32 $0x186A0  }
0x26: {  	s19 =	simm.s32 $0x10;
	v10 =	vadd.s32 v8, v9;
	v7 =	vadd.s32 $0xFFEFFBFF, v6  }
.LBB2_5:
0x27: {  	p0 =	sne.s32 s19, $0x1;
	v10 =	vshrl.u32 v10, $0x1  }
0x28: {  	v10 =	vmin.u32 v10, $0x1869F  }
0x29: {  	v11 =	vadd.s32 $0x1, v10;
	_ =	sdelay $0x3  }
0x2a: {  	v12 =	vld.idx.msk [tilespmem:v10+s3+$0x0], $0xffff;
	_ =	sdelay $0x4  }
.Ltmp1:
0x2b: {  	(pc) =	sbr.rel @p0 .LBB2_5-.Ltmp1, $4  }
0x2c: {  	vm2 =	vlt.s32 v8, v9;
	vm0 =	vge.s32 v12, v7;
	vm1 =	vlt.s32 v12, v7  }
0x2d: {  	vm1 =	vmand vm2, vm1;
	vm0 =	vmand vm2, vm0  }
0x2e: {  	v8 =	vsel vm1, v11, v8;
	v9 =	vsel vm0, v10, v9  }
0x2f: {  	s19 =	sadd.s32 $0xFFFFFFFF, s19;
	v10 =	vadd.s32 v8, v9  }
0x30: {  	v10 =	vshrl.u32 v10, $0x1  }
0x31: {  	v10 =	vmin.u32 v10, $0x1869F;
	_ =	sdelay $0x4  }
0x32: {  	v11 =	vld.idx.msk [tilespmem:v10+s3+$0x0], $0xffff;
	_ =	sdelay $0x4  }
0x33: {  	vm1 =	vlt.s32 v8, v9;
	vm0 =	vlt.s32 v11, v7  }
0x34: {  	v9 =	vadd.s32 $0x1, v10;
	vm0 =	vmand vm1, vm0  }
0x35: {  	v8 =	vsel vm0, v9, v8  }
0x36: {  	vm0 =	vlt.s32 v8, $0x1869F  }
0x37: {  	v8 =	vnsel vm0, $0x1869F, v8;
	_ =	sdelay $0x4  }
0x38: {  	v9 =	vld.idx.msk [tilespmem:v8+s3+$0x0], $0xffff;
	_ =	sdelay $0x4  }
0x39: {  	vm15 =	veq.s32 v9, v7  }
0x3a: {  	v10 =	vsel vm15, $0x1, v1  }
0x3b: {  	(xrf0) =	vadd.scan.msk.s32 $0xffff, v10;
	_ =	sdelay $0x5  }
0x3c: {  	v10, _, _ =	vpop (xrf0)  }
0x3d: {  	(v2sf) =	vpush v10, $0xF;
	_ =	sdelay $0xe  }
0x3e: {  	s19 =	spop (v2sf)  }
0x3f: {  	p0 =	slt.s32 s16, $0x1F0;
	p1 =	slt.s32 s19, $0x1  }
0x40: {  	s16 =	simm.s32 @!p0 $0x1F0;
	vm0 =	veq.s32 @!p1 v9, v7  }
0x41: {  	s21 =	sadd.s32 s6, s21;
	[tilespmem:s16+$0x192E0] =	vst.msk @!p1 vm0, v8;
	v8 =	vimm.s32 @!p1 $0x0  }
0x42: {  	v7 =	vor.u32 s21, v5;
	[tilespmem:s16+$0x194E0] =	vst.msk @!p1 vm0, v8  }
0x43: {  	[tilespmem:s16+$0x196E0] =	vst.msk @!p1 vm0, v7  }
0x44: {  	v10 =	vimm.s32 $0x186A0;
	v9 =	vimm.s32 $0x0;
	[tilespmem:s16+$0x198E0] =	vst.msk @!p1 vm0, v8;
	v8 =	vimm.f32 @!p1 $1.000000000e+00  }
0x45: {  	s21 =	simm.s32 $0x10;
	v11 =	vadd.s32 v9, v10;
	[tilespmem:s16+$0x19AE0] =	vst.msk @!p1 vm0, v8;
	v8 =	vadd.s32 $0xFFEFFC00, v6  }
.LBB2_7:
0x46: {  	p0 =	sne.s32 s21, $0x1;
	v11 =	vshrl.u32 v11, $0x1  }
0x47: {  	v11 =	vmin.u32 v11, $0x1869F  }
0x48: {  	v12 =	vadd.s32 $0x1, v11;
	_ =	sdelay $0x3  }
0x49: {  	v13 =	vld.idx.msk [tilespmem:v11+s3+$0x0], $0xffff;
	_ =	sdelay $0x4  }
.Ltmp2:
0x4a: {  	(pc) =	sbr.rel @p0 .LBB2_7-.Ltmp2, $4  }
0x4b: {  	vm2 =	vlt.s32 v9, v10;
	vm0 =	vge.s32 v13, v8;
	vm1 =	vlt.s32 v13, v8  }
0x4c: {  	vm1 =	vmand vm2, vm1;
	vm0 =	vmand vm2, vm0  }
0x4d: {  	v9 =	vsel vm1, v12, v9;
	v10 =	vsel vm0, v11, v10  }
0x4e: {  	s21 =	sadd.s32 $0xFFFFFFFF, s21;
	v11 =	vadd.s32 v9, v10  }
0x4f: {  	v11 =	vshrl.u32 v11, $0x1  }
0x50: {  	v11 =	vmin.u32 v11, $0x1869F;
	_ =	sdelay $0x4  }
0x51: {  	v12 =	vld.idx.msk [tilespmem:v11+s3+$0x0], $0xffff;
	_ =	sdelay $0x4  }
0x52: {  	vm1 =	vlt.s32 v9, v10;
	vm0 =	vlt.s32 v12, v8  }
0x53: {  	v10 =	vadd.s32 $0x1, v11;
	vm0 =	vmand vm1, vm0  }
0x54: {  	v9 =	vsel vm0, v10, v9  }
0x55: {  	vm0 =	vlt.s32 v9, $0x1869F  }
0x56: {  	v9 =	vnsel vm0, $0x1869F, v9;
	_ =	sdelay $0x4  }
0x57: {  	v10 =	vld.idx.msk [tilespmem:v9+s3+$0x0], $0xffff;
	_ =	sdelay $0x4  }
0x58: {  	vm15 =	veq.s32 v10, v8  }
0x59: {  	v11 =	vsel vm15, $0x1, v1  }
0x5a: {  	(xrf0) =	vadd.scan.msk.s32 $0xffff, v11;
	_ =	sdelay $0x5  }
0x5b: {  	v11, _, _ =	vpop (xrf0)  }
0x5c: {  	(v2sf) =	vpush v11, $0xF;
	_ =	sdelay $0xe  }
0x5d: {  	s16 =	sadd.s32 s16, s19;
	s19 =	spop (v2sf)  }
0x5e: {  	p0 =	slt.s32 s16, $0x1F0;
	p1 =	slt.s32 s19, $0x1  }
0x5f: {  	s16 =	simm.s32 @!p0 $0x1F0;
	vm0 =	veq.s32 @!p1 v10, v8  }
0x60: {  	v8 =	vimm.s32 @!p1 $0x0;
	[tilespmem:s16+$0x192E0] =	vst.msk @!p1 vm0, v9  }
0x61: {  	[tilespmem:s16+$0x194E0] =	vst.msk @!p1 vm0, v8  }
0x62: {  	v8 =	vimm.s32 @!p1 $0x1;
	[tilespmem:s16+$0x196E0] =	vst.msk @!p1 vm0, v7  }
0x63: {  	v10 =	vimm.s32 $0x186A0;
	v9 =	vimm.s32 $0x0;
	[tilespmem:s16+$0x198E0] =	vst.msk @!p1 vm0, v8;
	v8 =	vimm.f32 @!p1 $1.000000000e+00  }
0x64: {  	s21 =	simm.s32 $0x10;
	v11 =	vadd.s32 v9, v10;
	[tilespmem:s16+$0x19AE0] =	vst.msk @!p1 vm0, v8;
	v8 =	vadd.s32 $0xFFEFFC01, v6  }
.LBB2_9:
0x65: {  	p0 =	sne.s32 s21, $0x1;
	v11 =	vshrl.u32 v11, $0x1  }
0x66: {  	v11 =	vmin.u32 v11, $0x1869F  }
0x67: {  	v12 =	vadd.s32 $0x1, v11;
	_ =	sdelay $0x3  }
0x68: {  	v13 =	vld.idx.msk [tilespmem:v11+s3+$0x0], $0xffff;
	_ =	sdelay $0x4  }
.Ltmp3:
0x69: {  	(pc) =	sbr.rel @p0 .LBB2_9-.Ltmp3, $4  }
0x6a: {  	vm2 =	vlt.s32 v9, v10;
	vm0 =	vge.s32 v13, v8;
	vm1 =	vlt.s32 v13, v8  }
0x6b: {  	vm1 =	vmand vm2, vm1;
	vm0 =	vmand vm2, vm0  }
0x6c: {  	v9 =	vsel vm1, v12, v9;
	v10 =	vsel vm0, v11, v10  }
0x6d: {  	s21 =	sadd.s32 $0xFFFFFFFF, s21;
	v11 =	vadd.s32 v9, v10  }
0x6e: {  	v11 =	vshrl.u32 v11, $0x1  }
0x6f: {  	v11 =	vmin.u32 v11, $0x1869F;
	_ =	sdelay $0x4  }
0x70: {  	v12 =	vld.idx.msk [tilespmem:v11+s3+$0x0], $0xffff;
	_ =	sdelay $0x4  }
0x71: {  	vm1 =	vlt.s32 v9, v10;
	vm0 =	vlt.s32 v12, v8  }
0x72: {  	v10 =	vadd.s32 $0x1, v11;
	vm0 =	vmand vm1, vm0  }
0x73: {  	v9 =	vsel vm0, v10, v9  }
0x74: {  	vm0 =	vlt.s32 v9, $0x1869F  }
0x75: {  	v9 =	vnsel vm0, $0x1869F, v9;
	_ =	sdelay $0x4  }
0x76: {  	v10 =	vld.idx.msk [tilespmem:v9+s3+$0x0], $0xffff;
	_ =	sdelay $0x4  }
0x77: {  	vm15 =	veq.s32 v10, v8  }
0x78: {  	v11 =	vsel vm15, $0x1, v1  }
0x79: {  	(xrf0) =	vadd.scan.msk.s32 $0xffff, v11;
	_ =	sdelay $0x5  }
0x7a: {  	v11, _, _ =	vpop (xrf0)  }
0x7b: {  	(v2sf) =	vpush v11, $0xF;
	_ =	sdelay $0xe  }
0x7c: {  	s16 =	sadd.s32 s16, s19;
	s19 =	spop (v2sf)  }
0x7d: {  	p0 =	slt.s32 s16, $0x1F0;
	p1 =	slt.s32 s19, $0x1  }
0x7e: {  	s16 =	simm.s32 @!p0 $0x1F0;
	vm0 =	veq.s32 @!p1 v10, v8  }
0x7f: {  	v8 =	vimm.s32 @!p1 $0x0;
	[tilespmem:s16+$0x192E0] =	vst.msk @!p1 vm0, v9  }
0x80: {  	[tilespmem:s16+$0x194E0] =	vst.msk @!p1 vm0, v8  }
0x81: {  	v8 =	vimm.s32 @!p1 $0x2;
	[tilespmem:s16+$0x196E0] =	vst.msk @!p1 vm0, v7  }
0x82: {  	v10 =	vimm.s32 $0x186A0;
	v9 =	vimm.s32 $0x0;
	[tilespmem:s16+$0x198E0] =	vst.msk @!p1 vm0, v8;
	v8 =	vimm.f32 @!p1 $1.000000000e+00  }
0x83: {  	s21 =	simm.s32 $0x10;
	v11 =	vadd.s32 v9, v10;
	[tilespmem:s16+$0x19AE0] =	vst.msk @!p1 vm0, v8;
	v8 =	vadd.s32 $0xFFEFFFFF, v6  }
.LBB2_11:
0x84: {  	p0 =	sne.s32 s21, $0x1;
	v11 =	vshrl.u32 v11, $0x1  }
0x85: {  	v11 =	vmin.u32 v11, $0x1869F  }
0x86: {  	v12 =	vadd.s32 $0x1, v11;
	_ =	sdelay $0x3  }
0x87: {  	v13 =	vld.idx.msk [tilespmem:v11+s3+$0x0], $0xffff;
	_ =	sdelay $0x4  }
.Ltmp4:
0x88: {  	(pc) =	sbr.rel @p0 .LBB2_11-.Ltmp4, $4  }
0x89: {  	vm2 =	vlt.s32 v9, v10;
	vm0 =	vge.s32 v13, v8;
	vm1 =	vlt.s32 v13, v8  }
0x8a: {  	vm1 =	vmand vm2, vm1;
	vm0 =	vmand vm2, vm0  }
0x8b: {  	v9 =	vsel vm1, v12, v9;
	v10 =	vsel vm0, v11, v10  }
0x8c: {  	s21 =	sadd.s32 $0xFFFFFFFF, s21;
	v11 =	vadd.s32 v9, v10  }
0x8d: {  	v11 =	vshrl.u32 v11, $0x1  }
0x8e: {  	v11 =	vmin.u32 v11, $0x1869F;
	_ =	sdelay $0x4  }
0x8f: {  	v12 =	vld.idx.msk [tilespmem:v11+s3+$0x0], $0xffff;
	_ =	sdelay $0x4  }
0x90: {  	vm1 =	vlt.s32 v9, v10;
	vm0 =	vlt.s32 v12, v8  }
0x91: {  	v10 =	vadd.s32 $0x1, v11;
	vm0 =	vmand vm1, vm0  }
0x92: {  	v9 =	vsel vm0, v10, v9  }
0x93: {  	vm0 =	vlt.s32 v9, $0x1869F  }
0x94: {  	v9 =	vnsel vm0, $0x1869F, v9;
	_ =	sdelay $0x4  }
0x95: {  	v10 =	vld.idx.msk [tilespmem:v9+s3+$0x0], $0xffff;
	_ =	sdelay $0x4  }
0x96: {  	vm15 =	veq.s32 v10, v8  }
0x97: {  	v11 =	vsel vm15, $0x1, v1  }
0x98: {  	(xrf0) =	vadd.scan.msk.s32 $0xffff, v11;
	_ =	sdelay $0x5  }
0x99: {  	v11, _, _ =	vpop (xrf0)  }
0x9a: {  	(v2sf) =	vpush v11, $0xF;
	_ =	sdelay $0xe  }
0x9b: {  	s16 =	sadd.s32 s16, s19;
	s19 =	spop (v2sf)  }
0x9c: {  	p0 =	slt.s32 s16, $0x1F0;
	p1 =	slt.s32 s19, $0x1  }
0x9d: {  	s16 =	simm.s32 @!p0 $0x1F0;
	vm0 =	veq.s32 @!p1 v10, v8  }
0x9e: {  	v8 =	vimm.s32 @!p1 $0x0;
	[tilespmem:s16+$0x192E0] =	vst.msk @!p1 vm0, v9  }
0x9f: {  	[tilespmem:s16+$0x194E0] =	vst.msk @!p1 vm0, v8  }
0xa0: {  	v8 =	vimm.s32 @!p1 $0x3;
	[tilespmem:s16+$0x196E0] =	vst.msk @!p1 vm0, v7  }
0xa1: {  	v10 =	vimm.s32 $0x186A0;
	v9 =	vimm.s32 $0x0;
	[tilespmem:s16+$0x198E0] =	vst.msk @!p1 vm0, v8;
	v8 =	vimm.f32 @!p1 $1.000000000e+00  }
0xa2: {  	s21 =	simm.s32 $0x10;
	v11 =	vadd.s32 v9, v10;
	[tilespmem:s16+$0x19AE0] =	vst.msk @!p1 vm0, v8;
	v8 =	vadd.s32 $0xFFF00000, v6  }
.LBB2_13:
0xa3: {  	p0 =	sne.s32 s21, $0x1;
	v11 =	vshrl.u32 v11, $0x1  }
0xa4: {  	v11 =	vmin.u32 v11, $0x1869F  }
0xa5: {  	v12 =	vadd.s32 $0x1, v11;
	_ =	sdelay $0x3  }
0xa6: {  	v13 =	vld.idx.msk [tilespmem:v11+s3+$0x0], $0xffff;
	_ =	sdelay $0x4  }
.Ltmp5:
0xa7: {  	(pc) =	sbr.rel @p0 .LBB2_13-.Ltmp5, $4  }
0xa8: {  	vm2 =	vlt.s32 v9, v10;
	vm0 =	vge.s32 v13, v8;
	vm1 =	vlt.s32 v13, v8  }
0xa9: {  	vm1 =	vmand vm2, vm1;
	vm0 =	vmand vm2, vm0  }
0xaa: {  	v9 =	vsel vm1, v12, v9;
	v10 =	vsel vm0, v11, v10  }
0xab: {  	s21 =	sadd.s32 $0xFFFFFFFF, s21;
	v11 =	vadd.s32 v9, v10  }
0xac: {  	v11 =	vshrl.u32 v11, $0x1  }
0xad: {  	v11 =	vmin.u32 v11, $0x1869F;
	_ =	sdelay $0x4  }
0xae: {  	v12 =	vld.idx.msk [tilespmem:v11+s3+$0x0], $0xffff;
	_ =	sdelay $0x4  }
0xaf: {  	vm1 =	vlt.s32 v9, v10;
	vm0 =	vlt.s32 v12, v8  }
0xb0: {  	v10 =	vadd.s32 $0x1, v11;
	vm0 =	vmand vm1, vm0  }
0xb1: {  	v9 =	vsel vm0, v10, v9  }
0xb2: {  	vm0 =	vlt.s32 v9, $0x1869F  }
0xb3: {  	v9 =	vnsel vm0, $0x1869F, v9;
	_ =	sdelay $0x4  }
0xb4: {  	v10 =	vld.idx.msk [tilespmem:v9+s3+$0x0], $0xffff;
	_ =	sdelay $0x4  }
0xb5: {  	vm15 =	veq.s32 v10, v8  }
0xb6: {  	v11 =	vsel vm15, $0x1, v1  }
0xb7: {  	(xrf0) =	vadd.scan.msk.s32 $0xffff, v11;
	_ =	sdelay $0x5  }
0xb8: {  	v11, _, _ =	vpop (xrf0)  }
0xb9: {  	(v2sf) =	vpush v11, $0xF;
	_ =	sdelay $0xe  }
0xba: {  	s16 =	sadd.s32 s16, s19;
	s19 =	spop (v2sf)  }
0xbb: {  	p0 =	slt.s32 s16, $0x1F0;
	p1 =	slt.s32 s19, $0x1  }
0xbc: {  	s16 =	simm.s32 @!p0 $0x1F0;
	vm0 =	veq.s32 @!p1 v10, v8  }
0xbd: {  	v8 =	vimm.s32 @!p1 $0x0;
	[tilespmem:s16+$0x192E0] =	vst.msk @!p1 vm0, v9  }
0xbe: {  	[tilespmem:s16+$0x194E0] =	vst.msk @!p1 vm0, v8  }
0xbf: {  	v8 =	vimm.s32 @!p1 $0x4;
	[tilespmem:s16+$0x196E0] =	vst.msk @!p1 vm0, v7  }
0xc0: {  	v10 =	vimm.s32 $0x186A0;
	v9 =	vimm.s32 $0x0;
	[tilespmem:s16+$0x198E0] =	vst.msk @!p1 vm0, v8;
	v8 =	vimm.f32 @!p1 $1.000000000e+00  }
0xc1: {  	s21 =	simm.s32 $0x10;
	v11 =	vadd.s32 v9, v10;
	[tilespmem:s16+$0x19AE0] =	vst.msk @!p1 vm0, v8;
	v8 =	vadd.s32 $0xFFF00001, v6  }
.LBB2_15:
0xc2: {  	p0 =	sne.s32 s21, $0x1;
	v11 =	vshrl.u32 v11, $0x1  }
0xc3: {  	v11 =	vmin.u32 v11, $0x1869F  }
0xc4: {  	v12 =	vadd.s32 $0x1, v11;
	_ =	sdelay $0x3  }
0xc5: {  	v13 =	vld.idx.msk [tilespmem:v11+s3+$0x0], $0xffff;
	_ =	sdelay $0x4  }
.Ltmp6:
0xc6: {  	(pc) =	sbr.rel @p0 .LBB2_15-.Ltmp6, $4  }
0xc7: {  	vm2 =	vlt.s32 v9, v10;
	vm0 =	vge.s32 v13, v8;
	vm1 =	vlt.s32 v13, v8  }
0xc8: {  	vm1 =	vmand vm2, vm1;
	vm0 =	vmand vm2, vm0  }
0xc9: {  	v9 =	vsel vm1, v12, v9;
	v10 =	vsel vm0, v11, v10  }
0xca: {  	s21 =	sadd.s32 $0xFFFFFFFF, s21;
	v11 =	vadd.s32 v9, v10  }
0xcb: {  	v11 =	vshrl.u32 v11, $0x1  }
0xcc: {  	v11 =	vmin.u32 v11, $0x1869F;
	_ =	sdelay $0x4  }
0xcd: {  	v12 =	vld.idx.msk [tilespmem:v11+s3+$0x0], $0xffff;
	_ =	sdelay $0x4  }
0xce: {  	vm1 =	vlt.s32 v9, v10;
	vm0 =	vlt.s32 v12, v8  }
0xcf: {  	v10 =	vadd.s32 $0x1, v11;
	vm0 =	vmand vm1, vm0  }
0xd0: {  	v9 =	vsel vm0, v10, v9  }
0xd1: {  	vm0 =	vlt.s32 v9, $0x1869F  }
0xd2: {  	v9 =	vnsel vm0, $0x1869F, v9;
	_ =	sdelay $0x4  }
0xd3: {  	v10 =	vld.idx.msk [tilespmem:v9+s3+$0x0], $0xffff;
	_ =	sdelay $0x4  }
0xd4: {  	vm15 =	veq.s32 v10, v8  }
0xd5: {  	v11 =	vsel vm15, $0x1, v1  }
0xd6: {  	(xrf0) =	vadd.scan.msk.s32 $0xffff, v11;
	_ =	sdelay $0x5  }
0xd7: {  	v11, _, _ =	vpop (xrf0)  }
0xd8: {  	(v2sf) =	vpush v11, $0xF;
	_ =	sdelay $0xe  }
0xd9: {  	s16 =	sadd.s32 s16, s19;
	s19 =	spop (v2sf)  }
0xda: {  	p0 =	slt.s32 s16, $0x1F0;
	p1 =	slt.s32 s19, $0x1  }
0xdb: {  	s16 =	simm.s32 @!p0 $0x1F0;
	vm0 =	veq.s32 @!p1 v10, v8  }
0xdc: {  	v8 =	vimm.s32 @!p1 $0x0;
	[tilespmem:s16+$0x192E0] =	vst.msk @!p1 vm0, v9  }
0xdd: {  	[tilespmem:s16+$0x194E0] =	vst.msk @!p1 vm0, v8  }
0xde: {  	v8 =	vimm.s32 @!p1 $0x5;
	[tilespmem:s16+$0x196E0] =	vst.msk @!p1 vm0, v7  }
0xdf: {  	v10 =	vimm.s32 $0x186A0;
	v9 =	vimm.s32 $0x0;
	[tilespmem:s16+$0x198E0] =	vst.msk @!p1 vm0, v8;
	v8 =	vimm.f32 @!p1 $1.000000000e+00  }
0xe0: {  	s21 =	simm.s32 $0x10;
	v11 =	vadd.s32 v9, v10;
	[tilespmem:s16+$0x19AE0] =	vst.msk @!p1 vm0, v8;
	v8 =	vadd.s32 $0xFFF003FF, v6  }
.LBB2_17:
0xe1: {  	p0 =	sne.s32 s21, $0x1;
	v11 =	vshrl.u32 v11, $0x1  }
0xe2: {  	v11 =	vmin.u32 v11, $0x1869F  }
0xe3: {  	v12 =	vadd.s32 $0x1, v11;
	_ =	sdelay $0x3  }
0xe4: {  	v13 =	vld.idx.msk [tilespmem:v11+s3+$0x0], $0xffff;
	_ =	sdelay $0x4  }
.Ltmp7:
0xe5: {  	(pc) =	sbr.rel @p0 .LBB2_17-.Ltmp7, $4  }
0xe6: {  	vm2 =	vlt.s32 v9, v10;
	vm0 =	vge.s32 v13, v8;
	vm1 =	vlt.s32 v13, v8  }
0xe7: {  	vm1 =	vmand vm2, vm1;
	vm0 =	vmand vm2, vm0  }
0xe8: {  	v9 =	vsel vm1, v12, v9;
	v10 =	vsel vm0, v11, v10  }
0xe9: {  	s21 =	sadd.s32 $0xFFFFFFFF, s21;
	v11 =	vadd.s32 v9, v10  }
0xea: {  	v11 =	vshrl.u32 v11, $0x1  }
0xeb: {  	v11 =	vmin.u32 v11, $0x1869F;
	_ =	sdelay $0x4  }
0xec: {  	v12 =	vld.idx.msk [tilespmem:v11+s3+$0x0], $0xffff;
	_ =	sdelay $0x4  }
0xed: {  	vm1 =	vlt.s32 v9, v10;
	vm0 =	vlt.s32 v12, v8  }
0xee: {  	v10 =	vadd.s32 $0x1, v11;
	vm0 =	vmand vm1, vm0  }
0xef: {  	v9 =	vsel vm0, v10, v9  }
0xf0: {  	vm0 =	vlt.s32 v9, $0x1869F  }
0xf1: {  	v9 =	vnsel vm0, $0x1869F, v9;
	_ =	sdelay $0x4  }
0xf2: {  	v10 =	vld.idx.msk [tilespmem:v9+s3+$0x0], $0xffff;
	_ =	sdelay $0x4  }
0xf3: {  	vm15 =	veq.s32 v10, v8  }
0xf4: {  	v11 =	vsel vm15, $0x1, v1  }
0xf5: {  	(xrf0) =	vadd.scan.msk.s32 $0xffff, v11;
	_ =	sdelay $0x5  }
0xf6: {  	v11, _, _ =	vpop (xrf0)  }
0xf7: {  	(v2sf) =	vpush v11, $0xF;
	_ =	sdelay $0xe  }
0xf8: {  	s16 =	sadd.s32 s16, s19;
	s19 =	spop (v2sf)  }
0xf9: {  	p0 =	slt.s32 s16, $0x1F0;
	p1 =	slt.s32 s19, $0x1  }
0xfa: {  	s16 =	simm.s32 @!p0 $0x1F0;
	vm0 =	veq.s32 @!p1 v10, v8  }
0xfb: {  	v8 =	vimm.s32 @!p1 $0x0;
	[tilespmem:s16+$0x192E0] =	vst.msk @!p1 vm0, v9  }
0xfc: {  	[tilespmem:s16+$0x194E0] =	vst.msk @!p1 vm0, v8  }
0xfd: {  	v8 =	vimm.s32 @!p1 $0x6;
	[tilespmem:s16+$0x196E0] =	vst.msk @!p1 vm0, v7  }
0xfe: {  	v10 =	vimm.s32 $0x186A0;
	v9 =	vimm.s32 $0x0;
	[tilespmem:s16+$0x198E0] =	vst.msk @!p1 vm0, v8;
	v8 =	vimm.f32 @!p1 $1.000000000e+00  }
0xff: {  	s21 =	simm.s32 $0x10;
	v11 =	vadd.s32 v9, v10;
	[tilespmem:s16+$0x19AE0] =	vst.msk @!p1 vm0, v8;
	v8 =	vadd.s32 $0xFFF00400, v6  }
.LBB2_19:
0x100: {  	p0 =	sne.s32 s21, $0x1;
	v11 =	vshrl.u32 v11, $0x1  }
0x101: {  	v11 =	vmin.u32 v11, $0x1869F  }
0x102: {  	v12 =	vadd.s32 $0x1, v11;
	_ =	sdelay $0x3  }
0x103: {  	v13 =	vld.idx.msk [tilespmem:v11+s3+$0x0], $0xffff;
	_ =	sdelay $0x4  }
.Ltmp8:
0x104: {  	(pc) =	sbr.rel @p0 .LBB2_19-.Ltmp8, $4  }
0x105: {  	vm2 =	vlt.s32 v9, v10;
	vm0 =	vge.s32 v13, v8;
	vm1 =	vlt.s32 v13, v8  }
0x106: {  	vm1 =	vmand vm2, vm1;
	vm0 =	vmand vm2, vm0  }
0x107: {  	v9 =	vsel vm1, v12, v9;
	v10 =	vsel vm0, v11, v10  }
0x108: {  	s21 =	sadd.s32 $0xFFFFFFFF, s21;
	v11 =	vadd.s32 v9, v10  }
0x109: {  	v11 =	vshrl.u32 v11, $0x1  }
0x10a: {  	v11 =	vmin.u32 v11, $0x1869F;
	_ =	sdelay $0x4  }
0x10b: {  	v12 =	vld.idx.msk [tilespmem:v11+s3+$0x0], $0xffff;
	_ =	sdelay $0x4  }
0x10c: {  	vm1 =	vlt.s32 v9, v10;
	vm0 =	vlt.s32 v12, v8  }
0x10d: {  	v10 =	vadd.s32 $0x1, v11;
	vm0 =	vmand vm1, vm0  }
0x10e: {  	v9 =	vsel vm0, v10, v9  }
0x10f: {  	vm0 =	vlt.s32 v9, $0x1869F  }
0x110: {  	v9 =	vnsel vm0, $0x1869F, v9;
	_ =	sdelay $0x4  }
0x111: {  	v10 =	vld.idx.msk [tilespmem:v9+s3+$0x0], $0xffff;
	_ =	sdelay $0x4  }
0x112: {  	vm15 =	veq.s32 v10, v8  }
0x113: {  	v11 =	vsel vm15, $0x1, v1  }
0x114: {  	(xrf0) =	vadd.scan.msk.s32 $0xffff, v11;
	_ =	sdelay $0x5  }
0x115: {  	v11, _, _ =	vpop (xrf0)  }
0x116: {  	(v2sf) =	vpush v11, $0xF;
	_ =	sdelay $0xe  }
0x117: {  	s16 =	sadd.s32 s16, s19;
	s19 =	spop (v2sf)  }
0x118: {  	p0 =	slt.s32 s16, $0x1F0;
	p1 =	slt.s32 s19, $0x1  }
0x119: {  	s16 =	simm.s32 @!p0 $0x1F0;
	vm0 =	veq.s32 @!p1 v10, v8  }
0x11a: {  	v8 =	vimm.s32 @!p1 $0x0;
	[tilespmem:s16+$0x192E0] =	vst.msk @!p1 vm0, v9  }
0x11b: {  	[tilespmem:s16+$0x194E0] =	vst.msk @!p1 vm0, v8  }
0x11c: {  	v8 =	vimm.s32 @!p1 $0x7;
	[tilespmem:s16+$0x196E0] =	vst.msk @!p1 vm0, v7  }
0x11d: {  	v10 =	vimm.s32 $0x186A0;
	v9 =	vimm.s32 $0x0;
	[tilespmem:s16+$0x198E0] =	vst.msk @!p1 vm0, v8;
	v8 =	vimm.f32 @!p1 $1.000000000e+00  }
0x11e: {  	s21 =	simm.s32 $0x10;
	v11 =	vadd.s32 v9, v10;
	[tilespmem:s16+$0x19AE0] =	vst.msk @!p1 vm0, v8;
	v8 =	vadd.s32 $0xFFF00401, v6  }
.LBB2_21:
0x11f: {  	p0 =	sne.s32 s21, $0x1;
	v11 =	vshrl.u32 v11, $0x1  }
0x120: {  	v11 =	vmin.u32 v11, $0x1869F  }
0x121: {  	v12 =	vadd.s32 $0x1, v11;
	_ =	sdelay $0x3  }
0x122: {  	v13 =	vld.idx.msk [tilespmem:v11+s3+$0x0], $0xffff;
	_ =	sdelay $0x4  }
.Ltmp9:
0x123: {  	(pc) =	sbr.rel @p0 .LBB2_21-.Ltmp9, $4  }
0x124: {  	vm2 =	vlt.s32 v9, v10;
	vm0 =	vge.s32 v13, v8;
	vm1 =	vlt.s32 v13, v8  }
0x125: {  	vm1 =	vmand vm2, vm1;
	vm0 =	vmand vm2, vm0  }
0x126: {  	v9 =	vsel vm1, v12, v9;
	v10 =	vsel vm0, v11, v10  }
0x127: {  	s21 =	sadd.s32 $0xFFFFFFFF, s21;
	v11 =	vadd.s32 v9, v10  }
0x128: {  	v11 =	vshrl.u32 v11, $0x1  }
0x129: {  	v11 =	vmin.u32 v11, $0x1869F;
	_ =	sdelay $0x4  }
0x12a: {  	v12 =	vld.idx.msk [tilespmem:v11+s3+$0x0], $0xffff;
	_ =	sdelay $0x4  }
0x12b: {  	vm1 =	vlt.s32 v9, v10;
	vm0 =	vlt.s32 v12, v8  }
0x12c: {  	v10 =	vadd.s32 $0x1, v11;
	vm0 =	vmand vm1, vm0  }
0x12d: {  	v9 =	vsel vm0, v10, v9  }
0x12e: {  	vm0 =	vlt.s32 v9, $0x1869F  }
0x12f: {  	v9 =	vnsel vm0, $0x1869F, v9;
	_ =	sdelay $0x4  }
0x130: {  	v10 =	vld.idx.msk [tilespmem:v9+s3+$0x0], $0xffff;
	_ =	sdelay $0x4  }
0x131: {  	vm15 =	veq.s32 v10, v8  }
0x132: {  	v11 =	vsel vm15, $0x1, v1  }
0x133: {  	(xrf0) =	vadd.scan.msk.s32 $0xffff, v11;
	_ =	sdelay $0x5  }
0x134: {  	v11, _, _ =	vpop (xrf0)  }
0x135: {  	(v2sf) =	vpush v11, $0xF;
	_ =	sdelay $0xe  }
0x136: {  	s16 =	sadd.s32 s16, s19;
	s19 =	spop (v2sf)  }
0x137: {  	p0 =	slt.s32 s16, $0x1F0;
	p1 =	slt.s32 s19, $0x1  }
0x138: {  	s16 =	simm.s32 @!p0 $0x1F0;
	vm0 =	veq.s32 @!p1 v10, v8  }
0x139: {  	v8 =	vimm.s32 @!p1 $0x0;
	[tilespmem:s16+$0x192E0] =	vst.msk @!p1 vm0, v9  }
0x13a: {  	[tilespmem:s16+$0x194E0] =	vst.msk @!p1 vm0, v8  }
0x13b: {  	v8 =	vimm.s32 @!p1 $0x8;
	[tilespmem:s16+$0x196E0] =	vst.msk @!p1 vm0, v7  }
0x13c: {  	v10 =	vimm.s32 $0x186A0;
	v9 =	vimm.s32 $0x0;
	[tilespmem:s16+$0x198E0] =	vst.msk @!p1 vm0, v8;
	v8 =	vimm.f32 @!p1 $1.000000000e+00  }
0x13d: {  	s21 =	simm.s32 $0x10;
	v11 =	vadd.s32 v9, v10;
	[tilespmem:s16+$0x19AE0] =	vst.msk @!p1 vm0, v8;
	v8 =	vadd.s32 $0xFFFFFBFF, v6  }
.LBB2_23:
0x13e: {  	p0 =	sne.s32 s21, $0x1;
	v11 =	vshrl.u32 v11, $0x1  }
0x13f: {  	v11 =	vmin.u32 v11, $0x1869F  }
0x140: {  	v12 =	vadd.s32 $0x1, v11;
	_ =	sdelay $0x3  }
0x141: {  	v13 =	vld.idx.msk [tilespmem:v11+s3+$0x0], $0xffff;
	_ =	sdelay $0x4  }
.Ltmp10:
0x142: {  	(pc) =	sbr.rel @p0 .LBB2_23-.Ltmp10, $4  }
0x143: {  	vm2 =	vlt.s32 v9, v10;
	vm0 =	vge.s32 v13, v8;
	vm1 =	vlt.s32 v13, v8  }
0x144: {  	vm1 =	vmand vm2, vm1;
	vm0 =	vmand vm2, vm0  }
0x145: {  	v9 =	vsel vm1, v12, v9;
	v10 =	vsel vm0, v11, v10  }
0x146: {  	s21 =	sadd.s32 $0xFFFFFFFF, s21;
	v11 =	vadd.s32 v9, v10  }
0x147: {  	v11 =	vshrl.u32 v11, $0x1  }
0x148: {  	v11 =	vmin.u32 v11, $0x1869F;
	_ =	sdelay $0x4  }
0x149: {  	v12 =	vld.idx.msk [tilespmem:v11+s3+$0x0], $0xffff;
	_ =	sdelay $0x4  }
0x14a: {  	vm1 =	vlt.s32 v9, v10;
	vm0 =	vlt.s32 v12, v8  }
0x14b: {  	v10 =	vadd.s32 $0x1, v11;
	vm0 =	vmand vm1, vm0  }
0x14c: {  	v9 =	vsel vm0, v10, v9  }
0x14d: {  	vm0 =	vlt.s32 v9, $0x1869F  }
0x14e: {  	v9 =	vnsel vm0, $0x1869F, v9;
	_ =	sdelay $0x4  }
0x14f: {  	v10 =	vld.idx.msk [tilespmem:v9+s3+$0x0], $0xffff;
	_ =	sdelay $0x4  }
0x150: {  	vm15 =	veq.s32 v10, v8  }
0x151: {  	v11 =	vsel vm15, $0x1, v1  }
0x152: {  	(xrf0) =	vadd.scan.msk.s32 $0xffff, v11;
	_ =	sdelay $0x5  }
0x153: {  	v11, _, _ =	vpop (xrf0)  }
0x154: {  	(v2sf) =	vpush v11, $0xF;
	_ =	sdelay $0xe  }
0x155: {  	s16 =	sadd.s32 s16, s19;
	s19 =	spop (v2sf)  }
0x156: {  	p0 =	slt.s32 s16, $0x1F0;
	p1 =	slt.s32 s19, $0x1  }
0x157: {  	s16 =	simm.s32 @!p0 $0x1F0;
	vm0 =	veq.s32 @!p1 v10, v8  }
0x158: {  	v8 =	vimm.s32 @!p1 $0x0;
	[tilespmem:s16+$0x192E0] =	vst.msk @!p1 vm0, v9  }
0x159: {  	[tilespmem:s16+$0x194E0] =	vst.msk @!p1 vm0, v8  }
0x15a: {  	v8 =	vimm.s32 @!p1 $0x9;
	[tilespmem:s16+$0x196E0] =	vst.msk @!p1 vm0, v7  }
0x15b: {  	v10 =	vimm.s32 $0x186A0;
	v9 =	vimm.s32 $0x0;
	[tilespmem:s16+$0x198E0] =	vst.msk @!p1 vm0, v8;
	v8 =	vimm.f32 @!p1 $1.000000000e+00  }
0x15c: {  	s21 =	simm.s32 $0x10;
	v11 =	vadd.s32 v9, v10;
	[tilespmem:s16+$0x19AE0] =	vst.msk @!p1 vm0, v8;
	v8 =	vadd.s32 $0xFFFFFC00, v6  }
.LBB2_25:
0x15d: {  	p0 =	sne.s32 s21, $0x1;
	v11 =	vshrl.u32 v11, $0x1  }
0x15e: {  	v11 =	vmin.u32 v11, $0x1869F  }
0x15f: {  	v12 =	vadd.s32 $0x1, v11;
	_ =	sdelay $0x3  }
0x160: {  	v13 =	vld.idx.msk [tilespmem:v11+s3+$0x0], $0xffff;
	_ =	sdelay $0x4  }
.Ltmp11:
0x161: {  	(pc) =	sbr.rel @p0 .LBB2_25-.Ltmp11, $4  }
0x162: {  	vm2 =	vlt.s32 v9, v10;
	vm0 =	vge.s32 v13, v8;
	vm1 =	vlt.s32 v13, v8  }
0x163: {  	vm1 =	vmand vm2, vm1;
	vm0 =	vmand vm2, vm0  }
0x164: {  	v9 =	vsel vm1, v12, v9;
	v10 =	vsel vm0, v11, v10  }
0x165: {  	s21 =	sadd.s32 $0xFFFFFFFF, s21;
	v11 =	vadd.s32 v9, v10  }
0x166: {  	v11 =	vshrl.u32 v11, $0x1  }
0x167: {  	v11 =	vmin.u32 v11, $0x1869F;
	_ =	sdelay $0x4  }
0x168: {  	v12 =	vld.idx.msk [tilespmem:v11+s3+$0x0], $0xffff;
	_ =	sdelay $0x4  }
0x169: {  	vm1 =	vlt.s32 v9, v10;
	vm0 =	vlt.s32 v12, v8  }
0x16a: {  	v10 =	vadd.s32 $0x1, v11;
	vm0 =	vmand vm1, vm0  }
0x16b: {  	v9 =	vsel vm0, v10, v9  }
0x16c: {  	vm0 =	vlt.s32 v9, $0x1869F  }
0x16d: {  	v9 =	vnsel vm0, $0x1869F, v9;
	_ =	sdelay $0x4  }
0x16e: {  	v10 =	vld.idx.msk [tilespmem:v9+s3+$0x0], $0xffff;
	_ =	sdelay $0x4  }
0x16f: {  	vm15 =	veq.s32 v10, v8  }
0x170: {  	v11 =	vsel vm15, $0x1, v1  }
0x171: {  	(xrf0) =	vadd.scan.msk.s32 $0xffff, v11;
	_ =	sdelay $0x5  }
0x172: {  	v11, _, _ =	vpop (xrf0)  }
0x173: {  	(v2sf) =	vpush v11, $0xF;
	_ =	sdelay $0xe  }
0x174: {  	s16 =	sadd.s32 s16, s19;
	s19 =	spop (v2sf)  }
0x175: {  	p0 =	slt.s32 s16, $0x1F0;
	p1 =	slt.s32 s19, $0x1  }
0x176: {  	s16 =	simm.s32 @!p0 $0x1F0;
	vm0 =	veq.s32 @!p1 v10, v8  }
0x177: {  	v8 =	vimm.s32 @!p1 $0x0;
	[tilespmem:s16+$0x192E0] =	vst.msk @!p1 vm0, v9  }
0x178: {  	[tilespmem:s16+$0x194E0] =	vst.msk @!p1 vm0, v8  }
0x179: {  	v8 =	vimm.s32 @!p1 $0xA;
	[tilespmem:s16+$0x196E0] =	vst.msk @!p1 vm0, v7  }
0x17a: {  	v10 =	vimm.s32 $0x186A0;
	v9 =	vimm.s32 $0x0;
	[tilespmem:s16+$0x198E0] =	vst.msk @!p1 vm0, v8;
	v8 =	vimm.f32 @!p1 $1.000000000e+00  }
0x17b: {  	s21 =	simm.s32 $0x10;
	v11 =	vadd.s32 v9, v10;
	[tilespmem:s16+$0x19AE0] =	vst.msk @!p1 vm0, v8;
	v8 =	vadd.s32 $0xFFFFFC01, v6  }
.LBB2_27:
0x17c: {  	p0 =	sne.s32 s21, $0x1;
	v11 =	vshrl.u32 v11, $0x1  }
0x17d: {  	v11 =	vmin.u32 v11, $0x1869F  }
0x17e: {  	v12 =	vadd.s32 $0x1, v11;
	_ =	sdelay $0x3  }
0x17f: {  	v13 =	vld.idx.msk [tilespmem:v11+s3+$0x0], $0xffff;
	_ =	sdelay $0x4  }
.Ltmp12:
0x180: {  	(pc) =	sbr.rel @p0 .LBB2_27-.Ltmp12, $4  }
0x181: {  	vm2 =	vlt.s32 v9, v10;
	vm0 =	vge.s32 v13, v8;
	vm1 =	vlt.s32 v13, v8  }
0x182: {  	vm1 =	vmand vm2, vm1;
	vm0 =	vmand vm2, vm0  }
0x183: {  	v9 =	vsel vm1, v12, v9;
	v10 =	vsel vm0, v11, v10  }
0x184: {  	s21 =	sadd.s32 $0xFFFFFFFF, s21;
	v11 =	vadd.s32 v9, v10  }
0x185: {  	v11 =	vshrl.u32 v11, $0x1  }
0x186: {  	v11 =	vmin.u32 v11, $0x1869F;
	_ =	sdelay $0x4  }
0x187: {  	v12 =	vld.idx.msk [tilespmem:v11+s3+$0x0], $0xffff;
	_ =	sdelay $0x4  }
0x188: {  	vm1 =	vlt.s32 v9, v10;
	vm0 =	vlt.s32 v12, v8  }
0x189: {  	v10 =	vadd.s32 $0x1, v11;
	vm0 =	vmand vm1, vm0  }
0x18a: {  	v9 =	vsel vm0, v10, v9  }
0x18b: {  	vm0 =	vlt.s32 v9, $0x1869F  }
0x18c: {  	v9 =	vnsel vm0, $0x1869F, v9;
	_ =	sdelay $0x4  }
0x18d: {  	v10 =	vld.idx.msk [tilespmem:v9+s3+$0x0], $0xffff;
	_ =	sdelay $0x4  }
0x18e: {  	vm15 =	veq.s32 v10, v8  }
0x18f: {  	v11 =	vsel vm15, $0x1, v1  }
0x190: {  	(xrf0) =	vadd.scan.msk.s32 $0xffff, v11;
	_ =	sdelay $0x5  }
0x191: {  	v11, _, _ =	vpop (xrf0)  }
0x192: {  	(v2sf) =	vpush v11, $0xF;
	_ =	sdelay $0xe  }
0x193: {  	s16 =	sadd.s32 s16, s19;
	s19 =	spop (v2sf)  }
0x194: {  	p0 =	slt.s32 s16, $0x1F0;
	p1 =	slt.s32 s19, $0x1  }
0x195: {  	s16 =	simm.s32 @!p0 $0x1F0;
	vm0 =	veq.s32 @!p1 v10, v8  }
0x196: {  	v8 =	vimm.s32 @!p1 $0x0;
	[tilespmem:s16+$0x192E0] =	vst.msk @!p1 vm0, v9  }
0x197: {  	[tilespmem:s16+$0x194E0] =	vst.msk @!p1 vm0, v8  }
0x198: {  	v8 =	vimm.s32 @!p1 $0xB;
	[tilespmem:s16+$0x196E0] =	vst.msk @!p1 vm0, v7  }
0x199: {  	v10 =	vimm.s32 $0x186A0;
	v9 =	vimm.s32 $0x0;
	[tilespmem:s16+$0x198E0] =	vst.msk @!p1 vm0, v8;
	v8 =	vimm.f32 @!p1 $1.000000000e+00  }
0x19a: {  	s21 =	simm.s32 $0x10;
	v11 =	vadd.s32 v9, v10;
	[tilespmem:s16+$0x19AE0] =	vst.msk @!p1 vm0, v8;
	v8 =	vadd.s32 $0xFFFFFFFF, v6  }
.LBB2_29:
0x19b: {  	p0 =	sne.s32 s21, $0x1;
	v11 =	vshrl.u32 v11, $0x1  }
0x19c: {  	v11 =	vmin.u32 v11, $0x1869F  }
0x19d: {  	v12 =	vadd.s32 $0x1, v11;
	_ =	sdelay $0x3  }
0x19e: {  	v13 =	vld.idx.msk [tilespmem:v11+s3+$0x0], $0xffff;
	_ =	sdelay $0x4  }
.Ltmp13:
0x19f: {  	(pc) =	sbr.rel @p0 .LBB2_29-.Ltmp13, $4  }
0x1a0: {  	vm2 =	vlt.s32 v9, v10;
	vm0 =	vge.s32 v13, v8;
	vm1 =	vlt.s32 v13, v8  }
0x1a1: {  	vm1 =	vmand vm2, vm1;
	vm0 =	vmand vm2, vm0  }
0x1a2: {  	v9 =	vsel vm1, v12, v9;
	v10 =	vsel vm0, v11, v10  }
0x1a3: {  	s21 =	sadd.s32 $0xFFFFFFFF, s21;
	v11 =	vadd.s32 v9, v10  }
0x1a4: {  	v11 =	vshrl.u32 v11, $0x1  }
0x1a5: {  	v11 =	vmin.u32 v11, $0x1869F;
	_ =	sdelay $0x4  }
0x1a6: {  	v12 =	vld.idx.msk [tilespmem:v11+s3+$0x0], $0xffff;
	_ =	sdelay $0x4  }
0x1a7: {  	vm1 =	vlt.s32 v9, v10;
	vm0 =	vlt.s32 v12, v8  }
0x1a8: {  	v10 =	vadd.s32 $0x1, v11;
	vm0 =	vmand vm1, vm0  }
0x1a9: {  	v9 =	vsel vm0, v10, v9  }
0x1aa: {  	vm0 =	vlt.s32 v9, $0x1869F  }
0x1ab: {  	v9 =	vnsel vm0, $0x1869F, v9;
	_ =	sdelay $0x4  }
0x1ac: {  	v10 =	vld.idx.msk [tilespmem:v9+s3+$0x0], $0xffff;
	_ =	sdelay $0x4  }
0x1ad: {  	vm15 =	veq.s32 v10, v8  }
0x1ae: {  	v11 =	vsel vm15, $0x1, v1  }
0x1af: {  	(xrf0) =	vadd.scan.msk.s32 $0xffff, v11;
	_ =	sdelay $0x5  }
0x1b0: {  	v11, _, _ =	vpop (xrf0)  }
0x1b1: {  	(v2sf) =	vpush v11, $0xF;
	_ =	sdelay $0xe  }
0x1b2: {  	s16 =	sadd.s32 s16, s19;
	s19 =	spop (v2sf)  }
0x1b3: {  	p0 =	slt.s32 s16, $0x1F0;
	p1 =	slt.s32 s19, $0x1  }
0x1b4: {  	s16 =	simm.s32 @!p0 $0x1F0;
	vm0 =	veq.s32 @!p1 v10, v8  }
0x1b5: {  	v8 =	vimm.s32 @!p1 $0x0;
	[tilespmem:s16+$0x192E0] =	vst.msk @!p1 vm0, v9  }
0x1b6: {  	[tilespmem:s16+$0x194E0] =	vst.msk @!p1 vm0, v8  }
0x1b7: {  	v8 =	vimm.s32 @!p1 $0xC;
	[tilespmem:s16+$0x196E0] =	vst.msk @!p1 vm0, v7  }
0x1b8: {  	v10 =	vimm.f32 @!p1 $1.000000000e+00;
	v9 =	vimm.s32 $0x186A0;
	[tilespmem:s16+$0x198E0] =	vst.msk @!p1 vm0, v8;
	v8 =	vimm.s32 $0x0  }
0x1b9: {  	s21 =	simm.s32 $0x10;
	[tilespmem:s16+$0x19AE0] =	vst.msk @!p1 vm0, v10;
	v10 =	vadd.s32 v8, v9  }
.LBB2_31:
0x1ba: {  	p0 =	sne.s32 s21, $0x1;
	v10 =	vshrl.u32 v10, $0x1  }
0x1bb: {  	v10 =	vmin.u32 v10, $0x1869F  }
0x1bc: {  	v11 =	vadd.s32 $0x1, v10;
	_ =	sdelay $0x3  }
0x1bd: {  	v12 =	vld.idx.msk [tilespmem:v10+s3+$0x0], $0xffff;
	_ =	sdelay $0x4  }
.Ltmp14:
0x1be: {  	(pc) =	sbr.rel @p0 .LBB2_31-.Ltmp14, $4  }
0x1bf: {  	vm2 =	vlt.s32 v8, v9;
	vm0 =	vge.s32 v12, v6;
	vm1 =	vlt.s32 v12, v6  }
0x1c0: {  	vm1 =	vmand vm2, vm1;
	vm0 =	vmand vm2, vm0  }
0x1c1: {  	v8 =	vsel vm1, v11, v8;
	v9 =	vsel vm0, v10, v9  }
0x1c2: {  	s21 =	sadd.s32 $0xFFFFFFFF, s21;
	v10 =	vadd.s32 v8, v9  }
0x1c3: {  	v10 =	vshrl.u32 v10, $0x1  }
0x1c4: {  	v10 =	vmin.u32 v10, $0x1869F;
	_ =	sdelay $0x4  }
0x1c5: {  	v11 =	vld.idx.msk [tilespmem:v10+s3+$0x0], $0xffff;
	_ =	sdelay $0x4  }
0x1c6: {  	vm1 =	vlt.s32 v8, v9;
	vm0 =	vlt.s32 v11, v6  }
0x1c7: {  	v9 =	vadd.s32 $0x1, v10;
	vm0 =	vmand vm1, vm0  }
0x1c8: {  	v8 =	vsel vm0, v9, v8  }
0x1c9: {  	vm0 =	vlt.s32 v8, $0x1869E  }
0x1ca: {  	v9 =	vnsel vm0, $0x1869E, v8  }
0x1cb: {  	v9 =	vadd.s32 $0x1, v9;
	_ =	sdelay $0x4  }
0x1cc: {  	v9 =	vld.idx.msk [tilespmem:v9+s3+$0x0], $0xffff;
	_ =	sdelay $0x4  }
0x1cd: {  	vm14 =	vlt.s32 v8, $0x1869F;
	vm15 =	veq.s32 v9, v6  }
0x1ce: {  	vm0 =	vmand vm14, vm15  }
0x1cf: {  	v9 =	vsel vm0, $0x1, v1  }
0x1d0: {  	(xrf0) =	vadd.scan.msk.s32 $0xffff, v9;
	_ =	sdelay $0x5  }
0x1d1: {  	v9, _, _ =	vpop (xrf0)  }
0x1d2: {  	(v2sf) =	vpush v9, $0xF;
	_ =	sdelay $0xd  }
0x1d3: {  	s19 =	sadd.s32 s16, s19  }
0x1d4: {  	p0 =	slt.s32 s19, $0x1F0;
	s16 =	spop (v2sf)  }
0x1d5: {  	s19 =	simm.s32 @!p0 $0x1F0;
	p0 =	sgt.s32 s16, $0x0  }
0x1d6: {  	[tilespmem:s19+$0x192E0] =	vst.msk @p0 vm0, v8;
	v8 =	vimm.s32 @p0 $0x0  }
0x1d7: {  	s21 =	sadd.s32 @p0 s19, s16;
	[tilespmem:s19+$0x194E0] =	vst.msk @p0 vm0, v8  }
0x1d8: {  	v8 =	vimm.s32 @p0 $0xD;
	p1 =	slt.s32 @p0 s21, $0x1F0;
	[tilespmem:s19+$0x196E0] =	vst.msk @p0 vm0, v7  }
0x1d9: {  	v9 =	vimm.f32 @p0 $1.000000000e+00;
	p1 =	por !p1, !p0;
	[tilespmem:s19+$0x198E0] =	vst.msk @p0 vm0, v8  }
0x1da: {  	s21 =	simm.s32 @p1 $0x1F0;
	[tilespmem:s19+$0x19AE0] =	vst.msk @p0 vm0, v9  }
0x1db: {  	v9 =	vimm.s32 @p0 $0x1;
	s19 =	sadd.s32 @!p0 s19, s16;
	[tilespmem:s21+$0x192E0] =	vst.msk @p0 vm0, v7  }
0x1dc: {  	p1 =	slt.s32 @!p0 s19, $0x1F0;
	[tilespmem:s21+$0x194E0] =	vst.msk @p0 vm0, v9  }
0x1dd: {  	p1 =	por !p1, p0;
	[tilespmem:s21+$0x196E0] =	vst.msk @p0 vm0, v7  }
0x1de: {  	v10 =	vimm.s32 $0x186A0;
	v9 =	vimm.s32 $0x0;
	s19 =	simm.s32 @p1 $0x1F0;
	[tilespmem:s21+$0x198E0] =	vst.msk @p0 vm0, v8;
	v8 =	vimm.f32 @p0 $-1.000000000e+00  }
0x1df: {  	v11 =	vadd.s32 v9, v10;
	s19 =	smov.u32 @p0 s21;
	[tilespmem:s21+$0x19AE0] =	vst.msk @p0 vm0, v8;
	v8 =	vadd.s32 $0x1, v6;
	s21 =	simm.s32 $0x10  }
.LBB2_33:
0x1e0: {  	p0 =	sne.s32 s21, $0x1;
	v11 =	vshrl.u32 v11, $0x1  }
0x1e1: {  	v11 =	vmin.u32 v11, $0x1869F  }
0x1e2: {  	v12 =	vadd.s32 $0x1, v11;
	_ =	sdelay $0x3  }
0x1e3: {  	v13 =	vld.idx.msk [tilespmem:v11+s3+$0x0], $0xffff;
	_ =	sdelay $0x4  }
.Ltmp15:
0x1e4: {  	(pc) =	sbr.rel @p0 .LBB2_33-.Ltmp15, $4  }
0x1e5: {  	vm2 =	vlt.s32 v9, v10;
	vm0 =	vge.s32 v13, v8;
	vm1 =	vlt.s32 v13, v8  }
0x1e6: {  	vm1 =	vmand vm2, vm1;
	vm0 =	vmand vm2, vm0  }
0x1e7: {  	v9 =	vsel vm1, v12, v9;
	v10 =	vsel vm0, v11, v10  }
0x1e8: {  	s21 =	sadd.s32 $0xFFFFFFFF, s21;
	v11 =	vadd.s32 v9, v10  }
0x1e9: {  	v11 =	vshrl.u32 v11, $0x1  }
0x1ea: {  	v11 =	vmin.u32 v11, $0x1869F;
	_ =	sdelay $0x4  }
0x1eb: {  	v12 =	vld.idx.msk [tilespmem:v11+s3+$0x0], $0xffff;
	_ =	sdelay $0x4  }
0x1ec: {  	vm1 =	vlt.s32 v9, v10;
	vm0 =	vlt.s32 v12, v8  }
0x1ed: {  	v10 =	vadd.s32 $0x1, v11;
	vm0 =	vmand vm1, vm0  }
0x1ee: {  	v9 =	vsel vm0, v10, v9  }
0x1ef: {  	vm0 =	vlt.s32 v9, $0x1869F  }
0x1f0: {  	v9 =	vnsel vm0, $0x1869F, v9;
	_ =	sdelay $0x4  }
0x1f1: {  	v10 =	vld.idx.msk [tilespmem:v9+s3+$0x0], $0xffff;
	_ =	sdelay $0x4  }
0x1f2: {  	vm15 =	veq.s32 v10, v8  }
0x1f3: {  	v11 =	vsel vm15, $0x1, v1  }
0x1f4: {  	(xrf0) =	vadd.scan.msk.s32 $0xffff, v11;
	_ =	sdelay $0x5  }
0x1f5: {  	v11, _, _ =	vpop (xrf0)  }
0x1f6: {  	(v2sf) =	vpush v11, $0xF;
	_ =	sdelay $0xe  }
0x1f7: {  	s16 =	sadd.s32 s16, s19;
	s19 =	spop (v2sf)  }
0x1f8: {  	p0 =	slt.s32 s16, $0x1F0;
	p1 =	slt.s32 s19, $0x1  }
0x1f9: {  	s16 =	simm.s32 @!p0 $0x1F0;
	vm0 =	veq.s32 @!p1 v10, v8  }
0x1fa: {  	v8 =	vimm.s32 @!p1 $0x0;
	[tilespmem:s16+$0x192E0] =	vst.msk @!p1 vm0, v9  }
0x1fb: {  	[tilespmem:s16+$0x194E0] =	vst.msk @!p1 vm0, v8  }
0x1fc: {  	v8 =	vimm.s32 @!p1 $0xE;
	[tilespmem:s16+$0x196E0] =	vst.msk @!p1 vm0, v7  }
0x1fd: {  	v10 =	vimm.s32 $0x186A0;
	v9 =	vimm.s32 $0x0;
	[tilespmem:s16+$0x198E0] =	vst.msk @!p1 vm0, v8;
	v8 =	vimm.f32 @!p1 $1.000000000e+00  }
0x1fe: {  	s21 =	simm.s32 $0x10;
	v11 =	vadd.s32 v9, v10;
	[tilespmem:s16+$0x19AE0] =	vst.msk @!p1 vm0, v8;
	v8 =	vadd.s32 $0x3FF, v6  }
.LBB2_35:
0x1ff: {  	p0 =	sne.s32 s21, $0x1;
	v11 =	vshrl.u32 v11, $0x1  }
0x200: {  	v11 =	vmin.u32 v11, $0x1869F  }
0x201: {  	v12 =	vadd.s32 $0x1, v11;
	_ =	sdelay $0x3  }
0x202: {  	v13 =	vld.idx.msk [tilespmem:v11+s3+$0x0], $0xffff;
	_ =	sdelay $0x4  }
.Ltmp16:
0x203: {  	(pc) =	sbr.rel @p0 .LBB2_35-.Ltmp16, $4  }
0x204: {  	vm2 =	vlt.s32 v9, v10;
	vm0 =	vge.s32 v13, v8;
	vm1 =	vlt.s32 v13, v8  }
0x205: {  	vm1 =	vmand vm2, vm1;
	vm0 =	vmand vm2, vm0  }
0x206: {  	v9 =	vsel vm1, v12, v9;
	v10 =	vsel vm0, v11, v10  }
0x207: {  	s21 =	sadd.s32 $0xFFFFFFFF, s21;
	v11 =	vadd.s32 v9, v10  }
0x208: {  	v11 =	vshrl.u32 v11, $0x1  }
0x209: {  	v11 =	vmin.u32 v11, $0x1869F;
	_ =	sdelay $0x4  }
0x20a: {  	v12 =	vld.idx.msk [tilespmem:v11+s3+$0x0], $0xffff;
	_ =	sdelay $0x4  }
0x20b: {  	vm1 =	vlt.s32 v9, v10;
	vm0 =	vlt.s32 v12, v8  }
0x20c: {  	v10 =	vadd.s32 $0x1, v11;
	vm0 =	vmand vm1, vm0  }
0x20d: {  	v9 =	vsel vm0, v10, v9  }
0x20e: {  	vm0 =	vlt.s32 v9, $0x1869F  }
0x20f: {  	v9 =	vnsel vm0, $0x1869F, v9;
	_ =	sdelay $0x4  }
0x210: {  	v10 =	vld.idx.msk [tilespmem:v9+s3+$0x0], $0xffff;
	_ =	sdelay $0x4  }
0x211: {  	vm15 =	veq.s32 v10, v8  }
0x212: {  	v11 =	vsel vm15, $0x1, v1  }
0x213: {  	(xrf0) =	vadd.scan.msk.s32 $0xffff, v11;
	_ =	sdelay $0x5  }
0x214: {  	v11, _, _ =	vpop (xrf0)  }
0x215: {  	(v2sf) =	vpush v11, $0xF;
	_ =	sdelay $0xe  }
0x216: {  	s16 =	sadd.s32 s16, s19;
	s19 =	spop (v2sf)  }
0x217: {  	p0 =	slt.s32 s16, $0x1F0;
	p1 =	slt.s32 s19, $0x1  }
0x218: {  	s16 =	simm.s32 @!p0 $0x1F0;
	vm0 =	veq.s32 @!p1 v10, v8  }
0x219: {  	v8 =	vimm.s32 @!p1 $0x0;
	[tilespmem:s16+$0x192E0] =	vst.msk @!p1 vm0, v9  }
0x21a: {  	[tilespmem:s16+$0x194E0] =	vst.msk @!p1 vm0, v8  }
0x21b: {  	v8 =	vimm.s32 @!p1 $0xF;
	[tilespmem:s16+$0x196E0] =	vst.msk @!p1 vm0, v7  }
0x21c: {  	v10 =	vimm.s32 $0x186A0;
	v9 =	vimm.s32 $0x0;
	[tilespmem:s16+$0x198E0] =	vst.msk @!p1 vm0, v8;
	v8 =	vimm.f32 @!p1 $1.000000000e+00  }
0x21d: {  	s21 =	simm.s32 $0x10;
	v11 =	vadd.s32 v9, v10;
	[tilespmem:s16+$0x19AE0] =	vst.msk @!p1 vm0, v8;
	v8 =	vadd.s32 $0x400, v6  }
.LBB2_37:
0x21e: {  	p0 =	sne.s32 s21, $0x1;
	v11 =	vshrl.u32 v11, $0x1  }
0x21f: {  	v11 =	vmin.u32 v11, $0x1869F  }
0x220: {  	v12 =	vadd.s32 $0x1, v11;
	_ =	sdelay $0x3  }
0x221: {  	v13 =	vld.idx.msk [tilespmem:v11+s3+$0x0], $0xffff;
	_ =	sdelay $0x4  }
.Ltmp17:
0x222: {  	(pc) =	sbr.rel @p0 .LBB2_37-.Ltmp17, $4  }
0x223: {  	vm2 =	vlt.s32 v9, v10;
	vm0 =	vge.s32 v13, v8;
	vm1 =	vlt.s32 v13, v8  }
0x224: {  	vm1 =	vmand vm2, vm1;
	vm0 =	vmand vm2, vm0  }
0x225: {  	v9 =	vsel vm1, v12, v9;
	v10 =	vsel vm0, v11, v10  }
0x226: {  	s21 =	sadd.s32 $0xFFFFFFFF, s21;
	v11 =	vadd.s32 v9, v10  }
0x227: {  	v11 =	vshrl.u32 v11, $0x1  }
0x228: {  	v11 =	vmin.u32 v11, $0x1869F;
	_ =	sdelay $0x4  }
0x229: {  	v12 =	vld.idx.msk [tilespmem:v11+s3+$0x0], $0xffff;
	_ =	sdelay $0x4  }
0x22a: {  	vm1 =	vlt.s32 v9, v10;
	vm0 =	vlt.s32 v12, v8  }
0x22b: {  	v10 =	vadd.s32 $0x1, v11;
	vm0 =	vmand vm1, vm0  }
0x22c: {  	v9 =	vsel vm0, v10, v9  }
0x22d: {  	vm0 =	vlt.s32 v9, $0x1869F  }
0x22e: {  	v9 =	vnsel vm0, $0x1869F, v9;
	_ =	sdelay $0x4  }
0x22f: {  	v10 =	vld.idx.msk [tilespmem:v9+s3+$0x0], $0xffff;
	_ =	sdelay $0x4  }
0x230: {  	vm15 =	veq.s32 v10, v8  }
0x231: {  	v11 =	vsel vm15, $0x1, v1  }
0x232: {  	(xrf0) =	vadd.scan.msk.s32 $0xffff, v11;
	_ =	sdelay $0x5  }
0x233: {  	v11, _, _ =	vpop (xrf0)  }
0x234: {  	(v2sf) =	vpush v11, $0xF;
	_ =	sdelay $0xe  }
0x235: {  	s16 =	sadd.s32 s16, s19;
	s19 =	spop (v2sf)  }
0x236: {  	p0 =	slt.s32 s16, $0x1F0;
	p1 =	slt.s32 s19, $0x1  }
0x237: {  	s16 =	simm.s32 @!p0 $0x1F0;
	vm0 =	veq.s32 @!p1 v10, v8  }
0x238: {  	v8 =	vimm.s32 @!p1 $0x0;
	[tilespmem:s16+$0x192E0] =	vst.msk @!p1 vm0, v9  }
0x239: {  	[tilespmem:s16+$0x194E0] =	vst.msk @!p1 vm0, v8  }
0x23a: {  	v8 =	vimm.s32 @!p1 $0x10;
	[tilespmem:s16+$0x196E0] =	vst.msk @!p1 vm0, v7  }
0x23b: {  	v10 =	vimm.s32 $0x186A0;
	v9 =	vimm.s32 $0x0;
	[tilespmem:s16+$0x198E0] =	vst.msk @!p1 vm0, v8;
	v8 =	vimm.f32 @!p1 $1.000000000e+00  }
0x23c: {  	s21 =	simm.s32 $0x10;
	v11 =	vadd.s32 v9, v10;
	[tilespmem:s16+$0x19AE0] =	vst.msk @!p1 vm0, v8;
	v8 =	vadd.s32 $0x401, v6  }
.LBB2_39:
0x23d: {  	p0 =	sne.s32 s21, $0x1;
	v11 =	vshrl.u32 v11, $0x1  }
0x23e: {  	v11 =	vmin.u32 v11, $0x1869F  }
0x23f: {  	v12 =	vadd.s32 $0x1, v11;
	_ =	sdelay $0x3  }
0x240: {  	v13 =	vld.idx.msk [tilespmem:v11+s3+$0x0], $0xffff;
	_ =	sdelay $0x4  }
.Ltmp18:
0x241: {  	(pc) =	sbr.rel @p0 .LBB2_39-.Ltmp18, $4  }
0x242: {  	vm2 =	vlt.s32 v9, v10;
	vm0 =	vge.s32 v13, v8;
	vm1 =	vlt.s32 v13, v8  }
0x243: {  	vm1 =	vmand vm2, vm1;
	vm0 =	vmand vm2, vm0  }
0x244: {  	v9 =	vsel vm1, v12, v9;
	v10 =	vsel vm0, v11, v10  }
0x245: {  	s21 =	sadd.s32 $0xFFFFFFFF, s21;
	v11 =	vadd.s32 v9, v10  }
0x246: {  	v11 =	vshrl.u32 v11, $0x1  }
0x247: {  	v11 =	vmin.u32 v11, $0x1869F;
	_ =	sdelay $0x4  }
0x248: {  	v12 =	vld.idx.msk [tilespmem:v11+s3+$0x0], $0xffff;
	_ =	sdelay $0x4  }
0x249: {  	vm1 =	vlt.s32 v9, v10;
	vm0 =	vlt.s32 v12, v8  }
0x24a: {  	v10 =	vadd.s32 $0x1, v11;
	vm0 =	vmand vm1, vm0  }
0x24b: {  	v9 =	vsel vm0, v10, v9  }
0x24c: {  	vm0 =	vlt.s32 v9, $0x1869F  }
0x24d: {  	v9 =	vnsel vm0, $0x1869F, v9;
	_ =	sdelay $0x4  }
0x24e: {  	v10 =	vld.idx.msk [tilespmem:v9+s3+$0x0], $0xffff;
	_ =	sdelay $0x4  }
0x24f: {  	vm15 =	veq.s32 v10, v8  }
0x250: {  	v11 =	vsel vm15, $0x1, v1  }
0x251: {  	(xrf0) =	vadd.scan.msk.s32 $0xffff, v11;
	_ =	sdelay $0x5  }
0x252: {  	v11, _, _ =	vpop (xrf0)  }
0x253: {  	(v2sf) =	vpush v11, $0xF;
	_ =	sdelay $0xe  }
0x254: {  	s16 =	sadd.s32 s16, s19;
	s19 =	spop (v2sf)  }
0x255: {  	p0 =	slt.s32 s16, $0x1F0;
	p1 =	slt.s32 s19, $0x1  }
0x256: {  	s16 =	simm.s32 @!p0 $0x1F0;
	vm0 =	veq.s32 @!p1 v10, v8  }
0x257: {  	v8 =	vimm.s32 @!p1 $0x0;
	[tilespmem:s16+$0x192E0] =	vst.msk @!p1 vm0, v9  }
0x258: {  	[tilespmem:s16+$0x194E0] =	vst.msk @!p1 vm0, v8  }
0x259: {  	v8 =	vimm.s32 @!p1 $0x11;
	[tilespmem:s16+$0x196E0] =	vst.msk @!p1 vm0, v7  }
0x25a: {  	v10 =	vimm.s32 $0x186A0;
	v9 =	vimm.s32 $0x0;
	[tilespmem:s16+$0x198E0] =	vst.msk @!p1 vm0, v8;
	v8 =	vimm.f32 @!p1 $1.000000000e+00  }
0x25b: {  	s21 =	simm.s32 $0x10;
	v11 =	vadd.s32 v9, v10;
	[tilespmem:s16+$0x19AE0] =	vst.msk @!p1 vm0, v8;
	v8 =	vadd.s32 $0xFFBFF, v6  }
.LBB2_41:
0x25c: {  	p0 =	sne.s32 s21, $0x1;
	v11 =	vshrl.u32 v11, $0x1  }
0x25d: {  	v11 =	vmin.u32 v11, $0x1869F  }
0x25e: {  	v12 =	vadd.s32 $0x1, v11;
	_ =	sdelay $0x3  }
0x25f: {  	v13 =	vld.idx.msk [tilespmem:v11+s3+$0x0], $0xffff;
	_ =	sdelay $0x4  }
.Ltmp19:
0x260: {  	(pc) =	sbr.rel @p0 .LBB2_41-.Ltmp19, $4  }
0x261: {  	vm2 =	vlt.s32 v9, v10;
	vm0 =	vge.s32 v13, v8;
	vm1 =	vlt.s32 v13, v8  }
0x262: {  	vm1 =	vmand vm2, vm1;
	vm0 =	vmand vm2, vm0  }
0x263: {  	v9 =	vsel vm1, v12, v9;
	v10 =	vsel vm0, v11, v10  }
0x264: {  	s21 =	sadd.s32 $0xFFFFFFFF, s21;
	v11 =	vadd.s32 v9, v10  }
0x265: {  	v11 =	vshrl.u32 v11, $0x1  }
0x266: {  	v11 =	vmin.u32 v11, $0x1869F;
	_ =	sdelay $0x4  }
0x267: {  	v12 =	vld.idx.msk [tilespmem:v11+s3+$0x0], $0xffff;
	_ =	sdelay $0x4  }
0x268: {  	vm1 =	vlt.s32 v9, v10;
	vm0 =	vlt.s32 v12, v8  }
0x269: {  	v10 =	vadd.s32 $0x1, v11;
	vm0 =	vmand vm1, vm0  }
0x26a: {  	v9 =	vsel vm0, v10, v9  }
0x26b: {  	vm0 =	vlt.s32 v9, $0x1869F  }
0x26c: {  	v9 =	vnsel vm0, $0x1869F, v9;
	_ =	sdelay $0x4  }
0x26d: {  	v10 =	vld.idx.msk [tilespmem:v9+s3+$0x0], $0xffff;
	_ =	sdelay $0x4  }
0x26e: {  	vm15 =	veq.s32 v10, v8  }
0x26f: {  	v11 =	vsel vm15, $0x1, v1  }
0x270: {  	(xrf0) =	vadd.scan.msk.s32 $0xffff, v11;
	_ =	sdelay $0x5  }
0x271: {  	v11, _, _ =	vpop (xrf0)  }
0x272: {  	(v2sf) =	vpush v11, $0xF;
	_ =	sdelay $0xe  }
0x273: {  	s16 =	sadd.s32 s16, s19;
	s19 =	spop (v2sf)  }
0x274: {  	p0 =	slt.s32 s16, $0x1F0;
	p1 =	slt.s32 s19, $0x1  }
0x275: {  	s16 =	simm.s32 @!p0 $0x1F0;
	vm0 =	veq.s32 @!p1 v10, v8  }
0x276: {  	v8 =	vimm.s32 @!p1 $0x0;
	[tilespmem:s16+$0x192E0] =	vst.msk @!p1 vm0, v9  }
0x277: {  	[tilespmem:s16+$0x194E0] =	vst.msk @!p1 vm0, v8  }
0x278: {  	v8 =	vimm.s32 @!p1 $0x12;
	[tilespmem:s16+$0x196E0] =	vst.msk @!p1 vm0, v7  }
0x279: {  	v10 =	vimm.s32 $0x186A0;
	v9 =	vimm.s32 $0x0;
	[tilespmem:s16+$0x198E0] =	vst.msk @!p1 vm0, v8;
	v8 =	vimm.f32 @!p1 $1.000000000e+00  }
0x27a: {  	s21 =	simm.s32 $0x10;
	v11 =	vadd.s32 v9, v10;
	[tilespmem:s16+$0x19AE0] =	vst.msk @!p1 vm0, v8;
	v8 =	vadd.s32 $0xFFC00, v6  }
.LBB2_43:
0x27b: {  	p0 =	sne.s32 s21, $0x1;
	v11 =	vshrl.u32 v11, $0x1  }
0x27c: {  	v11 =	vmin.u32 v11, $0x1869F  }
0x27d: {  	v12 =	vadd.s32 $0x1, v11;
	_ =	sdelay $0x3  }
0x27e: {  	v13 =	vld.idx.msk [tilespmem:v11+s3+$0x0], $0xffff;
	_ =	sdelay $0x4  }
.Ltmp20:
0x27f: {  	(pc) =	sbr.rel @p0 .LBB2_43-.Ltmp20, $4  }
0x280: {  	vm2 =	vlt.s32 v9, v10;
	vm0 =	vge.s32 v13, v8;
	vm1 =	vlt.s32 v13, v8  }
0x281: {  	vm1 =	vmand vm2, vm1;
	vm0 =	vmand vm2, vm0  }
0x282: {  	v9 =	vsel vm1, v12, v9;
	v10 =	vsel vm0, v11, v10  }
0x283: {  	s21 =	sadd.s32 $0xFFFFFFFF, s21;
	v11 =	vadd.s32 v9, v10  }
0x284: {  	v11 =	vshrl.u32 v11, $0x1  }
0x285: {  	v11 =	vmin.u32 v11, $0x1869F;
	_ =	sdelay $0x4  }
0x286: {  	v12 =	vld.idx.msk [tilespmem:v11+s3+$0x0], $0xffff;
	_ =	sdelay $0x4  }
0x287: {  	vm1 =	vlt.s32 v9, v10;
	vm0 =	vlt.s32 v12, v8  }
0x288: {  	v10 =	vadd.s32 $0x1, v11;
	vm0 =	vmand vm1, vm0  }
0x289: {  	v9 =	vsel vm0, v10, v9  }
0x28a: {  	vm0 =	vlt.s32 v9, $0x1869F  }
0x28b: {  	v9 =	vnsel vm0, $0x1869F, v9;
	_ =	sdelay $0x4  }
0x28c: {  	v10 =	vld.idx.msk [tilespmem:v9+s3+$0x0], $0xffff;
	_ =	sdelay $0x4  }
0x28d: {  	vm15 =	veq.s32 v10, v8  }
0x28e: {  	v11 =	vsel vm15, $0x1, v1  }
0x28f: {  	(xrf0) =	vadd.scan.msk.s32 $0xffff, v11;
	_ =	sdelay $0x5  }
0x290: {  	v11, _, _ =	vpop (xrf0)  }
0x291: {  	(v2sf) =	vpush v11, $0xF;
	_ =	sdelay $0xe  }
0x292: {  	s16 =	sadd.s32 s16, s19;
	s19 =	spop (v2sf)  }
0x293: {  	p0 =	slt.s32 s16, $0x1F0;
	p1 =	slt.s32 s19, $0x1  }
0x294: {  	s16 =	simm.s32 @!p0 $0x1F0;
	vm0 =	veq.s32 @!p1 v10, v8  }
0x295: {  	v8 =	vimm.s32 @!p1 $0x0;
	[tilespmem:s16+$0x192E0] =	vst.msk @!p1 vm0, v9  }
0x296: {  	[tilespmem:s16+$0x194E0] =	vst.msk @!p1 vm0, v8  }
0x297: {  	v8 =	vimm.s32 @!p1 $0x13;
	[tilespmem:s16+$0x196E0] =	vst.msk @!p1 vm0, v7  }
0x298: {  	v10 =	vimm.s32 $0x186A0;
	v9 =	vimm.s32 $0x0;
	[tilespmem:s16+$0x198E0] =	vst.msk @!p1 vm0, v8;
	v8 =	vimm.f32 @!p1 $1.000000000e+00  }
0x299: {  	s21 =	simm.s32 $0x10;
	v11 =	vadd.s32 v9, v10;
	[tilespmem:s16+$0x19AE0] =	vst.msk @!p1 vm0, v8;
	v8 =	vadd.s32 $0xFFC01, v6  }
.LBB2_45:
0x29a: {  	p0 =	sne.s32 s21, $0x1;
	v11 =	vshrl.u32 v11, $0x1  }
0x29b: {  	v11 =	vmin.u32 v11, $0x1869F  }
0x29c: {  	v12 =	vadd.s32 $0x1, v11;
	_ =	sdelay $0x3  }
0x29d: {  	v13 =	vld.idx.msk [tilespmem:v11+s3+$0x0], $0xffff;
	_ =	sdelay $0x4  }
.Ltmp21:
0x29e: {  	(pc) =	sbr.rel @p0 .LBB2_45-.Ltmp21, $4  }
0x29f: {  	vm2 =	vlt.s32 v9, v10;
	vm0 =	vge.s32 v13, v8;
	vm1 =	vlt.s32 v13, v8  }
0x2a0: {  	vm1 =	vmand vm2, vm1;
	vm0 =	vmand vm2, vm0  }
0x2a1: {  	v9 =	vsel vm1, v12, v9;
	v10 =	vsel vm0, v11, v10  }
0x2a2: {  	s21 =	sadd.s32 $0xFFFFFFFF, s21;
	v11 =	vadd.s32 v9, v10  }
0x2a3: {  	v11 =	vshrl.u32 v11, $0x1  }
0x2a4: {  	v11 =	vmin.u32 v11, $0x1869F;
	_ =	sdelay $0x4  }
0x2a5: {  	v12 =	vld.idx.msk [tilespmem:v11+s3+$0x0], $0xffff;
	_ =	sdelay $0x4  }
0x2a6: {  	vm1 =	vlt.s32 v9, v10;
	vm0 =	vlt.s32 v12, v8  }
0x2a7: {  	v10 =	vadd.s32 $0x1, v11;
	vm0 =	vmand vm1, vm0  }
0x2a8: {  	v9 =	vsel vm0, v10, v9  }
0x2a9: {  	vm0 =	vlt.s32 v9, $0x1869F  }
0x2aa: {  	v9 =	vnsel vm0, $0x1869F, v9;
	_ =	sdelay $0x4  }
0x2ab: {  	v10 =	vld.idx.msk [tilespmem:v9+s3+$0x0], $0xffff;
	_ =	sdelay $0x4  }
0x2ac: {  	vm15 =	veq.s32 v10, v8  }
0x2ad: {  	v11 =	vsel vm15, $0x1, v1  }
0x2ae: {  	(xrf0) =	vadd.scan.msk.s32 $0xffff, v11;
	_ =	sdelay $0x5  }
0x2af: {  	v11, _, _ =	vpop (xrf0)  }
0x2b0: {  	(v2sf) =	vpush v11, $0xF;
	_ =	sdelay $0xe  }
0x2b1: {  	s16 =	sadd.s32 s16, s19;
	s19 =	spop (v2sf)  }
0x2b2: {  	p0 =	slt.s32 s16, $0x1F0;
	p1 =	slt.s32 s19, $0x1  }
0x2b3: {  	s16 =	simm.s32 @!p0 $0x1F0;
	vm0 =	veq.s32 @!p1 v10, v8  }
0x2b4: {  	v8 =	vimm.s32 @!p1 $0x0;
	[tilespmem:s16+$0x192E0] =	vst.msk @!p1 vm0, v9  }
0x2b5: {  	[tilespmem:s16+$0x194E0] =	vst.msk @!p1 vm0, v8  }
0x2b6: {  	v8 =	vimm.s32 @!p1 $0x14;
	[tilespmem:s16+$0x196E0] =	vst.msk @!p1 vm0, v7  }
0x2b7: {  	v10 =	vimm.s32 $0x186A0;
	v9 =	vimm.s32 $0x0;
	[tilespmem:s16+$0x198E0] =	vst.msk @!p1 vm0, v8;
	v8 =	vimm.f32 @!p1 $1.000000000e+00  }
0x2b8: {  	s21 =	simm.s32 $0x10;
	v11 =	vadd.s32 v9, v10;
	[tilespmem:s16+$0x19AE0] =	vst.msk @!p1 vm0, v8;
	v8 =	vadd.s32 $0xFFFFF, v6  }
.LBB2_47:
0x2b9: {  	p0 =	sne.s32 s21, $0x1;
	v11 =	vshrl.u32 v11, $0x1  }
0x2ba: {  	v11 =	vmin.u32 v11, $0x1869F  }
0x2bb: {  	v12 =	vadd.s32 $0x1, v11;
	_ =	sdelay $0x3  }
0x2bc: {  	v13 =	vld.idx.msk [tilespmem:v11+s3+$0x0], $0xffff;
	_ =	sdelay $0x4  }
.Ltmp22:
0x2bd: {  	(pc) =	sbr.rel @p0 .LBB2_47-.Ltmp22, $4  }
0x2be: {  	vm2 =	vlt.s32 v9, v10;
	vm0 =	vge.s32 v13, v8;
	vm1 =	vlt.s32 v13, v8  }
0x2bf: {  	vm1 =	vmand vm2, vm1;
	vm0 =	vmand vm2, vm0  }
0x2c0: {  	v9 =	vsel vm1, v12, v9;
	v10 =	vsel vm0, v11, v10  }
0x2c1: {  	s21 =	sadd.s32 $0xFFFFFFFF, s21;
	v11 =	vadd.s32 v9, v10  }
0x2c2: {  	v11 =	vshrl.u32 v11, $0x1  }
0x2c3: {  	v11 =	vmin.u32 v11, $0x1869F;
	_ =	sdelay $0x4  }
0x2c4: {  	v12 =	vld.idx.msk [tilespmem:v11+s3+$0x0], $0xffff;
	_ =	sdelay $0x4  }
0x2c5: {  	vm1 =	vlt.s32 v9, v10;
	vm0 =	vlt.s32 v12, v8  }
0x2c6: {  	v10 =	vadd.s32 $0x1, v11;
	vm0 =	vmand vm1, vm0  }
0x2c7: {  	v9 =	vsel vm0, v10, v9  }
0x2c8: {  	vm0 =	vlt.s32 v9, $0x1869F  }
0x2c9: {  	v9 =	vnsel vm0, $0x1869F, v9;
	_ =	sdelay $0x4  }
0x2ca: {  	v10 =	vld.idx.msk [tilespmem:v9+s3+$0x0], $0xffff;
	_ =	sdelay $0x4  }
0x2cb: {  	vm15 =	veq.s32 v10, v8  }
0x2cc: {  	v11 =	vsel vm15, $0x1, v1  }
0x2cd: {  	(xrf0) =	vadd.scan.msk.s32 $0xffff, v11;
	_ =	sdelay $0x5  }
0x2ce: {  	v11, _, _ =	vpop (xrf0)  }
0x2cf: {  	(v2sf) =	vpush v11, $0xF;
	_ =	sdelay $0xe  }
0x2d0: {  	s16 =	sadd.s32 s16, s19;
	s19 =	spop (v2sf)  }
0x2d1: {  	p0 =	slt.s32 s16, $0x1F0;
	p1 =	slt.s32 s19, $0x1  }
0x2d2: {  	s16 =	simm.s32 @!p0 $0x1F0;
	vm0 =	veq.s32 @!p1 v10, v8  }
0x2d3: {  	v8 =	vimm.s32 @!p1 $0x0;
	[tilespmem:s16+$0x192E0] =	vst.msk @!p1 vm0, v9  }
0x2d4: {  	[tilespmem:s16+$0x194E0] =	vst.msk @!p1 vm0, v8  }
0x2d5: {  	v8 =	vimm.s32 @!p1 $0x15;
	[tilespmem:s16+$0x196E0] =	vst.msk @!p1 vm0, v7  }
0x2d6: {  	v10 =	vimm.s32 $0x186A0;
	v9 =	vimm.s32 $0x0;
	[tilespmem:s16+$0x198E0] =	vst.msk @!p1 vm0, v8;
	v8 =	vimm.f32 @!p1 $1.000000000e+00  }
0x2d7: {  	s21 =	simm.s32 $0x10;
	v11 =	vadd.s32 v9, v10;
	[tilespmem:s16+$0x19AE0] =	vst.msk @!p1 vm0, v8;
	v8 =	vadd.s32 $0x100000, v6  }
.LBB2_49:
0x2d8: {  	p0 =	sne.s32 s21, $0x1;
	v11 =	vshrl.u32 v11, $0x1  }
0x2d9: {  	v11 =	vmin.u32 v11, $0x1869F  }
0x2da: {  	v12 =	vadd.s32 $0x1, v11;
	_ =	sdelay $0x3  }
0x2db: {  	v13 =	vld.idx.msk [tilespmem:v11+s3+$0x0], $0xffff;
	_ =	sdelay $0x4  }
.Ltmp23:
0x2dc: {  	(pc) =	sbr.rel @p0 .LBB2_49-.Ltmp23, $4  }
0x2dd: {  	vm2 =	vlt.s32 v9, v10;
	vm0 =	vge.s32 v13, v8;
	vm1 =	vlt.s32 v13, v8  }
0x2de: {  	vm1 =	vmand vm2, vm1;
	vm0 =	vmand vm2, vm0  }
0x2df: {  	v9 =	vsel vm1, v12, v9;
	v10 =	vsel vm0, v11, v10  }
0x2e0: {  	s21 =	sadd.s32 $0xFFFFFFFF, s21;
	v11 =	vadd.s32 v9, v10  }
0x2e1: {  	v11 =	vshrl.u32 v11, $0x1  }
0x2e2: {  	v11 =	vmin.u32 v11, $0x1869F;
	_ =	sdelay $0x4  }
0x2e3: {  	v12 =	vld.idx.msk [tilespmem:v11+s3+$0x0], $0xffff;
	_ =	sdelay $0x4  }
0x2e4: {  	vm1 =	vlt.s32 v9, v10;
	vm0 =	vlt.s32 v12, v8  }
0x2e5: {  	v10 =	vadd.s32 $0x1, v11;
	vm0 =	vmand vm1, vm0  }
0x2e6: {  	v9 =	vsel vm0, v10, v9  }
0x2e7: {  	vm0 =	vlt.s32 v9, $0x1869F  }
0x2e8: {  	v9 =	vnsel vm0, $0x1869F, v9;
	_ =	sdelay $0x4  }
0x2e9: {  	v10 =	vld.idx.msk [tilespmem:v9+s3+$0x0], $0xffff;
	_ =	sdelay $0x4  }
0x2ea: {  	vm15 =	veq.s32 v10, v8  }
0x2eb: {  	v11 =	vsel vm15, $0x1, v1  }
0x2ec: {  	(xrf0) =	vadd.scan.msk.s32 $0xffff, v11;
	_ =	sdelay $0x5  }
0x2ed: {  	v11, _, _ =	vpop (xrf0)  }
0x2ee: {  	(v2sf) =	vpush v11, $0xF;
	_ =	sdelay $0xe  }
0x2ef: {  	s16 =	sadd.s32 s16, s19;
	s19 =	spop (v2sf)  }
0x2f0: {  	p0 =	slt.s32 s16, $0x1F0;
	p1 =	slt.s32 s19, $0x1  }
0x2f1: {  	s16 =	simm.s32 @!p0 $0x1F0;
	vm0 =	veq.s32 @!p1 v10, v8  }
0x2f2: {  	v8 =	vimm.s32 @!p1 $0x0;
	[tilespmem:s16+$0x192E0] =	vst.msk @!p1 vm0, v9  }
0x2f3: {  	[tilespmem:s16+$0x194E0] =	vst.msk @!p1 vm0, v8  }
0x2f4: {  	v8 =	vimm.s32 @!p1 $0x16;
	[tilespmem:s16+$0x196E0] =	vst.msk @!p1 vm0, v7  }
0x2f5: {  	v10 =	vimm.s32 $0x186A0;
	v9 =	vimm.s32 $0x0;
	[tilespmem:s16+$0x198E0] =	vst.msk @!p1 vm0, v8;
	v8 =	vimm.f32 @!p1 $1.000000000e+00  }
0x2f6: {  	s21 =	simm.s32 $0x10;
	v11 =	vadd.s32 v9, v10;
	[tilespmem:s16+$0x19AE0] =	vst.msk @!p1 vm0, v8;
	v8 =	vadd.s32 $0x100001, v6  }
.LBB2_51:
0x2f7: {  	p0 =	sne.s32 s21, $0x1;
	v11 =	vshrl.u32 v11, $0x1  }
0x2f8: {  	v11 =	vmin.u32 v11, $0x1869F  }
0x2f9: {  	v12 =	vadd.s32 $0x1, v11;
	_ =	sdelay $0x3  }
0x2fa: {  	v13 =	vld.idx.msk [tilespmem:v11+s3+$0x0], $0xffff;
	_ =	sdelay $0x4  }
.Ltmp24:
0x2fb: {  	(pc) =	sbr.rel @p0 .LBB2_51-.Ltmp24, $4  }
0x2fc: {  	vm2 =	vlt.s32 v9, v10;
	vm0 =	vge.s32 v13, v8;
	vm1 =	vlt.s32 v13, v8  }
0x2fd: {  	vm1 =	vmand vm2, vm1;
	vm0 =	vmand vm2, vm0  }
0x2fe: {  	v9 =	vsel vm1, v12, v9;
	v10 =	vsel vm0, v11, v10  }
0x2ff: {  	s21 =	sadd.s32 $0xFFFFFFFF, s21;
	v11 =	vadd.s32 v9, v10  }
0x300: {  	v11 =	vshrl.u32 v11, $0x1  }
0x301: {  	v11 =	vmin.u32 v11, $0x1869F;
	_ =	sdelay $0x4  }
0x302: {  	v12 =	vld.idx.msk [tilespmem:v11+s3+$0x0], $0xffff;
	_ =	sdelay $0x4  }
0x303: {  	vm1 =	vlt.s32 v9, v10;
	vm0 =	vlt.s32 v12, v8  }
0x304: {  	v10 =	vadd.s32 $0x1, v11;
	vm0 =	vmand vm1, vm0  }
0x305: {  	v9 =	vsel vm0, v10, v9  }
0x306: {  	vm0 =	vlt.s32 v9, $0x1869F  }
0x307: {  	v9 =	vnsel vm0, $0x1869F, v9;
	_ =	sdelay $0x4  }
0x308: {  	v10 =	vld.idx.msk [tilespmem:v9+s3+$0x0], $0xffff;
	_ =	sdelay $0x4  }
0x309: {  	vm15 =	veq.s32 v10, v8  }
0x30a: {  	v11 =	vsel vm15, $0x1, v1  }
0x30b: {  	(xrf0) =	vadd.scan.msk.s32 $0xffff, v11;
	_ =	sdelay $0x5  }
0x30c: {  	v11, _, _ =	vpop (xrf0)  }
0x30d: {  	(v2sf) =	vpush v11, $0xF;
	_ =	sdelay $0xe  }
0x30e: {  	s16 =	sadd.s32 s16, s19;
	s19 =	spop (v2sf)  }
0x30f: {  	p0 =	slt.s32 s16, $0x1F0;
	p1 =	slt.s32 s19, $0x1  }
0x310: {  	s16 =	simm.s32 @!p0 $0x1F0;
	vm0 =	veq.s32 @!p1 v10, v8  }
0x311: {  	v8 =	vimm.s32 @!p1 $0x0;
	[tilespmem:s16+$0x192E0] =	vst.msk @!p1 vm0, v9  }
0x312: {  	[tilespmem:s16+$0x194E0] =	vst.msk @!p1 vm0, v8  }
0x313: {  	v8 =	vimm.s32 @!p1 $0x17;
	[tilespmem:s16+$0x196E0] =	vst.msk @!p1 vm0, v7  }
0x314: {  	v10 =	vimm.s32 $0x186A0;
	v9 =	vimm.s32 $0x0;
	[tilespmem:s16+$0x198E0] =	vst.msk @!p1 vm0, v8;
	v8 =	vimm.f32 @!p1 $1.000000000e+00  }
0x315: {  	s21 =	simm.s32 $0x10;
	v11 =	vadd.s32 v9, v10;
	[tilespmem:s16+$0x19AE0] =	vst.msk @!p1 vm0, v8;
	v8 =	vadd.s32 $0x1003FF, v6  }
.LBB2_53:
0x316: {  	p0 =	sne.s32 s21, $0x1;
	v11 =	vshrl.u32 v11, $0x1  }
0x317: {  	v11 =	vmin.u32 v11, $0x1869F  }
0x318: {  	v12 =	vadd.s32 $0x1, v11;
	_ =	sdelay $0x3  }
0x319: {  	v13 =	vld.idx.msk [tilespmem:v11+s3+$0x0], $0xffff;
	_ =	sdelay $0x4  }
.Ltmp25:
0x31a: {  	(pc) =	sbr.rel @p0 .LBB2_53-.Ltmp25, $4  }
0x31b: {  	vm2 =	vlt.s32 v9, v10;
	vm0 =	vge.s32 v13, v8;
	vm1 =	vlt.s32 v13, v8  }
0x31c: {  	vm1 =	vmand vm2, vm1;
	vm0 =	vmand vm2, vm0  }
0x31d: {  	v9 =	vsel vm1, v12, v9;
	v10 =	vsel vm0, v11, v10  }
0x31e: {  	s21 =	sadd.s32 $0xFFFFFFFF, s21;
	v11 =	vadd.s32 v9, v10  }
0x31f: {  	v11 =	vshrl.u32 v11, $0x1  }
0x320: {  	v11 =	vmin.u32 v11, $0x1869F;
	_ =	sdelay $0x4  }
0x321: {  	v12 =	vld.idx.msk [tilespmem:v11+s3+$0x0], $0xffff;
	_ =	sdelay $0x4  }
0x322: {  	vm1 =	vlt.s32 v9, v10;
	vm0 =	vlt.s32 v12, v8  }
0x323: {  	v10 =	vadd.s32 $0x1, v11;
	vm0 =	vmand vm1, vm0  }
0x324: {  	v9 =	vsel vm0, v10, v9  }
0x325: {  	vm0 =	vlt.s32 v9, $0x1869F  }
0x326: {  	v9 =	vnsel vm0, $0x1869F, v9;
	_ =	sdelay $0x4  }
0x327: {  	v10 =	vld.idx.msk [tilespmem:v9+s3+$0x0], $0xffff;
	_ =	sdelay $0x4  }
0x328: {  	vm15 =	veq.s32 v10, v8  }
0x329: {  	v11 =	vsel vm15, $0x1, v1  }
0x32a: {  	(xrf0) =	vadd.scan.msk.s32 $0xffff, v11;
	_ =	sdelay $0x5  }
0x32b: {  	v11, _, _ =	vpop (xrf0)  }
0x32c: {  	(v2sf) =	vpush v11, $0xF;
	_ =	sdelay $0xe  }
0x32d: {  	s16 =	sadd.s32 s16, s19;
	s19 =	spop (v2sf)  }
0x32e: {  	p0 =	slt.s32 s16, $0x1F0;
	p1 =	slt.s32 s19, $0x1  }
0x32f: {  	s16 =	simm.s32 @!p0 $0x1F0;
	vm0 =	veq.s32 @!p1 v10, v8  }
0x330: {  	v8 =	vimm.s32 @!p1 $0x0;
	[tilespmem:s16+$0x192E0] =	vst.msk @!p1 vm0, v9  }
0x331: {  	[tilespmem:s16+$0x194E0] =	vst.msk @!p1 vm0, v8  }
0x332: {  	v8 =	vimm.s32 @!p1 $0x18;
	[tilespmem:s16+$0x196E0] =	vst.msk @!p1 vm0, v7  }
0x333: {  	v10 =	vimm.s32 $0x186A0;
	v9 =	vimm.s32 $0x0;
	[tilespmem:s16+$0x198E0] =	vst.msk @!p1 vm0, v8;
	v8 =	vimm.f32 @!p1 $1.000000000e+00  }
0x334: {  	s21 =	simm.s32 $0x10;
	v11 =	vadd.s32 v9, v10;
	[tilespmem:s16+$0x19AE0] =	vst.msk @!p1 vm0, v8;
	v8 =	vadd.s32 $0x100400, v6  }
.LBB2_55:
0x335: {  	p0 =	sne.s32 s21, $0x1;
	v11 =	vshrl.u32 v11, $0x1  }
0x336: {  	v11 =	vmin.u32 v11, $0x1869F  }
0x337: {  	v12 =	vadd.s32 $0x1, v11;
	_ =	sdelay $0x3  }
0x338: {  	v13 =	vld.idx.msk [tilespmem:v11+s3+$0x0], $0xffff;
	_ =	sdelay $0x4  }
.Ltmp26:
0x339: {  	(pc) =	sbr.rel @p0 .LBB2_55-.Ltmp26, $4  }
0x33a: {  	vm2 =	vlt.s32 v9, v10;
	vm0 =	vge.s32 v13, v8;
	vm1 =	vlt.s32 v13, v8  }
0x33b: {  	vm1 =	vmand vm2, vm1;
	vm0 =	vmand vm2, vm0  }
0x33c: {  	v9 =	vsel vm1, v12, v9;
	v10 =	vsel vm0, v11, v10  }
0x33d: {  	s21 =	sadd.s32 $0xFFFFFFFF, s21;
	v11 =	vadd.s32 v9, v10  }
0x33e: {  	v11 =	vshrl.u32 v11, $0x1  }
0x33f: {  	v11 =	vmin.u32 v11, $0x1869F;
	_ =	sdelay $0x4  }
0x340: {  	v12 =	vld.idx.msk [tilespmem:v11+s3+$0x0], $0xffff;
	_ =	sdelay $0x4  }
0x341: {  	vm1 =	vlt.s32 v9, v10;
	vm0 =	vlt.s32 v12, v8  }
0x342: {  	v10 =	vadd.s32 $0x1, v11;
	vm0 =	vmand vm1, vm0  }
0x343: {  	v9 =	vsel vm0, v10, v9  }
0x344: {  	vm0 =	vlt.s32 v9, $0x1869F  }
0x345: {  	v9 =	vnsel vm0, $0x1869F, v9;
	_ =	sdelay $0x4  }
0x346: {  	v10 =	vld.idx.msk [tilespmem:v9+s3+$0x0], $0xffff;
	_ =	sdelay $0x4  }
0x347: {  	vm15 =	veq.s32 v10, v8  }
0x348: {  	v11 =	vsel vm15, $0x1, v1  }
0x349: {  	(xrf0) =	vadd.scan.msk.s32 $0xffff, v11;
	_ =	sdelay $0x5  }
0x34a: {  	v11, _, _ =	vpop (xrf0)  }
0x34b: {  	(v2sf) =	vpush v11, $0xF;
	_ =	sdelay $0xe  }
0x34c: {  	s16 =	sadd.s32 s16, s19;
	s19 =	spop (v2sf)  }
0x34d: {  	p0 =	slt.s32 s16, $0x1F0;
	p1 =	slt.s32 s19, $0x1  }
0x34e: {  	s16 =	simm.s32 @!p0 $0x1F0;
	vm0 =	veq.s32 @!p1 v10, v8  }
0x34f: {  	v8 =	vimm.s32 @!p1 $0x0;
	[tilespmem:s16+$0x192E0] =	vst.msk @!p1 vm0, v9  }
0x350: {  	[tilespmem:s16+$0x194E0] =	vst.msk @!p1 vm0, v8  }
0x351: {  	v8 =	vimm.s32 @!p1 $0x19;
	[tilespmem:s16+$0x196E0] =	vst.msk @!p1 vm0, v7  }
0x352: {  	v10 =	vimm.f32 @!p1 $1.000000000e+00;
	v9 =	vimm.s32 $0x186A0;
	[tilespmem:s16+$0x198E0] =	vst.msk @!p1 vm0, v8;
	v8 =	vimm.s32 $0x0  }
0x353: {  	v6 =	vadd.s32 $0x100401, v6;
	s21 =	simm.s32 $0x10;
	[tilespmem:s16+$0x19AE0] =	vst.msk @!p1 vm0, v10;
	v10 =	vadd.s32 v8, v9  }
.LBB2_57:
0x354: {  	p0 =	sne.s32 s21, $0x1;
	v10 =	vshrl.u32 v10, $0x1  }
0x355: {  	v10 =	vmin.u32 v10, $0x1869F  }
0x356: {  	v11 =	vadd.s32 $0x1, v10;
	_ =	sdelay $0x3  }
0x357: {  	v12 =	vld.idx.msk [tilespmem:v10+s3+$0x0], $0xffff;
	_ =	sdelay $0x4  }
.Ltmp27:
0x358: {  	(pc) =	sbr.rel @p0 .LBB2_57-.Ltmp27, $4  }
0x359: {  	vm2 =	vlt.s32 v8, v9;
	vm0 =	vge.s32 v12, v6;
	vm1 =	vlt.s32 v12, v6  }
0x35a: {  	vm1 =	vmand vm2, vm1;
	vm0 =	vmand vm2, vm0  }
0x35b: {  	v8 =	vsel vm1, v11, v8;
	v9 =	vsel vm0, v10, v9  }
0x35c: {  	s21 =	sadd.s32 $0xFFFFFFFF, s21;
	v10 =	vadd.s32 v8, v9  }
0x35d: {  	v10 =	vshrl.u32 v10, $0x1  }
0x35e: {  	v10 =	vmin.u32 v10, $0x1869F;
	_ =	sdelay $0x4  }
0x35f: {  	v11 =	vld.idx.msk [tilespmem:v10+s3+$0x0], $0xffff;
	_ =	sdelay $0x4  }
0x360: {  	vm1 =	vlt.s32 v8, v9;
	vm0 =	vlt.s32 v11, v6  }
0x361: {  	v61 =	vadd.s32 $0x1, v10;
	vm0 =	vmand vm1, vm0  }
0x362: {  	v62 =	vsel vm0, v61, v8  }
0x363: {  	vm0 =	vlt.s32 v62, $0x1869F  }
0x364: {  	v8 =	vnsel vm0, $0x1869F, v62;
	_ =	sdelay $0x4  }
0x365: {  	v9 =	vld.idx.msk [tilespmem:v8+s3+$0x0], $0xffff;
	_ =	sdelay $0x4  }
0x366: {  	vm15 =	veq.s32 v9, v6  }
0x367: {  	v63 =	vsel vm15, $0x1, v1  }
0x368: {  	(xrf0) =	vadd.scan.msk.s32 $0xffff, v63;
	_ =	sdelay $0x5  }
0x369: {  	v10, _, _ =	vpop (xrf0)  }
0x36a: {  	(v2sf) =	vpush v10, $0xF;
	_ =	sdelay $0xe  }
0x36b: {  	s16 =	sadd.s32 s16, s19;
	s21 =	spop (v2sf)  }
0x36c: {  	s14 =	sadd.s32 $0x1, s14;
	p0 =	slt.s32 s16, $0x1F0;
	p1 =	slt.s32 s21, $0x1  }
0x36d: {  	s16 =	simm.s32 @!p0 $0x1F0;
	p0 =	sne.s32 s14, $0xC4;
	vm0 =	veq.s32 @!p1 v9, v6  }
.Ltmp28:
0x36e: {  	v6 =	vimm.s32 @!p1 $0x0;
	[tilespmem:s16+$0x192E0] =	vst.msk @!p1 vm0, v8;
	(pc) =	sbr.rel @p0 .LBB2_4-.Ltmp28, $4  }
0x36f: {  	[tilespmem:s16+$0x194E0] =	vst.msk @!p1 vm0, v6  }
0x370: {  	v6 =	vimm.s32 @!p1 $0x1A;
	[tilespmem:s16+$0x196E0] =	vst.msk @!p1 vm0, v7  }
0x371: {  	[tilespmem:s16+$0x198E0] =	vst.msk @!p1 vm0, v6;
	v6 =	vimm.f32 @!p1 $1.000000000e+00  }
0x372: {  	[tilespmem:s16+$0x19AE0] =	vst.msk @!p1 vm0, v6;
	s16 =	sadd.s32 s16, s21  }
0x373: {  	s14 =	simm.s32 $0x0  }
0x374: {  	v6 =	vld [tilespmem:s14+$0x192E0]  }
0x375: {  	s16 =	simm.s32 $0x40  }
.LBB2_60:
0x376: {  	p0 =	sne.s32 s16, $0x7C0  }
.Ltmp29:
0x377: {  	_ = 	snop;
	(pc) =	sbr.rel @p0 .LBB2_60-.Ltmp29, $4  }
0x378: {  	_ = 	snop  }
0x379: {  	s19 =	sshra.s32 s16, $0x2;
	s16 =	sadd.s32 $0x40, s16;
	vm0 =	vlt.s32 v6, $0x1869F  }
0x37a: {  	v7 =	vnsel vm0, $0x1869F, v6;
	v6 =	vld [tilespmem:s19+$0x192E0]  }
0x37b: {  	[tilespmem:s14+$0x19CE0] =	vst v7;
	s14 =	smov.u32 s19  }
0x37c: {  	_ =	sdelay $0x2  }
0x37d: {  	vm0 =	vlt.s32 v6, $0x1869F  }
0x37e: {  	v6 =	vnsel vm0, $0x1869F, v6  }
0x37f: {  	s16 =	simm.s32 $0x19CE0;
	[tilespmem:s14+$0x19CE0] =	vst v6  }
0x380: {  	[tilespmem:s17], [sflag:$0x1] =	stream.indirect.gather [hbm4b:s5+s15], $0x1, s16, s15, $0xb8;
	[tilespmem:$0x1E0E0] =	vst v63  }
0x381: {  	_ =	swait.ge [sflag:s18], $0x80  }
0x382: {  	[sflag:s18] =	ssyncset.done $0x0  }
0x383: {  	s19 =	simm.s32 $0x19D60;
	[sflag:s18] =	ssyncadd.s32 $0xFFFFFF80  }
0x384: {  	[tilespmem:s20], [sflag:$0x1] =	stream.indirect.gather [hbm4b:s5+s15], $0x1, s19, s15, $0xb8;
	[tilespmem:$0x1E0E0] =	vst v63  }
0x385: {  	_ =	swait.ge [sflag:s18], $0x80  }
0x386: {  	[sflag:s18] =	ssyncset.done $0x0  }
0x387: {  	s21 =	simm.s32 $0x19DE0;
	[sflag:s18] =	ssyncadd.s32 $0xFFFFFF80  }
0x388: {  	[tilespmem:s22], [sflag:$0x1] =	stream.indirect.gather [hbm4b:s5+s15], $0x1, s21, s15, $0xb8;
	[tilespmem:$0x1E0E0] =	vst v63  }
0x389: {  	_ =	swait.ge [sflag:s18], $0x80  }
0x38a: {  	[sflag:s18] =	ssyncset.done $0x0  }
0x38b: {  	[sflag:s18] =	ssyncadd.s32 $0xFFFFFF80  }
0x38c: {  	[tilespmem:s24], [sflag:$0x1] =	stream.indirect.gather [hbm4b:s5+s15], $0x1, s23, s15, $0xb8;
	[tilespmem:$0x1E0E0] =	vst v63  }
0x38d: {  	_ =	swait.ge [sflag:s18], $0x80  }
0x38e: {  	[sflag:s18] =	ssyncset.done $0x0  }
0x38f: {  	s14 =	simm.s32 $0x0;
	[sflag:s18] =	ssyncadd.s32 $0xFFFFFF80  }
0x390: {  	v7 =	vld [tilespmem:s14+$0x192E0]  }
0x391: {  	v6 =	vld [tilespmem:s14+$0x194E0]  }
0x392: {  	v8 =	vld [tilespmem:s14+$0x19EE0];
	_ =	sdelay $0x3  }
0x393: {  	s16 =	simm.s32 $0x10;
	vm15 =	veq.s32 v6, $0x1  }
0x394: {  	s19 =	simm.s32 $0x80;
	v6 =	vld [tilespmem:s16+$0x192E0];
	v7 =	vsel vm15, v7, v8  }
.LBB2_62:
0x395: {  	p0 =	sne.s32 s19, $0x7C0;
	v8 =	vld [tilespmem:s16+$0x194E0];
	[tilespmem:s14+$0x19EE0] =	vst v7;
	s14 =	smov.u32 s16  }
0x396: {  	v7 =	vld [tilespmem:s14+$0x19EE0]  }
.Ltmp30:
0x397: {  	(pc) =	sbr.rel @p0 .LBB2_62-.Ltmp30, $3  }
0x398: {  	_ =	sdelay $0x1  }
0x399: {  	s16 =	sshra.s32 s19, $0x2;
	vm0 =	veq.s32 v8, $0x1  }
0x39a: {  	s19 =	sadd.s32 $0x40, s19;
	v7 =	vsel vm0, v6, v7;
	v6 =	vld [tilespmem:s16+$0x192E0]  }
0x39b: {  	v8 =	vld [tilespmem:s16+$0x194E0];
	[tilespmem:s14+$0x19EE0] =	vst v7  }
0x39c: {  	v7 =	vld [tilespmem:s16+$0x19EE0];
	_ =	sdelay $0x3  }
0x39d: {  	vm0 =	veq.s32 v8, $0x1  }
0x39e: {  	v6 =	vsel vm0, v6, v7  }
0x39f: {  	[tilespmem:s16+$0x19EE0] =	vst v6  }
0x3a0: {  	[tilespmem:s25], [sflag:$0x1] =	stream.indirect.gather [hbm4b:s2+s15], $0x20, s17, s15, $0xb8;
	[tilespmem:$0x1E0E0] =	vst v63  }
0x3a1: {  	_ =	swait.ge [sflag:s18], $0x1000  }
0x3a2: {  	[sflag:s18] =	ssyncset.done $0x0  }
0x3a3: {  	[sflag:s18] =	ssyncadd.s32 $0xFFFFF000  }
0x3a4: {  	[tilespmem:s26], [sflag:$0x1] =	stream.indirect.gather [hbm4b:s2+s15], $0x20, s20, s15, $0xb8;
	[tilespmem:$0x1E0E0] =	vst v63  }
0x3a5: {  	_ =	swait.ge [sflag:s18], $0x1000  }
0x3a6: {  	[sflag:s18] =	ssyncset.done $0x0  }
0x3a7: {  	[sflag:s18] =	ssyncadd.s32 $0xFFFFF000  }
0x3a8: {  	[tilespmem:s28], [sflag:$0x1] =	stream.indirect.gather [hbm4b:s2+s15], $0x20, s22, s15, $0xb8;
	[tilespmem:$0x1E0E0] =	vst v63  }
0x3a9: {  	_ =	swait.ge [sflag:s18], $0x1000  }
0x3aa: {  	[sflag:s18] =	ssyncset.done $0x0  }
0x3ab: {  	[sflag:s18] =	ssyncadd.s32 $0xFFFFF000  }
0x3ac: {  	[tilespmem:s29], [sflag:$0x1] =	stream.indirect.gather [hbm4b:s2+s15], $0x20, s24, s15, $0xb8;
	[tilespmem:$0x1E0E0] =	vst v63  }
0x3ad: {  	_ =	swait.ge [sflag:s18], $0x1000  }
0x3ae: {  	[sflag:s18] =	ssyncset.done $0x0  }
0x3af: {  	[sflag:s18] =	ssyncadd.s32 $0xFFFFF000  }
0x3b0: {  	[hbm4b:s8+s3] =	stream.linear.scatter [tilespmem:s30], [sflag:$0x2], $0x200, $0x38;
	[tilespmem:$0x1E0E0] =	vst v63  }
0x3b1: {  	_ =	swait.ge [sflag:s13], $0x200  }
0x3b2: {  	[sflag:s13] =	ssyncset.done $0x0  }
0x3b3: {  	[sflag:s13] =	ssyncadd.s32 $0xFFFFFE00  }
0x3b4: {  	[hbm4b:s9+s3] =	stream.linear.scatter [tilespmem:s31], [sflag:$0x2], $0x200, $0x38;
	[tilespmem:$0x1E0E0] =	vst v63  }
0x3b5: {  	_ =	swait.ge [sflag:s13], $0x200  }
0x3b6: {  	[sflag:s13] =	ssyncset.done $0x0  }
0x3b7: {  	[sflag:s13] =	ssyncadd.s32 $0xFFFFFE00  }
0x3b8: {  	[hbm4b:s10+s3] =	stream.linear.scatter [tilespmem:s0], [sflag:$0x2], $0x200, $0x38;
	[tilespmem:$0x1E0E0] =	vst v63  }
0x3b9: {  	s1 =	sadd.s32 $0x1, s1;
	_ =	swait.ge [sflag:s13], $0x200  }
0x3ba: {  	p0 =	sne.s32 s1, s12;
	[sflag:s13] =	ssyncset.done $0x0  }
.Ltmp31:
0x3bb: {  	[sflag:s13] =	ssyncadd.s32 $0xFFFFFE00;
	(pc) =	sbr.rel @p0 .LBB2_1-.Ltmp31, $4  }
0x3bc: {  	[hbm4b:s11+s3] =	stream.linear.scatter [tilespmem:s25], [sflag:$0x2], $0x4000, $0x38;
	[tilespmem:$0x1E0E0] =	vst v63  }
0x3bd: {  	_ =	swait.ge [sflag:s13], $0x4000  }
0x3be: {  	[sflag:s13] =	ssyncset.done $0x0  }
0x3bf: {  	[sflag:s13] =	ssyncadd.s32 $0xFFFFC000  }
0x3c0: {  	_ =	sfence.sel $0x180000  }
0x3c1: {  	[bflag:$0x0] =	sbarrier.arrive $0xFFFF  }
0x3c2: {  	_ =	strace $0x90000047  }
0x3c3: {  	s0 =	stileid.u32;
	[bflag:$0x2] =	sbarrier.arrive $0xFFFF  }
0x3c4: {  	p0 =	sne.s32 s0, $0x0;
	s0 =	rddreg [dreg:$0x2]  }
0x3c5: {  	s0 =	sadd.s32 @!p0 $0x100000, s0  }
0x3c6: {  	[sflag:s0] =	ssyncadd.tile.s32 @!p0 $0x1;
	_ =	shalt  }
.Lfunc_end2:
_tile_overlayer_lowered:
.L_overlay_start_2:
0x3c7: {  	(tag) =	ssettag $0x2  }
0x3c8: {  	s0 =	rddreg [dreg:$0x0];
	s2 =	stileid.u32  }
0x3c9: {  	s1 =	rddreg [dreg:$0x1];
	p0 =	sne.s32 s2, $0x0  }
0x3ca: {  	s3 =	rddreg [dreg:$0x2];
	[bflag:$0x3] =	sbarrier.arrive $0xFFFF;
	s2 =	simm.s32 @!p0 $0x1C02  }
0x3cb: {  	[timem:s3], [sflag:s2] =	dma.local @!p0 [hbm:s0], s1  }
0x3cc: {  	s0 =	simm.s32 @!p0 $0x2  }
0x3cd: {  	_ =	swait.ge @!p0 [sflag:s0], s1  }
0x3ce: {  	s1 =	ssub.s32 @!p0 $0x0, s1;
	[sflag:s0] =	ssyncset.done @!p0 $0x0  }
0x3cf: {  	[sflag:s0] =	ssyncadd.s32 @!p0 s1  }
0x3d0: {  	[bflag:$0x3] =	sbarrier.arrive $0xFFFF  }
0x3d1: {  	_ =	shalt  }

</sc_bundles>
